<compile_context>
chip_gen: v7x
topology: tpu7x:2x2x1
jax: 0.10.2.dev20260603
libtpu: 0.0.44.dev20260713+nightly
codegen_flags: <defaults>
</compile_context>

<pallas_src>
import functools

import jax
import jax.numpy as jnp
from jax import lax
from jax.experimental import pallas as pl
from jax.experimental.pallas import tpu as pltpu
from jax.experimental.pallas import tpu_sc as plsc

N = 10000
E = 320000
D = 128
NC = 2
NS = 16
W = NC * NS
L = 16
K = 80
NCH = 125
CPB = 25
EPT = NCH * K
CR = 80
WB = 10
RPT = N // WB
ZR = 25


def _sc_body(with_cnt, hr, srcr, dstr, out, *rest):
    if with_cnt:
        (cntout, src_v, dst_v, rows0, rows1, zb, sem0, sem1, semi,
         agg_sh, cnt_priv, rowid_v, cnt_sh) = rest
    else:
        src_v, dst_v, rows0, rows1, zb, sem0, sem1, semi, agg_sh = rest
    c = lax.axis_index("c")
    s = lax.axis_index("s")
    w = c * NS + s
    z16 = jnp.zeros((L,), jnp.float32)
    one16 = jnp.ones((L,), jnp.float32)

    def g_issue(j, buf, sm):
        pltpu.async_copy(hr.at[src_v.at[pl.ds(j * K, K)]], buf, sm)

    def g_wait(j, buf, sm):
        pltpu.make_async_copy(hr.at[src_v.at[pl.ds(j * K, K)]], buf, sm).wait()

    def dld(j):
        @pl.when(lax.rem(j, CPB) == 0)
        def _():
            pltpu.sync_copy(dstr.at[w].at[lax.div(j, CPB)], dst_v)

    cp_src = pltpu.async_copy(srcr.at[pl.ds(w * EPT, EPT)], src_v, semi)

    def zrow(i, carry):
        for kk in range(D // L):
            zb[i, pl.ds(kk * L, L)] = z16
        return carry
    lax.fori_loop(0, ZR, zrow, 0)
    if with_cnt:
        def zcnt(i, carry):
            for kk in range(D // L):
                cnt_priv[i, pl.ds(kk * L, L)] = z16
            return carry
        lax.fori_loop(0, CR, zcnt, 0)
        base16 = jnp.arange(L, dtype=jnp.int32)
        for i in range(CR // L):
            rowid_v[pl.ds(i * L, L)] = base16 + (i * L)

    @pl.when(s < WB)
    def _():
        for r8 in range(RPT // ZR):
            pltpu.async_copy(zb, agg_sh.at[pl.ds(s * RPT + r8 * ZR, ZR)], sem1)
        if with_cnt:
            pltpu.async_copy(zb.at[pl.ds(0, CR // WB)],
                             cnt_sh.at[pl.ds(s * (CR // WB), CR // WB)], sem1)
        for r8 in range(RPT // ZR):
            pltpu.make_async_copy(
                zb, agg_sh.at[pl.ds(s * RPT + r8 * ZR, ZR)], sem1).wait()
        if with_cnt:
            pltpu.make_async_copy(
                zb.at[pl.ds(0, CR // WB)],
                cnt_sh.at[pl.ds(s * (CR // WB), CR // WB)], sem1).wait()

    cp_src.wait()
    g_issue(0, rows0, sem0)

    plsc.subcore_barrier()

    def docnt(jj):
        if with_cnt:
            for kk in range(K // L):
                idx = dst_v[jj, pl.ds(kk * L, L)]
                plsc.addupdate_scatter(
                    cnt_priv,
                    [lax.shift_right_logical(idx, 7), idx & 127],
                    one16)

    def pair(i, carry):
        j0 = 2 * i
        j1 = j0 + 1
        jj0 = lax.rem(j0, CPB)
        jj1 = lax.rem(j1, CPB)
        g_issue(j1, rows1, sem1)
        dld(j0)
        g_wait(j0, rows0, sem0)
        docnt(jj0)
        pltpu.sync_copy(rows0, agg_sh.at[dst_v.at[jj0]], add=True)
        g_issue(j0 + 2, rows0, sem0)
        dld(j1)
        g_wait(j1, rows1, sem1)
        docnt(jj1)
        pltpu.sync_copy(rows1, agg_sh.at[dst_v.at[jj1]], add=True)
        return carry
    lax.fori_loop(0, NCH // 2, pair, 0)
    g_wait(NCH - 1, rows0, sem0)
    docnt(CPB - 1)
    pltpu.sync_copy(rows0, agg_sh.at[dst_v.at[CPB - 1]], add=True)

    if with_cnt:
        pltpu.sync_copy(cnt_priv, cnt_sh.at[rowid_v], add=True)

    plsc.subcore_barrier()

    @pl.when(s < WB)
    def _():
        pltpu.sync_copy(agg_sh.at[pl.ds(s * RPT, RPT)],
                        out.at[c].at[pl.ds(s * RPT, RPT)])
        if with_cnt:
            pltpu.sync_copy(cnt_sh.at[pl.ds(s * (CR // WB), CR // WB)],
                            cntout.at[c].at[pl.ds(s * (CR // WB), CR // WB)])


@functools.cache
def _make_sc_agg(with_cnt):
    mesh = plsc.VectorSubcoreMesh(core_axis_name="c", subcore_axis_name="s",
                                  num_cores=NC, num_subcores=NS)
    out_type = [jax.ShapeDtypeStruct((NC, N, D), jnp.float32)]
    scratch = [
        pltpu.VMEM((EPT,), jnp.int32),
        pltpu.VMEM((CPB, K), jnp.int32),
        pltpu.VMEM((K, D), jnp.float32),
        pltpu.VMEM((K, D), jnp.float32),
        pltpu.VMEM((ZR, D), jnp.float32),
        pltpu.SemaphoreType.DMA,
        pltpu.SemaphoreType.DMA,
        pltpu.SemaphoreType.DMA,
        pltpu.VMEM_SHARED((N, D), jnp.float32),
    ]
    if with_cnt:
        out_type.append(jax.ShapeDtypeStruct((NC, CR, D), jnp.float32))
        scratch += [
            pltpu.VMEM((CR, D), jnp.float32),
            pltpu.VMEM((CR,), jnp.int32),
            pltpu.VMEM_SHARED((CR, D), jnp.float32),
        ]
    return pl.kernel(
        functools.partial(_sc_body, with_cnt),
        out_type=out_type,
        mesh=mesh,
        scratch_types=scratch,
        compiler_params=pltpu.CompilerParams(needs_layout_passes=False),
    )


_R = 1000


def _tc_linear(x, w, b):
    def body(x_ref, w_ref, b_ref, o_ref):
        o_ref[...] = jnp.dot(x_ref[...], w_ref[...],
                             preferred_element_type=jnp.float32) + b_ref[...]
    return pl.pallas_call(
        body,
        grid=(N // _R,),
        in_specs=[pl.BlockSpec((_R, D), lambda i: (i, 0)),
                  pl.BlockSpec((D, D), lambda i: (0, 0)),
                  pl.BlockSpec((1, D), lambda i: (0, 0))],
        out_specs=pl.BlockSpec((_R, D), lambda i: (i, 0)),
        out_shape=jax.ShapeDtypeStruct((N, D), jnp.float32),
    )(x, w, b.reshape(1, D))


def _tc_comb(p, cnt, r, w_l, relu, normalize):
    def body(p_ref, c_ref, r_ref, wl_ref, o_ref):
        cv = c_ref[...]
        rcp = 1.0 / jnp.maximum(cv[0] + cv[1], 1.0)
        pv = p_ref[...]
        agg = (pv[0] + pv[1]) * rcp
        acc = jnp.dot(agg, wl_ref[...], preferred_element_type=jnp.float32)
        acc += r_ref[...]
        if relu:
            acc = jnp.maximum(acc, 0.0)
        if normalize:
            nrm = jnp.sqrt(jnp.sum(acc * acc, axis=-1, keepdims=True))
            acc = acc / jnp.maximum(nrm, 1e-12)
        o_ref[...] = acc
    return pl.pallas_call(
        body,
        grid=(N // _R,),
        in_specs=[pl.BlockSpec((NC, _R, D), lambda i: (0, i, 0)),
                  pl.BlockSpec((NC, _R, 1), lambda i: (0, i, 0)),
                  pl.BlockSpec((_R, D), lambda i: (i, 0)),
                  pl.BlockSpec((D, D), lambda i: (0, 0))],
        out_specs=pl.BlockSpec((_R, D), lambda i: (i, 0)),
        out_shape=jax.ShapeDtypeStruct((N, D), jnp.float32),
    )(p, cnt, r, w_l)


def kernel(x, edge_index, pre_w, pre_b, w1_l, b1_l, w1_r, w2_l, b2_l, w2_r):
    src = edge_index[0]
    dst = edge_index[1].reshape(W, NCH // CPB, CPB, K)

    h0 = _tc_linear(x, pre_w, pre_b)
    p1, cnt2d = _make_sc_agg(True)(h0, src, dst)
    r1 = _tc_linear(h0, w1_r, b1_l)
    cnt = cnt2d.reshape(NC, CR * D)[:, :N].reshape(NC, N, 1)
    h1 = _tc_comb(p1, cnt, r1, w1_l, relu=True, normalize=False)
    (p2,) = _make_sc_agg(False)(h1, src, dst)
    r2 = _tc_linear(h1, w2_r, b2_l)
    return _tc_comb(p2, cnt, r2, w2_l, relu=False, normalize=True)

# --- scband reference (transcript-rebuilt; emitter-appended) ---
"""Pipeline reference for scband-sage-37589553775131 (READ-ONLY COPY).

The authoritative reference and input builder live on the scoring server;
editing this copy changes nothing except your own understanding.
"""

import jax, jax.numpy as jnp
import numpy as np

N = 10000
E = 320000
D = 128


def setup_inputs(seed: int = 0) -> dict:
    key = jax.random.key(seed)
    ks = jax.random.split(key, 12)
    x = jax.random.normal(ks[0], (N, D), dtype=jnp.float32)
    edge_index = jax.random.randint(ks[1], (2, E), 0, N, dtype=jnp.int32)
    s = 1.0 / np.sqrt(D)
    pre_w = jax.random.normal(ks[2], (D, D), dtype=jnp.float32) * s
    pre_b = jax.random.normal(ks[3], (D,), dtype=jnp.float32) * s
    w1_l = jax.random.normal(ks[4], (D, D), dtype=jnp.float32) * s
    b1_l = jax.random.normal(ks[5], (D,), dtype=jnp.float32) * s
    w1_r = jax.random.normal(ks[6], (D, D), dtype=jnp.float32) * s
    w2_l = jax.random.normal(ks[7], (D, D), dtype=jnp.float32) * s
    b2_l = jax.random.normal(ks[8], (D,), dtype=jnp.float32) * s
    w2_r = jax.random.normal(ks[9], (D, D), dtype=jnp.float32) * s
    return {
        "x": x,
        "edge_index": edge_index,
        "pre_w": pre_w,
        "pre_b": pre_b,
        "w1_l": w1_l,
        "b1_l": b1_l,
        "w1_r": w1_r,
        "w2_l": w2_l,
        "b2_l": b2_l,
        "w2_r": w2_r,
    }


def _sage_conv(h, edge_index, w_l, b_l, w_r):
    # PyG SAGEConv (aggr='mean', root_weight=True):
    #   out = lin_l(mean_{j in N(i)} h_j) + lin_r(h_i)
    src = edge_index[0]
    dst = edge_index[1]
    msg = h[src]  # gather along src nodes
    agg = jax.ops.segment_sum(msg, dst, num_segments=h.shape[0])
    cnt = jax.ops.segment_sum(jnp.ones((msg.shape[0],), h.dtype), dst, num_segments=h.shape[0])
    agg = agg / jnp.maximum(cnt, 1.0)[:, None]  # nodes with no in-edges stay 0
    return agg @ w_l + b_l + h @ w_r


def reference(x, edge_index, pre_w, pre_b, w1_l, b1_l, w1_r, w2_l, b2_l, w2_r):
    # linear_pre
    h = x @ pre_w + pre_b
    # conv_first + relu (dropout is identity at inference)
    h = _sage_conv(h, edge_index, w1_l, b1_l, w1_r)
    h = jax.nn.relu(h)
    # layer_num=2 -> no hidden convs
    # conv_out
    h = _sage_conv(h, edge_index, w2_l, b2_l, w2_r)
    # F.normalize(p=2, dim=-1)
    nrm = jnp.sqrt(jnp.sum(h * h, axis=-1, keepdims=True))
    return h / jnp.maximum(nrm, 1e-12)

if __name__ == "__main__":
    import jax
    _d = setup_inputs()
    print(jax.jit(kernel)(*tuple(_d.values())))

</pallas_src>

<mosaic_0001>
#map = affine_map<(d0, d1) -> (0, 0)>
#map1 = affine_map<(d0, d1) -> (0)>
#map2 = affine_map<(d0, d1) -> (0, 0, 0, 0)>
#map3 = affine_map<(d0, d1) -> (0, 0, 0)>
module attributes {stable_mosaic.version = 14 : i64} {
  func.func @_sc_body(%arg0: i32, %arg1: i32, %arg2: memref<10000x128xf32, #tpu.memory_space<hbm>>, %arg3: memref<320000xi32, #tpu.memory_space<hbm>>, %arg4: memref<32x5x25x80xi32, #tpu.memory_space<hbm>>, %arg5: memref<2x10000x128xf32, #tpu.memory_space<hbm>>, %arg6: memref<2x80x128xf32, #tpu.memory_space<hbm>>, %arg7: memref<10000xi32, #tpu.memory_space<vmem>>, %arg8: memref<25x80xi32, #tpu.memory_space<vmem>>, %arg9: memref<80x128xf32, #tpu.memory_space<vmem>>, %arg10: memref<80x128xf32, #tpu.memory_space<vmem>>, %arg11: memref<25x128xf32, #tpu.memory_space<vmem>>, %arg12: memref<!tpu.dma_semaphore, #tpu.memory_space<semaphore_mem>>, %arg13: memref<!tpu.dma_semaphore, #tpu.memory_space<semaphore_mem>>, %arg14: memref<!tpu.dma_semaphore, #tpu.memory_space<semaphore_mem>>, %arg15: memref<10000x128xf32, #tpu.memory_space<vmem_shared>>, %arg16: memref<80x128xf32, #tpu.memory_space<vmem>>, %arg17: memref<80xi32, #tpu.memory_space<vmem>>, %arg18: memref<80x128xf32, #tpu.memory_space<vmem_shared>>) attributes {dimension_semantics = [#tpu.dimension_semantics<core_parallel>, #tpu.dimension_semantics<subcore_parallel>], iteration_bounds = array<i64: 2, 16>, scalar_prefetch = 0 : i64, scratch_operands = 12 : i64, tpu.core_type = #tpu.core_type<sc_vector_subcore>, window_params = [{transform_indices = #map}, {transform_indices = #map1}, {transform_indices = #map2}, {transform_indices = #map3}, {transform_indices = #map3}]} {
    %mul3A = arith.constant 16 : i32
    %mul3A_0 = arith.muli %arg0, %mul3A : i32
    %add3A = arith.addi %mul3A_0, %arg1 : i32
    %broadcast_in_dim3A = arith.constant 0.000000e+00 : f32
    %broadcast_in_dim3A_1 = vector.broadcast %broadcast_in_dim3A : f32 to vector<16xf32>
    %broadcast_in_dim3A_2 = arith.constant 1.000000e+00 : f32
    %broadcast_in_dim3A_3 = vector.broadcast %broadcast_in_dim3A_2 : f32 to vector<16xf32>
    %mul3A_4 = arith.constant 10000 : i32
    %mul3A_5 = arith.muli %add3A, %mul3A_4 : i32
    %dma_start3A = tpu.memref_slice %arg3[%mul3A_5] : memref<320000xi32, #tpu.memory_space<hbm>> -> memref<10000xi32, #tpu.memory_space<hbm>>
    %dma_start3A_6 = tpu.memref_slice %arg3[%mul3A_5] : memref<320000xi32, #tpu.memory_space<hbm>> -> memref<10000xi32, #tpu.memory_space<hbm>>
    tpu.enqueue_dma source(%dma_start3A_6 : memref<10000xi32, #tpu.memory_space<hbm>>) target(%arg7 : memref<10000xi32, #tpu.memory_space<vmem>>) target_semaphore(%arg14 : memref<!tpu.dma_semaphore, #tpu.memory_space<semaphore_mem>>)
    %scan3A = arith.constant 0 : i32
    %scan3A_7 = arith.constant 0 : i32
    %scan3A_8 = arith.constant 25 : i32
    %scan3A_9 = arith.addi %scan3A_7, %scan3A_8 : i32
    %scan3A_10 = arith.constant 1 : i32
    scf.for %scan3A_114 = %scan3A_7 to %scan3A_9 step %scan3A_10  : i32 {
      %swap3A_115 = arith.index_cast %scan3A_114 : i32 to index
      %swap3A_116 = arith.constant 0 : index
      %swap3A_117 = tpu.vector_load %arg11[%swap3A_115, %swap3A_116] {strides = array<i32>} : memref<25x128xf32, #tpu.memory_space<vmem>>, vector<16xf32>,
      tpu.vector_store %arg11[%swap3A_115, %swap3A_116], %broadcast_in_dim3A_1 {strides = array<i32>} : memref<25x128xf32, #tpu.memory_space<vmem>>, vector<16xf32>,
      %swap3A_118 = arith.index_cast %scan3A_114 : i32 to index
      %swap3A_119 = arith.constant 16 : index
      %swap3A_120 = tpu.vector_load %arg11[%swap3A_118, %swap3A_119] {strides = array<i32>} : memref<25x128xf32, #tpu.memory_space<vmem>>, vector<16xf32>,
      tpu.vector_store %arg11[%swap3A_118, %swap3A_119], %broadcast_in_dim3A_1 {strides = array<i32>} : memref<25x128xf32, #tpu.memory_space<vmem>>, vector<16xf32>,
      %swap3A_121 = arith.index_cast %scan3A_114 : i32 to index
      %swap3A_122 = arith.constant 32 : index
      %swap3A_123 = tpu.vector_load %arg11[%swap3A_121, %swap3A_122] {strides = array<i32>} : memref<25x128xf32, #tpu.memory_space<vmem>>, vector<16xf32>,
      tpu.vector_store %arg11[%swap3A_121, %swap3A_122], %broadcast_in_dim3A_1 {strides = array<i32>} : memref<25x128xf32, #tpu.memory_space<vmem>>, vector<16xf32>,
      %swap3A_124 = arith.index_cast %scan3A_114 : i32 to index
      %swap3A_125 = arith.constant 48 : index
      %swap3A_126 = tpu.vector_load %arg11[%swap3A_124, %swap3A_125] {strides = array<i32>} : memref<25x128xf32, #tpu.memory_space<vmem>>, vector<16xf32>,
      tpu.vector_store %arg11[%swap3A_124, %swap3A_125], %broadcast_in_dim3A_1 {strides = array<i32>} : memref<25x128xf32, #tpu.memory_space<vmem>>, vector<16xf32>,
      %swap3A_127 = arith.index_cast %scan3A_114 : i32 to index
      %swap3A_128 = arith.constant 64 : index
      %swap3A_129 = tpu.vector_load %arg11[%swap3A_127, %swap3A_128] {strides = array<i32>} : memref<25x128xf32, #tpu.memory_space<vmem>>, vector<16xf32>,
      tpu.vector_store %arg11[%swap3A_127, %swap3A_128], %broadcast_in_dim3A_1 {strides = array<i32>} : memref<25x128xf32, #tpu.memory_space<vmem>>, vector<16xf32>,
      %swap3A_130 = arith.index_cast %scan3A_114 : i32 to index
      %swap3A_131 = arith.constant 80 : index
      %swap3A_132 = tpu.vector_load %arg11[%swap3A_130, %swap3A_131] {strides = array<i32>} : memref<25x128xf32, #tpu.memory_space<vmem>>, vector<16xf32>,
      tpu.vector_store %arg11[%swap3A_130, %swap3A_131], %broadcast_in_dim3A_1 {strides = array<i32>} : memref<25x128xf32, #tpu.memory_space<vmem>>, vector<16xf32>,
      %swap3A_133 = arith.index_cast %scan3A_114 : i32 to index
      %swap3A_134 = arith.constant 96 : index
      %swap3A_135 = tpu.vector_load %arg11[%swap3A_133, %swap3A_134] {strides = array<i32>} : memref<25x128xf32, #tpu.memory_space<vmem>>, vector<16xf32>,
      tpu.vector_store %arg11[%swap3A_133, %swap3A_134], %broadcast_in_dim3A_1 {strides = array<i32>} : memref<25x128xf32, #tpu.memory_space<vmem>>, vector<16xf32>,
      %swap3A_136 = arith.index_cast %scan3A_114 : i32 to index
      %swap3A_137 = arith.constant 112 : index
      %swap3A_138 = tpu.vector_load %arg11[%swap3A_136, %swap3A_137] {strides = array<i32>} : memref<25x128xf32, #tpu.memory_space<vmem>>, vector<16xf32>,
      tpu.vector_store %arg11[%swap3A_136, %swap3A_137], %broadcast_in_dim3A_1 {strides = array<i32>} : memref<25x128xf32, #tpu.memory_space<vmem>>, vector<16xf32>,
    }
    %scan3A_11 = arith.constant 25 : i32
    %scan3A_12 = arith.constant 0 : i32
    %scan3A_13 = arith.constant 0 : i32
    %scan3A_14 = arith.constant 80 : i32
    %scan3A_15 = arith.addi %scan3A_13, %scan3A_14 : i32
    %scan3A_16 = arith.constant 1 : i32
    scf.for %scan3A_114 = %scan3A_13 to %scan3A_15 step %scan3A_16  : i32 {
      %swap3A_115 = arith.index_cast %scan3A_114 : i32 to index
      %swap3A_116 = arith.constant 0 : index
      %swap3A_117 = tpu.vector_load %arg16[%swap3A_115, %swap3A_116] {strides = array<i32>} : memref<80x128xf32, #tpu.memory_space<vmem>>, vector<16xf32>,
      tpu.vector_store %arg16[%swap3A_115, %swap3A_116], %broadcast_in_dim3A_1 {strides = array<i32>} : memref<80x128xf32, #tpu.memory_space<vmem>>, vector<16xf32>,
      %swap3A_118 = arith.index_cast %scan3A_114 : i32 to index
      %swap3A_119 = arith.constant 16 : index
      %swap3A_120 = tpu.vector_load %arg16[%swap3A_118, %swap3A_119] {strides = array<i32>} : memref<80x128xf32, #tpu.memory_space<vmem>>, vector<16xf32>,
      tpu.vector_store %arg16[%swap3A_118, %swap3A_119], %broadcast_in_dim3A_1 {strides = array<i32>} : memref<80x128xf32, #tpu.memory_space<vmem>>, vector<16xf32>,
      %swap3A_121 = arith.index_cast %scan3A_114 : i32 to index
      %swap3A_122 = arith.constant 32 : index
      %swap3A_123 = tpu.vector_load %arg16[%swap3A_121, %swap3A_122] {strides = array<i32>} : memref<80x128xf32, #tpu.memory_space<vmem>>, vector<16xf32>,
      tpu.vector_store %arg16[%swap3A_121, %swap3A_122], %broadcast_in_dim3A_1 {strides = array<i32>} : memref<80x128xf32, #tpu.memory_space<vmem>>, vector<16xf32>,
      %swap3A_124 = arith.index_cast %scan3A_114 : i32 to index
      %swap3A_125 = arith.constant 48 : index
      %swap3A_126 = tpu.vector_load %arg16[%swap3A_124, %swap3A_125] {strides = array<i32>} : memref<80x128xf32, #tpu.memory_space<vmem>>, vector<16xf32>,
      tpu.vector_store %arg16[%swap3A_124, %swap3A_125], %broadcast_in_dim3A_1 {strides = array<i32>} : memref<80x128xf32, #tpu.memory_space<vmem>>, vector<16xf32>,
      %swap3A_127 = arith.index_cast %scan3A_114 : i32 to index
      %swap3A_128 = arith.constant 64 : index
      %swap3A_129 = tpu.vector_load %arg16[%swap3A_127, %swap3A_128] {strides = array<i32>} : memref<80x128xf32, #tpu.memory_space<vmem>>, vector<16xf32>,
      tpu.vector_store %arg16[%swap3A_127, %swap3A_128], %broadcast_in_dim3A_1 {strides = array<i32>} : memref<80x128xf32, #tpu.memory_space<vmem>>, vector<16xf32>,
      %swap3A_130 = arith.index_cast %scan3A_114 : i32 to index
      %swap3A_131 = arith.constant 80 : index
      %swap3A_132 = tpu.vector_load %arg16[%swap3A_130, %swap3A_131] {strides = array<i32>} : memref<80x128xf32, #tpu.memory_space<vmem>>, vector<16xf32>,
      tpu.vector_store %arg16[%swap3A_130, %swap3A_131], %broadcast_in_dim3A_1 {strides = array<i32>} : memref<80x128xf32, #tpu.memory_space<vmem>>, vector<16xf32>,
      %swap3A_133 = arith.index_cast %scan3A_114 : i32 to index
      %swap3A_134 = arith.constant 96 : index
      %swap3A_135 = tpu.vector_load %arg16[%swap3A_133, %swap3A_134] {strides = array<i32>} : memref<80x128xf32, #tpu.memory_space<vmem>>, vector<16xf32>,
      tpu.vector_store %arg16[%swap3A_133, %swap3A_134], %broadcast_in_dim3A_1 {strides = array<i32>} : memref<80x128xf32, #tpu.memory_space<vmem>>, vector<16xf32>,
      %swap3A_136 = arith.index_cast %scan3A_114 : i32 to index
      %swap3A_137 = arith.constant 112 : index
      %swap3A_138 = tpu.vector_load %arg16[%swap3A_136, %swap3A_137] {strides = array<i32>} : memref<80x128xf32, #tpu.memory_space<vmem>>, vector<16xf32>,
      tpu.vector_store %arg16[%swap3A_136, %swap3A_137], %broadcast_in_dim3A_1 {strides = array<i32>} : memref<80x128xf32, #tpu.memory_space<vmem>>, vector<16xf32>,
    }
    %scan3A_17 = arith.constant 80 : i32
    %iota3A = tpu.iota {dimensions = array<i32: 0>} : vector<16xi32>
    %add3A_18 = arith.constant 0 : i32
    %add3A_19 = vector.broadcast %add3A_18 : i32 to vector<16xi32>
    %add3A_20 = arith.addi %iota3A, %add3A_19 : vector<16xi32>
    %swap3A = arith.constant 0 : index
    %swap3A_21 = tpu.vector_load %arg17[%swap3A] {strides = array<i32>} : memref<80xi32, #tpu.memory_space<vmem>>, vector<16xi32>,
    tpu.vector_store %arg17[%swap3A], %add3A_20 {strides = array<i32>} : memref<80xi32, #tpu.memory_space<vmem>>, vector<16xi32>,
    %add3A_22 = arith.constant 16 : i32
    %add3A_23 = vector.broadcast %add3A_22 : i32 to vector<16xi32>
    %add3A_24 = arith.addi %iota3A, %add3A_23 : vector<16xi32>
    %swap3A_25 = arith.constant 16 : index
    %swap3A_26 = tpu.vector_load %arg17[%swap3A_25] {strides = array<i32>} : memref<80xi32, #tpu.memory_space<vmem>>, vector<16xi32>,
    tpu.vector_store %arg17[%swap3A_25], %add3A_24 {strides = array<i32>} : memref<80xi32, #tpu.memory_space<vmem>>, vector<16xi32>,
    %add3A_27 = arith.constant 32 : i32
    %add3A_28 = vector.broadcast %add3A_27 : i32 to vector<16xi32>
    %add3A_29 = arith.addi %iota3A, %add3A_28 : vector<16xi32>
    %swap3A_30 = arith.constant 32 : index
    %swap3A_31 = tpu.vector_load %arg17[%swap3A_30] {strides = array<i32>} : memref<80xi32, #tpu.memory_space<vmem>>, vector<16xi32>,
    tpu.vector_store %arg17[%swap3A_30], %add3A_29 {strides = array<i32>} : memref<80xi32, #tpu.memory_space<vmem>>, vector<16xi32>,
    %add3A_32 = arith.constant 48 : i32
    %add3A_33 = vector.broadcast %add3A_32 : i32 to vector<16xi32>
    %add3A_34 = arith.addi %iota3A, %add3A_33 : vector<16xi32>
    %swap3A_35 = arith.constant 48 : index
    %swap3A_36 = tpu.vector_load %arg17[%swap3A_35] {strides = array<i32>} : memref<80xi32, #tpu.memory_space<vmem>>, vector<16xi32>,
    tpu.vector_store %arg17[%swap3A_35], %add3A_34 {strides = array<i32>} : memref<80xi32, #tpu.memory_space<vmem>>, vector<16xi32>,
    %add3A_37 = arith.constant 64 : i32
    %add3A_38 = vector.broadcast %add3A_37 : i32 to vector<16xi32>
    %add3A_39 = arith.addi %iota3A, %add3A_38 : vector<16xi32>
    %swap3A_40 = arith.constant 64 : index
    %swap3A_41 = tpu.vector_load %arg17[%swap3A_40] {strides = array<i32>} : memref<80xi32, #tpu.memory_space<vmem>>, vector<16xi32>,
    tpu.vector_store %arg17[%swap3A_40], %add3A_39 {strides = array<i32>} : memref<80xi32, #tpu.memory_space<vmem>>, vector<16xi32>,
    %lt3A = arith.constant 10 : i32
    %lt3A_42 = arith.cmpi slt, %arg1, %lt3A : i32
    %convert_element_type3A = arith.extui %lt3A_42 : i1 to i32
    %cond3A = arith.constant 0 : i32
    %cond3A_43 = arith.cmpi ne, %convert_element_type3A, %cond3A : i32
    scf.if %cond3A_43 {
      %mul3A_114 = arith.constant 1000 : i32
      %mul3A_115 = arith.muli %arg1, %mul3A_114 : i32
      %add3A_116 = arith.constant 0 : i32
      %add3A_117 = arith.addi %mul3A_115, %add3A_116 : i32
      %dma_start3A_118 = arith.constant 0 : i32
      %dma_start3A_119 = tpu.memref_slice %arg15[%add3A_117, %dma_start3A_118] : memref<10000x128xf32, #tpu.memory_space<vmem_shared>> -> memref<25x128xf32, #tpu.memory_space<vmem_shared>>
      %dma_start3A_120 = arith.constant 0 : i32
      %dma_start3A_121 = tpu.memref_slice %arg15[%add3A_117, %dma_start3A_120] : memref<10000x128xf32, #tpu.memory_space<vmem_shared>> -> memref<25x128xf32, #tpu.memory_space<vmem_shared>>
      tpu.enqueue_dma source(%arg11 : memref<25x128xf32, #tpu.memory_space<vmem>>) target(%dma_start3A_121 : memref<25x128xf32, #tpu.memory_space<vmem_shared>>) target_semaphore(%arg13 : memref<!tpu.dma_semaphore, #tpu.memory_space<semaphore_mem>>)
      %mul3A_122 = arith.constant 1000 : i32
      %mul3A_123 = arith.muli %arg1, %mul3A_122 : i32
      %add3A_124 = arith.constant 25 : i32
      %add3A_125 = arith.addi %mul3A_123, %add3A_124 : i32
      %dma_start3A_126 = arith.constant 0 : i32
      %dma_start3A_127 = tpu.memref_slice %arg15[%add3A_125, %dma_start3A_126] : memref<10000x128xf32, #tpu.memory_space<vmem_shared>> -> memref<25x128xf32, #tpu.memory_space<vmem_shared>>
      %dma_start3A_128 = arith.constant 0 : i32
      %dma_start3A_129 = tpu.memref_slice %arg15[%add3A_125, %dma_start3A_128] : memref<10000x128xf32, #tpu.memory_space<vmem_shared>> -> memref<25x128xf32, #tpu.memory_space<vmem_shared>>
      tpu.enqueue_dma source(%arg11 : memref<25x128xf32, #tpu.memory_space<vmem>>) target(%dma_start3A_129 : memref<25x128xf32, #tpu.memory_space<vmem_shared>>) target_semaphore(%arg13 : memref<!tpu.dma_semaphore, #tpu.memory_space<semaphore_mem>>)
      %mul3A_130 = arith.constant 1000 : i32
      %mul3A_131 = arith.muli %arg1, %mul3A_130 : i32
      %add3A_132 = arith.constant 50 : i32
      %add3A_133 = arith.addi %mul3A_131, %add3A_132 : i32
      %dma_start3A_134 = arith.constant 0 : i32
      %dma_start3A_135 = tpu.memref_slice %arg15[%add3A_133, %dma_start3A_134] : memref<10000x128xf32, #tpu.memory_space<vmem_shared>> -> memref<25x128xf32, #tpu.memory_space<vmem_shared>>
      %dma_start3A_136 = arith.constant 0 : i32
      %dma_start3A_137 = tpu.memref_slice %arg15[%add3A_133, %dma_start3A_136] : memref<10000x128xf32, #tpu.memory_space<vmem_shared>> -> memref<25x128xf32, #tpu.memory_space<vmem_shared>>
      tpu.enqueue_dma source(%arg11 : memref<25x128xf32, #tpu.memory_space<vmem>>) target(%dma_start3A_137 : memref<25x128xf32, #tpu.memory_space<vmem_shared>>) target_semaphore(%arg13 : memref<!tpu.dma_semaphore, #tpu.memory_space<semaphore_mem>>)
      %mul3A_138 = arith.constant 1000 : i32
      %mul3A_139 = arith.muli %arg1, %mul3A_138 : i32
      %add3A_140 = arith.constant 75 : i32
      %add3A_141 = arith.addi %mul3A_139, %add3A_140 : i32
      %dma_start3A_142 = arith.constant 0 : i32
      %dma_start3A_143 = tpu.memref_slice %arg15[%add3A_141, %dma_start3A_142] : memref<10000x128xf32, #tpu.memory_space<vmem_shared>> -> memref<25x128xf32, #tpu.memory_space<vmem_shared>>
      %dma_start3A_144 = arith.constant 0 : i32
      %dma_start3A_145 = tpu.memref_slice %arg15[%add3A_141, %dma_start3A_144] : memref<10000x128xf32, #tpu.memory_space<vmem_shared>> -> memref<25x128xf32, #tpu.memory_space<vmem_shared>>
      tpu.enqueue_dma source(%arg11 : memref<25x128xf32, #tpu.memory_space<vmem>>) target(%dma_start3A_145 : memref<25x128xf32, #tpu.memory_space<vmem_shared>>) target_semaphore(%arg13 : memref<!tpu.dma_semaphore, #tpu.memory_space<semaphore_mem>>)
      %mul3A_146 = arith.constant 1000 : i32
      %mul3A_147 = arith.muli %arg1, %mul3A_146 : i32
      %add3A_148 = arith.constant 100 : i32
      %add3A_149 = arith.addi %mul3A_147, %add3A_148 : i32
      %dma_start3A_150 = arith.constant 0 : i32
      %dma_start3A_151 = tpu.memref_slice %arg15[%add3A_149, %dma_start3A_150] : memref<10000x128xf32, #tpu.memory_space<vmem_shared>> -> memref<25x128xf32, #tpu.memory_space<vmem_shared>>
      %dma_start3A_152 = arith.constant 0 : i32
      %dma_start3A_153 = tpu.memref_slice %arg15[%add3A_149, %dma_start3A_152] : memref<10000x128xf32, #tpu.memory_space<vmem_shared>> -> memref<25x128xf32, #tpu.memory_space<vmem_shared>>
      tpu.enqueue_dma source(%arg11 : memref<25x128xf32, #tpu.memory_space<vmem>>) target(%dma_start3A_153 : memref<25x128xf32, #tpu.memory_space<vmem_shared>>) target_semaphore(%arg13 : memref<!tpu.dma_semaphore, #tpu.memory_space<semaphore_mem>>)
      %mul3A_154 = arith.constant 1000 : i32
      %mul3A_155 = arith.muli %arg1, %mul3A_154 : i32
      %add3A_156 = arith.constant 125 : i32
      %add3A_157 = arith.addi %mul3A_155, %add3A_156 : i32
      %dma_start3A_158 = arith.constant 0 : i32
      %dma_start3A_159 = tpu.memref_slice %arg15[%add3A_157, %dma_start3A_158] : memref<10000x128xf32, #tpu.memory_space<vmem_shared>> -> memref<25x128xf32, #tpu.memory_space<vmem_shared>>
      %dma_start3A_160 = arith.constant 0 : i32
      %dma_start3A_161 = tpu.memref_slice %arg15[%add3A_157, %dma_start3A_160] : memref<10000x128xf32, #tpu.memory_space<vmem_shared>> -> memref<25x128xf32, #tpu.memory_space<vmem_shared>>
      tpu.enqueue_dma source(%arg11 : memref<25x128xf32, #tpu.memory_space<vmem>>) target(%dma_start3A_161 : memref<25x128xf32, #tpu.memory_space<vmem_shared>>) target_semaphore(%arg13 : memref<!tpu.dma_semaphore, #tpu.memory_space<semaphore_mem>>)
      %mul3A_162 = arith.constant 1000 : i32
      %mul3A_163 = arith.muli %arg1, %mul3A_162 : i32
      %add3A_164 = arith.constant 150 : i32
      %add3A_165 = arith.addi %mul3A_163, %add3A_164 : i32
      %dma_start3A_166 = arith.constant 0 : i32
      %dma_start3A_167 = tpu.memref_slice %arg15[%add3A_165, %dma_start3A_166] : memref<10000x128xf32, #tpu.memory_space<vmem_shared>> -> memref<25x128xf32, #tpu.memory_space<vmem_shared>>
      %dma_start3A_168 = arith.constant 0 : i32
      %dma_start3A_169 = tpu.memref_slice %arg15[%add3A_165, %dma_start3A_168] : memref<10000x128xf32, #tpu.memory_space<vmem_shared>> -> memref<25x128xf32, #tpu.memory_space<vmem_shared>>
      tpu.enqueue_dma source(%arg11 : memref<25x128xf32, #tpu.memory_space<vmem>>) target(%dma_start3A_169 : memref<25x128xf32, #tpu.memory_space<vmem_shared>>) target_semaphore(%arg13 : memref<!tpu.dma_semaphore, #tpu.memory_space<semaphore_mem>>)
      %mul3A_170 = arith.constant 1000 : i32
      %mul3A_171 = arith.muli %arg1, %mul3A_170 : i32
      %add3A_172 = arith.constant 175 : i32
      %add3A_173 = arith.addi %mul3A_171, %add3A_172 : i32
      %dma_start3A_174 = arith.constant 0 : i32
      %dma_start3A_175 = tpu.memref_slice %arg15[%add3A_173, %dma_start3A_174] : memref<10000x128xf32, #tpu.memory_space<vmem_shared>> -> memref<25x128xf32, #tpu.memory_space<vmem_shared>>
      %dma_start3A_176 = arith.constant 0 : i32
      %dma_start3A_177 = tpu.memref_slice %arg15[%add3A_173, %dma_start3A_176] : memref<10000x128xf32, #tpu.memory_space<vmem_shared>> -> memref<25x128xf32, #tpu.memory_space<vmem_shared>>
      tpu.enqueue_dma source(%arg11 : memref<25x128xf32, #tpu.memory_space<vmem>>) target(%dma_start3A_177 : memref<25x128xf32, #tpu.memory_space<vmem_shared>>) target_semaphore(%arg13 : memref<!tpu.dma_semaphore, #tpu.memory_space<semaphore_mem>>)
      %mul3A_178 = arith.constant 1000 : i32
      %mul3A_179 = arith.muli %arg1, %mul3A_178 : i32
      %add3A_180 = arith.constant 200 : i32
      %add3A_181 = arith.addi %mul3A_179, %add3A_180 : i32
      %dma_start3A_182 = arith.constant 0 : i32
      %dma_start3A_183 = tpu.memref_slice %arg15[%add3A_181, %dma_start3A_182] : memref<10000x128xf32, #tpu.memory_space<vmem_shared>> -> memref<25x128xf32, #tpu.memory_space<vmem_shared>>
      %dma_start3A_184 = arith.constant 0 : i32
      %dma_start3A_185 = tpu.memref_slice %arg15[%add3A_181, %dma_start3A_184] : memref<10000x128xf32, #tpu.memory_space<vmem_shared>> -> memref<25x128xf32, #tpu.memory_space<vmem_shared>>
      tpu.enqueue_dma source(%arg11 : memref<25x128xf32, #tpu.memory_space<vmem>>) target(%dma_start3A_185 : memref<25x128xf32, #tpu.memory_space<vmem_shared>>) target_semaphore(%arg13 : memref<!tpu.dma_semaphore, #tpu.memory_space<semaphore_mem>>)
      %mul3A_186 = arith.constant 1000 : i32
      %mul3A_187 = arith.muli %arg1, %mul3A_186 : i32
      %add3A_188 = arith.constant 225 : i32
      %add3A_189 = arith.addi %mul3A_187, %add3A_188 : i32
      %dma_start3A_190 = arith.constant 0 : i32
      %dma_start3A_191 = tpu.memref_slice %arg15[%add3A_189, %dma_start3A_190] : memref<10000x128xf32, #tpu.memory_space<vmem_shared>> -> memref<25x128xf32, #tpu.memory_space<vmem_shared>>
      %dma_start3A_192 = arith.constant 0 : i32
      %dma_start3A_193 = tpu.memref_slice %arg15[%add3A_189, %dma_start3A_192] : memref<10000x128xf32, #tpu.memory_space<vmem_shared>> -> memref<25x128xf32, #tpu.memory_space<vmem_shared>>
      tpu.enqueue_dma source(%arg11 : memref<25x128xf32, #tpu.memory_space<vmem>>) target(%dma_start3A_193 : memref<25x128xf32, #tpu.memory_space<vmem_shared>>) target_semaphore(%arg13 : memref<!tpu.dma_semaphore, #tpu.memory_space<semaphore_mem>>)
      %mul3A_194 = arith.constant 1000 : i32
      %mul3A_195 = arith.muli %arg1, %mul3A_194 : i32
      %add3A_196 = arith.constant 250 : i32
      %add3A_197 = arith.addi %mul3A_195, %add3A_196 : i32
      %dma_start3A_198 = arith.constant 0 : i32
      %dma_start3A_199 = tpu.memref_slice %arg15[%add3A_197, %dma_start3A_198] : memref<10000x128xf32, #tpu.memory_space<vmem_shared>> -> memref<25x128xf32, #tpu.memory_space<vmem_shared>>
      %dma_start3A_200 = arith.constant 0 : i32
      %dma_start3A_201 = tpu.memref_slice %arg15[%add3A_197, %dma_start3A_200] : memref<10000x128xf32, #tpu.memory_space<vmem_shared>> -> memref<25x128xf32, #tpu.memory_space<vmem_shared>>
      tpu.enqueue_dma source(%arg11 : memref<25x128xf32, #tpu.memory_space<vmem>>) target(%dma_start3A_201 : memref<25x128xf32, #tpu.memory_space<vmem_shared>>) target_semaphore(%arg13 : memref<!tpu.dma_semaphore, #tpu.memory_space<semaphore_mem>>)
      %mul3A_202 = arith.constant 1000 : i32
      %mul3A_203 = arith.muli %arg1, %mul3A_202 : i32
      %add3A_204 = arith.constant 275 : i32
      %add3A_205 = arith.addi %mul3A_203, %add3A_204 : i32
      %dma_start3A_206 = arith.constant 0 : i32
      %dma_start3A_207 = tpu.memref_slice %arg15[%add3A_205, %dma_start3A_206] : memref<10000x128xf32, #tpu.memory_space<vmem_shared>> -> memref<25x128xf32, #tpu.memory_space<vmem_shared>>
      %dma_start3A_208 = arith.constant 0 : i32
      %dma_start3A_209 = tpu.memref_slice %arg15[%add3A_205, %dma_start3A_208] : memref<10000x128xf32, #tpu.memory_space<vmem_shared>> -> memref<25x128xf32, #tpu.memory_space<vmem_shared>>
      tpu.enqueue_dma source(%arg11 : memref<25x128xf32, #tpu.memory_space<vmem>>) target(%dma_start3A_209 : memref<25x128xf32, #tpu.memory_space<vmem_shared>>) target_semaphore(%arg13 : memref<!tpu.dma_semaphore, #tpu.memory_space<semaphore_mem>>)
      %mul3A_210 = arith.constant 1000 : i32
      %mul3A_211 = arith.muli %arg1, %mul3A_210 : i32
      %add3A_212 = arith.constant 300 : i32
      %add3A_213 = arith.addi %mul3A_211, %add3A_212 : i32
      %dma_start3A_214 = arith.constant 0 : i32
      %dma_start3A_215 = tpu.memref_slice %arg15[%add3A_213, %dma_start3A_214] : memref<10000x128xf32, #tpu.memory_space<vmem_shared>> -> memref<25x128xf32, #tpu.memory_space<vmem_shared>>
      %dma_start3A_216 = arith.constant 0 : i32
      %dma_start3A_217 = tpu.memref_slice %arg15[%add3A_213, %dma_start3A_216] : memref<10000x128xf32, #tpu.memory_space<vmem_shared>> -> memref<25x128xf32, #tpu.memory_space<vmem_shared>>
      tpu.enqueue_dma source(%arg11 : memref<25x128xf32, #tpu.memory_space<vmem>>) target(%dma_start3A_217 : memref<25x128xf32, #tpu.memory_space<vmem_shared>>) target_semaphore(%arg13 : memref<!tpu.dma_semaphore, #tpu.memory_space<semaphore_mem>>)
      %mul3A_218 = arith.constant 1000 : i32
      %mul3A_219 = arith.muli %arg1, %mul3A_218 : i32
      %add3A_220 = arith.constant 325 : i32
      %add3A_221 = arith.addi %mul3A_219, %add3A_220 : i32
      %dma_start3A_222 = arith.constant 0 : i32
      %dma_start3A_223 = tpu.memref_slice %arg15[%add3A_221, %dma_start3A_222] : memref<10000x128xf32, #tpu.memory_space<vmem_shared>> -> memref<25x128xf32, #tpu.memory_space<vmem_shared>>
      %dma_start3A_224 = arith.constant 0 : i32
      %dma_start3A_225 = tpu.memref_slice %arg15[%add3A_221, %dma_start3A_224] : memref<10000x128xf32, #tpu.memory_space<vmem_shared>> -> memref<25x128xf32, #tpu.memory_space<vmem_shared>>
      tpu.enqueue_dma source(%arg11 : memref<25x128xf32, #tpu.memory_space<vmem>>) target(%dma_start3A_225 : memref<25x128xf32, #tpu.memory_space<vmem_shared>>) target_semaphore(%arg13 : memref<!tpu.dma_semaphore, #tpu.memory_space<semaphore_mem>>)
      %mul3A_226 = arith.constant 1000 : i32
      %mul3A_227 = arith.muli %arg1, %mul3A_226 : i32
      %add3A_228 = arith.constant 350 : i32
      %add3A_229 = arith.addi %mul3A_227, %add3A_228 : i32
      %dma_start3A_230 = arith.constant 0 : i32
      %dma_start3A_231 = tpu.memref_slice %arg15[%add3A_229, %dma_start3A_230] : memref<10000x128xf32, #tpu.memory_space<vmem_shared>> -> memref<25x128xf32, #tpu.memory_space<vmem_shared>>
      %dma_start3A_232 = arith.constant 0 : i32
      %dma_start3A_233 = tpu.memref_slice %arg15[%add3A_229, %dma_start3A_232] : memref<10000x128xf32, #tpu.memory_space<vmem_shared>> -> memref<25x128xf32, #tpu.memory_space<vmem_shared>>
      tpu.enqueue_dma source(%arg11 : memref<25x128xf32, #tpu.memory_space<vmem>>) target(%dma_start3A_233 : memref<25x128xf32, #tpu.memory_space<vmem_shared>>) target_semaphore(%arg13 : memref<!tpu.dma_semaphore, #tpu.memory_space<semaphore_mem>>)
      %mul3A_234 = arith.constant 1000 : i32
      %mul3A_235 = arith.muli %arg1, %mul3A_234 : i32
      %add3A_236 = arith.constant 375 : i32
      %add3A_237 = arith.addi %mul3A_235, %add3A_236 : i32
      %dma_start3A_238 = arith.constant 0 : i32
      %dma_start3A_239 = tpu.memref_slice %arg15[%add3A_237, %dma_start3A_238] : memref<10000x128xf32, #tpu.memory_space<vmem_shared>> -> memref<25x128xf32, #tpu.memory_space<vmem_shared>>
      %dma_start3A_240 = arith.constant 0 : i32
      %dma_start3A_241 = tpu.memref_slice %arg15[%add3A_237, %dma_start3A_240] : memref<10000x128xf32, #tpu.memory_space<vmem_shared>> -> memref<25x128xf32, #tpu.memory_space<vmem_shared>>
      tpu.enqueue_dma source(%arg11 : memref<25x128xf32, #tpu.memory_space<vmem>>) target(%dma_start3A_241 : memref<25x128xf32, #tpu.memory_space<vmem_shared>>) target_semaphore(%arg13 : memref<!tpu.dma_semaphore, #tpu.memory_space<semaphore_mem>>)
      %mul3A_242 = arith.constant 1000 : i32
      %mul3A_243 = arith.muli %arg1, %mul3A_242 : i32
      %add3A_244 = arith.constant 400 : i32
      %add3A_245 = arith.addi %mul3A_243, %add3A_244 : i32
      %dma_start3A_246 = arith.constant 0 : i32
      %dma_start3A_247 = tpu.memref_slice %arg15[%add3A_245, %dma_start3A_246] : memref<10000x128xf32, #tpu.memory_space<vmem_shared>> -> memref<25x128xf32, #tpu.memory_space<vmem_shared>>
      %dma_start3A_248 = arith.constant 0 : i32
      %dma_start3A_249 = tpu.memref_slice %arg15[%add3A_245, %dma_start3A_248] : memref<10000x128xf32, #tpu.memory_space<vmem_shared>> -> memref<25x128xf32, #tpu.memory_space<vmem_shared>>
      tpu.enqueue_dma source(%arg11 : memref<25x128xf32, #tpu.memory_space<vmem>>) target(%dma_start3A_249 : memref<25x128xf32, #tpu.memory_space<vmem_shared>>) target_semaphore(%arg13 : memref<!tpu.dma_semaphore, #tpu.memory_space<semaphore_mem>>)
      %mul3A_250 = arith.constant 1000 : i32
      %mul3A_251 = arith.muli %arg1, %mul3A_250 : i32
      %add3A_252 = arith.constant 425 : i32
      %add3A_253 = arith.addi %mul3A_251, %add3A_252 : i32
      %dma_start3A_254 = arith.constant 0 : i32
      %dma_start3A_255 = tpu.memref_slice %arg15[%add3A_253, %dma_start3A_254] : memref<10000x128xf32, #tpu.memory_space<vmem_shared>> -> memref<25x128xf32, #tpu.memory_space<vmem_shared>>
      %dma_start3A_256 = arith.constant 0 : i32
      %dma_start3A_257 = tpu.memref_slice %arg15[%add3A_253, %dma_start3A_256] : memref<10000x128xf32, #tpu.memory_space<vmem_shared>> -> memref<25x128xf32, #tpu.memory_space<vmem_shared>>
      tpu.enqueue_dma source(%arg11 : memref<25x128xf32, #tpu.memory_space<vmem>>) target(%dma_start3A_257 : memref<25x128xf32, #tpu.memory_space<vmem_shared>>) target_semaphore(%arg13 : memref<!tpu.dma_semaphore, #tpu.memory_space<semaphore_mem>>)
      %mul3A_258 = arith.constant 1000 : i32
      %mul3A_259 = arith.muli %arg1, %mul3A_258 : i32
      %add3A_260 = arith.constant 450 : i32
      %add3A_261 = arith.addi %mul3A_259, %add3A_260 : i32
      %dma_start3A_262 = arith.constant 0 : i32
      %dma_start3A_263 = tpu.memref_slice %arg15[%add3A_261, %dma_start3A_262] : memref<10000x128xf32, #tpu.memory_space<vmem_shared>> -> memref<25x128xf32, #tpu.memory_space<vmem_shared>>
      %dma_start3A_264 = arith.constant 0 : i32
      %dma_start3A_265 = tpu.memref_slice %arg15[%add3A_261, %dma_start3A_264] : memref<10000x128xf32, #tpu.memory_space<vmem_shared>> -> memref<25x128xf32, #tpu.memory_space<vmem_shared>>
      tpu.enqueue_dma source(%arg11 : memref<25x128xf32, #tpu.memory_space<vmem>>) target(%dma_start3A_265 : memref<25x128xf32, #tpu.memory_space<vmem_shared>>) target_semaphore(%arg13 : memref<!tpu.dma_semaphore, #tpu.memory_space<semaphore_mem>>)
      %mul3A_266 = arith.constant 1000 : i32
      %mul3A_267 = arith.muli %arg1, %mul3A_266 : i32
      %add3A_268 = arith.constant 475 : i32
      %add3A_269 = arith.addi %mul3A_267, %add3A_268 : i32
      %dma_start3A_270 = arith.constant 0 : i32
      %dma_start3A_271 = tpu.memref_slice %arg15[%add3A_269, %dma_start3A_270] : memref<10000x128xf32, #tpu.memory_space<vmem_shared>> -> memref<25x128xf32, #tpu.memory_space<vmem_shared>>
      %dma_start3A_272 = arith.constant 0 : i32
      %dma_start3A_273 = tpu.memref_slice %arg15[%add3A_269, %dma_start3A_272] : memref<10000x128xf32, #tpu.memory_space<vmem_shared>> -> memref<25x128xf32, #tpu.memory_space<vmem_shared>>
      tpu.enqueue_dma source(%arg11 : memref<25x128xf32, #tpu.memory_space<vmem>>) target(%dma_start3A_273 : memref<25x128xf32, #tpu.memory_space<vmem_shared>>) target_semaphore(%arg13 : memref<!tpu.dma_semaphore, #tpu.memory_space<semaphore_mem>>)
      %mul3A_274 = arith.constant 1000 : i32
      %mul3A_275 = arith.muli %arg1, %mul3A_274 : i32
      %add3A_276 = arith.constant 500 : i32
      %add3A_277 = arith.addi %mul3A_275, %add3A_276 : i32
      %dma_start3A_278 = arith.constant 0 : i32
      %dma_start3A_279 = tpu.memref_slice %arg15[%add3A_277, %dma_start3A_278] : memref<10000x128xf32, #tpu.memory_space<vmem_shared>> -> memref<25x128xf32, #tpu.memory_space<vmem_shared>>
      %dma_start3A_280 = arith.constant 0 : i32
      %dma_start3A_281 = tpu.memref_slice %arg15[%add3A_277, %dma_start3A_280] : memref<10000x128xf32, #tpu.memory_space<vmem_shared>> -> memref<25x128xf32, #tpu.memory_space<vmem_shared>>
      tpu.enqueue_dma source(%arg11 : memref<25x128xf32, #tpu.memory_space<vmem>>) target(%dma_start3A_281 : memref<25x128xf32, #tpu.memory_space<vmem_shared>>) target_semaphore(%arg13 : memref<!tpu.dma_semaphore, #tpu.memory_space<semaphore_mem>>)
      %mul3A_282 = arith.constant 1000 : i32
      %mul3A_283 = arith.muli %arg1, %mul3A_282 : i32
      %add3A_284 = arith.constant 525 : i32
      %add3A_285 = arith.addi %mul3A_283, %add3A_284 : i32
      %dma_start3A_286 = arith.constant 0 : i32
      %dma_start3A_287 = tpu.memref_slice %arg15[%add3A_285, %dma_start3A_286] : memref<10000x128xf32, #tpu.memory_space<vmem_shared>> -> memref<25x128xf32, #tpu.memory_space<vmem_shared>>
      %dma_start3A_288 = arith.constant 0 : i32
      %dma_start3A_289 = tpu.memref_slice %arg15[%add3A_285, %dma_start3A_288] : memref<10000x128xf32, #tpu.memory_space<vmem_shared>> -> memref<25x128xf32, #tpu.memory_space<vmem_shared>>
      tpu.enqueue_dma source(%arg11 : memref<25x128xf32, #tpu.memory_space<vmem>>) target(%dma_start3A_289 : memref<25x128xf32, #tpu.memory_space<vmem_shared>>) target_semaphore(%arg13 : memref<!tpu.dma_semaphore, #tpu.memory_space<semaphore_mem>>)
      %mul3A_290 = arith.constant 1000 : i32
      %mul3A_291 = arith.muli %arg1, %mul3A_290 : i32
      %add3A_292 = arith.constant 550 : i32
      %add3A_293 = arith.addi %mul3A_291, %add3A_292 : i32
      %dma_start3A_294 = arith.constant 0 : i32
      %dma_start3A_295 = tpu.memref_slice %arg15[%add3A_293, %dma_start3A_294] : memref<10000x128xf32, #tpu.memory_space<vmem_shared>> -> memref<25x128xf32, #tpu.memory_space<vmem_shared>>
      %dma_start3A_296 = arith.constant 0 : i32
      %dma_start3A_297 = tpu.memref_slice %arg15[%add3A_293, %dma_start3A_296] : memref<10000x128xf32, #tpu.memory_space<vmem_shared>> -> memref<25x128xf32, #tpu.memory_space<vmem_shared>>
      tpu.enqueue_dma source(%arg11 : memref<25x128xf32, #tpu.memory_space<vmem>>) target(%dma_start3A_297 : memref<25x128xf32, #tpu.memory_space<vmem_shared>>) target_semaphore(%arg13 : memref<!tpu.dma_semaphore, #tpu.memory_space<semaphore_mem>>)
      %mul3A_298 = arith.constant 1000 : i32
      %mul3A_299 = arith.muli %arg1, %mul3A_298 : i32
      %add3A_300 = arith.constant 575 : i32
      %add3A_301 = arith.addi %mul3A_299, %add3A_300 : i32
      %dma_start3A_302 = arith.constant 0 : i32
      %dma_start3A_303 = tpu.memref_slice %arg15[%add3A_301, %dma_start3A_302] : memref<10000x128xf32, #tpu.memory_space<vmem_shared>> -> memref<25x128xf32, #tpu.memory_space<vmem_shared>>
      %dma_start3A_304 = arith.constant 0 : i32
      %dma_start3A_305 = tpu.memref_slice %arg15[%add3A_301, %dma_start3A_304] : memref<10000x128xf32, #tpu.memory_space<vmem_shared>> -> memref<25x128xf32, #tpu.memory_space<vmem_shared>>
      tpu.enqueue_dma source(%arg11 : memref<25x128xf32, #tpu.memory_space<vmem>>) target(%dma_start3A_305 : memref<25x128xf32, #tpu.memory_space<vmem_shared>>) target_semaphore(%arg13 : memref<!tpu.dma_semaphore, #tpu.memory_space<semaphore_mem>>)
      %mul3A_306 = arith.constant 1000 : i32
      %mul3A_307 = arith.muli %arg1, %mul3A_306 : i32
      %add3A_308 = arith.constant 600 : i32
      %add3A_309 = arith.addi %mul3A_307, %add3A_308 : i32
      %dma_start3A_310 = arith.constant 0 : i32
      %dma_start3A_311 = tpu.memref_slice %arg15[%add3A_309, %dma_start3A_310] : memref<10000x128xf32, #tpu.memory_space<vmem_shared>> -> memref<25x128xf32, #tpu.memory_space<vmem_shared>>
      %dma_start3A_312 = arith.constant 0 : i32
      %dma_start3A_313 = tpu.memref_slice %arg15[%add3A_309, %dma_start3A_312] : memref<10000x128xf32, #tpu.memory_space<vmem_shared>> -> memref<25x128xf32, #tpu.memory_space<vmem_shared>>
      tpu.enqueue_dma source(%arg11 : memref<25x128xf32, #tpu.memory_space<vmem>>) target(%dma_start3A_313 : memref<25x128xf32, #tpu.memory_space<vmem_shared>>) target_semaphore(%arg13 : memref<!tpu.dma_semaphore, #tpu.memory_space<semaphore_mem>>)
      %mul3A_314 = arith.constant 1000 : i32
      %mul3A_315 = arith.muli %arg1, %mul3A_314 : i32
      %add3A_316 = arith.constant 625 : i32
      %add3A_317 = arith.addi %mul3A_315, %add3A_316 : i32
      %dma_start3A_318 = arith.constant 0 : i32
      %dma_start3A_319 = tpu.memref_slice %arg15[%add3A_317, %dma_start3A_318] : memref<10000x128xf32, #tpu.memory_space<vmem_shared>> -> memref<25x128xf32, #tpu.memory_space<vmem_shared>>
      %dma_start3A_320 = arith.constant 0 : i32
      %dma_start3A_321 = tpu.memref_slice %arg15[%add3A_317, %dma_start3A_320] : memref<10000x128xf32, #tpu.memory_space<vmem_shared>> -> memref<25x128xf32, #tpu.memory_space<vmem_shared>>
      tpu.enqueue_dma source(%arg11 : memref<25x128xf32, #tpu.memory_space<vmem>>) target(%dma_start3A_321 : memref<25x128xf32, #tpu.memory_space<vmem_shared>>) target_semaphore(%arg13 : memref<!tpu.dma_semaphore, #tpu.memory_space<semaphore_mem>>)
      %mul3A_322 = arith.constant 1000 : i32
      %mul3A_323 = arith.muli %arg1, %mul3A_322 : i32
      %add3A_324 = arith.constant 650 : i32
      %add3A_325 = arith.addi %mul3A_323, %add3A_324 : i32
      %dma_start3A_326 = arith.constant 0 : i32
      %dma_start3A_327 = tpu.memref_slice %arg15[%add3A_325, %dma_start3A_326] : memref<10000x128xf32, #tpu.memory_space<vmem_shared>> -> memref<25x128xf32, #tpu.memory_space<vmem_shared>>
      %dma_start3A_328 = arith.constant 0 : i32
      %dma_start3A_329 = tpu.memref_slice %arg15[%add3A_325, %dma_start3A_328] : memref<10000x128xf32, #tpu.memory_space<vmem_shared>> -> memref<25x128xf32, #tpu.memory_space<vmem_shared>>
      tpu.enqueue_dma source(%arg11 : memref<25x128xf32, #tpu.memory_space<vmem>>) target(%dma_start3A_329 : memref<25x128xf32, #tpu.memory_space<vmem_shared>>) target_semaphore(%arg13 : memref<!tpu.dma_semaphore, #tpu.memory_space<semaphore_mem>>)
      %mul3A_330 = arith.constant 1000 : i32
      %mul3A_331 = arith.muli %arg1, %mul3A_330 : i32
      %add3A_332 = arith.constant 675 : i32
      %add3A_333 = arith.addi %mul3A_331, %add3A_332 : i32
      %dma_start3A_334 = arith.constant 0 : i32
      %dma_start3A_335 = tpu.memref_slice %arg15[%add3A_333, %dma_start3A_334] : memref<10000x128xf32, #tpu.memory_space<vmem_shared>> -> memref<25x128xf32, #tpu.memory_space<vmem_shared>>
      %dma_start3A_336 = arith.constant 0 : i32
      %dma_start3A_337 = tpu.memref_slice %arg15[%add3A_333, %dma_start3A_336] : memref<10000x128xf32, #tpu.memory_space<vmem_shared>> -> memref<25x128xf32, #tpu.memory_space<vmem_shared>>
      tpu.enqueue_dma source(%arg11 : memref<25x128xf32, #tpu.memory_space<vmem>>) target(%dma_start3A_337 : memref<25x128xf32, #tpu.memory_space<vmem_shared>>) target_semaphore(%arg13 : memref<!tpu.dma_semaphore, #tpu.memory_space<semaphore_mem>>)
      %mul3A_338 = arith.constant 1000 : i32
      %mul3A_339 = arith.muli %arg1, %mul3A_338 : i32
      %add3A_340 = arith.constant 700 : i32
      %add3A_341 = arith.addi %mul3A_339, %add3A_340 : i32
      %dma_start3A_342 = arith.constant 0 : i32
      %dma_start3A_343 = tpu.memref_slice %arg15[%add3A_341, %dma_start3A_342] : memref<10000x128xf32, #tpu.memory_space<vmem_shared>> -> memref<25x128xf32, #tpu.memory_space<vmem_shared>>
      %dma_start3A_344 = arith.constant 0 : i32
      %dma_start3A_345 = tpu.memref_slice %arg15[%add3A_341, %dma_start3A_344] : memref<10000x128xf32, #tpu.memory_space<vmem_shared>> -> memref<25x128xf32, #tpu.memory_space<vmem_shared>>
      tpu.enqueue_dma source(%arg11 : memref<25x128xf32, #tpu.memory_space<vmem>>) target(%dma_start3A_345 : memref<25x128xf32, #tpu.memory_space<vmem_shared>>) target_semaphore(%arg13 : memref<!tpu.dma_semaphore, #tpu.memory_space<semaphore_mem>>)
      %mul3A_346 = arith.constant 1000 : i32
      %mul3A_347 = arith.muli %arg1, %mul3A_346 : i32
      %add3A_348 = arith.constant 725 : i32
      %add3A_349 = arith.addi %mul3A_347, %add3A_348 : i32
      %dma_start3A_350 = arith.constant 0 : i32
      %dma_start3A_351 = tpu.memref_slice %arg15[%add3A_349, %dma_start3A_350] : memref<10000x128xf32, #tpu.memory_space<vmem_shared>> -> memref<25x128xf32, #tpu.memory_space<vmem_shared>>
      %dma_start3A_352 = arith.constant 0 : i32
      %dma_start3A_353 = tpu.memref_slice %arg15[%add3A_349, %dma_start3A_352] : memref<10000x128xf32, #tpu.memory_space<vmem_shared>> -> memref<25x128xf32, #tpu.memory_space<vmem_shared>>
      tpu.enqueue_dma source(%arg11 : memref<25x128xf32, #tpu.memory_space<vmem>>) target(%dma_start3A_353 : memref<25x128xf32, #tpu.memory_space<vmem_shared>>) target_semaphore(%arg13 : memref<!tpu.dma_semaphore, #tpu.memory_space<semaphore_mem>>)
      %mul3A_354 = arith.constant 1000 : i32
      %mul3A_355 = arith.muli %arg1, %mul3A_354 : i32
      %add3A_356 = arith.constant 750 : i32
      %add3A_357 = arith.addi %mul3A_355, %add3A_356 : i32
      %dma_start3A_358 = arith.constant 0 : i32
      %dma_start3A_359 = tpu.memref_slice %arg15[%add3A_357, %dma_start3A_358] : memref<10000x128xf32, #tpu.memory_space<vmem_shared>> -> memref<25x128xf32, #tpu.memory_space<vmem_shared>>
      %dma_start3A_360 = arith.constant 0 : i32
      %dma_start3A_361 = tpu.memref_slice %arg15[%add3A_357, %dma_start3A_360] : memref<10000x128xf32, #tpu.memory_space<vmem_shared>> -> memref<25x128xf32, #tpu.memory_space<vmem_shared>>
      tpu.enqueue_dma source(%arg11 : memref<25x128xf32, #tpu.memory_space<vmem>>) target(%dma_start3A_361 : memref<25x128xf32, #tpu.memory_space<vmem_shared>>) target_semaphore(%arg13 : memref<!tpu.dma_semaphore, #tpu.memory_space<semaphore_mem>>)
      %mul3A_362 = arith.constant 1000 : i32
      %mul3A_363 = arith.muli %arg1, %mul3A_362 : i32
      %add3A_364 = arith.constant 775 : i32
      %add3A_365 = arith.addi %mul3A_363, %add3A_364 : i32
      %dma_start3A_366 = arith.constant 0 : i32
      %dma_start3A_367 = tpu.memref_slice %arg15[%add3A_365, %dma_start3A_366] : memref<10000x128xf32, #tpu.memory_space<vmem_shared>> -> memref<25x128xf32, #tpu.memory_space<vmem_shared>>
      %dma_start3A_368 = arith.constant 0 : i32
      %dma_start3A_369 = tpu.memref_slice %arg15[%add3A_365, %dma_start3A_368] : memref<10000x128xf32, #tpu.memory_space<vmem_shared>> -> memref<25x128xf32, #tpu.memory_space<vmem_shared>>
      tpu.enqueue_dma source(%arg11 : memref<25x128xf32, #tpu.memory_space<vmem>>) target(%dma_start3A_369 : memref<25x128xf32, #tpu.memory_space<vmem_shared>>) target_semaphore(%arg13 : memref<!tpu.dma_semaphore, #tpu.memory_space<semaphore_mem>>)
      %mul3A_370 = arith.constant 1000 : i32
      %mul3A_371 = arith.muli %arg1, %mul3A_370 : i32
      %add3A_372 = arith.constant 800 : i32
      %add3A_373 = arith.addi %mul3A_371, %add3A_372 : i32
      %dma_start3A_374 = arith.constant 0 : i32
      %dma_start3A_375 = tpu.memref_slice %arg15[%add3A_373, %dma_start3A_374] : memref<10000x128xf32, #tpu.memory_space<vmem_shared>> -> memref<25x128xf32, #tpu.memory_space<vmem_shared>>
      %dma_start3A_376 = arith.constant 0 : i32
      %dma_start3A_377 = tpu.memref_slice %arg15[%add3A_373, %dma_start3A_376] : memref<10000x128xf32, #tpu.memory_space<vmem_shared>> -> memref<25x128xf32, #tpu.memory_space<vmem_shared>>
      tpu.enqueue_dma source(%arg11 : memref<25x128xf32, #tpu.memory_space<vmem>>) target(%dma_start3A_377 : memref<25x128xf32, #tpu.memory_space<vmem_shared>>) target_semaphore(%arg13 : memref<!tpu.dma_semaphore, #tpu.memory_space<semaphore_mem>>)
      %mul3A_378 = arith.constant 1000 : i32
      %mul3A_379 = arith.muli %arg1, %mul3A_378 : i32
      %add3A_380 = arith.constant 825 : i32
      %add3A_381 = arith.addi %mul3A_379, %add3A_380 : i32
      %dma_start3A_382 = arith.constant 0 : i32
      %dma_start3A_383 = tpu.memref_slice %arg15[%add3A_381, %dma_start3A_382] : memref<10000x128xf32, #tpu.memory_space<vmem_shared>> -> memref<25x128xf32, #tpu.memory_space<vmem_shared>>
      %dma_start3A_384 = arith.constant 0 : i32
      %dma_start3A_385 = tpu.memref_slice %arg15[%add3A_381, %dma_start3A_384] : memref<10000x128xf32, #tpu.memory_space<vmem_shared>> -> memref<25x128xf32, #tpu.memory_space<vmem_shared>>
      tpu.enqueue_dma source(%arg11 : memref<25x128xf32, #tpu.memory_space<vmem>>) target(%dma_start3A_385 : memref<25x128xf32, #tpu.memory_space<vmem_shared>>) target_semaphore(%arg13 : memref<!tpu.dma_semaphore, #tpu.memory_space<semaphore_mem>>)
      %mul3A_386 = arith.constant 1000 : i32
      %mul3A_387 = arith.muli %arg1, %mul3A_386 : i32
      %add3A_388 = arith.constant 850 : i32
      %add3A_389 = arith.addi %mul3A_387, %add3A_388 : i32
      %dma_start3A_390 = arith.constant 0 : i32
      %dma_start3A_391 = tpu.memref_slice %arg15[%add3A_389, %dma_start3A_390] : memref<10000x128xf32, #tpu.memory_space<vmem_shared>> -> memref<25x128xf32, #tpu.memory_space<vmem_shared>>
      %dma_start3A_392 = arith.constant 0 : i32
      %dma_start3A_393 = tpu.memref_slice %arg15[%add3A_389, %dma_start3A_392] : memref<10000x128xf32, #tpu.memory_space<vmem_shared>> -> memref<25x128xf32, #tpu.memory_space<vmem_shared>>
      tpu.enqueue_dma source(%arg11 : memref<25x128xf32, #tpu.memory_space<vmem>>) target(%dma_start3A_393 : memref<25x128xf32, #tpu.memory_space<vmem_shared>>) target_semaphore(%arg13 : memref<!tpu.dma_semaphore, #tpu.memory_space<semaphore_mem>>)
      %mul3A_394 = arith.constant 1000 : i32
      %mul3A_395 = arith.muli %arg1, %mul3A_394 : i32
      %add3A_396 = arith.constant 875 : i32
      %add3A_397 = arith.addi %mul3A_395, %add3A_396 : i32
      %dma_start3A_398 = arith.constant 0 : i32
      %dma_start3A_399 = tpu.memref_slice %arg15[%add3A_397, %dma_start3A_398] : memref<10000x128xf32, #tpu.memory_space<vmem_shared>> -> memref<25x128xf32, #tpu.memory_space<vmem_shared>>
      %dma_start3A_400 = arith.constant 0 : i32
      %dma_start3A_401 = tpu.memref_slice %arg15[%add3A_397, %dma_start3A_400] : memref<10000x128xf32, #tpu.memory_space<vmem_shared>> -> memref<25x128xf32, #tpu.memory_space<vmem_shared>>
      tpu.enqueue_dma source(%arg11 : memref<25x128xf32, #tpu.memory_space<vmem>>) target(%dma_start3A_401 : memref<25x128xf32, #tpu.memory_space<vmem_shared>>) target_semaphore(%arg13 : memref<!tpu.dma_semaphore, #tpu.memory_space<semaphore_mem>>)
      %mul3A_402 = arith.constant 1000 : i32
      %mul3A_403 = arith.muli %arg1, %mul3A_402 : i32
      %add3A_404 = arith.constant 900 : i32
      %add3A_405 = arith.addi %mul3A_403, %add3A_404 : i32
      %dma_start3A_406 = arith.constant 0 : i32
      %dma_start3A_407 = tpu.memref_slice %arg15[%add3A_405, %dma_start3A_406] : memref<10000x128xf32, #tpu.memory_space<vmem_shared>> -> memref<25x128xf32, #tpu.memory_space<vmem_shared>>
      %dma_start3A_408 = arith.constant 0 : i32
      %dma_start3A_409 = tpu.memref_slice %arg15[%add3A_405, %dma_start3A_408] : memref<10000x128xf32, #tpu.memory_space<vmem_shared>> -> memref<25x128xf32, #tpu.memory_space<vmem_shared>>
      tpu.enqueue_dma source(%arg11 : memref<25x128xf32, #tpu.memory_space<vmem>>) target(%dma_start3A_409 : memref<25x128xf32, #tpu.memory_space<vmem_shared>>) target_semaphore(%arg13 : memref<!tpu.dma_semaphore, #tpu.memory_space<semaphore_mem>>)
      %mul3A_410 = arith.constant 1000 : i32
      %mul3A_411 = arith.muli %arg1, %mul3A_410 : i32
      %add3A_412 = arith.constant 925 : i32
      %add3A_413 = arith.addi %mul3A_411, %add3A_412 : i32
      %dma_start3A_414 = arith.constant 0 : i32
      %dma_start3A_415 = tpu.memref_slice %arg15[%add3A_413, %dma_start3A_414] : memref<10000x128xf32, #tpu.memory_space<vmem_shared>> -> memref<25x128xf32, #tpu.memory_space<vmem_shared>>
      %dma_start3A_416 = arith.constant 0 : i32
      %dma_start3A_417 = tpu.memref_slice %arg15[%add3A_413, %dma_start3A_416] : memref<10000x128xf32, #tpu.memory_space<vmem_shared>> -> memref<25x128xf32, #tpu.memory_space<vmem_shared>>
      tpu.enqueue_dma source(%arg11 : memref<25x128xf32, #tpu.memory_space<vmem>>) target(%dma_start3A_417 : memref<25x128xf32, #tpu.memory_space<vmem_shared>>) target_semaphore(%arg13 : memref<!tpu.dma_semaphore, #tpu.memory_space<semaphore_mem>>)
      %mul3A_418 = arith.constant 1000 : i32
      %mul3A_419 = arith.muli %arg1, %mul3A_418 : i32
      %add3A_420 = arith.constant 950 : i32
      %add3A_421 = arith.addi %mul3A_419, %add3A_420 : i32
      %dma_start3A_422 = arith.constant 0 : i32
      %dma_start3A_423 = tpu.memref_slice %arg15[%add3A_421, %dma_start3A_422] : memref<10000x128xf32, #tpu.memory_space<vmem_shared>> -> memref<25x128xf32, #tpu.memory_space<vmem_shared>>
      %dma_start3A_424 = arith.constant 0 : i32
      %dma_start3A_425 = tpu.memref_slice %arg15[%add3A_421, %dma_start3A_424] : memref<10000x128xf32, #tpu.memory_space<vmem_shared>> -> memref<25x128xf32, #tpu.memory_space<vmem_shared>>
      tpu.enqueue_dma source(%arg11 : memref<25x128xf32, #tpu.memory_space<vmem>>) target(%dma_start3A_425 : memref<25x128xf32, #tpu.memory_space<vmem_shared>>) target_semaphore(%arg13 : memref<!tpu.dma_semaphore, #tpu.memory_space<semaphore_mem>>)
      %mul3A_426 = arith.constant 1000 : i32
      %mul3A_427 = arith.muli %arg1, %mul3A_426 : i32
      %add3A_428 = arith.constant 975 : i32
      %add3A_429 = arith.addi %mul3A_427, %add3A_428 : i32
      %dma_start3A_430 = arith.constant 0 : i32
      %dma_start3A_431 = tpu.memref_slice %arg15[%add3A_429, %dma_start3A_430] : memref<10000x128xf32, #tpu.memory_space<vmem_shared>> -> memref<25x128xf32, #tpu.memory_space<vmem_shared>>
      %dma_start3A_432 = arith.constant 0 : i32
      %dma_start3A_433 = tpu.memref_slice %arg15[%add3A_429, %dma_start3A_432] : memref<10000x128xf32, #tpu.memory_space<vmem_shared>> -> memref<25x128xf32, #tpu.memory_space<vmem_shared>>
      tpu.enqueue_dma source(%arg11 : memref<25x128xf32, #tpu.memory_space<vmem>>) target(%dma_start3A_433 : memref<25x128xf32, #tpu.memory_space<vmem_shared>>) target_semaphore(%arg13 : memref<!tpu.dma_semaphore, #tpu.memory_space<semaphore_mem>>)
      %mul3A_434 = arith.constant 8 : i32
      %mul3A_435 = arith.muli %arg1, %mul3A_434 : i32
      %dma_start3A_436 = arith.constant 0 : i32
      %dma_start3A_437 = arith.constant 0 : i32
      %dma_start3A_438 = tpu.memref_slice %arg11[%dma_start3A_436, %dma_start3A_437] : memref<25x128xf32, #tpu.memory_space<vmem>> -> memref<8x128xf32, #tpu.memory_space<vmem>>
      %dma_start3A_439 = arith.constant 0 : i32
      %dma_start3A_440 = tpu.memref_slice %arg18[%mul3A_435, %dma_start3A_439] : memref<80x128xf32, #tpu.memory_space<vmem_shared>> -> memref<8x128xf32, #tpu.memory_space<vmem_shared>>
      %dma_start3A_441 = arith.constant 0 : i32
      %dma_start3A_442 = tpu.memref_slice %arg18[%mul3A_435, %dma_start3A_441] : memref<80x128xf32, #tpu.memory_space<vmem_shared>> -> memref<8x128xf32, #tpu.memory_space<vmem_shared>>
      %dma_start3A_443 = arith.constant 0 : i32
      %dma_start3A_444 = arith.constant 0 : i32
      %dma_start3A_445 = tpu.memref_slice %arg11[%dma_start3A_443, %dma_start3A_444] : memref<25x128xf32, #tpu.memory_space<vmem>> -> memref<8x128xf32, #tpu.memory_space<vmem>>
      tpu.enqueue_dma source(%dma_start3A_445 : memref<8x128xf32, #tpu.memory_space<vmem>>) target(%dma_start3A_442 : memref<8x128xf32, #tpu.memory_space<vmem_shared>>) target_semaphore(%arg13 : memref<!tpu.dma_semaphore, #tpu.memory_space<semaphore_mem>>)
      %mul3A_446 = arith.constant 1000 : i32
      %mul3A_447 = arith.muli %arg1, %mul3A_446 : i32
      %add3A_448 = arith.constant 0 : i32
      %add3A_449 = arith.addi %mul3A_447, %add3A_448 : i32
      %dma_wait3A_450 = arith.constant 0 : i32
      %dma_wait3A_451 = tpu.memref_slice %arg15[%add3A_449, %dma_wait3A_450] : memref<10000x128xf32, #tpu.memory_space<vmem_shared>> -> memref<25x128xf32, #tpu.memory_space<vmem_shared>>
      %dma_wait3A_452 = arith.constant 0 : i32
      %dma_wait3A_453 = tpu.memref_slice %arg15[%add3A_449, %dma_wait3A_452] : memref<10000x128xf32, #tpu.memory_space<vmem_shared>> -> memref<25x128xf32, #tpu.memory_space<vmem_shared>>
      tpu.wait_dma2 semaphore(%arg13 : memref<!tpu.dma_semaphore, #tpu.memory_space<semaphore_mem>>) src(%arg11 : memref<25x128xf32, #tpu.memory_space<vmem>>) dst(%dma_wait3A_453 : memref<25x128xf32, #tpu.memory_space<vmem_shared>>)
      %mul3A_454 = arith.constant 1000 : i32
      %mul3A_455 = arith.muli %arg1, %mul3A_454 : i32
      %add3A_456 = arith.constant 25 : i32
      %add3A_457 = arith.addi %mul3A_455, %add3A_456 : i32
      %dma_wait3A_458 = arith.constant 0 : i32
      %dma_wait3A_459 = tpu.memref_slice %arg15[%add3A_457, %dma_wait3A_458] : memref<10000x128xf32, #tpu.memory_space<vmem_shared>> -> memref<25x128xf32, #tpu.memory_space<vmem_shared>>
      %dma_wait3A_460 = arith.constant 0 : i32
      %dma_wait3A_461 = tpu.memref_slice %arg15[%add3A_457, %dma_wait3A_460] : memref<10000x128xf32, #tpu.memory_space<vmem_shared>> -> memref<25x128xf32, #tpu.memory_space<vmem_shared>>
      tpu.wait_dma2 semaphore(%arg13 : memref<!tpu.dma_semaphore, #tpu.memory_space<semaphore_mem>>) src(%arg11 : memref<25x128xf32, #tpu.memory_space<vmem>>) dst(%dma_wait3A_461 : memref<25x128xf32, #tpu.memory_space<vmem_shared>>)
      %mul3A_462 = arith.constant 1000 : i32
      %mul3A_463 = arith.muli %arg1, %mul3A_462 : i32
      %add3A_464 = arith.constant 50 : i32
      %add3A_465 = arith.addi %mul3A_463, %add3A_464 : i32
      %dma_wait3A_466 = arith.constant 0 : i32
      %dma_wait3A_467 = tpu.memref_slice %arg15[%add3A_465, %dma_wait3A_466] : memref<10000x128xf32, #tpu.memory_space<vmem_shared>> -> memref<25x128xf32, #tpu.memory_space<vmem_shared>>
      %dma_wait3A_468 = arith.constant 0 : i32
      %dma_wait3A_469 = tpu.memref_slice %arg15[%add3A_465, %dma_wait3A_468] : memref<10000x128xf32, #tpu.memory_space<vmem_shared>> -> memref<25x128xf32, #tpu.memory_space<vmem_shared>>
      tpu.wait_dma2 semaphore(%arg13 : memref<!tpu.dma_semaphore, #tpu.memory_space<semaphore_mem>>) src(%arg11 : memref<25x128xf32, #tpu.memory_space<vmem>>) dst(%dma_wait3A_469 : memref<25x128xf32, #tpu.memory_space<vmem_shared>>)
      %mul3A_470 = arith.constant 1000 : i32
      %mul3A_471 = arith.muli %arg1, %mul3A_470 : i32
      %add3A_472 = arith.constant 75 : i32
      %add3A_473 = arith.addi %mul3A_471, %add3A_472 : i32
      %dma_wait3A_474 = arith.constant 0 : i32
      %dma_wait3A_475 = tpu.memref_slice %arg15[%add3A_473, %dma_wait3A_474] : memref<10000x128xf32, #tpu.memory_space<vmem_shared>> -> memref<25x128xf32, #tpu.memory_space<vmem_shared>>
      %dma_wait3A_476 = arith.constant 0 : i32
      %dma_wait3A_477 = tpu.memref_slice %arg15[%add3A_473, %dma_wait3A_476] : memref<10000x128xf32, #tpu.memory_space<vmem_shared>> -> memref<25x128xf32, #tpu.memory_space<vmem_shared>>
      tpu.wait_dma2 semaphore(%arg13 : memref<!tpu.dma_semaphore, #tpu.memory_space<semaphore_mem>>) src(%arg11 : memref<25x128xf32, #tpu.memory_space<vmem>>) dst(%dma_wait3A_477 : memref<25x128xf32, #tpu.memory_space<vmem_shared>>)
      %mul3A_478 = arith.constant 1000 : i32
      %mul3A_479 = arith.muli %arg1, %mul3A_478 : i32
      %add3A_480 = arith.constant 100 : i32
      %add3A_481 = arith.addi %mul3A_479, %add3A_480 : i32
      %dma_wait3A_482 = arith.constant 0 : i32
      %dma_wait3A_483 = tpu.memref_slice %arg15[%add3A_481, %dma_wait3A_482] : memref<10000x128xf32, #tpu.memory_space<vmem_shared>> -> memref<25x128xf32, #tpu.memory_space<vmem_shared>>
      %dma_wait3A_484 = arith.constant 0 : i32
      %dma_wait3A_485 = tpu.memref_slice %arg15[%add3A_481, %dma_wait3A_484] : memref<10000x128xf32, #tpu.memory_space<vmem_shared>> -> memref<25x128xf32, #tpu.memory_space<vmem_shared>>
      tpu.wait_dma2 semaphore(%arg13 : memref<!tpu.dma_semaphore, #tpu.memory_space<semaphore_mem>>) src(%arg11 : memref<25x128xf32, #tpu.memory_space<vmem>>) dst(%dma_wait3A_485 : memref<25x128xf32, #tpu.memory_space<vmem_shared>>)
      %mul3A_486 = arith.constant 1000 : i32
      %mul3A_487 = arith.muli %arg1, %mul3A_486 : i32
      %add3A_488 = arith.constant 125 : i32
      %add3A_489 = arith.addi %mul3A_487, %add3A_488 : i32
      %dma_wait3A_490 = arith.constant 0 : i32
      %dma_wait3A_491 = tpu.memref_slice %arg15[%add3A_489, %dma_wait3A_490] : memref<10000x128xf32, #tpu.memory_space<vmem_shared>> -> memref<25x128xf32, #tpu.memory_space<vmem_shared>>
      %dma_wait3A_492 = arith.constant 0 : i32
      %dma_wait3A_493 = tpu.memref_slice %arg15[%add3A_489, %dma_wait3A_492] : memref<10000x128xf32, #tpu.memory_space<vmem_shared>> -> memref<25x128xf32, #tpu.memory_space<vmem_shared>>
      tpu.wait_dma2 semaphore(%arg13 : memref<!tpu.dma_semaphore, #tpu.memory_space<semaphore_mem>>) src(%arg11 : memref<25x128xf32, #tpu.memory_space<vmem>>) dst(%dma_wait3A_493 : memref<25x128xf32, #tpu.memory_space<vmem_shared>>)
      %mul3A_494 = arith.constant 1000 : i32
      %mul3A_495 = arith.muli %arg1, %mul3A_494 : i32
      %add3A_496 = arith.constant 150 : i32
      %add3A_497 = arith.addi %mul3A_495, %add3A_496 : i32
      %dma_wait3A_498 = arith.constant 0 : i32
      %dma_wait3A_499 = tpu.memref_slice %arg15[%add3A_497, %dma_wait3A_498] : memref<10000x128xf32, #tpu.memory_space<vmem_shared>> -> memref<25x128xf32, #tpu.memory_space<vmem_shared>>
      %dma_wait3A_500 = arith.constant 0 : i32
      %dma_wait3A_501 = tpu.memref_slice %arg15[%add3A_497, %dma_wait3A_500] : memref<10000x128xf32, #tpu.memory_space<vmem_shared>> -> memref<25x128xf32, #tpu.memory_space<vmem_shared>>
      tpu.wait_dma2 semaphore(%arg13 : memref<!tpu.dma_semaphore, #tpu.memory_space<semaphore_mem>>) src(%arg11 : memref<25x128xf32, #tpu.memory_space<vmem>>) dst(%dma_wait3A_501 : memref<25x128xf32, #tpu.memory_space<vmem_shared>>)
      %mul3A_502 = arith.constant 1000 : i32
      %mul3A_503 = arith.muli %arg1, %mul3A_502 : i32
      %add3A_504 = arith.constant 175 : i32
      %add3A_505 = arith.addi %mul3A_503, %add3A_504 : i32
      %dma_wait3A_506 = arith.constant 0 : i32
      %dma_wait3A_507 = tpu.memref_slice %arg15[%add3A_505, %dma_wait3A_506] : memref<10000x128xf32, #tpu.memory_space<vmem_shared>> -> memref<25x128xf32, #tpu.memory_space<vmem_shared>>
      %dma_wait3A_508 = arith.constant 0 : i32
      %dma_wait3A_509 = tpu.memref_slice %arg15[%add3A_505, %dma_wait3A_508] : memref<10000x128xf32, #tpu.memory_space<vmem_shared>> -> memref<25x128xf32, #tpu.memory_space<vmem_shared>>
      tpu.wait_dma2 semaphore(%arg13 : memref<!tpu.dma_semaphore, #tpu.memory_space<semaphore_mem>>) src(%arg11 : memref<25x128xf32, #tpu.memory_space<vmem>>) dst(%dma_wait3A_509 : memref<25x128xf32, #tpu.memory_space<vmem_shared>>)
      %mul3A_510 = arith.constant 1000 : i32
      %mul3A_511 = arith.muli %arg1, %mul3A_510 : i32
      %add3A_512 = arith.constant 200 : i32
      %add3A_513 = arith.addi %mul3A_511, %add3A_512 : i32
      %dma_wait3A_514 = arith.constant 0 : i32
      %dma_wait3A_515 = tpu.memref_slice %arg15[%add3A_513, %dma_wait3A_514] : memref<10000x128xf32, #tpu.memory_space<vmem_shared>> -> memref<25x128xf32, #tpu.memory_space<vmem_shared>>
      %dma_wait3A_516 = arith.constant 0 : i32
      %dma_wait3A_517 = tpu.memref_slice %arg15[%add3A_513, %dma_wait3A_516] : memref<10000x128xf32, #tpu.memory_space<vmem_shared>> -> memref<25x128xf32, #tpu.memory_space<vmem_shared>>
      tpu.wait_dma2 semaphore(%arg13 : memref<!tpu.dma_semaphore, #tpu.memory_space<semaphore_mem>>) src(%arg11 : memref<25x128xf32, #tpu.memory_space<vmem>>) dst(%dma_wait3A_517 : memref<25x128xf32, #tpu.memory_space<vmem_shared>>)
      %mul3A_518 = arith.constant 1000 : i32
      %mul3A_519 = arith.muli %arg1, %mul3A_518 : i32
      %add3A_520 = arith.constant 225 : i32
      %add3A_521 = arith.addi %mul3A_519, %add3A_520 : i32
      %dma_wait3A_522 = arith.constant 0 : i32
      %dma_wait3A_523 = tpu.memref_slice %arg15[%add3A_521, %dma_wait3A_522] : memref<10000x128xf32, #tpu.memory_space<vmem_shared>> -> memref<25x128xf32, #tpu.memory_space<vmem_shared>>
      %dma_wait3A_524 = arith.constant 0 : i32
      %dma_wait3A_525 = tpu.memref_slice %arg15[%add3A_521, %dma_wait3A_524] : memref<10000x128xf32, #tpu.memory_space<vmem_shared>> -> memref<25x128xf32, #tpu.memory_space<vmem_shared>>
      tpu.wait_dma2 semaphore(%arg13 : memref<!tpu.dma_semaphore, #tpu.memory_space<semaphore_mem>>) src(%arg11 : memref<25x128xf32, #tpu.memory_space<vmem>>) dst(%dma_wait3A_525 : memref<25x128xf32, #tpu.memory_space<vmem_shared>>)
      %mul3A_526 = arith.constant 1000 : i32
      %mul3A_527 = arith.muli %arg1, %mul3A_526 : i32
      %add3A_528 = arith.constant 250 : i32
      %add3A_529 = arith.addi %mul3A_527, %add3A_528 : i32
      %dma_wait3A_530 = arith.constant 0 : i32
      %dma_wait3A_531 = tpu.memref_slice %arg15[%add3A_529, %dma_wait3A_530] : memref<10000x128xf32, #tpu.memory_space<vmem_shared>> -> memref<25x128xf32, #tpu.memory_space<vmem_shared>>
      %dma_wait3A_532 = arith.constant 0 : i32
      %dma_wait3A_533 = tpu.memref_slice %arg15[%add3A_529, %dma_wait3A_532] : memref<10000x128xf32, #tpu.memory_space<vmem_shared>> -> memref<25x128xf32, #tpu.memory_space<vmem_shared>>
      tpu.wait_dma2 semaphore(%arg13 : memref<!tpu.dma_semaphore, #tpu.memory_space<semaphore_mem>>) src(%arg11 : memref<25x128xf32, #tpu.memory_space<vmem>>) dst(%dma_wait3A_533 : memref<25x128xf32, #tpu.memory_space<vmem_shared>>)
      %mul3A_534 = arith.constant 1000 : i32
      %mul3A_535 = arith.muli %arg1, %mul3A_534 : i32
      %add3A_536 = arith.constant 275 : i32
      %add3A_537 = arith.addi %mul3A_535, %add3A_536 : i32
      %dma_wait3A_538 = arith.constant 0 : i32
      %dma_wait3A_539 = tpu.memref_slice %arg15[%add3A_537, %dma_wait3A_538] : memref<10000x128xf32, #tpu.memory_space<vmem_shared>> -> memref<25x128xf32, #tpu.memory_space<vmem_shared>>
      %dma_wait3A_540 = arith.constant 0 : i32
      %dma_wait3A_541 = tpu.memref_slice %arg15[%add3A_537, %dma_wait3A_540] : memref<10000x128xf32, #tpu.memory_space<vmem_shared>> -> memref<25x128xf32, #tpu.memory_space<vmem_shared>>
      tpu.wait_dma2 semaphore(%arg13 : memref<!tpu.dma_semaphore, #tpu.memory_space<semaphore_mem>>) src(%arg11 : memref<25x128xf32, #tpu.memory_space<vmem>>) dst(%dma_wait3A_541 : memref<25x128xf32, #tpu.memory_space<vmem_shared>>)
      %mul3A_542 = arith.constant 1000 : i32
      %mul3A_543 = arith.muli %arg1, %mul3A_542 : i32
      %add3A_544 = arith.constant 300 : i32
      %add3A_545 = arith.addi %mul3A_543, %add3A_544 : i32
      %dma_wait3A_546 = arith.constant 0 : i32
      %dma_wait3A_547 = tpu.memref_slice %arg15[%add3A_545, %dma_wait3A_546] : memref<10000x128xf32, #tpu.memory_space<vmem_shared>> -> memref<25x128xf32, #tpu.memory_space<vmem_shared>>
      %dma_wait3A_548 = arith.constant 0 : i32
      %dma_wait3A_549 = tpu.memref_slice %arg15[%add3A_545, %dma_wait3A_548] : memref<10000x128xf32, #tpu.memory_space<vmem_shared>> -> memref<25x128xf32, #tpu.memory_space<vmem_shared>>
      tpu.wait_dma2 semaphore(%arg13 : memref<!tpu.dma_semaphore, #tpu.memory_space<semaphore_mem>>) src(%arg11 : memref<25x128xf32, #tpu.memory_space<vmem>>) dst(%dma_wait3A_549 : memref<25x128xf32, #tpu.memory_space<vmem_shared>>)
      %mul3A_550 = arith.constant 1000 : i32
      %mul3A_551 = arith.muli %arg1, %mul3A_550 : i32
      %add3A_552 = arith.constant 325 : i32
      %add3A_553 = arith.addi %mul3A_551, %add3A_552 : i32
      %dma_wait3A_554 = arith.constant 0 : i32
      %dma_wait3A_555 = tpu.memref_slice %arg15[%add3A_553, %dma_wait3A_554] : memref<10000x128xf32, #tpu.memory_space<vmem_shared>> -> memref<25x128xf32, #tpu.memory_space<vmem_shared>>
      %dma_wait3A_556 = arith.constant 0 : i32
      %dma_wait3A_557 = tpu.memref_slice %arg15[%add3A_553, %dma_wait3A_556] : memref<10000x128xf32, #tpu.memory_space<vmem_shared>> -> memref<25x128xf32, #tpu.memory_space<vmem_shared>>
      tpu.wait_dma2 semaphore(%arg13 : memref<!tpu.dma_semaphore, #tpu.memory_space<semaphore_mem>>) src(%arg11 : memref<25x128xf32, #tpu.memory_space<vmem>>) dst(%dma_wait3A_557 : memref<25x128xf32, #tpu.memory_space<vmem_shared>>)
      %mul3A_558 = arith.constant 1000 : i32
      %mul3A_559 = arith.muli %arg1, %mul3A_558 : i32
      %add3A_560 = arith.constant 350 : i32
      %add3A_561 = arith.addi %mul3A_559, %add3A_560 : i32
      %dma_wait3A_562 = arith.constant 0 : i32
      %dma_wait3A_563 = tpu.memref_slice %arg15[%add3A_561, %dma_wait3A_562] : memref<10000x128xf32, #tpu.memory_space<vmem_shared>> -> memref<25x128xf32, #tpu.memory_space<vmem_shared>>
      %dma_wait3A_564 = arith.constant 0 : i32
      %dma_wait3A_565 = tpu.memref_slice %arg15[%add3A_561, %dma_wait3A_564] : memref<10000x128xf32, #tpu.memory_space<vmem_shared>> -> memref<25x128xf32, #tpu.memory_space<vmem_shared>>
      tpu.wait_dma2 semaphore(%arg13 : memref<!tpu.dma_semaphore, #tpu.memory_space<semaphore_mem>>) src(%arg11 : memref<25x128xf32, #tpu.memory_space<vmem>>) dst(%dma_wait3A_565 : memref<25x128xf32, #tpu.memory_space<vmem_shared>>)
      %mul3A_566 = arith.constant 1000 : i32
      %mul3A_567 = arith.muli %arg1, %mul3A_566 : i32
      %add3A_568 = arith.constant 375 : i32
      %add3A_569 = arith.addi %mul3A_567, %add3A_568 : i32
      %dma_wait3A_570 = arith.constant 0 : i32
      %dma_wait3A_571 = tpu.memref_slice %arg15[%add3A_569, %dma_wait3A_570] : memref<10000x128xf32, #tpu.memory_space<vmem_shared>> -> memref<25x128xf32, #tpu.memory_space<vmem_shared>>
      %dma_wait3A_572 = arith.constant 0 : i32
      %dma_wait3A_573 = tpu.memref_slice %arg15[%add3A_569, %dma_wait3A_572] : memref<10000x128xf32, #tpu.memory_space<vmem_shared>> -> memref<25x128xf32, #tpu.memory_space<vmem_shared>>
      tpu.wait_dma2 semaphore(%arg13 : memref<!tpu.dma_semaphore, #tpu.memory_space<semaphore_mem>>) src(%arg11 : memref<25x128xf32, #tpu.memory_space<vmem>>) dst(%dma_wait3A_573 : memref<25x128xf32, #tpu.memory_space<vmem_shared>>)
      %mul3A_574 = arith.constant 1000 : i32
      %mul3A_575 = arith.muli %arg1, %mul3A_574 : i32
      %add3A_576 = arith.constant 400 : i32
      %add3A_577 = arith.addi %mul3A_575, %add3A_576 : i32
      %dma_wait3A_578 = arith.constant 0 : i32
      %dma_wait3A_579 = tpu.memref_slice %arg15[%add3A_577, %dma_wait3A_578] : memref<10000x128xf32, #tpu.memory_space<vmem_shared>> -> memref<25x128xf32, #tpu.memory_space<vmem_shared>>
      %dma_wait3A_580 = arith.constant 0 : i32
      %dma_wait3A_581 = tpu.memref_slice %arg15[%add3A_577, %dma_wait3A_580] : memref<10000x128xf32, #tpu.memory_space<vmem_shared>> -> memref<25x128xf32, #tpu.memory_space<vmem_shared>>
      tpu.wait_dma2 semaphore(%arg13 : memref<!tpu.dma_semaphore, #tpu.memory_space<semaphore_mem>>) src(%arg11 : memref<25x128xf32, #tpu.memory_space<vmem>>) dst(%dma_wait3A_581 : memref<25x128xf32, #tpu.memory_space<vmem_shared>>)
      %mul3A_582 = arith.constant 1000 : i32
      %mul3A_583 = arith.muli %arg1, %mul3A_582 : i32
      %add3A_584 = arith.constant 425 : i32
      %add3A_585 = arith.addi %mul3A_583, %add3A_584 : i32
      %dma_wait3A_586 = arith.constant 0 : i32
      %dma_wait3A_587 = tpu.memref_slice %arg15[%add3A_585, %dma_wait3A_586] : memref<10000x128xf32, #tpu.memory_space<vmem_shared>> -> memref<25x128xf32, #tpu.memory_space<vmem_shared>>
      %dma_wait3A_588 = arith.constant 0 : i32
      %dma_wait3A_589 = tpu.memref_slice %arg15[%add3A_585, %dma_wait3A_588] : memref<10000x128xf32, #tpu.memory_space<vmem_shared>> -> memref<25x128xf32, #tpu.memory_space<vmem_shared>>
      tpu.wait_dma2 semaphore(%arg13 : memref<!tpu.dma_semaphore, #tpu.memory_space<semaphore_mem>>) src(%arg11 : memref<25x128xf32, #tpu.memory_space<vmem>>) dst(%dma_wait3A_589 : memref<25x128xf32, #tpu.memory_space<vmem_shared>>)
      %mul3A_590 = arith.constant 1000 : i32
      %mul3A_591 = arith.muli %arg1, %mul3A_590 : i32
      %add3A_592 = arith.constant 450 : i32
      %add3A_593 = arith.addi %mul3A_591, %add3A_592 : i32
      %dma_wait3A_594 = arith.constant 0 : i32
      %dma_wait3A_595 = tpu.memref_slice %arg15[%add3A_593, %dma_wait3A_594] : memref<10000x128xf32, #tpu.memory_space<vmem_shared>> -> memref<25x128xf32, #tpu.memory_space<vmem_shared>>
      %dma_wait3A_596 = arith.constant 0 : i32
      %dma_wait3A_597 = tpu.memref_slice %arg15[%add3A_593, %dma_wait3A_596] : memref<10000x128xf32, #tpu.memory_space<vmem_shared>> -> memref<25x128xf32, #tpu.memory_space<vmem_shared>>
      tpu.wait_dma2 semaphore(%arg13 : memref<!tpu.dma_semaphore, #tpu.memory_space<semaphore_mem>>) src(%arg11 : memref<25x128xf32, #tpu.memory_space<vmem>>) dst(%dma_wait3A_597 : memref<25x128xf32, #tpu.memory_space<vmem_shared>>)
      %mul3A_598 = arith.constant 1000 : i32
      %mul3A_599 = arith.muli %arg1, %mul3A_598 : i32
      %add3A_600 = arith.constant 475 : i32
      %add3A_601 = arith.addi %mul3A_599, %add3A_600 : i32
      %dma_wait3A_602 = arith.constant 0 : i32
      %dma_wait3A_603 = tpu.memref_slice %arg15[%add3A_601, %dma_wait3A_602] : memref<10000x128xf32, #tpu.memory_space<vmem_shared>> -> memref<25x128xf32, #tpu.memory_space<vmem_shared>>
      %dma_wait3A_604 = arith.constant 0 : i32
      %dma_wait3A_605 = tpu.memref_slice %arg15[%add3A_601, %dma_wait3A_604] : memref<10000x128xf32, #tpu.memory_space<vmem_shared>> -> memref<25x128xf32, #tpu.memory_space<vmem_shared>>
      tpu.wait_dma2 semaphore(%arg13 : memref<!tpu.dma_semaphore, #tpu.memory_space<semaphore_mem>>) src(%arg11 : memref<25x128xf32, #tpu.memory_space<vmem>>) dst(%dma_wait3A_605 : memref<25x128xf32, #tpu.memory_space<vmem_shared>>)
      %mul3A_606 = arith.constant 1000 : i32
      %mul3A_607 = arith.muli %arg1, %mul3A_606 : i32
      %add3A_608 = arith.constant 500 : i32
      %add3A_609 = arith.addi %mul3A_607, %add3A_608 : i32
      %dma_wait3A_610 = arith.constant 0 : i32
      %dma_wait3A_611 = tpu.memref_slice %arg15[%add3A_609, %dma_wait3A_610] : memref<10000x128xf32, #tpu.memory_space<vmem_shared>> -> memref<25x128xf32, #tpu.memory_space<vmem_shared>>
      %dma_wait3A_612 = arith.constant 0 : i32
      %dma_wait3A_613 = tpu.memref_slice %arg15[%add3A_609, %dma_wait3A_612] : memref<10000x128xf32, #tpu.memory_space<vmem_shared>> -> memref<25x128xf32, #tpu.memory_space<vmem_shared>>
      tpu.wait_dma2 semaphore(%arg13 : memref<!tpu.dma_semaphore, #tpu.memory_space<semaphore_mem>>) src(%arg11 : memref<25x128xf32, #tpu.memory_space<vmem>>) dst(%dma_wait3A_613 : memref<25x128xf32, #tpu.memory_space<vmem_shared>>)
      %mul3A_614 = arith.constant 1000 : i32
      %mul3A_615 = arith.muli %arg1, %mul3A_614 : i32
      %add3A_616 = arith.constant 525 : i32
      %add3A_617 = arith.addi %mul3A_615, %add3A_616 : i32
      %dma_wait3A_618 = arith.constant 0 : i32
      %dma_wait3A_619 = tpu.memref_slice %arg15[%add3A_617, %dma_wait3A_618] : memref<10000x128xf32, #tpu.memory_space<vmem_shared>> -> memref<25x128xf32, #tpu.memory_space<vmem_shared>>
      %dma_wait3A_620 = arith.constant 0 : i32
      %dma_wait3A_621 = tpu.memref_slice %arg15[%add3A_617, %dma_wait3A_620] : memref<10000x128xf32, #tpu.memory_space<vmem_shared>> -> memref<25x128xf32, #tpu.memory_space<vmem_shared>>
      tpu.wait_dma2 semaphore(%arg13 : memref<!tpu.dma_semaphore, #tpu.memory_space<semaphore_mem>>) src(%arg11 : memref<25x128xf32, #tpu.memory_space<vmem>>) dst(%dma_wait3A_621 : memref<25x128xf32, #tpu.memory_space<vmem_shared>>)
      %mul3A_622 = arith.constant 1000 : i32
      %mul3A_623 = arith.muli %arg1, %mul3A_622 : i32
      %add3A_624 = arith.constant 550 : i32
      %add3A_625 = arith.addi %mul3A_623, %add3A_624 : i32
      %dma_wait3A_626 = arith.constant 0 : i32
      %dma_wait3A_627 = tpu.memref_slice %arg15[%add3A_625, %dma_wait3A_626] : memref<10000x128xf32, #tpu.memory_space<vmem_shared>> -> memref<25x128xf32, #tpu.memory_space<vmem_shared>>
      %dma_wait3A_628 = arith.constant 0 : i32
      %dma_wait3A_629 = tpu.memref_slice %arg15[%add3A_625, %dma_wait3A_628] : memref<10000x128xf32, #tpu.memory_space<vmem_shared>> -> memref<25x128xf32, #tpu.memory_space<vmem_shared>>
      tpu.wait_dma2 semaphore(%arg13 : memref<!tpu.dma_semaphore, #tpu.memory_space<semaphore_mem>>) src(%arg11 : memref<25x128xf32, #tpu.memory_space<vmem>>) dst(%dma_wait3A_629 : memref<25x128xf32, #tpu.memory_space<vmem_shared>>)
      %mul3A_630 = arith.constant 1000 : i32
      %mul3A_631 = arith.muli %arg1, %mul3A_630 : i32
      %add3A_632 = arith.constant 575 : i32
      %add3A_633 = arith.addi %mul3A_631, %add3A_632 : i32
      %dma_wait3A_634 = arith.constant 0 : i32
      %dma_wait3A_635 = tpu.memref_slice %arg15[%add3A_633, %dma_wait3A_634] : memref<10000x128xf32, #tpu.memory_space<vmem_shared>> -> memref<25x128xf32, #tpu.memory_space<vmem_shared>>
      %dma_wait3A_636 = arith.constant 0 : i32
      %dma_wait3A_637 = tpu.memref_slice %arg15[%add3A_633, %dma_wait3A_636] : memref<10000x128xf32, #tpu.memory_space<vmem_shared>> -> memref<25x128xf32, #tpu.memory_space<vmem_shared>>
      tpu.wait_dma2 semaphore(%arg13 : memref<!tpu.dma_semaphore, #tpu.memory_space<semaphore_mem>>) src(%arg11 : memref<25x128xf32, #tpu.memory_space<vmem>>) dst(%dma_wait3A_637 : memref<25x128xf32, #tpu.memory_space<vmem_shared>>)
      %mul3A_638 = arith.constant 1000 : i32
      %mul3A_639 = arith.muli %arg1, %mul3A_638 : i32
      %add3A_640 = arith.constant 600 : i32
      %add3A_641 = arith.addi %mul3A_639, %add3A_640 : i32
      %dma_wait3A_642 = arith.constant 0 : i32
      %dma_wait3A_643 = tpu.memref_slice %arg15[%add3A_641, %dma_wait3A_642] : memref<10000x128xf32, #tpu.memory_space<vmem_shared>> -> memref<25x128xf32, #tpu.memory_space<vmem_shared>>
      %dma_wait3A_644 = arith.constant 0 : i32
      %dma_wait3A_645 = tpu.memref_slice %arg15[%add3A_641, %dma_wait3A_644] : memref<10000x128xf32, #tpu.memory_space<vmem_shared>> -> memref<25x128xf32, #tpu.memory_space<vmem_shared>>
      tpu.wait_dma2 semaphore(%arg13 : memref<!tpu.dma_semaphore, #tpu.memory_space<semaphore_mem>>) src(%arg11 : memref<25x128xf32, #tpu.memory_space<vmem>>) dst(%dma_wait3A_645 : memref<25x128xf32, #tpu.memory_space<vmem_shared>>)
      %mul3A_646 = arith.constant 1000 : i32
      %mul3A_647 = arith.muli %arg1, %mul3A_646 : i32
      %add3A_648 = arith.constant 625 : i32
      %add3A_649 = arith.addi %mul3A_647, %add3A_648 : i32
      %dma_wait3A_650 = arith.constant 0 : i32
      %dma_wait3A_651 = tpu.memref_slice %arg15[%add3A_649, %dma_wait3A_650] : memref<10000x128xf32, #tpu.memory_space<vmem_shared>> -> memref<25x128xf32, #tpu.memory_space<vmem_shared>>
      %dma_wait3A_652 = arith.constant 0 : i32
      %dma_wait3A_653 = tpu.memref_slice %arg15[%add3A_649, %dma_wait3A_652] : memref<10000x128xf32, #tpu.memory_space<vmem_shared>> -> memref<25x128xf32, #tpu.memory_space<vmem_shared>>
      tpu.wait_dma2 semaphore(%arg13 : memref<!tpu.dma_semaphore, #tpu.memory_space<semaphore_mem>>) src(%arg11 : memref<25x128xf32, #tpu.memory_space<vmem>>) dst(%dma_wait3A_653 : memref<25x128xf32, #tpu.memory_space<vmem_shared>>)
      %mul3A_654 = arith.constant 1000 : i32
      %mul3A_655 = arith.muli %arg1, %mul3A_654 : i32
      %add3A_656 = arith.constant 650 : i32
      %add3A_657 = arith.addi %mul3A_655, %add3A_656 : i32
      %dma_wait3A_658 = arith.constant 0 : i32
      %dma_wait3A_659 = tpu.memref_slice %arg15[%add3A_657, %dma_wait3A_658] : memref<10000x128xf32, #tpu.memory_space<vmem_shared>> -> memref<25x128xf32, #tpu.memory_space<vmem_shared>>
      %dma_wait3A_660 = arith.constant 0 : i32
      %dma_wait3A_661 = tpu.memref_slice %arg15[%add3A_657, %dma_wait3A_660] : memref<10000x128xf32, #tpu.memory_space<vmem_shared>> -> memref<25x128xf32, #tpu.memory_space<vmem_shared>>
      tpu.wait_dma2 semaphore(%arg13 : memref<!tpu.dma_semaphore, #tpu.memory_space<semaphore_mem>>) src(%arg11 : memref<25x128xf32, #tpu.memory_space<vmem>>) dst(%dma_wait3A_661 : memref<25x128xf32, #tpu.memory_space<vmem_shared>>)
      %mul3A_662 = arith.constant 1000 : i32
      %mul3A_663 = arith.muli %arg1, %mul3A_662 : i32
      %add3A_664 = arith.constant 675 : i32
      %add3A_665 = arith.addi %mul3A_663, %add3A_664 : i32
      %dma_wait3A_666 = arith.constant 0 : i32
      %dma_wait3A_667 = tpu.memref_slice %arg15[%add3A_665, %dma_wait3A_666] : memref<10000x128xf32, #tpu.memory_space<vmem_shared>> -> memref<25x128xf32, #tpu.memory_space<vmem_shared>>
      %dma_wait3A_668 = arith.constant 0 : i32
      %dma_wait3A_669 = tpu.memref_slice %arg15[%add3A_665, %dma_wait3A_668] : memref<10000x128xf32, #tpu.memory_space<vmem_shared>> -> memref<25x128xf32, #tpu.memory_space<vmem_shared>>
      tpu.wait_dma2 semaphore(%arg13 : memref<!tpu.dma_semaphore, #tpu.memory_space<semaphore_mem>>) src(%arg11 : memref<25x128xf32, #tpu.memory_space<vmem>>) dst(%dma_wait3A_669 : memref<25x128xf32, #tpu.memory_space<vmem_shared>>)
      %mul3A_670 = arith.constant 1000 : i32
      %mul3A_671 = arith.muli %arg1, %mul3A_670 : i32
      %add3A_672 = arith.constant 700 : i32
      %add3A_673 = arith.addi %mul3A_671, %add3A_672 : i32
      %dma_wait3A_674 = arith.constant 0 : i32
      %dma_wait3A_675 = tpu.memref_slice %arg15[%add3A_673, %dma_wait3A_674] : memref<10000x128xf32, #tpu.memory_space<vmem_shared>> -> memref<25x128xf32, #tpu.memory_space<vmem_shared>>
      %dma_wait3A_676 = arith.constant 0 : i32
      %dma_wait3A_677 = tpu.memref_slice %arg15[%add3A_673, %dma_wait3A_676] : memref<10000x128xf32, #tpu.memory_space<vmem_shared>> -> memref<25x128xf32, #tpu.memory_space<vmem_shared>>
      tpu.wait_dma2 semaphore(%arg13 : memref<!tpu.dma_semaphore, #tpu.memory_space<semaphore_mem>>) src(%arg11 : memref<25x128xf32, #tpu.memory_space<vmem>>) dst(%dma_wait3A_677 : memref<25x128xf32, #tpu.memory_space<vmem_shared>>)
      %mul3A_678 = arith.constant 1000 : i32
      %mul3A_679 = arith.muli %arg1, %mul3A_678 : i32
      %add3A_680 = arith.constant 725 : i32
      %add3A_681 = arith.addi %mul3A_679, %add3A_680 : i32
      %dma_wait3A_682 = arith.constant 0 : i32
      %dma_wait3A_683 = tpu.memref_slice %arg15[%add3A_681, %dma_wait3A_682] : memref<10000x128xf32, #tpu.memory_space<vmem_shared>> -> memref<25x128xf32, #tpu.memory_space<vmem_shared>>
      %dma_wait3A_684 = arith.constant 0 : i32
      %dma_wait3A_685 = tpu.memref_slice %arg15[%add3A_681, %dma_wait3A_684] : memref<10000x128xf32, #tpu.memory_space<vmem_shared>> -> memref<25x128xf32, #tpu.memory_space<vmem_shared>>
      tpu.wait_dma2 semaphore(%arg13 : memref<!tpu.dma_semaphore, #tpu.memory_space<semaphore_mem>>) src(%arg11 : memref<25x128xf32, #tpu.memory_space<vmem>>) dst(%dma_wait3A_685 : memref<25x128xf32, #tpu.memory_space<vmem_shared>>)
      %mul3A_686 = arith.constant 1000 : i32
      %mul3A_687 = arith.muli %arg1, %mul3A_686 : i32
      %add3A_688 = arith.constant 750 : i32
      %add3A_689 = arith.addi %mul3A_687, %add3A_688 : i32
      %dma_wait3A_690 = arith.constant 0 : i32
      %dma_wait3A_691 = tpu.memref_slice %arg15[%add3A_689, %dma_wait3A_690] : memref<10000x128xf32, #tpu.memory_space<vmem_shared>> -> memref<25x128xf32, #tpu.memory_space<vmem_shared>>
      %dma_wait3A_692 = arith.constant 0 : i32
      %dma_wait3A_693 = tpu.memref_slice %arg15[%add3A_689, %dma_wait3A_692] : memref<10000x128xf32, #tpu.memory_space<vmem_shared>> -> memref<25x128xf32, #tpu.memory_space<vmem_shared>>
      tpu.wait_dma2 semaphore(%arg13 : memref<!tpu.dma_semaphore, #tpu.memory_space<semaphore_mem>>) src(%arg11 : memref<25x128xf32, #tpu.memory_space<vmem>>) dst(%dma_wait3A_693 : memref<25x128xf32, #tpu.memory_space<vmem_shared>>)
      %mul3A_694 = arith.constant 1000 : i32
      %mul3A_695 = arith.muli %arg1, %mul3A_694 : i32
      %add3A_696 = arith.constant 775 : i32
      %add3A_697 = arith.addi %mul3A_695, %add3A_696 : i32
      %dma_wait3A_698 = arith.constant 0 : i32
      %dma_wait3A_699 = tpu.memref_slice %arg15[%add3A_697, %dma_wait3A_698] : memref<10000x128xf32, #tpu.memory_space<vmem_shared>> -> memref<25x128xf32, #tpu.memory_space<vmem_shared>>
      %dma_wait3A_700 = arith.constant 0 : i32
      %dma_wait3A_701 = tpu.memref_slice %arg15[%add3A_697, %dma_wait3A_700] : memref<10000x128xf32, #tpu.memory_space<vmem_shared>> -> memref<25x128xf32, #tpu.memory_space<vmem_shared>>
      tpu.wait_dma2 semaphore(%arg13 : memref<!tpu.dma_semaphore, #tpu.memory_space<semaphore_mem>>) src(%arg11 : memref<25x128xf32, #tpu.memory_space<vmem>>) dst(%dma_wait3A_701 : memref<25x128xf32, #tpu.memory_space<vmem_shared>>)
      %mul3A_702 = arith.constant 1000 : i32
      %mul3A_703 = arith.muli %arg1, %mul3A_702 : i32
      %add3A_704 = arith.constant 800 : i32
      %add3A_705 = arith.addi %mul3A_703, %add3A_704 : i32
      %dma_wait3A_706 = arith.constant 0 : i32
      %dma_wait3A_707 = tpu.memref_slice %arg15[%add3A_705, %dma_wait3A_706] : memref<10000x128xf32, #tpu.memory_space<vmem_shared>> -> memref<25x128xf32, #tpu.memory_space<vmem_shared>>
      %dma_wait3A_708 = arith.constant 0 : i32
      %dma_wait3A_709 = tpu.memref_slice %arg15[%add3A_705, %dma_wait3A_708] : memref<10000x128xf32, #tpu.memory_space<vmem_shared>> -> memref<25x128xf32, #tpu.memory_space<vmem_shared>>
      tpu.wait_dma2 semaphore(%arg13 : memref<!tpu.dma_semaphore, #tpu.memory_space<semaphore_mem>>) src(%arg11 : memref<25x128xf32, #tpu.memory_space<vmem>>) dst(%dma_wait3A_709 : memref<25x128xf32, #tpu.memory_space<vmem_shared>>)
      %mul3A_710 = arith.constant 1000 : i32
      %mul3A_711 = arith.muli %arg1, %mul3A_710 : i32
      %add3A_712 = arith.constant 825 : i32
      %add3A_713 = arith.addi %mul3A_711, %add3A_712 : i32
      %dma_wait3A_714 = arith.constant 0 : i32
      %dma_wait3A_715 = tpu.memref_slice %arg15[%add3A_713, %dma_wait3A_714] : memref<10000x128xf32, #tpu.memory_space<vmem_shared>> -> memref<25x128xf32, #tpu.memory_space<vmem_shared>>
      %dma_wait3A_716 = arith.constant 0 : i32
      %dma_wait3A_717 = tpu.memref_slice %arg15[%add3A_713, %dma_wait3A_716] : memref<10000x128xf32, #tpu.memory_space<vmem_shared>> -> memref<25x128xf32, #tpu.memory_space<vmem_shared>>
      tpu.wait_dma2 semaphore(%arg13 : memref<!tpu.dma_semaphore, #tpu.memory_space<semaphore_mem>>) src(%arg11 : memref<25x128xf32, #tpu.memory_space<vmem>>) dst(%dma_wait3A_717 : memref<25x128xf32, #tpu.memory_space<vmem_shared>>)
      %mul3A_718 = arith.constant 1000 : i32
      %mul3A_719 = arith.muli %arg1, %mul3A_718 : i32
      %add3A_720 = arith.constant 850 : i32
      %add3A_721 = arith.addi %mul3A_719, %add3A_720 : i32
      %dma_wait3A_722 = arith.constant 0 : i32
      %dma_wait3A_723 = tpu.memref_slice %arg15[%add3A_721, %dma_wait3A_722] : memref<10000x128xf32, #tpu.memory_space<vmem_shared>> -> memref<25x128xf32, #tpu.memory_space<vmem_shared>>
      %dma_wait3A_724 = arith.constant 0 : i32
      %dma_wait3A_725 = tpu.memref_slice %arg15[%add3A_721, %dma_wait3A_724] : memref<10000x128xf32, #tpu.memory_space<vmem_shared>> -> memref<25x128xf32, #tpu.memory_space<vmem_shared>>
      tpu.wait_dma2 semaphore(%arg13 : memref<!tpu.dma_semaphore, #tpu.memory_space<semaphore_mem>>) src(%arg11 : memref<25x128xf32, #tpu.memory_space<vmem>>) dst(%dma_wait3A_725 : memref<25x128xf32, #tpu.memory_space<vmem_shared>>)
      %mul3A_726 = arith.constant 1000 : i32
      %mul3A_727 = arith.muli %arg1, %mul3A_726 : i32
      %add3A_728 = arith.constant 875 : i32
      %add3A_729 = arith.addi %mul3A_727, %add3A_728 : i32
      %dma_wait3A_730 = arith.constant 0 : i32
      %dma_wait3A_731 = tpu.memref_slice %arg15[%add3A_729, %dma_wait3A_730] : memref<10000x128xf32, #tpu.memory_space<vmem_shared>> -> memref<25x128xf32, #tpu.memory_space<vmem_shared>>
      %dma_wait3A_732 = arith.constant 0 : i32
      %dma_wait3A_733 = tpu.memref_slice %arg15[%add3A_729, %dma_wait3A_732] : memref<10000x128xf32, #tpu.memory_space<vmem_shared>> -> memref<25x128xf32, #tpu.memory_space<vmem_shared>>
      tpu.wait_dma2 semaphore(%arg13 : memref<!tpu.dma_semaphore, #tpu.memory_space<semaphore_mem>>) src(%arg11 : memref<25x128xf32, #tpu.memory_space<vmem>>) dst(%dma_wait3A_733 : memref<25x128xf32, #tpu.memory_space<vmem_shared>>)
      %mul3A_734 = arith.constant 1000 : i32
      %mul3A_735 = arith.muli %arg1, %mul3A_734 : i32
      %add3A_736 = arith.constant 900 : i32
      %add3A_737 = arith.addi %mul3A_735, %add3A_736 : i32
      %dma_wait3A_738 = arith.constant 0 : i32
      %dma_wait3A_739 = tpu.memref_slice %arg15[%add3A_737, %dma_wait3A_738] : memref<10000x128xf32, #tpu.memory_space<vmem_shared>> -> memref<25x128xf32, #tpu.memory_space<vmem_shared>>
      %dma_wait3A_740 = arith.constant 0 : i32
      %dma_wait3A_741 = tpu.memref_slice %arg15[%add3A_737, %dma_wait3A_740] : memref<10000x128xf32, #tpu.memory_space<vmem_shared>> -> memref<25x128xf32, #tpu.memory_space<vmem_shared>>
      tpu.wait_dma2 semaphore(%arg13 : memref<!tpu.dma_semaphore, #tpu.memory_space<semaphore_mem>>) src(%arg11 : memref<25x128xf32, #tpu.memory_space<vmem>>) dst(%dma_wait3A_741 : memref<25x128xf32, #tpu.memory_space<vmem_shared>>)
      %mul3A_742 = arith.constant 1000 : i32
      %mul3A_743 = arith.muli %arg1, %mul3A_742 : i32
      %add3A_744 = arith.constant 925 : i32
      %add3A_745 = arith.addi %mul3A_743, %add3A_744 : i32
      %dma_wait3A_746 = arith.constant 0 : i32
      %dma_wait3A_747 = tpu.memref_slice %arg15[%add3A_745, %dma_wait3A_746] : memref<10000x128xf32, #tpu.memory_space<vmem_shared>> -> memref<25x128xf32, #tpu.memory_space<vmem_shared>>
      %dma_wait3A_748 = arith.constant 0 : i32
      %dma_wait3A_749 = tpu.memref_slice %arg15[%add3A_745, %dma_wait3A_748] : memref<10000x128xf32, #tpu.memory_space<vmem_shared>> -> memref<25x128xf32, #tpu.memory_space<vmem_shared>>
      tpu.wait_dma2 semaphore(%arg13 : memref<!tpu.dma_semaphore, #tpu.memory_space<semaphore_mem>>) src(%arg11 : memref<25x128xf32, #tpu.memory_space<vmem>>) dst(%dma_wait3A_749 : memref<25x128xf32, #tpu.memory_space<vmem_shared>>)
      %mul3A_750 = arith.constant 1000 : i32
      %mul3A_751 = arith.muli %arg1, %mul3A_750 : i32
      %add3A_752 = arith.constant 950 : i32
      %add3A_753 = arith.addi %mul3A_751, %add3A_752 : i32
      %dma_wait3A_754 = arith.constant 0 : i32
      %dma_wait3A_755 = tpu.memref_slice %arg15[%add3A_753, %dma_wait3A_754] : memref<10000x128xf32, #tpu.memory_space<vmem_shared>> -> memref<25x128xf32, #tpu.memory_space<vmem_shared>>
      %dma_wait3A_756 = arith.constant 0 : i32
      %dma_wait3A_757 = tpu.memref_slice %arg15[%add3A_753, %dma_wait3A_756] : memref<10000x128xf32, #tpu.memory_space<vmem_shared>> -> memref<25x128xf32, #tpu.memory_space<vmem_shared>>
      tpu.wait_dma2 semaphore(%arg13 : memref<!tpu.dma_semaphore, #tpu.memory_space<semaphore_mem>>) src(%arg11 : memref<25x128xf32, #tpu.memory_space<vmem>>) dst(%dma_wait3A_757 : memref<25x128xf32, #tpu.memory_space<vmem_shared>>)
      %mul3A_758 = arith.constant 1000 : i32
      %mul3A_759 = arith.muli %arg1, %mul3A_758 : i32
      %add3A_760 = arith.constant 975 : i32
      %add3A_761 = arith.addi %mul3A_759, %add3A_760 : i32
      %dma_wait3A_762 = arith.constant 0 : i32
      %dma_wait3A_763 = tpu.memref_slice %arg15[%add3A_761, %dma_wait3A_762] : memref<10000x128xf32, #tpu.memory_space<vmem_shared>> -> memref<25x128xf32, #tpu.memory_space<vmem_shared>>
      %dma_wait3A_764 = arith.constant 0 : i32
      %dma_wait3A_765 = tpu.memref_slice %arg15[%add3A_761, %dma_wait3A_764] : memref<10000x128xf32, #tpu.memory_space<vmem_shared>> -> memref<25x128xf32, #tpu.memory_space<vmem_shared>>
      tpu.wait_dma2 semaphore(%arg13 : memref<!tpu.dma_semaphore, #tpu.memory_space<semaphore_mem>>) src(%arg11 : memref<25x128xf32, #tpu.memory_space<vmem>>) dst(%dma_wait3A_765 : memref<25x128xf32, #tpu.memory_space<vmem_shared>>)
      %mul3A_766 = arith.constant 8 : i32
      %mul3A_767 = arith.muli %arg1, %mul3A_766 : i32
      %dma_wait3A_768 = arith.constant 0 : i32
      %dma_wait3A_769 = arith.constant 0 : i32
      %dma_wait3A_770 = tpu.memref_slice %arg11[%dma_wait3A_768, %dma_wait3A_769] : memref<25x128xf32, #tpu.memory_space<vmem>> -> memref<8x128xf32, #tpu.memory_space<vmem>>
      %dma_wait3A_771 = arith.constant 0 : i32
      %dma_wait3A_772 = tpu.memref_slice %arg18[%mul3A_767, %dma_wait3A_771] : memref<80x128xf32, #tpu.memory_space<vmem_shared>> -> memref<8x128xf32, #tpu.memory_space<vmem_shared>>
      %dma_wait3A_773 = arith.constant 0 : i32
      %dma_wait3A_774 = tpu.memref_slice %arg18[%mul3A_767, %dma_wait3A_773] : memref<80x128xf32, #tpu.memory_space<vmem_shared>> -> memref<8x128xf32, #tpu.memory_space<vmem_shared>>
      %dma_wait3A_775 = arith.constant 0 : i32
      %dma_wait3A_776 = arith.constant 0 : i32
      %dma_wait3A_777 = tpu.memref_slice %arg11[%dma_wait3A_775, %dma_wait3A_776] : memref<25x128xf32, #tpu.memory_space<vmem>> -> memref<8x128xf32, #tpu.memory_space<vmem>>
      tpu.wait_dma2 semaphore(%arg13 : memref<!tpu.dma_semaphore, #tpu.memory_space<semaphore_mem>>) src(%dma_wait3A_777 : memref<8x128xf32, #tpu.memory_space<vmem>>) dst(%dma_wait3A_774 : memref<8x128xf32, #tpu.memory_space<vmem_shared>>)
    } else {
    }
    %dma_wait3A = tpu.memref_slice %arg3[%mul3A_5] : memref<320000xi32, #tpu.memory_space<hbm>> -> memref<10000xi32, #tpu.memory_space<hbm>>
    %dma_wait3A_44 = tpu.memref_slice %arg3[%mul3A_5] : memref<320000xi32, #tpu.memory_space<hbm>> -> memref<10000xi32, #tpu.memory_space<hbm>>
    tpu.wait_dma2 semaphore(%arg14 : memref<!tpu.dma_semaphore, #tpu.memory_space<semaphore_mem>>) src(%dma_wait3A_44 : memref<10000xi32, #tpu.memory_space<hbm>>) dst(%arg7 : memref<10000xi32, #tpu.memory_space<vmem>>)
    %dma_start3A_45 = arith.constant 0 : i32
    %dma_start3A_46 = tpu.memref_slice %arg7[%dma_start3A_45] : memref<10000xi32, #tpu.memory_space<vmem>> -> memref<80xi32, #tpu.memory_space<vmem>>
    %dma_start3A_47 = arith.constant 0 : i32
    %dma_start3A_48 = arith.constant 0 : i32
    %dma_start3A_49 = tpu.memref_slice %arg2[%dma_start3A_47, %dma_start3A_48] : memref<10000x128xf32, #tpu.memory_space<hbm>> -> memref<10000x128xf32, #tpu.memory_space<hbm>>
    tpu.enqueue_indirect_dma source(%dma_start3A_49 : memref<10000x128xf32, #tpu.memory_space<hbm>>) target(%arg9 : memref<80x128xf32, #tpu.memory_space<vmem>>) offsets(%dma_start3A_46 : memref<80xi32, #tpu.memory_space<vmem>>) semaphore(%arg12 : memref<!tpu.dma_semaphore, #tpu.memory_space<semaphore_mem>>)
    %barrier3A = arith.constant 0 : index
    tpu.barrier barrier_id(%barrier3A)
    %scan3A_50 = arith.constant 0 : i32
    %scan3A_51 = arith.constant 0 : i32
    %scan3A_52 = arith.constant 62 : i32
    %scan3A_53 = arith.addi %scan3A_51, %scan3A_52 : i32
    %scan3A_54 = arith.constant 1 : i32
    scf.for %scan3A_114 = %scan3A_51 to %scan3A_53 step %scan3A_54  : i32 {
      %mul3A_115 = arith.constant 2 : i32
      %mul3A_116 = arith.muli %mul3A_115, %scan3A_114 : i32
      %add3A_117 = arith.constant 1 : i32
      %add3A_118 = arith.addi %mul3A_116, %add3A_117 : i32
      %rem3A = arith.constant 25 : i32
      %rem3A_119 = arith.remsi %mul3A_116, %rem3A : i32
      %rem3A_120 = arith.constant 25 : i32
      %rem3A_121 = arith.remsi %add3A_118, %rem3A_120 : i32
      %mul3A_122 = arith.constant 80 : i32
      %mul3A_123 = arith.muli %add3A_118, %mul3A_122 : i32
      %dma_start3A_124 = tpu.memref_slice %arg7[%mul3A_123] : memref<10000xi32, #tpu.memory_space<vmem>> -> memref<80xi32, #tpu.memory_space<vmem>>
      %dma_start3A_125 = arith.constant 0 : i32
      %dma_start3A_126 = arith.constant 0 : i32
      %dma_start3A_127 = tpu.memref_slice %arg2[%dma_start3A_125, %dma_start3A_126] : memref<10000x128xf32, #tpu.memory_space<hbm>> -> memref<10000x128xf32, #tpu.memory_space<hbm>>
      tpu.enqueue_indirect_dma source(%dma_start3A_127 : memref<10000x128xf32, #tpu.memory_space<hbm>>) target(%arg10 : memref<80x128xf32, #tpu.memory_space<vmem>>) offsets(%dma_start3A_124 : memref<80xi32, #tpu.memory_space<vmem>>) semaphore(%arg13 : memref<!tpu.dma_semaphore, #tpu.memory_space<semaphore_mem>>)
      %rem3A_128 = arith.constant 25 : i32
      %rem3A_129 = arith.remsi %mul3A_116, %rem3A_128 : i32
      %eq3A = arith.constant 0 : i32
      %eq3A_130 = arith.cmpi eq, %rem3A_129, %eq3A : i32
      %convert_element_type3A_131 = arith.extui %eq3A_130 : i1 to i32
      %cond3A_132 = arith.constant 0 : i32
      %cond3A_133 = arith.cmpi ne, %convert_element_type3A_131, %cond3A_132 : i32
      scf.if %cond3A_133 {
        %div3A = arith.constant 25 : i32
        %div3A_251 = arith.divsi %mul3A_116, %div3A : i32
        "tpu.region"() ({
          %run_scoped3A_252 = tpu.sem_alloc : memref<!tpu.dma_semaphore, #tpu.memory_space<semaphore_mem>>
          %dma_start3A_253 = arith.constant 0 : i32
          %dma_start3A_254 = arith.constant 0 : i32
          %dma_start3A_255 = arith.constant 0 : i32
          %dma_start3A_256 = tpu.memref_slice %arg4[%add3A, %dma_start3A_253, %dma_start3A_254, %dma_start3A_255] : memref<32x5x25x80xi32, #tpu.memory_space<hbm>> -> memref<1x5x25x80xi32, #tpu.memory_space<hbm>>
          %dma_start3A_257 = tpu.memref_squeeze %dma_start3A_256 : memref<1x5x25x80xi32, #tpu.memory_space<hbm>> -> memref<5x25x80xi32, #tpu.memory_space<hbm>>
          %dma_start3A_258 = arith.constant 0 : i32
          %dma_start3A_259 = arith.constant 0 : i32
          %dma_start3A_260 = tpu.memref_slice %dma_start3A_257[%div3A_251, %dma_start3A_258, %dma_start3A_259] : memref<5x25x80xi32, #tpu.memory_space<hbm>> -> memref<1x25x80xi32, #tpu.memory_space<hbm>>
          %dma_start3A_261 = tpu.memref_squeeze %dma_start3A_260 : memref<1x25x80xi32, #tpu.memory_space<hbm>> -> memref<25x80xi32, #tpu.memory_space<hbm>>
          %dma_start3A_262 = arith.constant 0 : i32
          %dma_start3A_263 = arith.constant 0 : i32
          %dma_start3A_264 = arith.constant 0 : i32
          %dma_start3A_265 = tpu.memref_slice %arg4[%add3A, %dma_start3A_262, %dma_start3A_263, %dma_start3A_264] : memref<32x5x25x80xi32, #tpu.memory_space<hbm>> -> memref<1x5x25x80xi32, #tpu.memory_space<hbm>>
          %dma_start3A_266 = tpu.memref_squeeze %dma_start3A_265 : memref<1x5x25x80xi32, #tpu.memory_space<hbm>> -> memref<5x25x80xi32, #tpu.memory_space<hbm>>
          %dma_start3A_267 = arith.constant 0 : i32
          %dma_start3A_268 = arith.constant 0 : i32
          %dma_start3A_269 = tpu.memref_slice %dma_start3A_266[%div3A_251, %dma_start3A_267, %dma_start3A_268] : memref<5x25x80xi32, #tpu.memory_space<hbm>> -> memref<1x25x80xi32, #tpu.memory_space<hbm>>
          %dma_start3A_270 = tpu.memref_squeeze %dma_start3A_269 : memref<1x25x80xi32, #tpu.memory_space<hbm>> -> memref<25x80xi32, #tpu.memory_space<hbm>>
          tpu.enqueue_dma source(%dma_start3A_270 : memref<25x80xi32, #tpu.memory_space<hbm>>) target(%arg8 : memref<25x80xi32, #tpu.memory_space<vmem>>) target_semaphore(%run_scoped3A_252 : memref<!tpu.dma_semaphore, #tpu.memory_space<semaphore_mem>>)
          %dma_wait3A_271 = arith.constant 0 : i32
          %dma_wait3A_272 = arith.constant 0 : i32
          %dma_wait3A_273 = arith.constant 0 : i32
          %dma_wait3A_274 = tpu.memref_slice %arg4[%add3A, %dma_wait3A_271, %dma_wait3A_272, %dma_wait3A_273] : memref<32x5x25x80xi32, #tpu.memory_space<hbm>> -> memref<1x5x25x80xi32, #tpu.memory_space<hbm>>
          %dma_wait3A_275 = tpu.memref_squeeze %dma_wait3A_274 : memref<1x5x25x80xi32, #tpu.memory_space<hbm>> -> memref<5x25x80xi32, #tpu.memory_space<hbm>>
          %dma_wait3A_276 = arith.constant 0 : i32
          %dma_wait3A_277 = arith.constant 0 : i32
          %dma_wait3A_278 = tpu.memref_slice %dma_wait3A_275[%div3A_251, %dma_wait3A_276, %dma_wait3A_277] : memref<5x25x80xi32, #tpu.memory_space<hbm>> -> memref<1x25x80xi32, #tpu.memory_space<hbm>>
          %dma_wait3A_279 = tpu.memref_squeeze %dma_wait3A_278 : memref<1x25x80xi32, #tpu.memory_space<hbm>> -> memref<25x80xi32, #tpu.memory_space<hbm>>
          %dma_wait3A_280 = arith.constant 0 : i32
          %dma_wait3A_281 = arith.constant 0 : i32
          %dma_wait3A_282 = arith.constant 0 : i32
          %dma_wait3A_283 = tpu.memref_slice %arg4[%add3A, %dma_wait3A_280, %dma_wait3A_281, %dma_wait3A_282] : memref<32x5x25x80xi32, #tpu.memory_space<hbm>> -> memref<1x5x25x80xi32, #tpu.memory_space<hbm>>
          %dma_wait3A_284 = tpu.memref_squeeze %dma_wait3A_283 : memref<1x5x25x80xi32, #tpu.memory_space<hbm>> -> memref<5x25x80xi32, #tpu.memory_space<hbm>>
          %dma_wait3A_285 = arith.constant 0 : i32
          %dma_wait3A_286 = arith.constant 0 : i32
          %dma_wait3A_287 = tpu.memref_slice %dma_wait3A_284[%div3A_251, %dma_wait3A_285, %dma_wait3A_286] : memref<5x25x80xi32, #tpu.memory_space<hbm>> -> memref<1x25x80xi32, #tpu.memory_space<hbm>>
          %dma_wait3A_288 = tpu.memref_squeeze %dma_wait3A_287 : memref<1x25x80xi32, #tpu.memory_space<hbm>> -> memref<25x80xi32, #tpu.memory_space<hbm>>
          tpu.wait_dma2 semaphore(%run_scoped3A_252 : memref<!tpu.dma_semaphore, #tpu.memory_space<semaphore_mem>>) src(%dma_wait3A_288 : memref<25x80xi32, #tpu.memory_space<hbm>>) dst(%arg8 : memref<25x80xi32, #tpu.memory_space<vmem>>)
          tpu.yield
        }) : () -> ()
      } else {
      }
      %mul3A_134 = arith.constant 80 : i32
      %mul3A_135 = arith.muli %mul3A_116, %mul3A_134 : i32
      %dma_wait3A_136 = tpu.memref_slice %arg7[%mul3A_135] : memref<10000xi32, #tpu.memory_space<vmem>> -> memref<80xi32, #tpu.memory_space<vmem>>
      %dma_wait3A_137 = arith.constant 0 : i32
      %dma_wait3A_138 = arith.constant 0 : i32
      %dma_wait3A_139 = tpu.memref_slice %arg2[%dma_wait3A_137, %dma_wait3A_138] : memref<10000x128xf32, #tpu.memory_space<hbm>> -> memref<10000x128xf32, #tpu.memory_space<hbm>>
      tpu.wait_indirect_dma semaphore(%arg12 : memref<!tpu.dma_semaphore, #tpu.memory_space<semaphore_mem>>) src(%dma_wait3A_139 : memref<10000x128xf32, #tpu.memory_space<hbm>>) dst(%arg9 : memref<80x128xf32, #tpu.memory_space<vmem>>)
      %get3A_140 = arith.index_cast %rem3A_119 : i32 to index
      %get3A_141 = arith.constant 0 : index
      %get3A_142 = tpu.vector_load %arg8[%get3A_140, %get3A_141] {strides = array<i32>} : memref<25x80xi32, #tpu.memory_space<vmem>>, vector<16xi32>,
      %shift_right_logical3A_143 = arith.constant 7 : i32
      %shift_right_logical3A_144 = vector.broadcast %shift_right_logical3A_143 : i32 to vector<16xi32>
      %shift_right_logical3A_145 = arith.shrui %get3A_142, %shift_right_logical3A_144 : vector<16xi32>
      %and3A_146 = arith.constant 127 : i32
      %and3A_147 = vector.broadcast %and3A_146 : i32 to vector<16xi32>
      %and3A_148 = arith.andi %get3A_142, %and3A_147 : vector<16xi32>
      tpu.vector_store_idx %arg16[%shift_right_logical3A_145, %and3A_148], %broadcast_in_dim3A_3 {add = true} : memref<80x128xf32, #tpu.memory_space<vmem>>[vector<16xi32>, vector<16xi32>], vector<16xf32>,
      %get3A_149 = arith.index_cast %rem3A_119 : i32 to index
      %get3A_150 = arith.constant 16 : index
      %get3A_151 = tpu.vector_load %arg8[%get3A_149, %get3A_150] {strides = array<i32>} : memref<25x80xi32, #tpu.memory_space<vmem>>, vector<16xi32>,
      %shift_right_logical3A_152 = arith.constant 7 : i32
      %shift_right_logical3A_153 = vector.broadcast %shift_right_logical3A_152 : i32 to vector<16xi32>
      %shift_right_logical3A_154 = arith.shrui %get3A_151, %shift_right_logical3A_153 : vector<16xi32>
      %and3A_155 = arith.constant 127 : i32
      %and3A_156 = vector.broadcast %and3A_155 : i32 to vector<16xi32>
      %and3A_157 = arith.andi %get3A_151, %and3A_156 : vector<16xi32>
      tpu.vector_store_idx %arg16[%shift_right_logical3A_154, %and3A_157], %broadcast_in_dim3A_3 {add = true} : memref<80x128xf32, #tpu.memory_space<vmem>>[vector<16xi32>, vector<16xi32>], vector<16xf32>,
      %get3A_158 = arith.index_cast %rem3A_119 : i32 to index
      %get3A_159 = arith.constant 32 : index
      %get3A_160 = tpu.vector_load %arg8[%get3A_158, %get3A_159] {strides = array<i32>} : memref<25x80xi32, #tpu.memory_space<vmem>>, vector<16xi32>,
      %shift_right_logical3A_161 = arith.constant 7 : i32
      %shift_right_logical3A_162 = vector.broadcast %shift_right_logical3A_161 : i32 to vector<16xi32>
      %shift_right_logical3A_163 = arith.shrui %get3A_160, %shift_right_logical3A_162 : vector<16xi32>
      %and3A_164 = arith.constant 127 : i32
      %and3A_165 = vector.broadcast %and3A_164 : i32 to vector<16xi32>
      %and3A_166 = arith.andi %get3A_160, %and3A_165 : vector<16xi32>
      tpu.vector_store_idx %arg16[%shift_right_logical3A_163, %and3A_166], %broadcast_in_dim3A_3 {add = true} : memref<80x128xf32, #tpu.memory_space<vmem>>[vector<16xi32>, vector<16xi32>], vector<16xf32>,
      %get3A_167 = arith.index_cast %rem3A_119 : i32 to index
      %get3A_168 = arith.constant 48 : index
      %get3A_169 = tpu.vector_load %arg8[%get3A_167, %get3A_168] {strides = array<i32>} : memref<25x80xi32, #tpu.memory_space<vmem>>, vector<16xi32>,
      %shift_right_logical3A_170 = arith.constant 7 : i32
      %shift_right_logical3A_171 = vector.broadcast %shift_right_logical3A_170 : i32 to vector<16xi32>
      %shift_right_logical3A_172 = arith.shrui %get3A_169, %shift_right_logical3A_171 : vector<16xi32>
      %and3A_173 = arith.constant 127 : i32
      %and3A_174 = vector.broadcast %and3A_173 : i32 to vector<16xi32>
      %and3A_175 = arith.andi %get3A_169, %and3A_174 : vector<16xi32>
      tpu.vector_store_idx %arg16[%shift_right_logical3A_172, %and3A_175], %broadcast_in_dim3A_3 {add = true} : memref<80x128xf32, #tpu.memory_space<vmem>>[vector<16xi32>, vector<16xi32>], vector<16xf32>,
      %get3A_176 = arith.index_cast %rem3A_119 : i32 to index
      %get3A_177 = arith.constant 64 : index
      %get3A_178 = tpu.vector_load %arg8[%get3A_176, %get3A_177] {strides = array<i32>} : memref<25x80xi32, #tpu.memory_space<vmem>>, vector<16xi32>,
      %shift_right_logical3A_179 = arith.constant 7 : i32
      %shift_right_logical3A_180 = vector.broadcast %shift_right_logical3A_179 : i32 to vector<16xi32>
      %shift_right_logical3A_181 = arith.shrui %get3A_178, %shift_right_logical3A_180 : vector<16xi32>
      %and3A_182 = arith.constant 127 : i32
      %and3A_183 = vector.broadcast %and3A_182 : i32 to vector<16xi32>
      %and3A_184 = arith.andi %get3A_178, %and3A_183 : vector<16xi32>
      tpu.vector_store_idx %arg16[%shift_right_logical3A_181, %and3A_184], %broadcast_in_dim3A_3 {add = true} : memref<80x128xf32, #tpu.memory_space<vmem>>[vector<16xi32>, vector<16xi32>], vector<16xf32>,
      "tpu.region"() ({
        %run_scoped3A_251 = tpu.sem_alloc : memref<!tpu.dma_semaphore, #tpu.memory_space<semaphore_mem>>
        %dma_start3A_252 = arith.constant 0 : i32
        %dma_start3A_253 = tpu.memref_slice %arg8[%rem3A_119, %dma_start3A_252] : memref<25x80xi32, #tpu.memory_space<vmem>> -> memref<1x80xi32, #tpu.memory_space<vmem>>
        %dma_start3A_254 = tpu.memref_squeeze %dma_start3A_253 : memref<1x80xi32, #tpu.memory_space<vmem>> -> memref<80xi32, #tpu.memory_space<vmem>>
        %dma_start3A_255 = arith.constant 0 : i32
        %dma_start3A_256 = arith.constant 0 : i32
        %dma_start3A_257 = tpu.memref_slice %arg15[%dma_start3A_255, %dma_start3A_256] : memref<10000x128xf32, #tpu.memory_space<vmem_shared>> -> memref<10000x128xf32, #tpu.memory_space<vmem_shared>>
        tpu.enqueue_indirect_dma source(%arg9 : memref<80x128xf32, #tpu.memory_space<vmem>>) target(%dma_start3A_257 : memref<10000x128xf32, #tpu.memory_space<vmem_shared>>) offsets(%dma_start3A_254 : memref<80xi32, #tpu.memory_space<vmem>>) semaphore(%run_scoped3A_251 : memref<!tpu.dma_semaphore, #tpu.memory_space<semaphore_mem>>) {add = true}
        %dma_wait3A_258 = arith.constant 0 : i32
        %dma_wait3A_259 = tpu.memref_slice %arg8[%rem3A_119, %dma_wait3A_258] : memref<25x80xi32, #tpu.memory_space<vmem>> -> memref<1x80xi32, #tpu.memory_space<vmem>>
        %dma_wait3A_260 = tpu.memref_squeeze %dma_wait3A_259 : memref<1x80xi32, #tpu.memory_space<vmem>> -> memref<80xi32, #tpu.memory_space<vmem>>
        %dma_wait3A_261 = arith.constant 0 : i32
        %dma_wait3A_262 = arith.constant 0 : i32
        %dma_wait3A_263 = tpu.memref_slice %arg15[%dma_wait3A_261, %dma_wait3A_262] : memref<10000x128xf32, #tpu.memory_space<vmem_shared>> -> memref<10000x128xf32, #tpu.memory_space<vmem_shared>>
        tpu.wait_indirect_dma semaphore(%run_scoped3A_251 : memref<!tpu.dma_semaphore, #tpu.memory_space<semaphore_mem>>) src(%arg9 : memref<80x128xf32, #tpu.memory_space<vmem>>) dst(%dma_wait3A_263 : memref<10000x128xf32, #tpu.memory_space<vmem_shared>>)
        tpu.yield
      }) : () -> ()
      %add3A_185 = arith.constant 2 : i32
      %add3A_186 = arith.addi %mul3A_116, %add3A_185 : i32
      %mul3A_187 = arith.constant 80 : i32
      %mul3A_188 = arith.muli %add3A_186, %mul3A_187 : i32
      %dma_start3A_189 = tpu.memref_slice %arg7[%mul3A_188] : memref<10000xi32, #tpu.memory_space<vmem>> -> memref<80xi32, #tpu.memory_space<vmem>>
      %dma_start3A_190 = arith.constant 0 : i32
      %dma_start3A_191 = arith.constant 0 : i32
      %dma_start3A_192 = tpu.memref_slice %arg2[%dma_start3A_190, %dma_start3A_191] : memref<10000x128xf32, #tpu.memory_space<hbm>> -> memref<10000x128xf32, #tpu.memory_space<hbm>>
      tpu.enqueue_indirect_dma source(%dma_start3A_192 : memref<10000x128xf32, #tpu.memory_space<hbm>>) target(%arg9 : memref<80x128xf32, #tpu.memory_space<vmem>>) offsets(%dma_start3A_189 : memref<80xi32, #tpu.memory_space<vmem>>) semaphore(%arg12 : memref<!tpu.dma_semaphore, #tpu.memory_space<semaphore_mem>>)
      %rem3A_193 = arith.constant 25 : i32
      %rem3A_194 = arith.remsi %add3A_118, %rem3A_193 : i32
      %eq3A_195 = arith.constant 0 : i32
      %eq3A_196 = arith.cmpi eq, %rem3A_194, %eq3A_195 : i32
      %convert_element_type3A_197 = arith.extui %eq3A_196 : i1 to i32
      %cond3A_198 = arith.constant 0 : i32
      %cond3A_199 = arith.cmpi ne, %convert_element_type3A_197, %cond3A_198 : i32
      scf.if %cond3A_199 {
        %div3A = arith.constant 25 : i32
        %div3A_251 = arith.divsi %add3A_118, %div3A : i32
        "tpu.region"() ({
          %run_scoped3A_252 = tpu.sem_alloc : memref<!tpu.dma_semaphore, #tpu.memory_space<semaphore_mem>>
          %dma_start3A_253 = arith.constant 0 : i32
          %dma_start3A_254 = arith.constant 0 : i32
          %dma_start3A_255 = arith.constant 0 : i32
          %dma_start3A_256 = tpu.memref_slice %arg4[%add3A, %dma_start3A_253, %dma_start3A_254, %dma_start3A_255] : memref<32x5x25x80xi32, #tpu.memory_space<hbm>> -> memref<1x5x25x80xi32, #tpu.memory_space<hbm>>
          %dma_start3A_257 = tpu.memref_squeeze %dma_start3A_256 : memref<1x5x25x80xi32, #tpu.memory_space<hbm>> -> memref<5x25x80xi32, #tpu.memory_space<hbm>>
          %dma_start3A_258 = arith.constant 0 : i32
          %dma_start3A_259 = arith.constant 0 : i32
          %dma_start3A_260 = tpu.memref_slice %dma_start3A_257[%div3A_251, %dma_start3A_258, %dma_start3A_259] : memref<5x25x80xi32, #tpu.memory_space<hbm>> -> memref<1x25x80xi32, #tpu.memory_space<hbm>>
          %dma_start3A_261 = tpu.memref_squeeze %dma_start3A_260 : memref<1x25x80xi32, #tpu.memory_space<hbm>> -> memref<25x80xi32, #tpu.memory_space<hbm>>
          %dma_start3A_262 = arith.constant 0 : i32
          %dma_start3A_263 = arith.constant 0 : i32
          %dma_start3A_264 = arith.constant 0 : i32
          %dma_start3A_265 = tpu.memref_slice %arg4[%add3A, %dma_start3A_262, %dma_start3A_263, %dma_start3A_264] : memref<32x5x25x80xi32, #tpu.memory_space<hbm>> -> memref<1x5x25x80xi32, #tpu.memory_space<hbm>>
          %dma_start3A_266 = tpu.memref_squeeze %dma_start3A_265 : memref<1x5x25x80xi32, #tpu.memory_space<hbm>> -> memref<5x25x80xi32, #tpu.memory_space<hbm>>
          %dma_start3A_267 = arith.constant 0 : i32
          %dma_start3A_268 = arith.constant 0 : i32
          %dma_start3A_269 = tpu.memref_slice %dma_start3A_266[%div3A_251, %dma_start3A_267, %dma_start3A_268] : memref<5x25x80xi32, #tpu.memory_space<hbm>> -> memref<1x25x80xi32, #tpu.memory_space<hbm>>
          %dma_start3A_270 = tpu.memref_squeeze %dma_start3A_269 : memref<1x25x80xi32, #tpu.memory_space<hbm>> -> memref<25x80xi32, #tpu.memory_space<hbm>>
          tpu.enqueue_dma source(%dma_start3A_270 : memref<25x80xi32, #tpu.memory_space<hbm>>) target(%arg8 : memref<25x80xi32, #tpu.memory_space<vmem>>) target_semaphore(%run_scoped3A_252 : memref<!tpu.dma_semaphore, #tpu.memory_space<semaphore_mem>>)
          %dma_wait3A_271 = arith.constant 0 : i32
          %dma_wait3A_272 = arith.constant 0 : i32
          %dma_wait3A_273 = arith.constant 0 : i32
          %dma_wait3A_274 = tpu.memref_slice %arg4[%add3A, %dma_wait3A_271, %dma_wait3A_272, %dma_wait3A_273] : memref<32x5x25x80xi32, #tpu.memory_space<hbm>> -> memref<1x5x25x80xi32, #tpu.memory_space<hbm>>
          %dma_wait3A_275 = tpu.memref_squeeze %dma_wait3A_274 : memref<1x5x25x80xi32, #tpu.memory_space<hbm>> -> memref<5x25x80xi32, #tpu.memory_space<hbm>>
          %dma_wait3A_276 = arith.constant 0 : i32
          %dma_wait3A_277 = arith.constant 0 : i32
          %dma_wait3A_278 = tpu.memref_slice %dma_wait3A_275[%div3A_251, %dma_wait3A_276, %dma_wait3A_277] : memref<5x25x80xi32, #tpu.memory_space<hbm>> -> memref<1x25x80xi32, #tpu.memory_space<hbm>>
          %dma_wait3A_279 = tpu.memref_squeeze %dma_wait3A_278 : memref<1x25x80xi32, #tpu.memory_space<hbm>> -> memref<25x80xi32, #tpu.memory_space<hbm>>
          %dma_wait3A_280 = arith.constant 0 : i32
          %dma_wait3A_281 = arith.constant 0 : i32
          %dma_wait3A_282 = arith.constant 0 : i32
          %dma_wait3A_283 = tpu.memref_slice %arg4[%add3A, %dma_wait3A_280, %dma_wait3A_281, %dma_wait3A_282] : memref<32x5x25x80xi32, #tpu.memory_space<hbm>> -> memref<1x5x25x80xi32, #tpu.memory_space<hbm>>
          %dma_wait3A_284 = tpu.memref_squeeze %dma_wait3A_283 : memref<1x5x25x80xi32, #tpu.memory_space<hbm>> -> memref<5x25x80xi32, #tpu.memory_space<hbm>>
          %dma_wait3A_285 = arith.constant 0 : i32
          %dma_wait3A_286 = arith.constant 0 : i32
          %dma_wait3A_287 = tpu.memref_slice %dma_wait3A_284[%div3A_251, %dma_wait3A_285, %dma_wait3A_286] : memref<5x25x80xi32, #tpu.memory_space<hbm>> -> memref<1x25x80xi32, #tpu.memory_space<hbm>>
          %dma_wait3A_288 = tpu.memref_squeeze %dma_wait3A_287 : memref<1x25x80xi32, #tpu.memory_space<hbm>> -> memref<25x80xi32, #tpu.memory_space<hbm>>
          tpu.wait_dma2 semaphore(%run_scoped3A_252 : memref<!tpu.dma_semaphore, #tpu.memory_space<semaphore_mem>>) src(%dma_wait3A_288 : memref<25x80xi32, #tpu.memory_space<hbm>>) dst(%arg8 : memref<25x80xi32, #tpu.memory_space<vmem>>)
          tpu.yield
        }) : () -> ()
      } else {
      }
      %mul3A_200 = arith.constant 80 : i32
      %mul3A_201 = arith.muli %add3A_118, %mul3A_200 : i32
      %dma_wait3A_202 = tpu.memref_slice %arg7[%mul3A_201] : memref<10000xi32, #tpu.memory_space<vmem>> -> memref<80xi32, #tpu.memory_space<vmem>>
      %dma_wait3A_203 = arith.constant 0 : i32
      %dma_wait3A_204 = arith.constant 0 : i32
      %dma_wait3A_205 = tpu.memref_slice %arg2[%dma_wait3A_203, %dma_wait3A_204] : memref<10000x128xf32, #tpu.memory_space<hbm>> -> memref<10000x128xf32, #tpu.memory_space<hbm>>
      tpu.wait_indirect_dma semaphore(%arg13 : memref<!tpu.dma_semaphore, #tpu.memory_space<semaphore_mem>>) src(%dma_wait3A_205 : memref<10000x128xf32, #tpu.memory_space<hbm>>) dst(%arg10 : memref<80x128xf32, #tpu.memory_space<vmem>>)
      %get3A_206 = arith.index_cast %rem3A_121 : i32 to index
      %get3A_207 = arith.constant 0 : index
      %get3A_208 = tpu.vector_load %arg8[%get3A_206, %get3A_207] {strides = array<i32>} : memref<25x80xi32, #tpu.memory_space<vmem>>, vector<16xi32>,
      %shift_right_logical3A_209 = arith.constant 7 : i32
      %shift_right_logical3A_210 = vector.broadcast %shift_right_logical3A_209 : i32 to vector<16xi32>
      %shift_right_logical3A_211 = arith.shrui %get3A_208, %shift_right_logical3A_210 : vector<16xi32>
      %and3A_212 = arith.constant 127 : i32
      %and3A_213 = vector.broadcast %and3A_212 : i32 to vector<16xi32>
      %and3A_214 = arith.andi %get3A_208, %and3A_213 : vector<16xi32>
      tpu.vector_store_idx %arg16[%shift_right_logical3A_211, %and3A_214], %broadcast_in_dim3A_3 {add = true} : memref<80x128xf32, #tpu.memory_space<vmem>>[vector<16xi32>, vector<16xi32>], vector<16xf32>,
      %get3A_215 = arith.index_cast %rem3A_121 : i32 to index
      %get3A_216 = arith.constant 16 : index
      %get3A_217 = tpu.vector_load %arg8[%get3A_215, %get3A_216] {strides = array<i32>} : memref<25x80xi32, #tpu.memory_space<vmem>>, vector<16xi32>,
      %shift_right_logical3A_218 = arith.constant 7 : i32
      %shift_right_logical3A_219 = vector.broadcast %shift_right_logical3A_218 : i32 to vector<16xi32>
      %shift_right_logical3A_220 = arith.shrui %get3A_217, %shift_right_logical3A_219 : vector<16xi32>
      %and3A_221 = arith.constant 127 : i32
      %and3A_222 = vector.broadcast %and3A_221 : i32 to vector<16xi32>
      %and3A_223 = arith.andi %get3A_217, %and3A_222 : vector<16xi32>
      tpu.vector_store_idx %arg16[%shift_right_logical3A_220, %and3A_223], %broadcast_in_dim3A_3 {add = true} : memref<80x128xf32, #tpu.memory_space<vmem>>[vector<16xi32>, vector<16xi32>], vector<16xf32>,
      %get3A_224 = arith.index_cast %rem3A_121 : i32 to index
      %get3A_225 = arith.constant 32 : index
      %get3A_226 = tpu.vector_load %arg8[%get3A_224, %get3A_225] {strides = array<i32>} : memref<25x80xi32, #tpu.memory_space<vmem>>, vector<16xi32>,
      %shift_right_logical3A_227 = arith.constant 7 : i32
      %shift_right_logical3A_228 = vector.broadcast %shift_right_logical3A_227 : i32 to vector<16xi32>
      %shift_right_logical3A_229 = arith.shrui %get3A_226, %shift_right_logical3A_228 : vector<16xi32>
      %and3A_230 = arith.constant 127 : i32
      %and3A_231 = vector.broadcast %and3A_230 : i32 to vector<16xi32>
      %and3A_232 = arith.andi %get3A_226, %and3A_231 : vector<16xi32>
      tpu.vector_store_idx %arg16[%shift_right_logical3A_229, %and3A_232], %broadcast_in_dim3A_3 {add = true} : memref<80x128xf32, #tpu.memory_space<vmem>>[vector<16xi32>, vector<16xi32>], vector<16xf32>,
      %get3A_233 = arith.index_cast %rem3A_121 : i32 to index
      %get3A_234 = arith.constant 48 : index
      %get3A_235 = tpu.vector_load %arg8[%get3A_233, %get3A_234] {strides = array<i32>} : memref<25x80xi32, #tpu.memory_space<vmem>>, vector<16xi32>,
      %shift_right_logical3A_236 = arith.constant 7 : i32
      %shift_right_logical3A_237 = vector.broadcast %shift_right_logical3A_236 : i32 to vector<16xi32>
      %shift_right_logical3A_238 = arith.shrui %get3A_235, %shift_right_logical3A_237 : vector<16xi32>
      %and3A_239 = arith.constant 127 : i32
      %and3A_240 = vector.broadcast %and3A_239 : i32 to vector<16xi32>
      %and3A_241 = arith.andi %get3A_235, %and3A_240 : vector<16xi32>
      tpu.vector_store_idx %arg16[%shift_right_logical3A_238, %and3A_241], %broadcast_in_dim3A_3 {add = true} : memref<80x128xf32, #tpu.memory_space<vmem>>[vector<16xi32>, vector<16xi32>], vector<16xf32>,
      %get3A_242 = arith.index_cast %rem3A_121 : i32 to index
      %get3A_243 = arith.constant 64 : index
      %get3A_244 = tpu.vector_load %arg8[%get3A_242, %get3A_243] {strides = array<i32>} : memref<25x80xi32, #tpu.memory_space<vmem>>, vector<16xi32>,
      %shift_right_logical3A_245 = arith.constant 7 : i32
      %shift_right_logical3A_246 = vector.broadcast %shift_right_logical3A_245 : i32 to vector<16xi32>
      %shift_right_logical3A_247 = arith.shrui %get3A_244, %shift_right_logical3A_246 : vector<16xi32>
      %and3A_248 = arith.constant 127 : i32
      %and3A_249 = vector.broadcast %and3A_248 : i32 to vector<16xi32>
      %and3A_250 = arith.andi %get3A_244, %and3A_249 : vector<16xi32>
      tpu.vector_store_idx %arg16[%shift_right_logical3A_247, %and3A_250], %broadcast_in_dim3A_3 {add = true} : memref<80x128xf32, #tpu.memory_space<vmem>>[vector<16xi32>, vector<16xi32>], vector<16xf32>,
      "tpu.region"() ({
        %run_scoped3A_251 = tpu.sem_alloc : memref<!tpu.dma_semaphore, #tpu.memory_space<semaphore_mem>>
        %dma_start3A_252 = arith.constant 0 : i32
        %dma_start3A_253 = tpu.memref_slice %arg8[%rem3A_121, %dma_start3A_252] : memref<25x80xi32, #tpu.memory_space<vmem>> -> memref<1x80xi32, #tpu.memory_space<vmem>>
        %dma_start3A_254 = tpu.memref_squeeze %dma_start3A_253 : memref<1x80xi32, #tpu.memory_space<vmem>> -> memref<80xi32, #tpu.memory_space<vmem>>
        %dma_start3A_255 = arith.constant 0 : i32
        %dma_start3A_256 = arith.constant 0 : i32
        %dma_start3A_257 = tpu.memref_slice %arg15[%dma_start3A_255, %dma_start3A_256] : memref<10000x128xf32, #tpu.memory_space<vmem_shared>> -> memref<10000x128xf32, #tpu.memory_space<vmem_shared>>
        tpu.enqueue_indirect_dma source(%arg10 : memref<80x128xf32, #tpu.memory_space<vmem>>) target(%dma_start3A_257 : memref<10000x128xf32, #tpu.memory_space<vmem_shared>>) offsets(%dma_start3A_254 : memref<80xi32, #tpu.memory_space<vmem>>) semaphore(%run_scoped3A_251 : memref<!tpu.dma_semaphore, #tpu.memory_space<semaphore_mem>>) {add = true}
        %dma_wait3A_258 = arith.constant 0 : i32
        %dma_wait3A_259 = tpu.memref_slice %arg8[%rem3A_121, %dma_wait3A_258] : memref<25x80xi32, #tpu.memory_space<vmem>> -> memref<1x80xi32, #tpu.memory_space<vmem>>
        %dma_wait3A_260 = tpu.memref_squeeze %dma_wait3A_259 : memref<1x80xi32, #tpu.memory_space<vmem>> -> memref<80xi32, #tpu.memory_space<vmem>>
        %dma_wait3A_261 = arith.constant 0 : i32
        %dma_wait3A_262 = arith.constant 0 : i32
        %dma_wait3A_263 = tpu.memref_slice %arg15[%dma_wait3A_261, %dma_wait3A_262] : memref<10000x128xf32, #tpu.memory_space<vmem_shared>> -> memref<10000x128xf32, #tpu.memory_space<vmem_shared>>
        tpu.wait_indirect_dma semaphore(%run_scoped3A_251 : memref<!tpu.dma_semaphore, #tpu.memory_space<semaphore_mem>>) src(%arg10 : memref<80x128xf32, #tpu.memory_space<vmem>>) dst(%dma_wait3A_263 : memref<10000x128xf32, #tpu.memory_space<vmem_shared>>)
        tpu.yield
      }) : () -> ()
    }
    %scan3A_55 = arith.constant 62 : i32
    %dma_wait3A_56 = arith.constant 9920 : i32
    %dma_wait3A_57 = tpu.memref_slice %arg7[%dma_wait3A_56] : memref<10000xi32, #tpu.memory_space<vmem>> -> memref<80xi32, #tpu.memory_space<vmem>>
    %dma_wait3A_58 = arith.constant 0 : i32
    %dma_wait3A_59 = arith.constant 0 : i32
    %dma_wait3A_60 = tpu.memref_slice %arg2[%dma_wait3A_58, %dma_wait3A_59] : memref<10000x128xf32, #tpu.memory_space<hbm>> -> memref<10000x128xf32, #tpu.memory_space<hbm>>
    tpu.wait_indirect_dma semaphore(%arg12 : memref<!tpu.dma_semaphore, #tpu.memory_space<semaphore_mem>>) src(%dma_wait3A_60 : memref<10000x128xf32, #tpu.memory_space<hbm>>) dst(%arg9 : memref<80x128xf32, #tpu.memory_space<vmem>>)
    %get3A = arith.constant 24 : i32
    %get3A_61 = arith.index_cast %get3A : i32 to index
    %get3A_62 = arith.constant 0 : index
    %get3A_63 = tpu.vector_load %arg8[%get3A_61, %get3A_62] {strides = array<i32>} : memref<25x80xi32, #tpu.memory_space<vmem>>, vector<16xi32>,
    %shift_right_logical3A = arith.constant 7 : i32
    %shift_right_logical3A_64 = vector.broadcast %shift_right_logical3A : i32 to vector<16xi32>
    %shift_right_logical3A_65 = arith.shrui %get3A_63, %shift_right_logical3A_64 : vector<16xi32>
    %and3A = arith.constant 127 : i32
    %and3A_66 = vector.broadcast %and3A : i32 to vector<16xi32>
    %and3A_67 = arith.andi %get3A_63, %and3A_66 : vector<16xi32>
    tpu.vector_store_idx %arg16[%shift_right_logical3A_65, %and3A_67], %broadcast_in_dim3A_3 {add = true} : memref<80x128xf32, #tpu.memory_space<vmem>>[vector<16xi32>, vector<16xi32>], vector<16xf32>,
    %get3A_68 = arith.constant 24 : i32
    %get3A_69 = arith.index_cast %get3A_68 : i32 to index
    %get3A_70 = arith.constant 16 : index
    %get3A_71 = tpu.vector_load %arg8[%get3A_69, %get3A_70] {strides = array<i32>} : memref<25x80xi32, #tpu.memory_space<vmem>>, vector<16xi32>,
    %shift_right_logical3A_72 = arith.constant 7 : i32
    %shift_right_logical3A_73 = vector.broadcast %shift_right_logical3A_72 : i32 to vector<16xi32>
    %shift_right_logical3A_74 = arith.shrui %get3A_71, %shift_right_logical3A_73 : vector<16xi32>
    %and3A_75 = arith.constant 127 : i32
    %and3A_76 = vector.broadcast %and3A_75 : i32 to vector<16xi32>
    %and3A_77 = arith.andi %get3A_71, %and3A_76 : vector<16xi32>
    tpu.vector_store_idx %arg16[%shift_right_logical3A_74, %and3A_77], %broadcast_in_dim3A_3 {add = true} : memref<80x128xf32, #tpu.memory_space<vmem>>[vector<16xi32>, vector<16xi32>], vector<16xf32>,
    %get3A_78 = arith.constant 24 : i32
    %get3A_79 = arith.index_cast %get3A_78 : i32 to index
    %get3A_80 = arith.constant 32 : index
    %get3A_81 = tpu.vector_load %arg8[%get3A_79, %get3A_80] {strides = array<i32>} : memref<25x80xi32, #tpu.memory_space<vmem>>, vector<16xi32>,
    %shift_right_logical3A_82 = arith.constant 7 : i32
    %shift_right_logical3A_83 = vector.broadcast %shift_right_logical3A_82 : i32 to vector<16xi32>
    %shift_right_logical3A_84 = arith.shrui %get3A_81, %shift_right_logical3A_83 : vector<16xi32>
    %and3A_85 = arith.constant 127 : i32
    %and3A_86 = vector.broadcast %and3A_85 : i32 to vector<16xi32>
    %and3A_87 = arith.andi %get3A_81, %and3A_86 : vector<16xi32>
    tpu.vector_store_idx %arg16[%shift_right_logical3A_84, %and3A_87], %broadcast_in_dim3A_3 {add = true} : memref<80x128xf32, #tpu.memory_space<vmem>>[vector<16xi32>, vector<16xi32>], vector<16xf32>,
    %get3A_88 = arith.constant 24 : i32
    %get3A_89 = arith.index_cast %get3A_88 : i32 to index
    %get3A_90 = arith.constant 48 : index
    %get3A_91 = tpu.vector_load %arg8[%get3A_89, %get3A_90] {strides = array<i32>} : memref<25x80xi32, #tpu.memory_space<vmem>>, vector<16xi32>,
    %shift_right_logical3A_92 = arith.constant 7 : i32
    %shift_right_logical3A_93 = vector.broadcast %shift_right_logical3A_92 : i32 to vector<16xi32>
    %shift_right_logical3A_94 = arith.shrui %get3A_91, %shift_right_logical3A_93 : vector<16xi32>
    %and3A_95 = arith.constant 127 : i32
    %and3A_96 = vector.broadcast %and3A_95 : i32 to vector<16xi32>
    %and3A_97 = arith.andi %get3A_91, %and3A_96 : vector<16xi32>
    tpu.vector_store_idx %arg16[%shift_right_logical3A_94, %and3A_97], %broadcast_in_dim3A_3 {add = true} : memref<80x128xf32, #tpu.memory_space<vmem>>[vector<16xi32>, vector<16xi32>], vector<16xf32>,
    %get3A_98 = arith.constant 24 : i32
    %get3A_99 = arith.index_cast %get3A_98 : i32 to index
    %get3A_100 = arith.constant 64 : index
    %get3A_101 = tpu.vector_load %arg8[%get3A_99, %get3A_100] {strides = array<i32>} : memref<25x80xi32, #tpu.memory_space<vmem>>, vector<16xi32>,
    %shift_right_logical3A_102 = arith.constant 7 : i32
    %shift_right_logical3A_103 = vector.broadcast %shift_right_logical3A_102 : i32 to vector<16xi32>
    %shift_right_logical3A_104 = arith.shrui %get3A_101, %shift_right_logical3A_103 : vector<16xi32>
    %and3A_105 = arith.constant 127 : i32
    %and3A_106 = vector.broadcast %and3A_105 : i32 to vector<16xi32>
    %and3A_107 = arith.andi %get3A_101, %and3A_106 : vector<16xi32>
    tpu.vector_store_idx %arg16[%shift_right_logical3A_104, %and3A_107], %broadcast_in_dim3A_3 {add = true} : memref<80x128xf32, #tpu.memory_space<vmem>>[vector<16xi32>, vector<16xi32>], vector<16xf32>,
    %run_scoped3A = arith.constant 24 : i32
    "tpu.region"() ({
      %run_scoped3A_114 = tpu.sem_alloc : memref<!tpu.dma_semaphore, #tpu.memory_space<semaphore_mem>>
      %dma_start3A_115 = arith.constant 0 : i32
      %dma_start3A_116 = tpu.memref_slice %arg8[%run_scoped3A, %dma_start3A_115] : memref<25x80xi32, #tpu.memory_space<vmem>> -> memref<1x80xi32, #tpu.memory_space<vmem>>
      %dma_start3A_117 = tpu.memref_squeeze %dma_start3A_116 : memref<1x80xi32, #tpu.memory_space<vmem>> -> memref<80xi32, #tpu.memory_space<vmem>>
      %dma_start3A_118 = arith.constant 0 : i32
      %dma_start3A_119 = arith.constant 0 : i32
      %dma_start3A_120 = tpu.memref_slice %arg15[%dma_start3A_118, %dma_start3A_119] : memref<10000x128xf32, #tpu.memory_space<vmem_shared>> -> memref<10000x128xf32, #tpu.memory_space<vmem_shared>>
      tpu.enqueue_indirect_dma source(%arg9 : memref<80x128xf32, #tpu.memory_space<vmem>>) target(%dma_start3A_120 : memref<10000x128xf32, #tpu.memory_space<vmem_shared>>) offsets(%dma_start3A_117 : memref<80xi32, #tpu.memory_space<vmem>>) semaphore(%run_scoped3A_114 : memref<!tpu.dma_semaphore, #tpu.memory_space<semaphore_mem>>) {add = true}
      %dma_wait3A_121 = arith.constant 0 : i32
      %dma_wait3A_122 = tpu.memref_slice %arg8[%run_scoped3A, %dma_wait3A_121] : memref<25x80xi32, #tpu.memory_space<vmem>> -> memref<1x80xi32, #tpu.memory_space<vmem>>
      %dma_wait3A_123 = tpu.memref_squeeze %dma_wait3A_122 : memref<1x80xi32, #tpu.memory_space<vmem>> -> memref<80xi32, #tpu.memory_space<vmem>>
      %dma_wait3A_124 = arith.constant 0 : i32
      %dma_wait3A_125 = arith.constant 0 : i32
      %dma_wait3A_126 = tpu.memref_slice %arg15[%dma_wait3A_124, %dma_wait3A_125] : memref<10000x128xf32, #tpu.memory_space<vmem_shared>> -> memref<10000x128xf32, #tpu.memory_space<vmem_shared>>
      tpu.wait_indirect_dma semaphore(%run_scoped3A_114 : memref<!tpu.dma_semaphore, #tpu.memory_space<semaphore_mem>>) src(%arg9 : memref<80x128xf32, #tpu.memory_space<vmem>>) dst(%dma_wait3A_126 : memref<10000x128xf32, #tpu.memory_space<vmem_shared>>)
      tpu.yield
    }) : () -> ()
    "tpu.region"() ({
      %run_scoped3A_114 = tpu.sem_alloc : memref<!tpu.dma_semaphore, #tpu.memory_space<semaphore_mem>>
      %dma_start3A_115 = arith.constant 0 : i32
      %dma_start3A_116 = arith.constant 0 : i32
      %dma_start3A_117 = tpu.memref_slice %arg18[%dma_start3A_115, %dma_start3A_116] : memref<80x128xf32, #tpu.memory_space<vmem_shared>> -> memref<80x128xf32, #tpu.memory_space<vmem_shared>>
      tpu.enqueue_indirect_dma source(%arg16 : memref<80x128xf32, #tpu.memory_space<vmem>>) target(%dma_start3A_117 : memref<80x128xf32, #tpu.memory_space<vmem_shared>>) offsets(%arg17 : memref<80xi32, #tpu.memory_space<vmem>>) semaphore(%run_scoped3A_114 : memref<!tpu.dma_semaphore, #tpu.memory_space<semaphore_mem>>) {add = true}
      %dma_wait3A_118 = arith.constant 0 : i32
      %dma_wait3A_119 = arith.constant 0 : i32
      %dma_wait3A_120 = tpu.memref_slice %arg18[%dma_wait3A_118, %dma_wait3A_119] : memref<80x128xf32, #tpu.memory_space<vmem_shared>> -> memref<80x128xf32, #tpu.memory_space<vmem_shared>>
      tpu.wait_indirect_dma semaphore(%run_scoped3A_114 : memref<!tpu.dma_semaphore, #tpu.memory_space<semaphore_mem>>) src(%arg16 : memref<80x128xf32, #tpu.memory_space<vmem>>) dst(%dma_wait3A_120 : memref<80x128xf32, #tpu.memory_space<vmem_shared>>)
      tpu.yield
    }) : () -> ()
    %barrier3A_108 = arith.constant 0 : index
    tpu.barrier barrier_id(%barrier3A_108)
    %lt3A_109 = arith.constant 10 : i32
    %lt3A_110 = arith.cmpi slt, %arg1, %lt3A_109 : i32
    %convert_element_type3A_111 = arith.extui %lt3A_110 : i1 to i32
    %cond3A_112 = arith.constant 0 : i32
    %cond3A_113 = arith.cmpi ne, %convert_element_type3A_111, %cond3A_112 : i32
    scf.if %cond3A_113 {
      %mul3A_114 = arith.constant 1000 : i32
      %mul3A_115 = arith.muli %arg1, %mul3A_114 : i32
      %mul3A_116 = arith.constant 1000 : i32
      %mul3A_117 = arith.muli %arg1, %mul3A_116 : i32
      "tpu.region"() ({
        %run_scoped3A_122 = tpu.sem_alloc : memref<!tpu.dma_semaphore, #tpu.memory_space<semaphore_mem>>
        %dma_start3A_123 = arith.constant 0 : i32
        %dma_start3A_124 = arith.constant 0 : i32
        %dma_start3A_125 = tpu.memref_slice %arg5[%arg0, %dma_start3A_123, %dma_start3A_124] : memref<2x10000x128xf32, #tpu.memory_space<hbm>> -> memref<1x10000x128xf32, #tpu.memory_space<hbm>>
        %dma_start3A_126 = tpu.memref_squeeze %dma_start3A_125 : memref<1x10000x128xf32, #tpu.memory_space<hbm>> -> memref<10000x128xf32, #tpu.memory_space<hbm>>
        %dma_start3A_127 = arith.constant 0 : i32
        %dma_start3A_128 = tpu.memref_slice %dma_start3A_126[%mul3A_117, %dma_start3A_127] : memref<10000x128xf32, #tpu.memory_space<hbm>> -> memref<1000x128xf32, #tpu.memory_space<hbm>>
        %dma_start3A_129 = arith.constant 0 : i32
        %dma_start3A_130 = tpu.memref_slice %arg15[%mul3A_115, %dma_start3A_129] : memref<10000x128xf32, #tpu.memory_space<vmem_shared>> -> memref<1000x128xf32, #tpu.memory_space<vmem_shared>>
        tpu.enqueue_dma source(%dma_start3A_130 : memref<1000x128xf32, #tpu.memory_space<vmem_shared>>) target(%dma_start3A_128 : memref<1000x128xf32, #tpu.memory_space<hbm>>) target_semaphore(%run_scoped3A_122 : memref<!tpu.dma_semaphore, #tpu.memory_space<semaphore_mem>>)
        %dma_wait3A_131 = arith.constant 0 : i32
        %dma_wait3A_132 = arith.constant 0 : i32
        %dma_wait3A_133 = tpu.memref_slice %arg5[%arg0, %dma_wait3A_131, %dma_wait3A_132] : memref<2x10000x128xf32, #tpu.memory_space<hbm>> -> memref<1x10000x128xf32, #tpu.memory_space<hbm>>
        %dma_wait3A_134 = tpu.memref_squeeze %dma_wait3A_133 : memref<1x10000x128xf32, #tpu.memory_space<hbm>> -> memref<10000x128xf32, #tpu.memory_space<hbm>>
        %dma_wait3A_135 = arith.constant 0 : i32
        %dma_wait3A_136 = tpu.memref_slice %dma_wait3A_134[%mul3A_117, %dma_wait3A_135] : memref<10000x128xf32, #tpu.memory_space<hbm>> -> memref<1000x128xf32, #tpu.memory_space<hbm>>
        %dma_wait3A_137 = arith.constant 0 : i32
        %dma_wait3A_138 = tpu.memref_slice %arg15[%mul3A_115, %dma_wait3A_137] : memref<10000x128xf32, #tpu.memory_space<vmem_shared>> -> memref<1000x128xf32, #tpu.memory_space<vmem_shared>>
        tpu.wait_dma2 semaphore(%run_scoped3A_122 : memref<!tpu.dma_semaphore, #tpu.memory_space<semaphore_mem>>) src(%dma_wait3A_138 : memref<1000x128xf32, #tpu.memory_space<vmem_shared>>) dst(%dma_wait3A_136 : memref<1000x128xf32, #tpu.memory_space<hbm>>)
        tpu.yield
      }) : () -> ()
      %mul3A_118 = arith.constant 8 : i32
      %mul3A_119 = arith.muli %arg1, %mul3A_118 : i32
      %mul3A_120 = arith.constant 8 : i32
      %mul3A_121 = arith.muli %arg1, %mul3A_120 : i32
      "tpu.region"() ({
        %run_scoped3A_122 = tpu.sem_alloc : memref<!tpu.dma_semaphore, #tpu.memory_space<semaphore_mem>>
        %dma_start3A_123 = arith.constant 0 : i32
        %dma_start3A_124 = arith.constant 0 : i32
        %dma_start3A_125 = tpu.memref_slice %arg6[%arg0, %dma_start3A_123, %dma_start3A_124] : memref<2x80x128xf32, #tpu.memory_space<hbm>> -> memref<1x80x128xf32, #tpu.memory_space<hbm>>
        %dma_start3A_126 = tpu.memref_squeeze %dma_start3A_125 : memref<1x80x128xf32, #tpu.memory_space<hbm>> -> memref<80x128xf32, #tpu.memory_space<hbm>>
        %dma_start3A_127 = arith.constant 0 : i32
        %dma_start3A_128 = tpu.memref_slice %dma_start3A_126[%mul3A_121, %dma_start3A_127] : memref<80x128xf32, #tpu.memory_space<hbm>> -> memref<8x128xf32, #tpu.memory_space<hbm>>
        %dma_start3A_129 = arith.constant 0 : i32
        %dma_start3A_130 = tpu.memref_slice %arg18[%mul3A_119, %dma_start3A_129] : memref<80x128xf32, #tpu.memory_space<vmem_shared>> -> memref<8x128xf32, #tpu.memory_space<vmem_shared>>
        tpu.enqueue_dma source(%dma_start3A_130 : memref<8x128xf32, #tpu.memory_space<vmem_shared>>) target(%dma_start3A_128 : memref<8x128xf32, #tpu.memory_space<hbm>>) target_semaphore(%run_scoped3A_122 : memref<!tpu.dma_semaphore, #tpu.memory_space<semaphore_mem>>)
        %dma_wait3A_131 = arith.constant 0 : i32
        %dma_wait3A_132 = arith.constant 0 : i32
        %dma_wait3A_133 = tpu.memref_slice %arg6[%arg0, %dma_wait3A_131, %dma_wait3A_132] : memref<2x80x128xf32, #tpu.memory_space<hbm>> -> memref<1x80x128xf32, #tpu.memory_space<hbm>>
        %dma_wait3A_134 = tpu.memref_squeeze %dma_wait3A_133 : memref<1x80x128xf32, #tpu.memory_space<hbm>> -> memref<80x128xf32, #tpu.memory_space<hbm>>
        %dma_wait3A_135 = arith.constant 0 : i32
        %dma_wait3A_136 = tpu.memref_slice %dma_wait3A_134[%mul3A_121, %dma_wait3A_135] : memref<80x128xf32, #tpu.memory_space<hbm>> -> memref<8x128xf32, #tpu.memory_space<hbm>>
        %dma_wait3A_137 = arith.constant 0 : i32
        %dma_wait3A_138 = tpu.memref_slice %arg18[%mul3A_119, %dma_wait3A_137] : memref<80x128xf32, #tpu.memory_space<vmem_shared>> -> memref<8x128xf32, #tpu.memory_space<vmem_shared>>
        tpu.wait_dma2 semaphore(%run_scoped3A_122 : memref<!tpu.dma_semaphore, #tpu.memory_space<semaphore_mem>>) src(%dma_wait3A_138 : memref<8x128xf32, #tpu.memory_space<vmem_shared>>) dst(%dma_wait3A_136 : memref<8x128xf32, #tpu.memory_space<hbm>>)
        tpu.yield
      }) : () -> ()
    } else {
    }
    return
  }
}

#map = affine_map<(d0, d1) -> (0, 0)>
#map1 = affine_map<(d0, d1) -> (0)>
#map2 = affine_map<(d0, d1) -> (0, 0, 0, 0)>
#map3 = affine_map<(d0, d1) -> (0, 0, 0)>
module attributes {stable_mosaic.version = 14 : i64} {
  func.func @_sc_body(%arg0: i32, %arg1: i32, %arg2: memref<10000x128xf32, #tpu.memory_space<hbm>>, %arg3: memref<320000xi32, #tpu.memory_space<hbm>>, %arg4: memref<32x5x25x80xi32, #tpu.memory_space<hbm>>, %arg5: memref<2x10000x128xf32, #tpu.memory_space<hbm>>, %arg6: memref<10000xi32, #tpu.memory_space<vmem>>, %arg7: memref<25x80xi32, #tpu.memory_space<vmem>>, %arg8: memref<80x128xf32, #tpu.memory_space<vmem>>, %arg9: memref<80x128xf32, #tpu.memory_space<vmem>>, %arg10: memref<25x128xf32, #tpu.memory_space<vmem>>, %arg11: memref<!tpu.dma_semaphore, #tpu.memory_space<semaphore_mem>>, %arg12: memref<!tpu.dma_semaphore, #tpu.memory_space<semaphore_mem>>, %arg13: memref<!tpu.dma_semaphore, #tpu.memory_space<semaphore_mem>>, %arg14: memref<10000x128xf32, #tpu.memory_space<vmem_shared>>) attributes {dimension_semantics = [#tpu.dimension_semantics<core_parallel>, #tpu.dimension_semantics<subcore_parallel>], iteration_bounds = array<i64: 2, 16>, scalar_prefetch = 0 : i64, scratch_operands = 9 : i64, tpu.core_type = #tpu.core_type<sc_vector_subcore>, window_params = [{transform_indices = #map}, {transform_indices = #map1}, {transform_indices = #map2}, {transform_indices = #map3}]} {
    %mul3A = arith.constant 16 : i32
    %mul3A_0 = arith.muli %arg0, %mul3A : i32
    %add3A = arith.addi %mul3A_0, %arg1 : i32
    %broadcast_in_dim3A = arith.constant 0.000000e+00 : f32
    %broadcast_in_dim3A_1 = vector.broadcast %broadcast_in_dim3A : f32 to vector<16xf32>
    %broadcast_in_dim3A_2 = arith.constant 1.000000e+00 : f32
    %broadcast_in_dim3A_3 = vector.broadcast %broadcast_in_dim3A_2 : f32 to vector<16xf32>
    %mul3A_4 = arith.constant 10000 : i32
    %mul3A_5 = arith.muli %add3A, %mul3A_4 : i32
    %dma_start3A = tpu.memref_slice %arg3[%mul3A_5] : memref<320000xi32, #tpu.memory_space<hbm>> -> memref<10000xi32, #tpu.memory_space<hbm>>
    %dma_start3A_6 = tpu.memref_slice %arg3[%mul3A_5] : memref<320000xi32, #tpu.memory_space<hbm>> -> memref<10000xi32, #tpu.memory_space<hbm>>
    tpu.enqueue_dma source(%dma_start3A_6 : memref<10000xi32, #tpu.memory_space<hbm>>) target(%arg6 : memref<10000xi32, #tpu.memory_space<vmem>>) target_semaphore(%arg13 : memref<!tpu.dma_semaphore, #tpu.memory_space<semaphore_mem>>)
    %scan3A = arith.constant 0 : i32
    %scan3A_7 = arith.constant 0 : i32
    %scan3A_8 = arith.constant 25 : i32
    %scan3A_9 = arith.addi %scan3A_7, %scan3A_8 : i32
    %scan3A_10 = arith.constant 1 : i32
    scf.for %scan3A_37 = %scan3A_7 to %scan3A_9 step %scan3A_10  : i32 {
      %swap3A = arith.index_cast %scan3A_37 : i32 to index
      %swap3A_38 = arith.constant 0 : index
      %swap3A_39 = tpu.vector_load %arg10[%swap3A, %swap3A_38] {strides = array<i32>} : memref<25x128xf32, #tpu.memory_space<vmem>>, vector<16xf32>,
      tpu.vector_store %arg10[%swap3A, %swap3A_38], %broadcast_in_dim3A_1 {strides = array<i32>} : memref<25x128xf32, #tpu.memory_space<vmem>>, vector<16xf32>,
      %swap3A_40 = arith.index_cast %scan3A_37 : i32 to index
      %swap3A_41 = arith.constant 16 : index
      %swap3A_42 = tpu.vector_load %arg10[%swap3A_40, %swap3A_41] {strides = array<i32>} : memref<25x128xf32, #tpu.memory_space<vmem>>, vector<16xf32>,
      tpu.vector_store %arg10[%swap3A_40, %swap3A_41], %broadcast_in_dim3A_1 {strides = array<i32>} : memref<25x128xf32, #tpu.memory_space<vmem>>, vector<16xf32>,
      %swap3A_43 = arith.index_cast %scan3A_37 : i32 to index
      %swap3A_44 = arith.constant 32 : index
      %swap3A_45 = tpu.vector_load %arg10[%swap3A_43, %swap3A_44] {strides = array<i32>} : memref<25x128xf32, #tpu.memory_space<vmem>>, vector<16xf32>,
      tpu.vector_store %arg10[%swap3A_43, %swap3A_44], %broadcast_in_dim3A_1 {strides = array<i32>} : memref<25x128xf32, #tpu.memory_space<vmem>>, vector<16xf32>,
      %swap3A_46 = arith.index_cast %scan3A_37 : i32 to index
      %swap3A_47 = arith.constant 48 : index
      %swap3A_48 = tpu.vector_load %arg10[%swap3A_46, %swap3A_47] {strides = array<i32>} : memref<25x128xf32, #tpu.memory_space<vmem>>, vector<16xf32>,
      tpu.vector_store %arg10[%swap3A_46, %swap3A_47], %broadcast_in_dim3A_1 {strides = array<i32>} : memref<25x128xf32, #tpu.memory_space<vmem>>, vector<16xf32>,
      %swap3A_49 = arith.index_cast %scan3A_37 : i32 to index
      %swap3A_50 = arith.constant 64 : index
      %swap3A_51 = tpu.vector_load %arg10[%swap3A_49, %swap3A_50] {strides = array<i32>} : memref<25x128xf32, #tpu.memory_space<vmem>>, vector<16xf32>,
      tpu.vector_store %arg10[%swap3A_49, %swap3A_50], %broadcast_in_dim3A_1 {strides = array<i32>} : memref<25x128xf32, #tpu.memory_space<vmem>>, vector<16xf32>,
      %swap3A_52 = arith.index_cast %scan3A_37 : i32 to index
      %swap3A_53 = arith.constant 80 : index
      %swap3A_54 = tpu.vector_load %arg10[%swap3A_52, %swap3A_53] {strides = array<i32>} : memref<25x128xf32, #tpu.memory_space<vmem>>, vector<16xf32>,
      tpu.vector_store %arg10[%swap3A_52, %swap3A_53], %broadcast_in_dim3A_1 {strides = array<i32>} : memref<25x128xf32, #tpu.memory_space<vmem>>, vector<16xf32>,
      %swap3A_55 = arith.index_cast %scan3A_37 : i32 to index
      %swap3A_56 = arith.constant 96 : index
      %swap3A_57 = tpu.vector_load %arg10[%swap3A_55, %swap3A_56] {strides = array<i32>} : memref<25x128xf32, #tpu.memory_space<vmem>>, vector<16xf32>,
      tpu.vector_store %arg10[%swap3A_55, %swap3A_56], %broadcast_in_dim3A_1 {strides = array<i32>} : memref<25x128xf32, #tpu.memory_space<vmem>>, vector<16xf32>,
      %swap3A_58 = arith.index_cast %scan3A_37 : i32 to index
      %swap3A_59 = arith.constant 112 : index
      %swap3A_60 = tpu.vector_load %arg10[%swap3A_58, %swap3A_59] {strides = array<i32>} : memref<25x128xf32, #tpu.memory_space<vmem>>, vector<16xf32>,
      tpu.vector_store %arg10[%swap3A_58, %swap3A_59], %broadcast_in_dim3A_1 {strides = array<i32>} : memref<25x128xf32, #tpu.memory_space<vmem>>, vector<16xf32>,
    }
    %scan3A_11 = arith.constant 25 : i32
    %lt3A = arith.constant 10 : i32
    %lt3A_12 = arith.cmpi slt, %arg1, %lt3A : i32
    %convert_element_type3A = arith.extui %lt3A_12 : i1 to i32
    %cond3A = arith.constant 0 : i32
    %cond3A_13 = arith.cmpi ne, %convert_element_type3A, %cond3A : i32
    scf.if %cond3A_13 {
      %mul3A_37 = arith.constant 1000 : i32
      %mul3A_38 = arith.muli %arg1, %mul3A_37 : i32
      %add3A_39 = arith.constant 0 : i32
      %add3A_40 = arith.addi %mul3A_38, %add3A_39 : i32
      %dma_start3A_41 = arith.constant 0 : i32
      %dma_start3A_42 = tpu.memref_slice %arg14[%add3A_40, %dma_start3A_41] : memref<10000x128xf32, #tpu.memory_space<vmem_shared>> -> memref<25x128xf32, #tpu.memory_space<vmem_shared>>
      %dma_start3A_43 = arith.constant 0 : i32
      %dma_start3A_44 = tpu.memref_slice %arg14[%add3A_40, %dma_start3A_43] : memref<10000x128xf32, #tpu.memory_space<vmem_shared>> -> memref<25x128xf32, #tpu.memory_space<vmem_shared>>
      tpu.enqueue_dma source(%arg10 : memref<25x128xf32, #tpu.memory_space<vmem>>) target(%dma_start3A_44 : memref<25x128xf32, #tpu.memory_space<vmem_shared>>) target_semaphore(%arg12 : memref<!tpu.dma_semaphore, #tpu.memory_space<semaphore_mem>>)
      %mul3A_45 = arith.constant 1000 : i32
      %mul3A_46 = arith.muli %arg1, %mul3A_45 : i32
      %add3A_47 = arith.constant 25 : i32
      %add3A_48 = arith.addi %mul3A_46, %add3A_47 : i32
      %dma_start3A_49 = arith.constant 0 : i32
      %dma_start3A_50 = tpu.memref_slice %arg14[%add3A_48, %dma_start3A_49] : memref<10000x128xf32, #tpu.memory_space<vmem_shared>> -> memref<25x128xf32, #tpu.memory_space<vmem_shared>>
      %dma_start3A_51 = arith.constant 0 : i32
      %dma_start3A_52 = tpu.memref_slice %arg14[%add3A_48, %dma_start3A_51] : memref<10000x128xf32, #tpu.memory_space<vmem_shared>> -> memref<25x128xf32, #tpu.memory_space<vmem_shared>>
      tpu.enqueue_dma source(%arg10 : memref<25x128xf32, #tpu.memory_space<vmem>>) target(%dma_start3A_52 : memref<25x128xf32, #tpu.memory_space<vmem_shared>>) target_semaphore(%arg12 : memref<!tpu.dma_semaphore, #tpu.memory_space<semaphore_mem>>)
      %mul3A_53 = arith.constant 1000 : i32
      %mul3A_54 = arith.muli %arg1, %mul3A_53 : i32
      %add3A_55 = arith.constant 50 : i32
      %add3A_56 = arith.addi %mul3A_54, %add3A_55 : i32
      %dma_start3A_57 = arith.constant 0 : i32
      %dma_start3A_58 = tpu.memref_slice %arg14[%add3A_56, %dma_start3A_57] : memref<10000x128xf32, #tpu.memory_space<vmem_shared>> -> memref<25x128xf32, #tpu.memory_space<vmem_shared>>
      %dma_start3A_59 = arith.constant 0 : i32
      %dma_start3A_60 = tpu.memref_slice %arg14[%add3A_56, %dma_start3A_59] : memref<10000x128xf32, #tpu.memory_space<vmem_shared>> -> memref<25x128xf32, #tpu.memory_space<vmem_shared>>
      tpu.enqueue_dma source(%arg10 : memref<25x128xf32, #tpu.memory_space<vmem>>) target(%dma_start3A_60 : memref<25x128xf32, #tpu.memory_space<vmem_shared>>) target_semaphore(%arg12 : memref<!tpu.dma_semaphore, #tpu.memory_space<semaphore_mem>>)
      %mul3A_61 = arith.constant 1000 : i32
      %mul3A_62 = arith.muli %arg1, %mul3A_61 : i32
      %add3A_63 = arith.constant 75 : i32
      %add3A_64 = arith.addi %mul3A_62, %add3A_63 : i32
      %dma_start3A_65 = arith.constant 0 : i32
      %dma_start3A_66 = tpu.memref_slice %arg14[%add3A_64, %dma_start3A_65] : memref<10000x128xf32, #tpu.memory_space<vmem_shared>> -> memref<25x128xf32, #tpu.memory_space<vmem_shared>>
      %dma_start3A_67 = arith.constant 0 : i32
      %dma_start3A_68 = tpu.memref_slice %arg14[%add3A_64, %dma_start3A_67] : memref<10000x128xf32, #tpu.memory_space<vmem_shared>> -> memref<25x128xf32, #tpu.memory_space<vmem_shared>>
      tpu.enqueue_dma source(%arg10 : memref<25x128xf32, #tpu.memory_space<vmem>>) target(%dma_start3A_68 : memref<25x128xf32, #tpu.memory_space<vmem_shared>>) target_semaphore(%arg12 : memref<!tpu.dma_semaphore, #tpu.memory_space<semaphore_mem>>)
      %mul3A_69 = arith.constant 1000 : i32
      %mul3A_70 = arith.muli %arg1, %mul3A_69 : i32
      %add3A_71 = arith.constant 100 : i32
      %add3A_72 = arith.addi %mul3A_70, %add3A_71 : i32
      %dma_start3A_73 = arith.constant 0 : i32
      %dma_start3A_74 = tpu.memref_slice %arg14[%add3A_72, %dma_start3A_73] : memref<10000x128xf32, #tpu.memory_space<vmem_shared>> -> memref<25x128xf32, #tpu.memory_space<vmem_shared>>
      %dma_start3A_75 = arith.constant 0 : i32
      %dma_start3A_76 = tpu.memref_slice %arg14[%add3A_72, %dma_start3A_75] : memref<10000x128xf32, #tpu.memory_space<vmem_shared>> -> memref<25x128xf32, #tpu.memory_space<vmem_shared>>
      tpu.enqueue_dma source(%arg10 : memref<25x128xf32, #tpu.memory_space<vmem>>) target(%dma_start3A_76 : memref<25x128xf32, #tpu.memory_space<vmem_shared>>) target_semaphore(%arg12 : memref<!tpu.dma_semaphore, #tpu.memory_space<semaphore_mem>>)
      %mul3A_77 = arith.constant 1000 : i32
      %mul3A_78 = arith.muli %arg1, %mul3A_77 : i32
      %add3A_79 = arith.constant 125 : i32
      %add3A_80 = arith.addi %mul3A_78, %add3A_79 : i32
      %dma_start3A_81 = arith.constant 0 : i32
      %dma_start3A_82 = tpu.memref_slice %arg14[%add3A_80, %dma_start3A_81] : memref<10000x128xf32, #tpu.memory_space<vmem_shared>> -> memref<25x128xf32, #tpu.memory_space<vmem_shared>>
      %dma_start3A_83 = arith.constant 0 : i32
      %dma_start3A_84 = tpu.memref_slice %arg14[%add3A_80, %dma_start3A_83] : memref<10000x128xf32, #tpu.memory_space<vmem_shared>> -> memref<25x128xf32, #tpu.memory_space<vmem_shared>>
      tpu.enqueue_dma source(%arg10 : memref<25x128xf32, #tpu.memory_space<vmem>>) target(%dma_start3A_84 : memref<25x128xf32, #tpu.memory_space<vmem_shared>>) target_semaphore(%arg12 : memref<!tpu.dma_semaphore, #tpu.memory_space<semaphore_mem>>)
      %mul3A_85 = arith.constant 1000 : i32
      %mul3A_86 = arith.muli %arg1, %mul3A_85 : i32
      %add3A_87 = arith.constant 150 : i32
      %add3A_88 = arith.addi %mul3A_86, %add3A_87 : i32
      %dma_start3A_89 = arith.constant 0 : i32
      %dma_start3A_90 = tpu.memref_slice %arg14[%add3A_88, %dma_start3A_89] : memref<10000x128xf32, #tpu.memory_space<vmem_shared>> -> memref<25x128xf32, #tpu.memory_space<vmem_shared>>
      %dma_start3A_91 = arith.constant 0 : i32
      %dma_start3A_92 = tpu.memref_slice %arg14[%add3A_88, %dma_start3A_91] : memref<10000x128xf32, #tpu.memory_space<vmem_shared>> -> memref<25x128xf32, #tpu.memory_space<vmem_shared>>
      tpu.enqueue_dma source(%arg10 : memref<25x128xf32, #tpu.memory_space<vmem>>) target(%dma_start3A_92 : memref<25x128xf32, #tpu.memory_space<vmem_shared>>) target_semaphore(%arg12 : memref<!tpu.dma_semaphore, #tpu.memory_space<semaphore_mem>>)
      %mul3A_93 = arith.constant 1000 : i32
      %mul3A_94 = arith.muli %arg1, %mul3A_93 : i32
      %add3A_95 = arith.constant 175 : i32
      %add3A_96 = arith.addi %mul3A_94, %add3A_95 : i32
      %dma_start3A_97 = arith.constant 0 : i32
      %dma_start3A_98 = tpu.memref_slice %arg14[%add3A_96, %dma_start3A_97] : memref<10000x128xf32, #tpu.memory_space<vmem_shared>> -> memref<25x128xf32, #tpu.memory_space<vmem_shared>>
      %dma_start3A_99 = arith.constant 0 : i32
      %dma_start3A_100 = tpu.memref_slice %arg14[%add3A_96, %dma_start3A_99] : memref<10000x128xf32, #tpu.memory_space<vmem_shared>> -> memref<25x128xf32, #tpu.memory_space<vmem_shared>>
      tpu.enqueue_dma source(%arg10 : memref<25x128xf32, #tpu.memory_space<vmem>>) target(%dma_start3A_100 : memref<25x128xf32, #tpu.memory_space<vmem_shared>>) target_semaphore(%arg12 : memref<!tpu.dma_semaphore, #tpu.memory_space<semaphore_mem>>)
      %mul3A_101 = arith.constant 1000 : i32
      %mul3A_102 = arith.muli %arg1, %mul3A_101 : i32
      %add3A_103 = arith.constant 200 : i32
      %add3A_104 = arith.addi %mul3A_102, %add3A_103 : i32
      %dma_start3A_105 = arith.constant 0 : i32
      %dma_start3A_106 = tpu.memref_slice %arg14[%add3A_104, %dma_start3A_105] : memref<10000x128xf32, #tpu.memory_space<vmem_shared>> -> memref<25x128xf32, #tpu.memory_space<vmem_shared>>
      %dma_start3A_107 = arith.constant 0 : i32
      %dma_start3A_108 = tpu.memref_slice %arg14[%add3A_104, %dma_start3A_107] : memref<10000x128xf32, #tpu.memory_space<vmem_shared>> -> memref<25x128xf32, #tpu.memory_space<vmem_shared>>
      tpu.enqueue_dma source(%arg10 : memref<25x128xf32, #tpu.memory_space<vmem>>) target(%dma_start3A_108 : memref<25x128xf32, #tpu.memory_space<vmem_shared>>) target_semaphore(%arg12 : memref<!tpu.dma_semaphore, #tpu.memory_space<semaphore_mem>>)
      %mul3A_109 = arith.constant 1000 : i32
      %mul3A_110 = arith.muli %arg1, %mul3A_109 : i32
      %add3A_111 = arith.constant 225 : i32
      %add3A_112 = arith.addi %mul3A_110, %add3A_111 : i32
      %dma_start3A_113 = arith.constant 0 : i32
      %dma_start3A_114 = tpu.memref_slice %arg14[%add3A_112, %dma_start3A_113] : memref<10000x128xf32, #tpu.memory_space<vmem_shared>> -> memref<25x128xf32, #tpu.memory_space<vmem_shared>>
      %dma_start3A_115 = arith.constant 0 : i32
      %dma_start3A_116 = tpu.memref_slice %arg14[%add3A_112, %dma_start3A_115] : memref<10000x128xf32, #tpu.memory_space<vmem_shared>> -> memref<25x128xf32, #tpu.memory_space<vmem_shared>>
      tpu.enqueue_dma source(%arg10 : memref<25x128xf32, #tpu.memory_space<vmem>>) target(%dma_start3A_116 : memref<25x128xf32, #tpu.memory_space<vmem_shared>>) target_semaphore(%arg12 : memref<!tpu.dma_semaphore, #tpu.memory_space<semaphore_mem>>)
      %mul3A_117 = arith.constant 1000 : i32
      %mul3A_118 = arith.muli %arg1, %mul3A_117 : i32
      %add3A_119 = arith.constant 250 : i32
      %add3A_120 = arith.addi %mul3A_118, %add3A_119 : i32
      %dma_start3A_121 = arith.constant 0 : i32
      %dma_start3A_122 = tpu.memref_slice %arg14[%add3A_120, %dma_start3A_121] : memref<10000x128xf32, #tpu.memory_space<vmem_shared>> -> memref<25x128xf32, #tpu.memory_space<vmem_shared>>
      %dma_start3A_123 = arith.constant 0 : i32
      %dma_start3A_124 = tpu.memref_slice %arg14[%add3A_120, %dma_start3A_123] : memref<10000x128xf32, #tpu.memory_space<vmem_shared>> -> memref<25x128xf32, #tpu.memory_space<vmem_shared>>
      tpu.enqueue_dma source(%arg10 : memref<25x128xf32, #tpu.memory_space<vmem>>) target(%dma_start3A_124 : memref<25x128xf32, #tpu.memory_space<vmem_shared>>) target_semaphore(%arg12 : memref<!tpu.dma_semaphore, #tpu.memory_space<semaphore_mem>>)
      %mul3A_125 = arith.constant 1000 : i32
      %mul3A_126 = arith.muli %arg1, %mul3A_125 : i32
      %add3A_127 = arith.constant 275 : i32
      %add3A_128 = arith.addi %mul3A_126, %add3A_127 : i32
      %dma_start3A_129 = arith.constant 0 : i32
      %dma_start3A_130 = tpu.memref_slice %arg14[%add3A_128, %dma_start3A_129] : memref<10000x128xf32, #tpu.memory_space<vmem_shared>> -> memref<25x128xf32, #tpu.memory_space<vmem_shared>>
      %dma_start3A_131 = arith.constant 0 : i32
      %dma_start3A_132 = tpu.memref_slice %arg14[%add3A_128, %dma_start3A_131] : memref<10000x128xf32, #tpu.memory_space<vmem_shared>> -> memref<25x128xf32, #tpu.memory_space<vmem_shared>>
      tpu.enqueue_dma source(%arg10 : memref<25x128xf32, #tpu.memory_space<vmem>>) target(%dma_start3A_132 : memref<25x128xf32, #tpu.memory_space<vmem_shared>>) target_semaphore(%arg12 : memref<!tpu.dma_semaphore, #tpu.memory_space<semaphore_mem>>)
      %mul3A_133 = arith.constant 1000 : i32
      %mul3A_134 = arith.muli %arg1, %mul3A_133 : i32
      %add3A_135 = arith.constant 300 : i32
      %add3A_136 = arith.addi %mul3A_134, %add3A_135 : i32
      %dma_start3A_137 = arith.constant 0 : i32
      %dma_start3A_138 = tpu.memref_slice %arg14[%add3A_136, %dma_start3A_137] : memref<10000x128xf32, #tpu.memory_space<vmem_shared>> -> memref<25x128xf32, #tpu.memory_space<vmem_shared>>
      %dma_start3A_139 = arith.constant 0 : i32
      %dma_start3A_140 = tpu.memref_slice %arg14[%add3A_136, %dma_start3A_139] : memref<10000x128xf32, #tpu.memory_space<vmem_shared>> -> memref<25x128xf32, #tpu.memory_space<vmem_shared>>
      tpu.enqueue_dma source(%arg10 : memref<25x128xf32, #tpu.memory_space<vmem>>) target(%dma_start3A_140 : memref<25x128xf32, #tpu.memory_space<vmem_shared>>) target_semaphore(%arg12 : memref<!tpu.dma_semaphore, #tpu.memory_space<semaphore_mem>>)
      %mul3A_141 = arith.constant 1000 : i32
      %mul3A_142 = arith.muli %arg1, %mul3A_141 : i32
      %add3A_143 = arith.constant 325 : i32
      %add3A_144 = arith.addi %mul3A_142, %add3A_143 : i32
      %dma_start3A_145 = arith.constant 0 : i32
      %dma_start3A_146 = tpu.memref_slice %arg14[%add3A_144, %dma_start3A_145] : memref<10000x128xf32, #tpu.memory_space<vmem_shared>> -> memref<25x128xf32, #tpu.memory_space<vmem_shared>>
      %dma_start3A_147 = arith.constant 0 : i32
      %dma_start3A_148 = tpu.memref_slice %arg14[%add3A_144, %dma_start3A_147] : memref<10000x128xf32, #tpu.memory_space<vmem_shared>> -> memref<25x128xf32, #tpu.memory_space<vmem_shared>>
      tpu.enqueue_dma source(%arg10 : memref<25x128xf32, #tpu.memory_space<vmem>>) target(%dma_start3A_148 : memref<25x128xf32, #tpu.memory_space<vmem_shared>>) target_semaphore(%arg12 : memref<!tpu.dma_semaphore, #tpu.memory_space<semaphore_mem>>)
      %mul3A_149 = arith.constant 1000 : i32
      %mul3A_150 = arith.muli %arg1, %mul3A_149 : i32
      %add3A_151 = arith.constant 350 : i32
      %add3A_152 = arith.addi %mul3A_150, %add3A_151 : i32
      %dma_start3A_153 = arith.constant 0 : i32
      %dma_start3A_154 = tpu.memref_slice %arg14[%add3A_152, %dma_start3A_153] : memref<10000x128xf32, #tpu.memory_space<vmem_shared>> -> memref<25x128xf32, #tpu.memory_space<vmem_shared>>
      %dma_start3A_155 = arith.constant 0 : i32
      %dma_start3A_156 = tpu.memref_slice %arg14[%add3A_152, %dma_start3A_155] : memref<10000x128xf32, #tpu.memory_space<vmem_shared>> -> memref<25x128xf32, #tpu.memory_space<vmem_shared>>
      tpu.enqueue_dma source(%arg10 : memref<25x128xf32, #tpu.memory_space<vmem>>) target(%dma_start3A_156 : memref<25x128xf32, #tpu.memory_space<vmem_shared>>) target_semaphore(%arg12 : memref<!tpu.dma_semaphore, #tpu.memory_space<semaphore_mem>>)
      %mul3A_157 = arith.constant 1000 : i32
      %mul3A_158 = arith.muli %arg1, %mul3A_157 : i32
      %add3A_159 = arith.constant 375 : i32
      %add3A_160 = arith.addi %mul3A_158, %add3A_159 : i32
      %dma_start3A_161 = arith.constant 0 : i32
      %dma_start3A_162 = tpu.memref_slice %arg14[%add3A_160, %dma_start3A_161] : memref<10000x128xf32, #tpu.memory_space<vmem_shared>> -> memref<25x128xf32, #tpu.memory_space<vmem_shared>>
      %dma_start3A_163 = arith.constant 0 : i32
      %dma_start3A_164 = tpu.memref_slice %arg14[%add3A_160, %dma_start3A_163] : memref<10000x128xf32, #tpu.memory_space<vmem_shared>> -> memref<25x128xf32, #tpu.memory_space<vmem_shared>>
      tpu.enqueue_dma source(%arg10 : memref<25x128xf32, #tpu.memory_space<vmem>>) target(%dma_start3A_164 : memref<25x128xf32, #tpu.memory_space<vmem_shared>>) target_semaphore(%arg12 : memref<!tpu.dma_semaphore, #tpu.memory_space<semaphore_mem>>)
      %mul3A_165 = arith.constant 1000 : i32
      %mul3A_166 = arith.muli %arg1, %mul3A_165 : i32
      %add3A_167 = arith.constant 400 : i32
      %add3A_168 = arith.addi %mul3A_166, %add3A_167 : i32
      %dma_start3A_169 = arith.constant 0 : i32
      %dma_start3A_170 = tpu.memref_slice %arg14[%add3A_168, %dma_start3A_169] : memref<10000x128xf32, #tpu.memory_space<vmem_shared>> -> memref<25x128xf32, #tpu.memory_space<vmem_shared>>
      %dma_start3A_171 = arith.constant 0 : i32
      %dma_start3A_172 = tpu.memref_slice %arg14[%add3A_168, %dma_start3A_171] : memref<10000x128xf32, #tpu.memory_space<vmem_shared>> -> memref<25x128xf32, #tpu.memory_space<vmem_shared>>
      tpu.enqueue_dma source(%arg10 : memref<25x128xf32, #tpu.memory_space<vmem>>) target(%dma_start3A_172 : memref<25x128xf32, #tpu.memory_space<vmem_shared>>) target_semaphore(%arg12 : memref<!tpu.dma_semaphore, #tpu.memory_space<semaphore_mem>>)
      %mul3A_173 = arith.constant 1000 : i32
      %mul3A_174 = arith.muli %arg1, %mul3A_173 : i32
      %add3A_175 = arith.constant 425 : i32
      %add3A_176 = arith.addi %mul3A_174, %add3A_175 : i32
      %dma_start3A_177 = arith.constant 0 : i32
      %dma_start3A_178 = tpu.memref_slice %arg14[%add3A_176, %dma_start3A_177] : memref<10000x128xf32, #tpu.memory_space<vmem_shared>> -> memref<25x128xf32, #tpu.memory_space<vmem_shared>>
      %dma_start3A_179 = arith.constant 0 : i32
      %dma_start3A_180 = tpu.memref_slice %arg14[%add3A_176, %dma_start3A_179] : memref<10000x128xf32, #tpu.memory_space<vmem_shared>> -> memref<25x128xf32, #tpu.memory_space<vmem_shared>>
      tpu.enqueue_dma source(%arg10 : memref<25x128xf32, #tpu.memory_space<vmem>>) target(%dma_start3A_180 : memref<25x128xf32, #tpu.memory_space<vmem_shared>>) target_semaphore(%arg12 : memref<!tpu.dma_semaphore, #tpu.memory_space<semaphore_mem>>)
      %mul3A_181 = arith.constant 1000 : i32
      %mul3A_182 = arith.muli %arg1, %mul3A_181 : i32
      %add3A_183 = arith.constant 450 : i32
      %add3A_184 = arith.addi %mul3A_182, %add3A_183 : i32
      %dma_start3A_185 = arith.constant 0 : i32
      %dma_start3A_186 = tpu.memref_slice %arg14[%add3A_184, %dma_start3A_185] : memref<10000x128xf32, #tpu.memory_space<vmem_shared>> -> memref<25x128xf32, #tpu.memory_space<vmem_shared>>
      %dma_start3A_187 = arith.constant 0 : i32
      %dma_start3A_188 = tpu.memref_slice %arg14[%add3A_184, %dma_start3A_187] : memref<10000x128xf32, #tpu.memory_space<vmem_shared>> -> memref<25x128xf32, #tpu.memory_space<vmem_shared>>
      tpu.enqueue_dma source(%arg10 : memref<25x128xf32, #tpu.memory_space<vmem>>) target(%dma_start3A_188 : memref<25x128xf32, #tpu.memory_space<vmem_shared>>) target_semaphore(%arg12 : memref<!tpu.dma_semaphore, #tpu.memory_space<semaphore_mem>>)
      %mul3A_189 = arith.constant 1000 : i32
      %mul3A_190 = arith.muli %arg1, %mul3A_189 : i32
      %add3A_191 = arith.constant 475 : i32
      %add3A_192 = arith.addi %mul3A_190, %add3A_191 : i32
      %dma_start3A_193 = arith.constant 0 : i32
      %dma_start3A_194 = tpu.memref_slice %arg14[%add3A_192, %dma_start3A_193] : memref<10000x128xf32, #tpu.memory_space<vmem_shared>> -> memref<25x128xf32, #tpu.memory_space<vmem_shared>>
      %dma_start3A_195 = arith.constant 0 : i32
      %dma_start3A_196 = tpu.memref_slice %arg14[%add3A_192, %dma_start3A_195] : memref<10000x128xf32, #tpu.memory_space<vmem_shared>> -> memref<25x128xf32, #tpu.memory_space<vmem_shared>>
      tpu.enqueue_dma source(%arg10 : memref<25x128xf32, #tpu.memory_space<vmem>>) target(%dma_start3A_196 : memref<25x128xf32, #tpu.memory_space<vmem_shared>>) target_semaphore(%arg12 : memref<!tpu.dma_semaphore, #tpu.memory_space<semaphore_mem>>)
      %mul3A_197 = arith.constant 1000 : i32
      %mul3A_198 = arith.muli %arg1, %mul3A_197 : i32
      %add3A_199 = arith.constant 500 : i32
      %add3A_200 = arith.addi %mul3A_198, %add3A_199 : i32
      %dma_start3A_201 = arith.constant 0 : i32
      %dma_start3A_202 = tpu.memref_slice %arg14[%add3A_200, %dma_start3A_201] : memref<10000x128xf32, #tpu.memory_space<vmem_shared>> -> memref<25x128xf32, #tpu.memory_space<vmem_shared>>
      %dma_start3A_203 = arith.constant 0 : i32
      %dma_start3A_204 = tpu.memref_slice %arg14[%add3A_200, %dma_start3A_203] : memref<10000x128xf32, #tpu.memory_space<vmem_shared>> -> memref<25x128xf32, #tpu.memory_space<vmem_shared>>
      tpu.enqueue_dma source(%arg10 : memref<25x128xf32, #tpu.memory_space<vmem>>) target(%dma_start3A_204 : memref<25x128xf32, #tpu.memory_space<vmem_shared>>) target_semaphore(%arg12 : memref<!tpu.dma_semaphore, #tpu.memory_space<semaphore_mem>>)
      %mul3A_205 = arith.constant 1000 : i32
      %mul3A_206 = arith.muli %arg1, %mul3A_205 : i32
      %add3A_207 = arith.constant 525 : i32
      %add3A_208 = arith.addi %mul3A_206, %add3A_207 : i32
      %dma_start3A_209 = arith.constant 0 : i32
      %dma_start3A_210 = tpu.memref_slice %arg14[%add3A_208, %dma_start3A_209] : memref<10000x128xf32, #tpu.memory_space<vmem_shared>> -> memref<25x128xf32, #tpu.memory_space<vmem_shared>>
      %dma_start3A_211 = arith.constant 0 : i32
      %dma_start3A_212 = tpu.memref_slice %arg14[%add3A_208, %dma_start3A_211] : memref<10000x128xf32, #tpu.memory_space<vmem_shared>> -> memref<25x128xf32, #tpu.memory_space<vmem_shared>>
      tpu.enqueue_dma source(%arg10 : memref<25x128xf32, #tpu.memory_space<vmem>>) target(%dma_start3A_212 : memref<25x128xf32, #tpu.memory_space<vmem_shared>>) target_semaphore(%arg12 : memref<!tpu.dma_semaphore, #tpu.memory_space<semaphore_mem>>)
      %mul3A_213 = arith.constant 1000 : i32
      %mul3A_214 = arith.muli %arg1, %mul3A_213 : i32
      %add3A_215 = arith.constant 550 : i32
      %add3A_216 = arith.addi %mul3A_214, %add3A_215 : i32
      %dma_start3A_217 = arith.constant 0 : i32
      %dma_start3A_218 = tpu.memref_slice %arg14[%add3A_216, %dma_start3A_217] : memref<10000x128xf32, #tpu.memory_space<vmem_shared>> -> memref<25x128xf32, #tpu.memory_space<vmem_shared>>
      %dma_start3A_219 = arith.constant 0 : i32
      %dma_start3A_220 = tpu.memref_slice %arg14[%add3A_216, %dma_start3A_219] : memref<10000x128xf32, #tpu.memory_space<vmem_shared>> -> memref<25x128xf32, #tpu.memory_space<vmem_shared>>
      tpu.enqueue_dma source(%arg10 : memref<25x128xf32, #tpu.memory_space<vmem>>) target(%dma_start3A_220 : memref<25x128xf32, #tpu.memory_space<vmem_shared>>) target_semaphore(%arg12 : memref<!tpu.dma_semaphore, #tpu.memory_space<semaphore_mem>>)
      %mul3A_221 = arith.constant 1000 : i32
      %mul3A_222 = arith.muli %arg1, %mul3A_221 : i32
      %add3A_223 = arith.constant 575 : i32
      %add3A_224 = arith.addi %mul3A_222, %add3A_223 : i32
      %dma_start3A_225 = arith.constant 0 : i32
      %dma_start3A_226 = tpu.memref_slice %arg14[%add3A_224, %dma_start3A_225] : memref<10000x128xf32, #tpu.memory_space<vmem_shared>> -> memref<25x128xf32, #tpu.memory_space<vmem_shared>>
      %dma_start3A_227 = arith.constant 0 : i32
      %dma_start3A_228 = tpu.memref_slice %arg14[%add3A_224, %dma_start3A_227] : memref<10000x128xf32, #tpu.memory_space<vmem_shared>> -> memref<25x128xf32, #tpu.memory_space<vmem_shared>>
      tpu.enqueue_dma source(%arg10 : memref<25x128xf32, #tpu.memory_space<vmem>>) target(%dma_start3A_228 : memref<25x128xf32, #tpu.memory_space<vmem_shared>>) target_semaphore(%arg12 : memref<!tpu.dma_semaphore, #tpu.memory_space<semaphore_mem>>)
      %mul3A_229 = arith.constant 1000 : i32
      %mul3A_230 = arith.muli %arg1, %mul3A_229 : i32
      %add3A_231 = arith.constant 600 : i32
      %add3A_232 = arith.addi %mul3A_230, %add3A_231 : i32
      %dma_start3A_233 = arith.constant 0 : i32
      %dma_start3A_234 = tpu.memref_slice %arg14[%add3A_232, %dma_start3A_233] : memref<10000x128xf32, #tpu.memory_space<vmem_shared>> -> memref<25x128xf32, #tpu.memory_space<vmem_shared>>
      %dma_start3A_235 = arith.constant 0 : i32
      %dma_start3A_236 = tpu.memref_slice %arg14[%add3A_232, %dma_start3A_235] : memref<10000x128xf32, #tpu.memory_space<vmem_shared>> -> memref<25x128xf32, #tpu.memory_space<vmem_shared>>
      tpu.enqueue_dma source(%arg10 : memref<25x128xf32, #tpu.memory_space<vmem>>) target(%dma_start3A_236 : memref<25x128xf32, #tpu.memory_space<vmem_shared>>) target_semaphore(%arg12 : memref<!tpu.dma_semaphore, #tpu.memory_space<semaphore_mem>>)
      %mul3A_237 = arith.constant 1000 : i32
      %mul3A_238 = arith.muli %arg1, %mul3A_237 : i32
      %add3A_239 = arith.constant 625 : i32
      %add3A_240 = arith.addi %mul3A_238, %add3A_239 : i32
      %dma_start3A_241 = arith.constant 0 : i32
      %dma_start3A_242 = tpu.memref_slice %arg14[%add3A_240, %dma_start3A_241] : memref<10000x128xf32, #tpu.memory_space<vmem_shared>> -> memref<25x128xf32, #tpu.memory_space<vmem_shared>>
      %dma_start3A_243 = arith.constant 0 : i32
      %dma_start3A_244 = tpu.memref_slice %arg14[%add3A_240, %dma_start3A_243] : memref<10000x128xf32, #tpu.memory_space<vmem_shared>> -> memref<25x128xf32, #tpu.memory_space<vmem_shared>>
      tpu.enqueue_dma source(%arg10 : memref<25x128xf32, #tpu.memory_space<vmem>>) target(%dma_start3A_244 : memref<25x128xf32, #tpu.memory_space<vmem_shared>>) target_semaphore(%arg12 : memref<!tpu.dma_semaphore, #tpu.memory_space<semaphore_mem>>)
      %mul3A_245 = arith.constant 1000 : i32
      %mul3A_246 = arith.muli %arg1, %mul3A_245 : i32
      %add3A_247 = arith.constant 650 : i32
      %add3A_248 = arith.addi %mul3A_246, %add3A_247 : i32
      %dma_start3A_249 = arith.constant 0 : i32
      %dma_start3A_250 = tpu.memref_slice %arg14[%add3A_248, %dma_start3A_249] : memref<10000x128xf32, #tpu.memory_space<vmem_shared>> -> memref<25x128xf32, #tpu.memory_space<vmem_shared>>
      %dma_start3A_251 = arith.constant 0 : i32
      %dma_start3A_252 = tpu.memref_slice %arg14[%add3A_248, %dma_start3A_251] : memref<10000x128xf32, #tpu.memory_space<vmem_shared>> -> memref<25x128xf32, #tpu.memory_space<vmem_shared>>
      tpu.enqueue_dma source(%arg10 : memref<25x128xf32, #tpu.memory_space<vmem>>) target(%dma_start3A_252 : memref<25x128xf32, #tpu.memory_space<vmem_shared>>) target_semaphore(%arg12 : memref<!tpu.dma_semaphore, #tpu.memory_space<semaphore_mem>>)
      %mul3A_253 = arith.constant 1000 : i32
      %mul3A_254 = arith.muli %arg1, %mul3A_253 : i32
      %add3A_255 = arith.constant 675 : i32
      %add3A_256 = arith.addi %mul3A_254, %add3A_255 : i32
      %dma_start3A_257 = arith.constant 0 : i32
      %dma_start3A_258 = tpu.memref_slice %arg14[%add3A_256, %dma_start3A_257] : memref<10000x128xf32, #tpu.memory_space<vmem_shared>> -> memref<25x128xf32, #tpu.memory_space<vmem_shared>>
      %dma_start3A_259 = arith.constant 0 : i32
      %dma_start3A_260 = tpu.memref_slice %arg14[%add3A_256, %dma_start3A_259] : memref<10000x128xf32, #tpu.memory_space<vmem_shared>> -> memref<25x128xf32, #tpu.memory_space<vmem_shared>>
      tpu.enqueue_dma source(%arg10 : memref<25x128xf32, #tpu.memory_space<vmem>>) target(%dma_start3A_260 : memref<25x128xf32, #tpu.memory_space<vmem_shared>>) target_semaphore(%arg12 : memref<!tpu.dma_semaphore, #tpu.memory_space<semaphore_mem>>)
      %mul3A_261 = arith.constant 1000 : i32
      %mul3A_262 = arith.muli %arg1, %mul3A_261 : i32
      %add3A_263 = arith.constant 700 : i32
      %add3A_264 = arith.addi %mul3A_262, %add3A_263 : i32
      %dma_start3A_265 = arith.constant 0 : i32
      %dma_start3A_266 = tpu.memref_slice %arg14[%add3A_264, %dma_start3A_265] : memref<10000x128xf32, #tpu.memory_space<vmem_shared>> -> memref<25x128xf32, #tpu.memory_space<vmem_shared>>
      %dma_start3A_267 = arith.constant 0 : i32
      %dma_start3A_268 = tpu.memref_slice %arg14[%add3A_264, %dma_start3A_267] : memref<10000x128xf32, #tpu.memory_space<vmem_shared>> -> memref<25x128xf32, #tpu.memory_space<vmem_shared>>
      tpu.enqueue_dma source(%arg10 : memref<25x128xf32, #tpu.memory_space<vmem>>) target(%dma_start3A_268 : memref<25x128xf32, #tpu.memory_space<vmem_shared>>) target_semaphore(%arg12 : memref<!tpu.dma_semaphore, #tpu.memory_space<semaphore_mem>>)
      %mul3A_269 = arith.constant 1000 : i32
      %mul3A_270 = arith.muli %arg1, %mul3A_269 : i32
      %add3A_271 = arith.constant 725 : i32
      %add3A_272 = arith.addi %mul3A_270, %add3A_271 : i32
      %dma_start3A_273 = arith.constant 0 : i32
      %dma_start3A_274 = tpu.memref_slice %arg14[%add3A_272, %dma_start3A_273] : memref<10000x128xf32, #tpu.memory_space<vmem_shared>> -> memref<25x128xf32, #tpu.memory_space<vmem_shared>>
      %dma_start3A_275 = arith.constant 0 : i32
      %dma_start3A_276 = tpu.memref_slice %arg14[%add3A_272, %dma_start3A_275] : memref<10000x128xf32, #tpu.memory_space<vmem_shared>> -> memref<25x128xf32, #tpu.memory_space<vmem_shared>>
      tpu.enqueue_dma source(%arg10 : memref<25x128xf32, #tpu.memory_space<vmem>>) target(%dma_start3A_276 : memref<25x128xf32, #tpu.memory_space<vmem_shared>>) target_semaphore(%arg12 : memref<!tpu.dma_semaphore, #tpu.memory_space<semaphore_mem>>)
      %mul3A_277 = arith.constant 1000 : i32
      %mul3A_278 = arith.muli %arg1, %mul3A_277 : i32
      %add3A_279 = arith.constant 750 : i32
      %add3A_280 = arith.addi %mul3A_278, %add3A_279 : i32
      %dma_start3A_281 = arith.constant 0 : i32
      %dma_start3A_282 = tpu.memref_slice %arg14[%add3A_280, %dma_start3A_281] : memref<10000x128xf32, #tpu.memory_space<vmem_shared>> -> memref<25x128xf32, #tpu.memory_space<vmem_shared>>
      %dma_start3A_283 = arith.constant 0 : i32
      %dma_start3A_284 = tpu.memref_slice %arg14[%add3A_280, %dma_start3A_283] : memref<10000x128xf32, #tpu.memory_space<vmem_shared>> -> memref<25x128xf32, #tpu.memory_space<vmem_shared>>
      tpu.enqueue_dma source(%arg10 : memref<25x128xf32, #tpu.memory_space<vmem>>) target(%dma_start3A_284 : memref<25x128xf32, #tpu.memory_space<vmem_shared>>) target_semaphore(%arg12 : memref<!tpu.dma_semaphore, #tpu.memory_space<semaphore_mem>>)
      %mul3A_285 = arith.constant 1000 : i32
      %mul3A_286 = arith.muli %arg1, %mul3A_285 : i32
      %add3A_287 = arith.constant 775 : i32
      %add3A_288 = arith.addi %mul3A_286, %add3A_287 : i32
      %dma_start3A_289 = arith.constant 0 : i32
      %dma_start3A_290 = tpu.memref_slice %arg14[%add3A_288, %dma_start3A_289] : memref<10000x128xf32, #tpu.memory_space<vmem_shared>> -> memref<25x128xf32, #tpu.memory_space<vmem_shared>>
      %dma_start3A_291 = arith.constant 0 : i32
      %dma_start3A_292 = tpu.memref_slice %arg14[%add3A_288, %dma_start3A_291] : memref<10000x128xf32, #tpu.memory_space<vmem_shared>> -> memref<25x128xf32, #tpu.memory_space<vmem_shared>>
      tpu.enqueue_dma source(%arg10 : memref<25x128xf32, #tpu.memory_space<vmem>>) target(%dma_start3A_292 : memref<25x128xf32, #tpu.memory_space<vmem_shared>>) target_semaphore(%arg12 : memref<!tpu.dma_semaphore, #tpu.memory_space<semaphore_mem>>)
      %mul3A_293 = arith.constant 1000 : i32
      %mul3A_294 = arith.muli %arg1, %mul3A_293 : i32
      %add3A_295 = arith.constant 800 : i32
      %add3A_296 = arith.addi %mul3A_294, %add3A_295 : i32
      %dma_start3A_297 = arith.constant 0 : i32
      %dma_start3A_298 = tpu.memref_slice %arg14[%add3A_296, %dma_start3A_297] : memref<10000x128xf32, #tpu.memory_space<vmem_shared>> -> memref<25x128xf32, #tpu.memory_space<vmem_shared>>
      %dma_start3A_299 = arith.constant 0 : i32
      %dma_start3A_300 = tpu.memref_slice %arg14[%add3A_296, %dma_start3A_299] : memref<10000x128xf32, #tpu.memory_space<vmem_shared>> -> memref<25x128xf32, #tpu.memory_space<vmem_shared>>
      tpu.enqueue_dma source(%arg10 : memref<25x128xf32, #tpu.memory_space<vmem>>) target(%dma_start3A_300 : memref<25x128xf32, #tpu.memory_space<vmem_shared>>) target_semaphore(%arg12 : memref<!tpu.dma_semaphore, #tpu.memory_space<semaphore_mem>>)
      %mul3A_301 = arith.constant 1000 : i32
      %mul3A_302 = arith.muli %arg1, %mul3A_301 : i32
      %add3A_303 = arith.constant 825 : i32
      %add3A_304 = arith.addi %mul3A_302, %add3A_303 : i32
      %dma_start3A_305 = arith.constant 0 : i32
      %dma_start3A_306 = tpu.memref_slice %arg14[%add3A_304, %dma_start3A_305] : memref<10000x128xf32, #tpu.memory_space<vmem_shared>> -> memref<25x128xf32, #tpu.memory_space<vmem_shared>>
      %dma_start3A_307 = arith.constant 0 : i32
      %dma_start3A_308 = tpu.memref_slice %arg14[%add3A_304, %dma_start3A_307] : memref<10000x128xf32, #tpu.memory_space<vmem_shared>> -> memref<25x128xf32, #tpu.memory_space<vmem_shared>>
      tpu.enqueue_dma source(%arg10 : memref<25x128xf32, #tpu.memory_space<vmem>>) target(%dma_start3A_308 : memref<25x128xf32, #tpu.memory_space<vmem_shared>>) target_semaphore(%arg12 : memref<!tpu.dma_semaphore, #tpu.memory_space<semaphore_mem>>)
      %mul3A_309 = arith.constant 1000 : i32
      %mul3A_310 = arith.muli %arg1, %mul3A_309 : i32
      %add3A_311 = arith.constant 850 : i32
      %add3A_312 = arith.addi %mul3A_310, %add3A_311 : i32
      %dma_start3A_313 = arith.constant 0 : i32
      %dma_start3A_314 = tpu.memref_slice %arg14[%add3A_312, %dma_start3A_313] : memref<10000x128xf32, #tpu.memory_space<vmem_shared>> -> memref<25x128xf32, #tpu.memory_space<vmem_shared>>
      %dma_start3A_315 = arith.constant 0 : i32
      %dma_start3A_316 = tpu.memref_slice %arg14[%add3A_312, %dma_start3A_315] : memref<10000x128xf32, #tpu.memory_space<vmem_shared>> -> memref<25x128xf32, #tpu.memory_space<vmem_shared>>
      tpu.enqueue_dma source(%arg10 : memref<25x128xf32, #tpu.memory_space<vmem>>) target(%dma_start3A_316 : memref<25x128xf32, #tpu.memory_space<vmem_shared>>) target_semaphore(%arg12 : memref<!tpu.dma_semaphore, #tpu.memory_space<semaphore_mem>>)
      %mul3A_317 = arith.constant 1000 : i32
      %mul3A_318 = arith.muli %arg1, %mul3A_317 : i32
      %add3A_319 = arith.constant 875 : i32
      %add3A_320 = arith.addi %mul3A_318, %add3A_319 : i32
      %dma_start3A_321 = arith.constant 0 : i32
      %dma_start3A_322 = tpu.memref_slice %arg14[%add3A_320, %dma_start3A_321] : memref<10000x128xf32, #tpu.memory_space<vmem_shared>> -> memref<25x128xf32, #tpu.memory_space<vmem_shared>>
      %dma_start3A_323 = arith.constant 0 : i32
      %dma_start3A_324 = tpu.memref_slice %arg14[%add3A_320, %dma_start3A_323] : memref<10000x128xf32, #tpu.memory_space<vmem_shared>> -> memref<25x128xf32, #tpu.memory_space<vmem_shared>>
      tpu.enqueue_dma source(%arg10 : memref<25x128xf32, #tpu.memory_space<vmem>>) target(%dma_start3A_324 : memref<25x128xf32, #tpu.memory_space<vmem_shared>>) target_semaphore(%arg12 : memref<!tpu.dma_semaphore, #tpu.memory_space<semaphore_mem>>)
      %mul3A_325 = arith.constant 1000 : i32
      %mul3A_326 = arith.muli %arg1, %mul3A_325 : i32
      %add3A_327 = arith.constant 900 : i32
      %add3A_328 = arith.addi %mul3A_326, %add3A_327 : i32
      %dma_start3A_329 = arith.constant 0 : i32
      %dma_start3A_330 = tpu.memref_slice %arg14[%add3A_328, %dma_start3A_329] : memref<10000x128xf32, #tpu.memory_space<vmem_shared>> -> memref<25x128xf32, #tpu.memory_space<vmem_shared>>
      %dma_start3A_331 = arith.constant 0 : i32
      %dma_start3A_332 = tpu.memref_slice %arg14[%add3A_328, %dma_start3A_331] : memref<10000x128xf32, #tpu.memory_space<vmem_shared>> -> memref<25x128xf32, #tpu.memory_space<vmem_shared>>
      tpu.enqueue_dma source(%arg10 : memref<25x128xf32, #tpu.memory_space<vmem>>) target(%dma_start3A_332 : memref<25x128xf32, #tpu.memory_space<vmem_shared>>) target_semaphore(%arg12 : memref<!tpu.dma_semaphore, #tpu.memory_space<semaphore_mem>>)
      %mul3A_333 = arith.constant 1000 : i32
      %mul3A_334 = arith.muli %arg1, %mul3A_333 : i32
      %add3A_335 = arith.constant 925 : i32
      %add3A_336 = arith.addi %mul3A_334, %add3A_335 : i32
      %dma_start3A_337 = arith.constant 0 : i32
      %dma_start3A_338 = tpu.memref_slice %arg14[%add3A_336, %dma_start3A_337] : memref<10000x128xf32, #tpu.memory_space<vmem_shared>> -> memref<25x128xf32, #tpu.memory_space<vmem_shared>>
      %dma_start3A_339 = arith.constant 0 : i32
      %dma_start3A_340 = tpu.memref_slice %arg14[%add3A_336, %dma_start3A_339] : memref<10000x128xf32, #tpu.memory_space<vmem_shared>> -> memref<25x128xf32, #tpu.memory_space<vmem_shared>>
      tpu.enqueue_dma source(%arg10 : memref<25x128xf32, #tpu.memory_space<vmem>>) target(%dma_start3A_340 : memref<25x128xf32, #tpu.memory_space<vmem_shared>>) target_semaphore(%arg12 : memref<!tpu.dma_semaphore, #tpu.memory_space<semaphore_mem>>)
      %mul3A_341 = arith.constant 1000 : i32
      %mul3A_342 = arith.muli %arg1, %mul3A_341 : i32
      %add3A_343 = arith.constant 950 : i32
      %add3A_344 = arith.addi %mul3A_342, %add3A_343 : i32
      %dma_start3A_345 = arith.constant 0 : i32
      %dma_start3A_346 = tpu.memref_slice %arg14[%add3A_344, %dma_start3A_345] : memref<10000x128xf32, #tpu.memory_space<vmem_shared>> -> memref<25x128xf32, #tpu.memory_space<vmem_shared>>
      %dma_start3A_347 = arith.constant 0 : i32
      %dma_start3A_348 = tpu.memref_slice %arg14[%add3A_344, %dma_start3A_347] : memref<10000x128xf32, #tpu.memory_space<vmem_shared>> -> memref<25x128xf32, #tpu.memory_space<vmem_shared>>
      tpu.enqueue_dma source(%arg10 : memref<25x128xf32, #tpu.memory_space<vmem>>) target(%dma_start3A_348 : memref<25x128xf32, #tpu.memory_space<vmem_shared>>) target_semaphore(%arg12 : memref<!tpu.dma_semaphore, #tpu.memory_space<semaphore_mem>>)
      %mul3A_349 = arith.constant 1000 : i32
      %mul3A_350 = arith.muli %arg1, %mul3A_349 : i32
      %add3A_351 = arith.constant 975 : i32
      %add3A_352 = arith.addi %mul3A_350, %add3A_351 : i32
      %dma_start3A_353 = arith.constant 0 : i32
      %dma_start3A_354 = tpu.memref_slice %arg14[%add3A_352, %dma_start3A_353] : memref<10000x128xf32, #tpu.memory_space<vmem_shared>> -> memref<25x128xf32, #tpu.memory_space<vmem_shared>>
      %dma_start3A_355 = arith.constant 0 : i32
      %dma_start3A_356 = tpu.memref_slice %arg14[%add3A_352, %dma_start3A_355] : memref<10000x128xf32, #tpu.memory_space<vmem_shared>> -> memref<25x128xf32, #tpu.memory_space<vmem_shared>>
      tpu.enqueue_dma source(%arg10 : memref<25x128xf32, #tpu.memory_space<vmem>>) target(%dma_start3A_356 : memref<25x128xf32, #tpu.memory_space<vmem_shared>>) target_semaphore(%arg12 : memref<!tpu.dma_semaphore, #tpu.memory_space<semaphore_mem>>)
      %mul3A_357 = arith.constant 1000 : i32
      %mul3A_358 = arith.muli %arg1, %mul3A_357 : i32
      %add3A_359 = arith.constant 0 : i32
      %add3A_360 = arith.addi %mul3A_358, %add3A_359 : i32
      %dma_wait3A_361 = arith.constant 0 : i32
      %dma_wait3A_362 = tpu.memref_slice %arg14[%add3A_360, %dma_wait3A_361] : memref<10000x128xf32, #tpu.memory_space<vmem_shared>> -> memref<25x128xf32, #tpu.memory_space<vmem_shared>>
      %dma_wait3A_363 = arith.constant 0 : i32
      %dma_wait3A_364 = tpu.memref_slice %arg14[%add3A_360, %dma_wait3A_363] : memref<10000x128xf32, #tpu.memory_space<vmem_shared>> -> memref<25x128xf32, #tpu.memory_space<vmem_shared>>
      tpu.wait_dma2 semaphore(%arg12 : memref<!tpu.dma_semaphore, #tpu.memory_space<semaphore_mem>>) src(%arg10 : memref<25x128xf32, #tpu.memory_space<vmem>>) dst(%dma_wait3A_364 : memref<25x128xf32, #tpu.memory_space<vmem_shared>>)
      %mul3A_365 = arith.constant 1000 : i32
      %mul3A_366 = arith.muli %arg1, %mul3A_365 : i32
      %add3A_367 = arith.constant 25 : i32
      %add3A_368 = arith.addi %mul3A_366, %add3A_367 : i32
      %dma_wait3A_369 = arith.constant 0 : i32
      %dma_wait3A_370 = tpu.memref_slice %arg14[%add3A_368, %dma_wait3A_369] : memref<10000x128xf32, #tpu.memory_space<vmem_shared>> -> memref<25x128xf32, #tpu.memory_space<vmem_shared>>
      %dma_wait3A_371 = arith.constant 0 : i32
      %dma_wait3A_372 = tpu.memref_slice %arg14[%add3A_368, %dma_wait3A_371] : memref<10000x128xf32, #tpu.memory_space<vmem_shared>> -> memref<25x128xf32, #tpu.memory_space<vmem_shared>>
      tpu.wait_dma2 semaphore(%arg12 : memref<!tpu.dma_semaphore, #tpu.memory_space<semaphore_mem>>) src(%arg10 : memref<25x128xf32, #tpu.memory_space<vmem>>) dst(%dma_wait3A_372 : memref<25x128xf32, #tpu.memory_space<vmem_shared>>)
      %mul3A_373 = arith.constant 1000 : i32
      %mul3A_374 = arith.muli %arg1, %mul3A_373 : i32
      %add3A_375 = arith.constant 50 : i32
      %add3A_376 = arith.addi %mul3A_374, %add3A_375 : i32
      %dma_wait3A_377 = arith.constant 0 : i32
      %dma_wait3A_378 = tpu.memref_slice %arg14[%add3A_376, %dma_wait3A_377] : memref<10000x128xf32, #tpu.memory_space<vmem_shared>> -> memref<25x128xf32, #tpu.memory_space<vmem_shared>>
      %dma_wait3A_379 = arith.constant 0 : i32
      %dma_wait3A_380 = tpu.memref_slice %arg14[%add3A_376, %dma_wait3A_379] : memref<10000x128xf32, #tpu.memory_space<vmem_shared>> -> memref<25x128xf32, #tpu.memory_space<vmem_shared>>
      tpu.wait_dma2 semaphore(%arg12 : memref<!tpu.dma_semaphore, #tpu.memory_space<semaphore_mem>>) src(%arg10 : memref<25x128xf32, #tpu.memory_space<vmem>>) dst(%dma_wait3A_380 : memref<25x128xf32, #tpu.memory_space<vmem_shared>>)
      %mul3A_381 = arith.constant 1000 : i32
      %mul3A_382 = arith.muli %arg1, %mul3A_381 : i32
      %add3A_383 = arith.constant 75 : i32
      %add3A_384 = arith.addi %mul3A_382, %add3A_383 : i32
      %dma_wait3A_385 = arith.constant 0 : i32
      %dma_wait3A_386 = tpu.memref_slice %arg14[%add3A_384, %dma_wait3A_385] : memref<10000x128xf32, #tpu.memory_space<vmem_shared>> -> memref<25x128xf32, #tpu.memory_space<vmem_shared>>
      %dma_wait3A_387 = arith.constant 0 : i32
      %dma_wait3A_388 = tpu.memref_slice %arg14[%add3A_384, %dma_wait3A_387] : memref<10000x128xf32, #tpu.memory_space<vmem_shared>> -> memref<25x128xf32, #tpu.memory_space<vmem_shared>>
      tpu.wait_dma2 semaphore(%arg12 : memref<!tpu.dma_semaphore, #tpu.memory_space<semaphore_mem>>) src(%arg10 : memref<25x128xf32, #tpu.memory_space<vmem>>) dst(%dma_wait3A_388 : memref<25x128xf32, #tpu.memory_space<vmem_shared>>)
      %mul3A_389 = arith.constant 1000 : i32
      %mul3A_390 = arith.muli %arg1, %mul3A_389 : i32
      %add3A_391 = arith.constant 100 : i32
      %add3A_392 = arith.addi %mul3A_390, %add3A_391 : i32
      %dma_wait3A_393 = arith.constant 0 : i32
      %dma_wait3A_394 = tpu.memref_slice %arg14[%add3A_392, %dma_wait3A_393] : memref<10000x128xf32, #tpu.memory_space<vmem_shared>> -> memref<25x128xf32, #tpu.memory_space<vmem_shared>>
      %dma_wait3A_395 = arith.constant 0 : i32
      %dma_wait3A_396 = tpu.memref_slice %arg14[%add3A_392, %dma_wait3A_395] : memref<10000x128xf32, #tpu.memory_space<vmem_shared>> -> memref<25x128xf32, #tpu.memory_space<vmem_shared>>
      tpu.wait_dma2 semaphore(%arg12 : memref<!tpu.dma_semaphore, #tpu.memory_space<semaphore_mem>>) src(%arg10 : memref<25x128xf32, #tpu.memory_space<vmem>>) dst(%dma_wait3A_396 : memref<25x128xf32, #tpu.memory_space<vmem_shared>>)
      %mul3A_397 = arith.constant 1000 : i32
      %mul3A_398 = arith.muli %arg1, %mul3A_397 : i32
      %add3A_399 = arith.constant 125 : i32
      %add3A_400 = arith.addi %mul3A_398, %add3A_399 : i32
      %dma_wait3A_401 = arith.constant 0 : i32
      %dma_wait3A_402 = tpu.memref_slice %arg14[%add3A_400, %dma_wait3A_401] : memref<10000x128xf32, #tpu.memory_space<vmem_shared>> -> memref<25x128xf32, #tpu.memory_space<vmem_shared>>
      %dma_wait3A_403 = arith.constant 0 : i32
      %dma_wait3A_404 = tpu.memref_slice %arg14[%add3A_400, %dma_wait3A_403] : memref<10000x128xf32, #tpu.memory_space<vmem_shared>> -> memref<25x128xf32, #tpu.memory_space<vmem_shared>>
      tpu.wait_dma2 semaphore(%arg12 : memref<!tpu.dma_semaphore, #tpu.memory_space<semaphore_mem>>) src(%arg10 : memref<25x128xf32, #tpu.memory_space<vmem>>) dst(%dma_wait3A_404 : memref<25x128xf32, #tpu.memory_space<vmem_shared>>)
      %mul3A_405 = arith.constant 1000 : i32
      %mul3A_406 = arith.muli %arg1, %mul3A_405 : i32
      %add3A_407 = arith.constant 150 : i32
      %add3A_408 = arith.addi %mul3A_406, %add3A_407 : i32
      %dma_wait3A_409 = arith.constant 0 : i32
      %dma_wait3A_410 = tpu.memref_slice %arg14[%add3A_408, %dma_wait3A_409] : memref<10000x128xf32, #tpu.memory_space<vmem_shared>> -> memref<25x128xf32, #tpu.memory_space<vmem_shared>>
      %dma_wait3A_411 = arith.constant 0 : i32
      %dma_wait3A_412 = tpu.memref_slice %arg14[%add3A_408, %dma_wait3A_411] : memref<10000x128xf32, #tpu.memory_space<vmem_shared>> -> memref<25x128xf32, #tpu.memory_space<vmem_shared>>
      tpu.wait_dma2 semaphore(%arg12 : memref<!tpu.dma_semaphore, #tpu.memory_space<semaphore_mem>>) src(%arg10 : memref<25x128xf32, #tpu.memory_space<vmem>>) dst(%dma_wait3A_412 : memref<25x128xf32, #tpu.memory_space<vmem_shared>>)
      %mul3A_413 = arith.constant 1000 : i32
      %mul3A_414 = arith.muli %arg1, %mul3A_413 : i32
      %add3A_415 = arith.constant 175 : i32
      %add3A_416 = arith.addi %mul3A_414, %add3A_415 : i32
      %dma_wait3A_417 = arith.constant 0 : i32
      %dma_wait3A_418 = tpu.memref_slice %arg14[%add3A_416, %dma_wait3A_417] : memref<10000x128xf32, #tpu.memory_space<vmem_shared>> -> memref<25x128xf32, #tpu.memory_space<vmem_shared>>
      %dma_wait3A_419 = arith.constant 0 : i32
      %dma_wait3A_420 = tpu.memref_slice %arg14[%add3A_416, %dma_wait3A_419] : memref<10000x128xf32, #tpu.memory_space<vmem_shared>> -> memref<25x128xf32, #tpu.memory_space<vmem_shared>>
      tpu.wait_dma2 semaphore(%arg12 : memref<!tpu.dma_semaphore, #tpu.memory_space<semaphore_mem>>) src(%arg10 : memref<25x128xf32, #tpu.memory_space<vmem>>) dst(%dma_wait3A_420 : memref<25x128xf32, #tpu.memory_space<vmem_shared>>)
      %mul3A_421 = arith.constant 1000 : i32
      %mul3A_422 = arith.muli %arg1, %mul3A_421 : i32
      %add3A_423 = arith.constant 200 : i32
      %add3A_424 = arith.addi %mul3A_422, %add3A_423 : i32
      %dma_wait3A_425 = arith.constant 0 : i32
      %dma_wait3A_426 = tpu.memref_slice %arg14[%add3A_424, %dma_wait3A_425] : memref<10000x128xf32, #tpu.memory_space<vmem_shared>> -> memref<25x128xf32, #tpu.memory_space<vmem_shared>>
      %dma_wait3A_427 = arith.constant 0 : i32
      %dma_wait3A_428 = tpu.memref_slice %arg14[%add3A_424, %dma_wait3A_427] : memref<10000x128xf32, #tpu.memory_space<vmem_shared>> -> memref<25x128xf32, #tpu.memory_space<vmem_shared>>
      tpu.wait_dma2 semaphore(%arg12 : memref<!tpu.dma_semaphore, #tpu.memory_space<semaphore_mem>>) src(%arg10 : memref<25x128xf32, #tpu.memory_space<vmem>>) dst(%dma_wait3A_428 : memref<25x128xf32, #tpu.memory_space<vmem_shared>>)
      %mul3A_429 = arith.constant 1000 : i32
      %mul3A_430 = arith.muli %arg1, %mul3A_429 : i32
      %add3A_431 = arith.constant 225 : i32
      %add3A_432 = arith.addi %mul3A_430, %add3A_431 : i32
      %dma_wait3A_433 = arith.constant 0 : i32
      %dma_wait3A_434 = tpu.memref_slice %arg14[%add3A_432, %dma_wait3A_433] : memref<10000x128xf32, #tpu.memory_space<vmem_shared>> -> memref<25x128xf32, #tpu.memory_space<vmem_shared>>
      %dma_wait3A_435 = arith.constant 0 : i32
      %dma_wait3A_436 = tpu.memref_slice %arg14[%add3A_432, %dma_wait3A_435] : memref<10000x128xf32, #tpu.memory_space<vmem_shared>> -> memref<25x128xf32, #tpu.memory_space<vmem_shared>>
      tpu.wait_dma2 semaphore(%arg12 : memref<!tpu.dma_semaphore, #tpu.memory_space<semaphore_mem>>) src(%arg10 : memref<25x128xf32, #tpu.memory_space<vmem>>) dst(%dma_wait3A_436 : memref<25x128xf32, #tpu.memory_space<vmem_shared>>)
      %mul3A_437 = arith.constant 1000 : i32
      %mul3A_438 = arith.muli %arg1, %mul3A_437 : i32
      %add3A_439 = arith.constant 250 : i32
      %add3A_440 = arith.addi %mul3A_438, %add3A_439 : i32
      %dma_wait3A_441 = arith.constant 0 : i32
      %dma_wait3A_442 = tpu.memref_slice %arg14[%add3A_440, %dma_wait3A_441] : memref<10000x128xf32, #tpu.memory_space<vmem_shared>> -> memref<25x128xf32, #tpu.memory_space<vmem_shared>>
      %dma_wait3A_443 = arith.constant 0 : i32
      %dma_wait3A_444 = tpu.memref_slice %arg14[%add3A_440, %dma_wait3A_443] : memref<10000x128xf32, #tpu.memory_space<vmem_shared>> -> memref<25x128xf32, #tpu.memory_space<vmem_shared>>
      tpu.wait_dma2 semaphore(%arg12 : memref<!tpu.dma_semaphore, #tpu.memory_space<semaphore_mem>>) src(%arg10 : memref<25x128xf32, #tpu.memory_space<vmem>>) dst(%dma_wait3A_444 : memref<25x128xf32, #tpu.memory_space<vmem_shared>>)
      %mul3A_445 = arith.constant 1000 : i32
      %mul3A_446 = arith.muli %arg1, %mul3A_445 : i32
      %add3A_447 = arith.constant 275 : i32
      %add3A_448 = arith.addi %mul3A_446, %add3A_447 : i32
      %dma_wait3A_449 = arith.constant 0 : i32
      %dma_wait3A_450 = tpu.memref_slice %arg14[%add3A_448, %dma_wait3A_449] : memref<10000x128xf32, #tpu.memory_space<vmem_shared>> -> memref<25x128xf32, #tpu.memory_space<vmem_shared>>
      %dma_wait3A_451 = arith.constant 0 : i32
      %dma_wait3A_452 = tpu.memref_slice %arg14[%add3A_448, %dma_wait3A_451] : memref<10000x128xf32, #tpu.memory_space<vmem_shared>> -> memref<25x128xf32, #tpu.memory_space<vmem_shared>>
      tpu.wait_dma2 semaphore(%arg12 : memref<!tpu.dma_semaphore, #tpu.memory_space<semaphore_mem>>) src(%arg10 : memref<25x128xf32, #tpu.memory_space<vmem>>) dst(%dma_wait3A_452 : memref<25x128xf32, #tpu.memory_space<vmem_shared>>)
      %mul3A_453 = arith.constant 1000 : i32
      %mul3A_454 = arith.muli %arg1, %mul3A_453 : i32
      %add3A_455 = arith.constant 300 : i32
      %add3A_456 = arith.addi %mul3A_454, %add3A_455 : i32
      %dma_wait3A_457 = arith.constant 0 : i32
      %dma_wait3A_458 = tpu.memref_slice %arg14[%add3A_456, %dma_wait3A_457] : memref<10000x128xf32, #tpu.memory_space<vmem_shared>> -> memref<25x128xf32, #tpu.memory_space<vmem_shared>>
      %dma_wait3A_459 = arith.constant 0 : i32
      %dma_wait3A_460 = tpu.memref_slice %arg14[%add3A_456, %dma_wait3A_459] : memref<10000x128xf32, #tpu.memory_space<vmem_shared>> -> memref<25x128xf32, #tpu.memory_space<vmem_shared>>
      tpu.wait_dma2 semaphore(%arg12 : memref<!tpu.dma_semaphore, #tpu.memory_space<semaphore_mem>>) src(%arg10 : memref<25x128xf32, #tpu.memory_space<vmem>>) dst(%dma_wait3A_460 : memref<25x128xf32, #tpu.memory_space<vmem_shared>>)
      %mul3A_461 = arith.constant 1000 : i32
      %mul3A_462 = arith.muli %arg1, %mul3A_461 : i32
      %add3A_463 = arith.constant 325 : i32
      %add3A_464 = arith.addi %mul3A_462, %add3A_463 : i32
      %dma_wait3A_465 = arith.constant 0 : i32
      %dma_wait3A_466 = tpu.memref_slice %arg14[%add3A_464, %dma_wait3A_465] : memref<10000x128xf32, #tpu.memory_space<vmem_shared>> -> memref<25x128xf32, #tpu.memory_space<vmem_shared>>
      %dma_wait3A_467 = arith.constant 0 : i32
      %dma_wait3A_468 = tpu.memref_slice %arg14[%add3A_464, %dma_wait3A_467] : memref<10000x128xf32, #tpu.memory_space<vmem_shared>> -> memref<25x128xf32, #tpu.memory_space<vmem_shared>>
      tpu.wait_dma2 semaphore(%arg12 : memref<!tpu.dma_semaphore, #tpu.memory_space<semaphore_mem>>) src(%arg10 : memref<25x128xf32, #tpu.memory_space<vmem>>) dst(%dma_wait3A_468 : memref<25x128xf32, #tpu.memory_space<vmem_shared>>)
      %mul3A_469 = arith.constant 1000 : i32
      %mul3A_470 = arith.muli %arg1, %mul3A_469 : i32
      %add3A_471 = arith.constant 350 : i32
      %add3A_472 = arith.addi %mul3A_470, %add3A_471 : i32
      %dma_wait3A_473 = arith.constant 0 : i32
      %dma_wait3A_474 = tpu.memref_slice %arg14[%add3A_472, %dma_wait3A_473] : memref<10000x128xf32, #tpu.memory_space<vmem_shared>> -> memref<25x128xf32, #tpu.memory_space<vmem_shared>>
      %dma_wait3A_475 = arith.constant 0 : i32
      %dma_wait3A_476 = tpu.memref_slice %arg14[%add3A_472, %dma_wait3A_475] : memref<10000x128xf32, #tpu.memory_space<vmem_shared>> -> memref<25x128xf32, #tpu.memory_space<vmem_shared>>
      tpu.wait_dma2 semaphore(%arg12 : memref<!tpu.dma_semaphore, #tpu.memory_space<semaphore_mem>>) src(%arg10 : memref<25x128xf32, #tpu.memory_space<vmem>>) dst(%dma_wait3A_476 : memref<25x128xf32, #tpu.memory_space<vmem_shared>>)
      %mul3A_477 = arith.constant 1000 : i32
      %mul3A_478 = arith.muli %arg1, %mul3A_477 : i32
      %add3A_479 = arith.constant 375 : i32
      %add3A_480 = arith.addi %mul3A_478, %add3A_479 : i32
      %dma_wait3A_481 = arith.constant 0 : i32
      %dma_wait3A_482 = tpu.memref_slice %arg14[%add3A_480, %dma_wait3A_481] : memref<10000x128xf32, #tpu.memory_space<vmem_shared>> -> memref<25x128xf32, #tpu.memory_space<vmem_shared>>
      %dma_wait3A_483 = arith.constant 0 : i32
      %dma_wait3A_484 = tpu.memref_slice %arg14[%add3A_480, %dma_wait3A_483] : memref<10000x128xf32, #tpu.memory_space<vmem_shared>> -> memref<25x128xf32, #tpu.memory_space<vmem_shared>>
      tpu.wait_dma2 semaphore(%arg12 : memref<!tpu.dma_semaphore, #tpu.memory_space<semaphore_mem>>) src(%arg10 : memref<25x128xf32, #tpu.memory_space<vmem>>) dst(%dma_wait3A_484 : memref<25x128xf32, #tpu.memory_space<vmem_shared>>)
      %mul3A_485 = arith.constant 1000 : i32
      %mul3A_486 = arith.muli %arg1, %mul3A_485 : i32
      %add3A_487 = arith.constant 400 : i32
      %add3A_488 = arith.addi %mul3A_486, %add3A_487 : i32
      %dma_wait3A_489 = arith.constant 0 : i32
      %dma_wait3A_490 = tpu.memref_slice %arg14[%add3A_488, %dma_wait3A_489] : memref<10000x128xf32, #tpu.memory_space<vmem_shared>> -> memref<25x128xf32, #tpu.memory_space<vmem_shared>>
      %dma_wait3A_491 = arith.constant 0 : i32
      %dma_wait3A_492 = tpu.memref_slice %arg14[%add3A_488, %dma_wait3A_491] : memref<10000x128xf32, #tpu.memory_space<vmem_shared>> -> memref<25x128xf32, #tpu.memory_space<vmem_shared>>
      tpu.wait_dma2 semaphore(%arg12 : memref<!tpu.dma_semaphore, #tpu.memory_space<semaphore_mem>>) src(%arg10 : memref<25x128xf32, #tpu.memory_space<vmem>>) dst(%dma_wait3A_492 : memref<25x128xf32, #tpu.memory_space<vmem_shared>>)
      %mul3A_493 = arith.constant 1000 : i32
      %mul3A_494 = arith.muli %arg1, %mul3A_493 : i32
      %add3A_495 = arith.constant 425 : i32
      %add3A_496 = arith.addi %mul3A_494, %add3A_495 : i32
      %dma_wait3A_497 = arith.constant 0 : i32
      %dma_wait3A_498 = tpu.memref_slice %arg14[%add3A_496, %dma_wait3A_497] : memref<10000x128xf32, #tpu.memory_space<vmem_shared>> -> memref<25x128xf32, #tpu.memory_space<vmem_shared>>
      %dma_wait3A_499 = arith.constant 0 : i32
      %dma_wait3A_500 = tpu.memref_slice %arg14[%add3A_496, %dma_wait3A_499] : memref<10000x128xf32, #tpu.memory_space<vmem_shared>> -> memref<25x128xf32, #tpu.memory_space<vmem_shared>>
      tpu.wait_dma2 semaphore(%arg12 : memref<!tpu.dma_semaphore, #tpu.memory_space<semaphore_mem>>) src(%arg10 : memref<25x128xf32, #tpu.memory_space<vmem>>) dst(%dma_wait3A_500 : memref<25x128xf32, #tpu.memory_space<vmem_shared>>)
      %mul3A_501 = arith.constant 1000 : i32
      %mul3A_502 = arith.muli %arg1, %mul3A_501 : i32
      %add3A_503 = arith.constant 450 : i32
      %add3A_504 = arith.addi %mul3A_502, %add3A_503 : i32
      %dma_wait3A_505 = arith.constant 0 : i32
      %dma_wait3A_506 = tpu.memref_slice %arg14[%add3A_504, %dma_wait3A_505] : memref<10000x128xf32, #tpu.memory_space<vmem_shared>> -> memref<25x128xf32, #tpu.memory_space<vmem_shared>>
      %dma_wait3A_507 = arith.constant 0 : i32
      %dma_wait3A_508 = tpu.memref_slice %arg14[%add3A_504, %dma_wait3A_507] : memref<10000x128xf32, #tpu.memory_space<vmem_shared>> -> memref<25x128xf32, #tpu.memory_space<vmem_shared>>
      tpu.wait_dma2 semaphore(%arg12 : memref<!tpu.dma_semaphore, #tpu.memory_space<semaphore_mem>>) src(%arg10 : memref<25x128xf32, #tpu.memory_space<vmem>>) dst(%dma_wait3A_508 : memref<25x128xf32, #tpu.memory_space<vmem_shared>>)
      %mul3A_509 = arith.constant 1000 : i32
      %mul3A_510 = arith.muli %arg1, %mul3A_509 : i32
      %add3A_511 = arith.constant 475 : i32
      %add3A_512 = arith.addi %mul3A_510, %add3A_511 : i32
      %dma_wait3A_513 = arith.constant 0 : i32
      %dma_wait3A_514 = tpu.memref_slice %arg14[%add3A_512, %dma_wait3A_513] : memref<10000x128xf32, #tpu.memory_space<vmem_shared>> -> memref<25x128xf32, #tpu.memory_space<vmem_shared>>
      %dma_wait3A_515 = arith.constant 0 : i32
      %dma_wait3A_516 = tpu.memref_slice %arg14[%add3A_512, %dma_wait3A_515] : memref<10000x128xf32, #tpu.memory_space<vmem_shared>> -> memref<25x128xf32, #tpu.memory_space<vmem_shared>>
      tpu.wait_dma2 semaphore(%arg12 : memref<!tpu.dma_semaphore, #tpu.memory_space<semaphore_mem>>) src(%arg10 : memref<25x128xf32, #tpu.memory_space<vmem>>) dst(%dma_wait3A_516 : memref<25x128xf32, #tpu.memory_space<vmem_shared>>)
      %mul3A_517 = arith.constant 1000 : i32
      %mul3A_518 = arith.muli %arg1, %mul3A_517 : i32
      %add3A_519 = arith.constant 500 : i32
      %add3A_520 = arith.addi %mul3A_518, %add3A_519 : i32
      %dma_wait3A_521 = arith.constant 0 : i32
      %dma_wait3A_522 = tpu.memref_slice %arg14[%add3A_520, %dma_wait3A_521] : memref<10000x128xf32, #tpu.memory_space<vmem_shared>> -> memref<25x128xf32, #tpu.memory_space<vmem_shared>>
      %dma_wait3A_523 = arith.constant 0 : i32
      %dma_wait3A_524 = tpu.memref_slice %arg14[%add3A_520, %dma_wait3A_523] : memref<10000x128xf32, #tpu.memory_space<vmem_shared>> -> memref<25x128xf32, #tpu.memory_space<vmem_shared>>
      tpu.wait_dma2 semaphore(%arg12 : memref<!tpu.dma_semaphore, #tpu.memory_space<semaphore_mem>>) src(%arg10 : memref<25x128xf32, #tpu.memory_space<vmem>>) dst(%dma_wait3A_524 : memref<25x128xf32, #tpu.memory_space<vmem_shared>>)
      %mul3A_525 = arith.constant 1000 : i32
      %mul3A_526 = arith.muli %arg1, %mul3A_525 : i32
      %add3A_527 = arith.constant 525 : i32
      %add3A_528 = arith.addi %mul3A_526, %add3A_527 : i32
      %dma_wait3A_529 = arith.constant 0 : i32
      %dma_wait3A_530 = tpu.memref_slice %arg14[%add3A_528, %dma_wait3A_529] : memref<10000x128xf32, #tpu.memory_space<vmem_shared>> -> memref<25x128xf32, #tpu.memory_space<vmem_shared>>
      %dma_wait3A_531 = arith.constant 0 : i32
      %dma_wait3A_532 = tpu.memref_slice %arg14[%add3A_528, %dma_wait3A_531] : memref<10000x128xf32, #tpu.memory_space<vmem_shared>> -> memref<25x128xf32, #tpu.memory_space<vmem_shared>>
      tpu.wait_dma2 semaphore(%arg12 : memref<!tpu.dma_semaphore, #tpu.memory_space<semaphore_mem>>) src(%arg10 : memref<25x128xf32, #tpu.memory_space<vmem>>) dst(%dma_wait3A_532 : memref<25x128xf32, #tpu.memory_space<vmem_shared>>)
      %mul3A_533 = arith.constant 1000 : i32
      %mul3A_534 = arith.muli %arg1, %mul3A_533 : i32
      %add3A_535 = arith.constant 550 : i32
      %add3A_536 = arith.addi %mul3A_534, %add3A_535 : i32
      %dma_wait3A_537 = arith.constant 0 : i32
      %dma_wait3A_538 = tpu.memref_slice %arg14[%add3A_536, %dma_wait3A_537] : memref<10000x128xf32, #tpu.memory_space<vmem_shared>> -> memref<25x128xf32, #tpu.memory_space<vmem_shared>>
      %dma_wait3A_539 = arith.constant 0 : i32
      %dma_wait3A_540 = tpu.memref_slice %arg14[%add3A_536, %dma_wait3A_539] : memref<10000x128xf32, #tpu.memory_space<vmem_shared>> -> memref<25x128xf32, #tpu.memory_space<vmem_shared>>
      tpu.wait_dma2 semaphore(%arg12 : memref<!tpu.dma_semaphore, #tpu.memory_space<semaphore_mem>>) src(%arg10 : memref<25x128xf32, #tpu.memory_space<vmem>>) dst(%dma_wait3A_540 : memref<25x128xf32, #tpu.memory_space<vmem_shared>>)
      %mul3A_541 = arith.constant 1000 : i32
      %mul3A_542 = arith.muli %arg1, %mul3A_541 : i32
      %add3A_543 = arith.constant 575 : i32
      %add3A_544 = arith.addi %mul3A_542, %add3A_543 : i32
      %dma_wait3A_545 = arith.constant 0 : i32
      %dma_wait3A_546 = tpu.memref_slice %arg14[%add3A_544, %dma_wait3A_545] : memref<10000x128xf32, #tpu.memory_space<vmem_shared>> -> memref<25x128xf32, #tpu.memory_space<vmem_shared>>
      %dma_wait3A_547 = arith.constant 0 : i32
      %dma_wait3A_548 = tpu.memref_slice %arg14[%add3A_544, %dma_wait3A_547] : memref<10000x128xf32, #tpu.memory_space<vmem_shared>> -> memref<25x128xf32, #tpu.memory_space<vmem_shared>>
      tpu.wait_dma2 semaphore(%arg12 : memref<!tpu.dma_semaphore, #tpu.memory_space<semaphore_mem>>) src(%arg10 : memref<25x128xf32, #tpu.memory_space<vmem>>) dst(%dma_wait3A_548 : memref<25x128xf32, #tpu.memory_space<vmem_shared>>)
      %mul3A_549 = arith.constant 1000 : i32
      %mul3A_550 = arith.muli %arg1, %mul3A_549 : i32
      %add3A_551 = arith.constant 600 : i32
      %add3A_552 = arith.addi %mul3A_550, %add3A_551 : i32
      %dma_wait3A_553 = arith.constant 0 : i32
      %dma_wait3A_554 = tpu.memref_slice %arg14[%add3A_552, %dma_wait3A_553] : memref<10000x128xf32, #tpu.memory_space<vmem_shared>> -> memref<25x128xf32, #tpu.memory_space<vmem_shared>>
      %dma_wait3A_555 = arith.constant 0 : i32
      %dma_wait3A_556 = tpu.memref_slice %arg14[%add3A_552, %dma_wait3A_555] : memref<10000x128xf32, #tpu.memory_space<vmem_shared>> -> memref<25x128xf32, #tpu.memory_space<vmem_shared>>
      tpu.wait_dma2 semaphore(%arg12 : memref<!tpu.dma_semaphore, #tpu.memory_space<semaphore_mem>>) src(%arg10 : memref<25x128xf32, #tpu.memory_space<vmem>>) dst(%dma_wait3A_556 : memref<25x128xf32, #tpu.memory_space<vmem_shared>>)
      %mul3A_557 = arith.constant 1000 : i32
      %mul3A_558 = arith.muli %arg1, %mul3A_557 : i32
      %add3A_559 = arith.constant 625 : i32
      %add3A_560 = arith.addi %mul3A_558, %add3A_559 : i32
      %dma_wait3A_561 = arith.constant 0 : i32
      %dma_wait3A_562 = tpu.memref_slice %arg14[%add3A_560, %dma_wait3A_561] : memref<10000x128xf32, #tpu.memory_space<vmem_shared>> -> memref<25x128xf32, #tpu.memory_space<vmem_shared>>
      %dma_wait3A_563 = arith.constant 0 : i32
      %dma_wait3A_564 = tpu.memref_slice %arg14[%add3A_560, %dma_wait3A_563] : memref<10000x128xf32, #tpu.memory_space<vmem_shared>> -> memref<25x128xf32, #tpu.memory_space<vmem_shared>>
      tpu.wait_dma2 semaphore(%arg12 : memref<!tpu.dma_semaphore, #tpu.memory_space<semaphore_mem>>) src(%arg10 : memref<25x128xf32, #tpu.memory_space<vmem>>) dst(%dma_wait3A_564 : memref<25x128xf32, #tpu.memory_space<vmem_shared>>)
      %mul3A_565 = arith.constant 1000 : i32
      %mul3A_566 = arith.muli %arg1, %mul3A_565 : i32
      %add3A_567 = arith.constant 650 : i32
      %add3A_568 = arith.addi %mul3A_566, %add3A_567 : i32
      %dma_wait3A_569 = arith.constant 0 : i32
      %dma_wait3A_570 = tpu.memref_slice %arg14[%add3A_568, %dma_wait3A_569] : memref<10000x128xf32, #tpu.memory_space<vmem_shared>> -> memref<25x128xf32, #tpu.memory_space<vmem_shared>>
      %dma_wait3A_571 = arith.constant 0 : i32
      %dma_wait3A_572 = tpu.memref_slice %arg14[%add3A_568, %dma_wait3A_571] : memref<10000x128xf32, #tpu.memory_space<vmem_shared>> -> memref<25x128xf32, #tpu.memory_space<vmem_shared>>
      tpu.wait_dma2 semaphore(%arg12 : memref<!tpu.dma_semaphore, #tpu.memory_space<semaphore_mem>>) src(%arg10 : memref<25x128xf32, #tpu.memory_space<vmem>>) dst(%dma_wait3A_572 : memref<25x128xf32, #tpu.memory_space<vmem_shared>>)
      %mul3A_573 = arith.constant 1000 : i32
      %mul3A_574 = arith.muli %arg1, %mul3A_573 : i32
      %add3A_575 = arith.constant 675 : i32
      %add3A_576 = arith.addi %mul3A_574, %add3A_575 : i32
      %dma_wait3A_577 = arith.constant 0 : i32
      %dma_wait3A_578 = tpu.memref_slice %arg14[%add3A_576, %dma_wait3A_577] : memref<10000x128xf32, #tpu.memory_space<vmem_shared>> -> memref<25x128xf32, #tpu.memory_space<vmem_shared>>
      %dma_wait3A_579 = arith.constant 0 : i32
      %dma_wait3A_580 = tpu.memref_slice %arg14[%add3A_576, %dma_wait3A_579] : memref<10000x128xf32, #tpu.memory_space<vmem_shared>> -> memref<25x128xf32, #tpu.memory_space<vmem_shared>>
      tpu.wait_dma2 semaphore(%arg12 : memref<!tpu.dma_semaphore, #tpu.memory_space<semaphore_mem>>) src(%arg10 : memref<25x128xf32, #tpu.memory_space<vmem>>) dst(%dma_wait3A_580 : memref<25x128xf32, #tpu.memory_space<vmem_shared>>)
      %mul3A_581 = arith.constant 1000 : i32
      %mul3A_582 = arith.muli %arg1, %mul3A_581 : i32
      %add3A_583 = arith.constant 700 : i32
      %add3A_584 = arith.addi %mul3A_582, %add3A_583 : i32
      %dma_wait3A_585 = arith.constant 0 : i32
      %dma_wait3A_586 = tpu.memref_slice %arg14[%add3A_584, %dma_wait3A_585] : memref<10000x128xf32, #tpu.memory_space<vmem_shared>> -> memref<25x128xf32, #tpu.memory_space<vmem_shared>>
      %dma_wait3A_587 = arith.constant 0 : i32
      %dma_wait3A_588 = tpu.memref_slice %arg14[%add3A_584, %dma_wait3A_587] : memref<10000x128xf32, #tpu.memory_space<vmem_shared>> -> memref<25x128xf32, #tpu.memory_space<vmem_shared>>
      tpu.wait_dma2 semaphore(%arg12 : memref<!tpu.dma_semaphore, #tpu.memory_space<semaphore_mem>>) src(%arg10 : memref<25x128xf32, #tpu.memory_space<vmem>>) dst(%dma_wait3A_588 : memref<25x128xf32, #tpu.memory_space<vmem_shared>>)
      %mul3A_589 = arith.constant 1000 : i32
      %mul3A_590 = arith.muli %arg1, %mul3A_589 : i32
      %add3A_591 = arith.constant 725 : i32
      %add3A_592 = arith.addi %mul3A_590, %add3A_591 : i32
      %dma_wait3A_593 = arith.constant 0 : i32
      %dma_wait3A_594 = tpu.memref_slice %arg14[%add3A_592, %dma_wait3A_593] : memref<10000x128xf32, #tpu.memory_space<vmem_shared>> -> memref<25x128xf32, #tpu.memory_space<vmem_shared>>
      %dma_wait3A_595 = arith.constant 0 : i32
      %dma_wait3A_596 = tpu.memref_slice %arg14[%add3A_592, %dma_wait3A_595] : memref<10000x128xf32, #tpu.memory_space<vmem_shared>> -> memref<25x128xf32, #tpu.memory_space<vmem_shared>>
      tpu.wait_dma2 semaphore(%arg12 : memref<!tpu.dma_semaphore, #tpu.memory_space<semaphore_mem>>) src(%arg10 : memref<25x128xf32, #tpu.memory_space<vmem>>) dst(%dma_wait3A_596 : memref<25x128xf32, #tpu.memory_space<vmem_shared>>)
      %mul3A_597 = arith.constant 1000 : i32
      %mul3A_598 = arith.muli %arg1, %mul3A_597 : i32
      %add3A_599 = arith.constant 750 : i32
      %add3A_600 = arith.addi %mul3A_598, %add3A_599 : i32
      %dma_wait3A_601 = arith.constant 0 : i32
      %dma_wait3A_602 = tpu.memref_slice %arg14[%add3A_600, %dma_wait3A_601] : memref<10000x128xf32, #tpu.memory_space<vmem_shared>> -> memref<25x128xf32, #tpu.memory_space<vmem_shared>>
      %dma_wait3A_603 = arith.constant 0 : i32
      %dma_wait3A_604 = tpu.memref_slice %arg14[%add3A_600, %dma_wait3A_603] : memref<10000x128xf32, #tpu.memory_space<vmem_shared>> -> memref<25x128xf32, #tpu.memory_space<vmem_shared>>
      tpu.wait_dma2 semaphore(%arg12 : memref<!tpu.dma_semaphore, #tpu.memory_space<semaphore_mem>>) src(%arg10 : memref<25x128xf32, #tpu.memory_space<vmem>>) dst(%dma_wait3A_604 : memref<25x128xf32, #tpu.memory_space<vmem_shared>>)
      %mul3A_605 = arith.constant 1000 : i32
      %mul3A_606 = arith.muli %arg1, %mul3A_605 : i32
      %add3A_607 = arith.constant 775 : i32
      %add3A_608 = arith.addi %mul3A_606, %add3A_607 : i32
      %dma_wait3A_609 = arith.constant 0 : i32
      %dma_wait3A_610 = tpu.memref_slice %arg14[%add3A_608, %dma_wait3A_609] : memref<10000x128xf32, #tpu.memory_space<vmem_shared>> -> memref<25x128xf32, #tpu.memory_space<vmem_shared>>
      %dma_wait3A_611 = arith.constant 0 : i32
      %dma_wait3A_612 = tpu.memref_slice %arg14[%add3A_608, %dma_wait3A_611] : memref<10000x128xf32, #tpu.memory_space<vmem_shared>> -> memref<25x128xf32, #tpu.memory_space<vmem_shared>>
      tpu.wait_dma2 semaphore(%arg12 : memref<!tpu.dma_semaphore, #tpu.memory_space<semaphore_mem>>) src(%arg10 : memref<25x128xf32, #tpu.memory_space<vmem>>) dst(%dma_wait3A_612 : memref<25x128xf32, #tpu.memory_space<vmem_shared>>)
      %mul3A_613 = arith.constant 1000 : i32
      %mul3A_614 = arith.muli %arg1, %mul3A_613 : i32
      %add3A_615 = arith.constant 800 : i32
      %add3A_616 = arith.addi %mul3A_614, %add3A_615 : i32
      %dma_wait3A_617 = arith.constant 0 : i32
      %dma_wait3A_618 = tpu.memref_slice %arg14[%add3A_616, %dma_wait3A_617] : memref<10000x128xf32, #tpu.memory_space<vmem_shared>> -> memref<25x128xf32, #tpu.memory_space<vmem_shared>>
      %dma_wait3A_619 = arith.constant 0 : i32
      %dma_wait3A_620 = tpu.memref_slice %arg14[%add3A_616, %dma_wait3A_619] : memref<10000x128xf32, #tpu.memory_space<vmem_shared>> -> memref<25x128xf32, #tpu.memory_space<vmem_shared>>
      tpu.wait_dma2 semaphore(%arg12 : memref<!tpu.dma_semaphore, #tpu.memory_space<semaphore_mem>>) src(%arg10 : memref<25x128xf32, #tpu.memory_space<vmem>>) dst(%dma_wait3A_620 : memref<25x128xf32, #tpu.memory_space<vmem_shared>>)
      %mul3A_621 = arith.constant 1000 : i32
      %mul3A_622 = arith.muli %arg1, %mul3A_621 : i32
      %add3A_623 = arith.constant 825 : i32
      %add3A_624 = arith.addi %mul3A_622, %add3A_623 : i32
      %dma_wait3A_625 = arith.constant 0 : i32
      %dma_wait3A_626 = tpu.memref_slice %arg14[%add3A_624, %dma_wait3A_625] : memref<10000x128xf32, #tpu.memory_space<vmem_shared>> -> memref<25x128xf32, #tpu.memory_space<vmem_shared>>
      %dma_wait3A_627 = arith.constant 0 : i32
      %dma_wait3A_628 = tpu.memref_slice %arg14[%add3A_624, %dma_wait3A_627] : memref<10000x128xf32, #tpu.memory_space<vmem_shared>> -> memref<25x128xf32, #tpu.memory_space<vmem_shared>>
      tpu.wait_dma2 semaphore(%arg12 : memref<!tpu.dma_semaphore, #tpu.memory_space<semaphore_mem>>) src(%arg10 : memref<25x128xf32, #tpu.memory_space<vmem>>) dst(%dma_wait3A_628 : memref<25x128xf32, #tpu.memory_space<vmem_shared>>)
      %mul3A_629 = arith.constant 1000 : i32
      %mul3A_630 = arith.muli %arg1, %mul3A_629 : i32
      %add3A_631 = arith.constant 850 : i32
      %add3A_632 = arith.addi %mul3A_630, %add3A_631 : i32
      %dma_wait3A_633 = arith.constant 0 : i32
      %dma_wait3A_634 = tpu.memref_slice %arg14[%add3A_632, %dma_wait3A_633] : memref<10000x128xf32, #tpu.memory_space<vmem_shared>> -> memref<25x128xf32, #tpu.memory_space<vmem_shared>>
      %dma_wait3A_635 = arith.constant 0 : i32
      %dma_wait3A_636 = tpu.memref_slice %arg14[%add3A_632, %dma_wait3A_635] : memref<10000x128xf32, #tpu.memory_space<vmem_shared>> -> memref<25x128xf32, #tpu.memory_space<vmem_shared>>
      tpu.wait_dma2 semaphore(%arg12 : memref<!tpu.dma_semaphore, #tpu.memory_space<semaphore_mem>>) src(%arg10 : memref<25x128xf32, #tpu.memory_space<vmem>>) dst(%dma_wait3A_636 : memref<25x128xf32, #tpu.memory_space<vmem_shared>>)
      %mul3A_637 = arith.constant 1000 : i32
      %mul3A_638 = arith.muli %arg1, %mul3A_637 : i32
      %add3A_639 = arith.constant 875 : i32
      %add3A_640 = arith.addi %mul3A_638, %add3A_639 : i32
      %dma_wait3A_641 = arith.constant 0 : i32
      %dma_wait3A_642 = tpu.memref_slice %arg14[%add3A_640, %dma_wait3A_641] : memref<10000x128xf32, #tpu.memory_space<vmem_shared>> -> memref<25x128xf32, #tpu.memory_space<vmem_shared>>
      %dma_wait3A_643 = arith.constant 0 : i32
      %dma_wait3A_644 = tpu.memref_slice %arg14[%add3A_640, %dma_wait3A_643] : memref<10000x128xf32, #tpu.memory_space<vmem_shared>> -> memref<25x128xf32, #tpu.memory_space<vmem_shared>>
      tpu.wait_dma2 semaphore(%arg12 : memref<!tpu.dma_semaphore, #tpu.memory_space<semaphore_mem>>) src(%arg10 : memref<25x128xf32, #tpu.memory_space<vmem>>) dst(%dma_wait3A_644 : memref<25x128xf32, #tpu.memory_space<vmem_shared>>)
      %mul3A_645 = arith.constant 1000 : i32
      %mul3A_646 = arith.muli %arg1, %mul3A_645 : i32
      %add3A_647 = arith.constant 900 : i32
      %add3A_648 = arith.addi %mul3A_646, %add3A_647 : i32
      %dma_wait3A_649 = arith.constant 0 : i32
      %dma_wait3A_650 = tpu.memref_slice %arg14[%add3A_648, %dma_wait3A_649] : memref<10000x128xf32, #tpu.memory_space<vmem_shared>> -> memref<25x128xf32, #tpu.memory_space<vmem_shared>>
      %dma_wait3A_651 = arith.constant 0 : i32
      %dma_wait3A_652 = tpu.memref_slice %arg14[%add3A_648, %dma_wait3A_651] : memref<10000x128xf32, #tpu.memory_space<vmem_shared>> -> memref<25x128xf32, #tpu.memory_space<vmem_shared>>
      tpu.wait_dma2 semaphore(%arg12 : memref<!tpu.dma_semaphore, #tpu.memory_space<semaphore_mem>>) src(%arg10 : memref<25x128xf32, #tpu.memory_space<vmem>>) dst(%dma_wait3A_652 : memref<25x128xf32, #tpu.memory_space<vmem_shared>>)
      %mul3A_653 = arith.constant 1000 : i32
      %mul3A_654 = arith.muli %arg1, %mul3A_653 : i32
      %add3A_655 = arith.constant 925 : i32
      %add3A_656 = arith.addi %mul3A_654, %add3A_655 : i32
      %dma_wait3A_657 = arith.constant 0 : i32
      %dma_wait3A_658 = tpu.memref_slice %arg14[%add3A_656, %dma_wait3A_657] : memref<10000x128xf32, #tpu.memory_space<vmem_shared>> -> memref<25x128xf32, #tpu.memory_space<vmem_shared>>
      %dma_wait3A_659 = arith.constant 0 : i32
      %dma_wait3A_660 = tpu.memref_slice %arg14[%add3A_656, %dma_wait3A_659] : memref<10000x128xf32, #tpu.memory_space<vmem_shared>> -> memref<25x128xf32, #tpu.memory_space<vmem_shared>>
      tpu.wait_dma2 semaphore(%arg12 : memref<!tpu.dma_semaphore, #tpu.memory_space<semaphore_mem>>) src(%arg10 : memref<25x128xf32, #tpu.memory_space<vmem>>) dst(%dma_wait3A_660 : memref<25x128xf32, #tpu.memory_space<vmem_shared>>)
      %mul3A_661 = arith.constant 1000 : i32
      %mul3A_662 = arith.muli %arg1, %mul3A_661 : i32
      %add3A_663 = arith.constant 950 : i32
      %add3A_664 = arith.addi %mul3A_662, %add3A_663 : i32
      %dma_wait3A_665 = arith.constant 0 : i32
      %dma_wait3A_666 = tpu.memref_slice %arg14[%add3A_664, %dma_wait3A_665] : memref<10000x128xf32, #tpu.memory_space<vmem_shared>> -> memref<25x128xf32, #tpu.memory_space<vmem_shared>>
      %dma_wait3A_667 = arith.constant 0 : i32
      %dma_wait3A_668 = tpu.memref_slice %arg14[%add3A_664, %dma_wait3A_667] : memref<10000x128xf32, #tpu.memory_space<vmem_shared>> -> memref<25x128xf32, #tpu.memory_space<vmem_shared>>
      tpu.wait_dma2 semaphore(%arg12 : memref<!tpu.dma_semaphore, #tpu.memory_space<semaphore_mem>>) src(%arg10 : memref<25x128xf32, #tpu.memory_space<vmem>>) dst(%dma_wait3A_668 : memref<25x128xf32, #tpu.memory_space<vmem_shared>>)
      %mul3A_669 = arith.constant 1000 : i32
      %mul3A_670 = arith.muli %arg1, %mul3A_669 : i32
      %add3A_671 = arith.constant 975 : i32
      %add3A_672 = arith.addi %mul3A_670, %add3A_671 : i32
      %dma_wait3A_673 = arith.constant 0 : i32
      %dma_wait3A_674 = tpu.memref_slice %arg14[%add3A_672, %dma_wait3A_673] : memref<10000x128xf32, #tpu.memory_space<vmem_shared>> -> memref<25x128xf32, #tpu.memory_space<vmem_shared>>
      %dma_wait3A_675 = arith.constant 0 : i32
      %dma_wait3A_676 = tpu.memref_slice %arg14[%add3A_672, %dma_wait3A_675] : memref<10000x128xf32, #tpu.memory_space<vmem_shared>> -> memref<25x128xf32, #tpu.memory_space<vmem_shared>>
      tpu.wait_dma2 semaphore(%arg12 : memref<!tpu.dma_semaphore, #tpu.memory_space<semaphore_mem>>) src(%arg10 : memref<25x128xf32, #tpu.memory_space<vmem>>) dst(%dma_wait3A_676 : memref<25x128xf32, #tpu.memory_space<vmem_shared>>)
    } else {
    }
    %dma_wait3A = tpu.memref_slice %arg3[%mul3A_5] : memref<320000xi32, #tpu.memory_space<hbm>> -> memref<10000xi32, #tpu.memory_space<hbm>>
    %dma_wait3A_14 = tpu.memref_slice %arg3[%mul3A_5] : memref<320000xi32, #tpu.memory_space<hbm>> -> memref<10000xi32, #tpu.memory_space<hbm>>
    tpu.wait_dma2 semaphore(%arg13 : memref<!tpu.dma_semaphore, #tpu.memory_space<semaphore_mem>>) src(%dma_wait3A_14 : memref<10000xi32, #tpu.memory_space<hbm>>) dst(%arg6 : memref<10000xi32, #tpu.memory_space<vmem>>)
    %dma_start3A_15 = arith.constant 0 : i32
    %dma_start3A_16 = tpu.memref_slice %arg6[%dma_start3A_15] : memref<10000xi32, #tpu.memory_space<vmem>> -> memref<80xi32, #tpu.memory_space<vmem>>
    %dma_start3A_17 = arith.constant 0 : i32
    %dma_start3A_18 = arith.constant 0 : i32
    %dma_start3A_19 = tpu.memref_slice %arg2[%dma_start3A_17, %dma_start3A_18] : memref<10000x128xf32, #tpu.memory_space<hbm>> -> memref<10000x128xf32, #tpu.memory_space<hbm>>
    tpu.enqueue_indirect_dma source(%dma_start3A_19 : memref<10000x128xf32, #tpu.memory_space<hbm>>) target(%arg8 : memref<80x128xf32, #tpu.memory_space<vmem>>) offsets(%dma_start3A_16 : memref<80xi32, #tpu.memory_space<vmem>>) semaphore(%arg11 : memref<!tpu.dma_semaphore, #tpu.memory_space<semaphore_mem>>)
    %barrier3A = arith.constant 0 : index
    tpu.barrier barrier_id(%barrier3A)
    %scan3A_20 = arith.constant 0 : i32
    %scan3A_21 = arith.constant 0 : i32
    %scan3A_22 = arith.constant 62 : i32
    %scan3A_23 = arith.addi %scan3A_21, %scan3A_22 : i32
    %scan3A_24 = arith.constant 1 : i32
    scf.for %scan3A_37 = %scan3A_21 to %scan3A_23 step %scan3A_24  : i32 {
      %mul3A_38 = arith.constant 2 : i32
      %mul3A_39 = arith.muli %mul3A_38, %scan3A_37 : i32
      %add3A_40 = arith.constant 1 : i32
      %add3A_41 = arith.addi %mul3A_39, %add3A_40 : i32
      %rem3A = arith.constant 25 : i32
      %rem3A_42 = arith.remsi %mul3A_39, %rem3A : i32
      %rem3A_43 = arith.constant 25 : i32
      %rem3A_44 = arith.remsi %add3A_41, %rem3A_43 : i32
      %mul3A_45 = arith.constant 80 : i32
      %mul3A_46 = arith.muli %add3A_41, %mul3A_45 : i32
      %dma_start3A_47 = tpu.memref_slice %arg6[%mul3A_46] : memref<10000xi32, #tpu.memory_space<vmem>> -> memref<80xi32, #tpu.memory_space<vmem>>
      %dma_start3A_48 = arith.constant 0 : i32
      %dma_start3A_49 = arith.constant 0 : i32
      %dma_start3A_50 = tpu.memref_slice %arg2[%dma_start3A_48, %dma_start3A_49] : memref<10000x128xf32, #tpu.memory_space<hbm>> -> memref<10000x128xf32, #tpu.memory_space<hbm>>
      tpu.enqueue_indirect_dma source(%dma_start3A_50 : memref<10000x128xf32, #tpu.memory_space<hbm>>) target(%arg9 : memref<80x128xf32, #tpu.memory_space<vmem>>) offsets(%dma_start3A_47 : memref<80xi32, #tpu.memory_space<vmem>>) semaphore(%arg12 : memref<!tpu.dma_semaphore, #tpu.memory_space<semaphore_mem>>)
      %rem3A_51 = arith.constant 25 : i32
      %rem3A_52 = arith.remsi %mul3A_39, %rem3A_51 : i32
      %eq3A = arith.constant 0 : i32
      %eq3A_53 = arith.cmpi eq, %rem3A_52, %eq3A : i32
      %convert_element_type3A_54 = arith.extui %eq3A_53 : i1 to i32
      %cond3A_55 = arith.constant 0 : i32
      %cond3A_56 = arith.cmpi ne, %convert_element_type3A_54, %cond3A_55 : i32
      scf.if %cond3A_56 {
        %div3A = arith.constant 25 : i32
        %div3A_84 = arith.divsi %mul3A_39, %div3A : i32
        "tpu.region"() ({
          %run_scoped3A_85 = tpu.sem_alloc : memref<!tpu.dma_semaphore, #tpu.memory_space<semaphore_mem>>
          %dma_start3A_86 = arith.constant 0 : i32
          %dma_start3A_87 = arith.constant 0 : i32
          %dma_start3A_88 = arith.constant 0 : i32
          %dma_start3A_89 = tpu.memref_slice %arg4[%add3A, %dma_start3A_86, %dma_start3A_87, %dma_start3A_88] : memref<32x5x25x80xi32, #tpu.memory_space<hbm>> -> memref<1x5x25x80xi32, #tpu.memory_space<hbm>>
          %dma_start3A_90 = tpu.memref_squeeze %dma_start3A_89 : memref<1x5x25x80xi32, #tpu.memory_space<hbm>> -> memref<5x25x80xi32, #tpu.memory_space<hbm>>
          %dma_start3A_91 = arith.constant 0 : i32
          %dma_start3A_92 = arith.constant 0 : i32
          %dma_start3A_93 = tpu.memref_slice %dma_start3A_90[%div3A_84, %dma_start3A_91, %dma_start3A_92] : memref<5x25x80xi32, #tpu.memory_space<hbm>> -> memref<1x25x80xi32, #tpu.memory_space<hbm>>
          %dma_start3A_94 = tpu.memref_squeeze %dma_start3A_93 : memref<1x25x80xi32, #tpu.memory_space<hbm>> -> memref<25x80xi32, #tpu.memory_space<hbm>>
          %dma_start3A_95 = arith.constant 0 : i32
          %dma_start3A_96 = arith.constant 0 : i32
          %dma_start3A_97 = arith.constant 0 : i32
          %dma_start3A_98 = tpu.memref_slice %arg4[%add3A, %dma_start3A_95, %dma_start3A_96, %dma_start3A_97] : memref<32x5x25x80xi32, #tpu.memory_space<hbm>> -> memref<1x5x25x80xi32, #tpu.memory_space<hbm>>
          %dma_start3A_99 = tpu.memref_squeeze %dma_start3A_98 : memref<1x5x25x80xi32, #tpu.memory_space<hbm>> -> memref<5x25x80xi32, #tpu.memory_space<hbm>>
          %dma_start3A_100 = arith.constant 0 : i32
          %dma_start3A_101 = arith.constant 0 : i32
          %dma_start3A_102 = tpu.memref_slice %dma_start3A_99[%div3A_84, %dma_start3A_100, %dma_start3A_101] : memref<5x25x80xi32, #tpu.memory_space<hbm>> -> memref<1x25x80xi32, #tpu.memory_space<hbm>>
          %dma_start3A_103 = tpu.memref_squeeze %dma_start3A_102 : memref<1x25x80xi32, #tpu.memory_space<hbm>> -> memref<25x80xi32, #tpu.memory_space<hbm>>
          tpu.enqueue_dma source(%dma_start3A_103 : memref<25x80xi32, #tpu.memory_space<hbm>>) target(%arg7 : memref<25x80xi32, #tpu.memory_space<vmem>>) target_semaphore(%run_scoped3A_85 : memref<!tpu.dma_semaphore, #tpu.memory_space<semaphore_mem>>)
          %dma_wait3A_104 = arith.constant 0 : i32
          %dma_wait3A_105 = arith.constant 0 : i32
          %dma_wait3A_106 = arith.constant 0 : i32
          %dma_wait3A_107 = tpu.memref_slice %arg4[%add3A, %dma_wait3A_104, %dma_wait3A_105, %dma_wait3A_106] : memref<32x5x25x80xi32, #tpu.memory_space<hbm>> -> memref<1x5x25x80xi32, #tpu.memory_space<hbm>>
          %dma_wait3A_108 = tpu.memref_squeeze %dma_wait3A_107 : memref<1x5x25x80xi32, #tpu.memory_space<hbm>> -> memref<5x25x80xi32, #tpu.memory_space<hbm>>
          %dma_wait3A_109 = arith.constant 0 : i32
          %dma_wait3A_110 = arith.constant 0 : i32
          %dma_wait3A_111 = tpu.memref_slice %dma_wait3A_108[%div3A_84, %dma_wait3A_109, %dma_wait3A_110] : memref<5x25x80xi32, #tpu.memory_space<hbm>> -> memref<1x25x80xi32, #tpu.memory_space<hbm>>
          %dma_wait3A_112 = tpu.memref_squeeze %dma_wait3A_111 : memref<1x25x80xi32, #tpu.memory_space<hbm>> -> memref<25x80xi32, #tpu.memory_space<hbm>>
          %dma_wait3A_113 = arith.constant 0 : i32
          %dma_wait3A_114 = arith.constant 0 : i32
          %dma_wait3A_115 = arith.constant 0 : i32
          %dma_wait3A_116 = tpu.memref_slice %arg4[%add3A, %dma_wait3A_113, %dma_wait3A_114, %dma_wait3A_115] : memref<32x5x25x80xi32, #tpu.memory_space<hbm>> -> memref<1x5x25x80xi32, #tpu.memory_space<hbm>>
          %dma_wait3A_117 = tpu.memref_squeeze %dma_wait3A_116 : memref<1x5x25x80xi32, #tpu.memory_space<hbm>> -> memref<5x25x80xi32, #tpu.memory_space<hbm>>
          %dma_wait3A_118 = arith.constant 0 : i32
          %dma_wait3A_119 = arith.constant 0 : i32
          %dma_wait3A_120 = tpu.memref_slice %dma_wait3A_117[%div3A_84, %dma_wait3A_118, %dma_wait3A_119] : memref<5x25x80xi32, #tpu.memory_space<hbm>> -> memref<1x25x80xi32, #tpu.memory_space<hbm>>
          %dma_wait3A_121 = tpu.memref_squeeze %dma_wait3A_120 : memref<1x25x80xi32, #tpu.memory_space<hbm>> -> memref<25x80xi32, #tpu.memory_space<hbm>>
          tpu.wait_dma2 semaphore(%run_scoped3A_85 : memref<!tpu.dma_semaphore, #tpu.memory_space<semaphore_mem>>) src(%dma_wait3A_121 : memref<25x80xi32, #tpu.memory_space<hbm>>) dst(%arg7 : memref<25x80xi32, #tpu.memory_space<vmem>>)
          tpu.yield
        }) : () -> ()
      } else {
      }
      %mul3A_57 = arith.constant 80 : i32
      %mul3A_58 = arith.muli %mul3A_39, %mul3A_57 : i32
      %dma_wait3A_59 = tpu.memref_slice %arg6[%mul3A_58] : memref<10000xi32, #tpu.memory_space<vmem>> -> memref<80xi32, #tpu.memory_space<vmem>>
      %dma_wait3A_60 = arith.constant 0 : i32
      %dma_wait3A_61 = arith.constant 0 : i32
      %dma_wait3A_62 = tpu.memref_slice %arg2[%dma_wait3A_60, %dma_wait3A_61] : memref<10000x128xf32, #tpu.memory_space<hbm>> -> memref<10000x128xf32, #tpu.memory_space<hbm>>
      tpu.wait_indirect_dma semaphore(%arg11 : memref<!tpu.dma_semaphore, #tpu.memory_space<semaphore_mem>>) src(%dma_wait3A_62 : memref<10000x128xf32, #tpu.memory_space<hbm>>) dst(%arg8 : memref<80x128xf32, #tpu.memory_space<vmem>>)
      "tpu.region"() ({
        %run_scoped3A_84 = tpu.sem_alloc : memref<!tpu.dma_semaphore, #tpu.memory_space<semaphore_mem>>
        %dma_start3A_85 = arith.constant 0 : i32
        %dma_start3A_86 = tpu.memref_slice %arg7[%rem3A_42, %dma_start3A_85] : memref<25x80xi32, #tpu.memory_space<vmem>> -> memref<1x80xi32, #tpu.memory_space<vmem>>
        %dma_start3A_87 = tpu.memref_squeeze %dma_start3A_86 : memref<1x80xi32, #tpu.memory_space<vmem>> -> memref<80xi32, #tpu.memory_space<vmem>>
        %dma_start3A_88 = arith.constant 0 : i32
        %dma_start3A_89 = arith.constant 0 : i32
        %dma_start3A_90 = tpu.memref_slice %arg14[%dma_start3A_88, %dma_start3A_89] : memref<10000x128xf32, #tpu.memory_space<vmem_shared>> -> memref<10000x128xf32, #tpu.memory_space<vmem_shared>>
        tpu.enqueue_indirect_dma source(%arg8 : memref<80x128xf32, #tpu.memory_space<vmem>>) target(%dma_start3A_90 : memref<10000x128xf32, #tpu.memory_space<vmem_shared>>) offsets(%dma_start3A_87 : memref<80xi32, #tpu.memory_space<vmem>>) semaphore(%run_scoped3A_84 : memref<!tpu.dma_semaphore, #tpu.memory_space<semaphore_mem>>) {add = true}
        %dma_wait3A_91 = arith.constant 0 : i32
        %dma_wait3A_92 = tpu.memref_slice %arg7[%rem3A_42, %dma_wait3A_91] : memref<25x80xi32, #tpu.memory_space<vmem>> -> memref<1x80xi32, #tpu.memory_space<vmem>>
        %dma_wait3A_93 = tpu.memref_squeeze %dma_wait3A_92 : memref<1x80xi32, #tpu.memory_space<vmem>> -> memref<80xi32, #tpu.memory_space<vmem>>
        %dma_wait3A_94 = arith.constant 0 : i32
        %dma_wait3A_95 = arith.constant 0 : i32
        %dma_wait3A_96 = tpu.memref_slice %arg14[%dma_wait3A_94, %dma_wait3A_95] : memref<10000x128xf32, #tpu.memory_space<vmem_shared>> -> memref<10000x128xf32, #tpu.memory_space<vmem_shared>>
        tpu.wait_indirect_dma semaphore(%run_scoped3A_84 : memref<!tpu.dma_semaphore, #tpu.memory_space<semaphore_mem>>) src(%arg8 : memref<80x128xf32, #tpu.memory_space<vmem>>) dst(%dma_wait3A_96 : memref<10000x128xf32, #tpu.memory_space<vmem_shared>>)
        tpu.yield
      }) : () -> ()
      %add3A_63 = arith.constant 2 : i32
      %add3A_64 = arith.addi %mul3A_39, %add3A_63 : i32
      %mul3A_65 = arith.constant 80 : i32
      %mul3A_66 = arith.muli %add3A_64, %mul3A_65 : i32
      %dma_start3A_67 = tpu.memref_slice %arg6[%mul3A_66] : memref<10000xi32, #tpu.memory_space<vmem>> -> memref<80xi32, #tpu.memory_space<vmem>>
      %dma_start3A_68 = arith.constant 0 : i32
      %dma_start3A_69 = arith.constant 0 : i32
      %dma_start3A_70 = tpu.memref_slice %arg2[%dma_start3A_68, %dma_start3A_69] : memref<10000x128xf32, #tpu.memory_space<hbm>> -> memref<10000x128xf32, #tpu.memory_space<hbm>>
      tpu.enqueue_indirect_dma source(%dma_start3A_70 : memref<10000x128xf32, #tpu.memory_space<hbm>>) target(%arg8 : memref<80x128xf32, #tpu.memory_space<vmem>>) offsets(%dma_start3A_67 : memref<80xi32, #tpu.memory_space<vmem>>) semaphore(%arg11 : memref<!tpu.dma_semaphore, #tpu.memory_space<semaphore_mem>>)
      %rem3A_71 = arith.constant 25 : i32
      %rem3A_72 = arith.remsi %add3A_41, %rem3A_71 : i32
      %eq3A_73 = arith.constant 0 : i32
      %eq3A_74 = arith.cmpi eq, %rem3A_72, %eq3A_73 : i32
      %convert_element_type3A_75 = arith.extui %eq3A_74 : i1 to i32
      %cond3A_76 = arith.constant 0 : i32
      %cond3A_77 = arith.cmpi ne, %convert_element_type3A_75, %cond3A_76 : i32
      scf.if %cond3A_77 {
        %div3A = arith.constant 25 : i32
        %div3A_84 = arith.divsi %add3A_41, %div3A : i32
        "tpu.region"() ({
          %run_scoped3A_85 = tpu.sem_alloc : memref<!tpu.dma_semaphore, #tpu.memory_space<semaphore_mem>>
          %dma_start3A_86 = arith.constant 0 : i32
          %dma_start3A_87 = arith.constant 0 : i32
          %dma_start3A_88 = arith.constant 0 : i32
          %dma_start3A_89 = tpu.memref_slice %arg4[%add3A, %dma_start3A_86, %dma_start3A_87, %dma_start3A_88] : memref<32x5x25x80xi32, #tpu.memory_space<hbm>> -> memref<1x5x25x80xi32, #tpu.memory_space<hbm>>
          %dma_start3A_90 = tpu.memref_squeeze %dma_start3A_89 : memref<1x5x25x80xi32, #tpu.memory_space<hbm>> -> memref<5x25x80xi32, #tpu.memory_space<hbm>>
          %dma_start3A_91 = arith.constant 0 : i32
          %dma_start3A_92 = arith.constant 0 : i32
          %dma_start3A_93 = tpu.memref_slice %dma_start3A_90[%div3A_84, %dma_start3A_91, %dma_start3A_92] : memref<5x25x80xi32, #tpu.memory_space<hbm>> -> memref<1x25x80xi32, #tpu.memory_space<hbm>>
          %dma_start3A_94 = tpu.memref_squeeze %dma_start3A_93 : memref<1x25x80xi32, #tpu.memory_space<hbm>> -> memref<25x80xi32, #tpu.memory_space<hbm>>
          %dma_start3A_95 = arith.constant 0 : i32
          %dma_start3A_96 = arith.constant 0 : i32
          %dma_start3A_97 = arith.constant 0 : i32
          %dma_start3A_98 = tpu.memref_slice %arg4[%add3A, %dma_start3A_95, %dma_start3A_96, %dma_start3A_97] : memref<32x5x25x80xi32, #tpu.memory_space<hbm>> -> memref<1x5x25x80xi32, #tpu.memory_space<hbm>>
          %dma_start3A_99 = tpu.memref_squeeze %dma_start3A_98 : memref<1x5x25x80xi32, #tpu.memory_space<hbm>> -> memref<5x25x80xi32, #tpu.memory_space<hbm>>
          %dma_start3A_100 = arith.constant 0 : i32
          %dma_start3A_101 = arith.constant 0 : i32
          %dma_start3A_102 = tpu.memref_slice %dma_start3A_99[%div3A_84, %dma_start3A_100, %dma_start3A_101] : memref<5x25x80xi32, #tpu.memory_space<hbm>> -> memref<1x25x80xi32, #tpu.memory_space<hbm>>
          %dma_start3A_103 = tpu.memref_squeeze %dma_start3A_102 : memref<1x25x80xi32, #tpu.memory_space<hbm>> -> memref<25x80xi32, #tpu.memory_space<hbm>>
          tpu.enqueue_dma source(%dma_start3A_103 : memref<25x80xi32, #tpu.memory_space<hbm>>) target(%arg7 : memref<25x80xi32, #tpu.memory_space<vmem>>) target_semaphore(%run_scoped3A_85 : memref<!tpu.dma_semaphore, #tpu.memory_space<semaphore_mem>>)
          %dma_wait3A_104 = arith.constant 0 : i32
          %dma_wait3A_105 = arith.constant 0 : i32
          %dma_wait3A_106 = arith.constant 0 : i32
          %dma_wait3A_107 = tpu.memref_slice %arg4[%add3A, %dma_wait3A_104, %dma_wait3A_105, %dma_wait3A_106] : memref<32x5x25x80xi32, #tpu.memory_space<hbm>> -> memref<1x5x25x80xi32, #tpu.memory_space<hbm>>
          %dma_wait3A_108 = tpu.memref_squeeze %dma_wait3A_107 : memref<1x5x25x80xi32, #tpu.memory_space<hbm>> -> memref<5x25x80xi32, #tpu.memory_space<hbm>>
          %dma_wait3A_109 = arith.constant 0 : i32
          %dma_wait3A_110 = arith.constant 0 : i32
          %dma_wait3A_111 = tpu.memref_slice %dma_wait3A_108[%div3A_84, %dma_wait3A_109, %dma_wait3A_110] : memref<5x25x80xi32, #tpu.memory_space<hbm>> -> memref<1x25x80xi32, #tpu.memory_space<hbm>>
          %dma_wait3A_112 = tpu.memref_squeeze %dma_wait3A_111 : memref<1x25x80xi32, #tpu.memory_space<hbm>> -> memref<25x80xi32, #tpu.memory_space<hbm>>
          %dma_wait3A_113 = arith.constant 0 : i32
          %dma_wait3A_114 = arith.constant 0 : i32
          %dma_wait3A_115 = arith.constant 0 : i32
          %dma_wait3A_116 = tpu.memref_slice %arg4[%add3A, %dma_wait3A_113, %dma_wait3A_114, %dma_wait3A_115] : memref<32x5x25x80xi32, #tpu.memory_space<hbm>> -> memref<1x5x25x80xi32, #tpu.memory_space<hbm>>
          %dma_wait3A_117 = tpu.memref_squeeze %dma_wait3A_116 : memref<1x5x25x80xi32, #tpu.memory_space<hbm>> -> memref<5x25x80xi32, #tpu.memory_space<hbm>>
          %dma_wait3A_118 = arith.constant 0 : i32
          %dma_wait3A_119 = arith.constant 0 : i32
          %dma_wait3A_120 = tpu.memref_slice %dma_wait3A_117[%div3A_84, %dma_wait3A_118, %dma_wait3A_119] : memref<5x25x80xi32, #tpu.memory_space<hbm>> -> memref<1x25x80xi32, #tpu.memory_space<hbm>>
          %dma_wait3A_121 = tpu.memref_squeeze %dma_wait3A_120 : memref<1x25x80xi32, #tpu.memory_space<hbm>> -> memref<25x80xi32, #tpu.memory_space<hbm>>
          tpu.wait_dma2 semaphore(%run_scoped3A_85 : memref<!tpu.dma_semaphore, #tpu.memory_space<semaphore_mem>>) src(%dma_wait3A_121 : memref<25x80xi32, #tpu.memory_space<hbm>>) dst(%arg7 : memref<25x80xi32, #tpu.memory_space<vmem>>)
          tpu.yield
        }) : () -> ()
      } else {
      }
      %mul3A_78 = arith.constant 80 : i32
      %mul3A_79 = arith.muli %add3A_41, %mul3A_78 : i32
      %dma_wait3A_80 = tpu.memref_slice %arg6[%mul3A_79] : memref<10000xi32, #tpu.memory_space<vmem>> -> memref<80xi32, #tpu.memory_space<vmem>>
      %dma_wait3A_81 = arith.constant 0 : i32
      %dma_wait3A_82 = arith.constant 0 : i32
      %dma_wait3A_83 = tpu.memref_slice %arg2[%dma_wait3A_81, %dma_wait3A_82] : memref<10000x128xf32, #tpu.memory_space<hbm>> -> memref<10000x128xf32, #tpu.memory_space<hbm>>
      tpu.wait_indirect_dma semaphore(%arg12 : memref<!tpu.dma_semaphore, #tpu.memory_space<semaphore_mem>>) src(%dma_wait3A_83 : memref<10000x128xf32, #tpu.memory_space<hbm>>) dst(%arg9 : memref<80x128xf32, #tpu.memory_space<vmem>>)
      "tpu.region"() ({
        %run_scoped3A_84 = tpu.sem_alloc : memref<!tpu.dma_semaphore, #tpu.memory_space<semaphore_mem>>
        %dma_start3A_85 = arith.constant 0 : i32
        %dma_start3A_86 = tpu.memref_slice %arg7[%rem3A_44, %dma_start3A_85] : memref<25x80xi32, #tpu.memory_space<vmem>> -> memref<1x80xi32, #tpu.memory_space<vmem>>
        %dma_start3A_87 = tpu.memref_squeeze %dma_start3A_86 : memref<1x80xi32, #tpu.memory_space<vmem>> -> memref<80xi32, #tpu.memory_space<vmem>>
        %dma_start3A_88 = arith.constant 0 : i32
        %dma_start3A_89 = arith.constant 0 : i32
        %dma_start3A_90 = tpu.memref_slice %arg14[%dma_start3A_88, %dma_start3A_89] : memref<10000x128xf32, #tpu.memory_space<vmem_shared>> -> memref<10000x128xf32, #tpu.memory_space<vmem_shared>>
        tpu.enqueue_indirect_dma source(%arg9 : memref<80x128xf32, #tpu.memory_space<vmem>>) target(%dma_start3A_90 : memref<10000x128xf32, #tpu.memory_space<vmem_shared>>) offsets(%dma_start3A_87 : memref<80xi32, #tpu.memory_space<vmem>>) semaphore(%run_scoped3A_84 : memref<!tpu.dma_semaphore, #tpu.memory_space<semaphore_mem>>) {add = true}
        %dma_wait3A_91 = arith.constant 0 : i32
        %dma_wait3A_92 = tpu.memref_slice %arg7[%rem3A_44, %dma_wait3A_91] : memref<25x80xi32, #tpu.memory_space<vmem>> -> memref<1x80xi32, #tpu.memory_space<vmem>>
        %dma_wait3A_93 = tpu.memref_squeeze %dma_wait3A_92 : memref<1x80xi32, #tpu.memory_space<vmem>> -> memref<80xi32, #tpu.memory_space<vmem>>
        %dma_wait3A_94 = arith.constant 0 : i32
        %dma_wait3A_95 = arith.constant 0 : i32
        %dma_wait3A_96 = tpu.memref_slice %arg14[%dma_wait3A_94, %dma_wait3A_95] : memref<10000x128xf32, #tpu.memory_space<vmem_shared>> -> memref<10000x128xf32, #tpu.memory_space<vmem_shared>>
        tpu.wait_indirect_dma semaphore(%run_scoped3A_84 : memref<!tpu.dma_semaphore, #tpu.memory_space<semaphore_mem>>) src(%arg9 : memref<80x128xf32, #tpu.memory_space<vmem>>) dst(%dma_wait3A_96 : memref<10000x128xf32, #tpu.memory_space<vmem_shared>>)
        tpu.yield
      }) : () -> ()
    }
    %scan3A_25 = arith.constant 62 : i32
    %dma_wait3A_26 = arith.constant 9920 : i32
    %dma_wait3A_27 = tpu.memref_slice %arg6[%dma_wait3A_26] : memref<10000xi32, #tpu.memory_space<vmem>> -> memref<80xi32, #tpu.memory_space<vmem>>
    %dma_wait3A_28 = arith.constant 0 : i32
    %dma_wait3A_29 = arith.constant 0 : i32
    %dma_wait3A_30 = tpu.memref_slice %arg2[%dma_wait3A_28, %dma_wait3A_29] : memref<10000x128xf32, #tpu.memory_space<hbm>> -> memref<10000x128xf32, #tpu.memory_space<hbm>>
    tpu.wait_indirect_dma semaphore(%arg11 : memref<!tpu.dma_semaphore, #tpu.memory_space<semaphore_mem>>) src(%dma_wait3A_30 : memref<10000x128xf32, #tpu.memory_space<hbm>>) dst(%arg8 : memref<80x128xf32, #tpu.memory_space<vmem>>)
    %run_scoped3A = arith.constant 24 : i32
    "tpu.region"() ({
      %run_scoped3A_37 = tpu.sem_alloc : memref<!tpu.dma_semaphore, #tpu.memory_space<semaphore_mem>>
      %dma_start3A_38 = arith.constant 0 : i32
      %dma_start3A_39 = tpu.memref_slice %arg7[%run_scoped3A, %dma_start3A_38] : memref<25x80xi32, #tpu.memory_space<vmem>> -> memref<1x80xi32, #tpu.memory_space<vmem>>
      %dma_start3A_40 = tpu.memref_squeeze %dma_start3A_39 : memref<1x80xi32, #tpu.memory_space<vmem>> -> memref<80xi32, #tpu.memory_space<vmem>>
      %dma_start3A_41 = arith.constant 0 : i32
      %dma_start3A_42 = arith.constant 0 : i32
      %dma_start3A_43 = tpu.memref_slice %arg14[%dma_start3A_41, %dma_start3A_42] : memref<10000x128xf32, #tpu.memory_space<vmem_shared>> -> memref<10000x128xf32, #tpu.memory_space<vmem_shared>>
      tpu.enqueue_indirect_dma source(%arg8 : memref<80x128xf32, #tpu.memory_space<vmem>>) target(%dma_start3A_43 : memref<10000x128xf32, #tpu.memory_space<vmem_shared>>) offsets(%dma_start3A_40 : memref<80xi32, #tpu.memory_space<vmem>>) semaphore(%run_scoped3A_37 : memref<!tpu.dma_semaphore, #tpu.memory_space<semaphore_mem>>) {add = true}
      %dma_wait3A_44 = arith.constant 0 : i32
      %dma_wait3A_45 = tpu.memref_slice %arg7[%run_scoped3A, %dma_wait3A_44] : memref<25x80xi32, #tpu.memory_space<vmem>> -> memref<1x80xi32, #tpu.memory_space<vmem>>
      %dma_wait3A_46 = tpu.memref_squeeze %dma_wait3A_45 : memref<1x80xi32, #tpu.memory_space<vmem>> -> memref<80xi32, #tpu.memory_space<vmem>>
      %dma_wait3A_47 = arith.constant 0 : i32
      %dma_wait3A_48 = arith.constant 0 : i32
      %dma_wait3A_49 = tpu.memref_slice %arg14[%dma_wait3A_47, %dma_wait3A_48] : memref<10000x128xf32, #tpu.memory_space<vmem_shared>> -> memref<10000x128xf32, #tpu.memory_space<vmem_shared>>
      tpu.wait_indirect_dma semaphore(%run_scoped3A_37 : memref<!tpu.dma_semaphore, #tpu.memory_space<semaphore_mem>>) src(%arg8 : memref<80x128xf32, #tpu.memory_space<vmem>>) dst(%dma_wait3A_49 : memref<10000x128xf32, #tpu.memory_space<vmem_shared>>)
      tpu.yield
    }) : () -> ()
    %barrier3A_31 = arith.constant 0 : index
    tpu.barrier barrier_id(%barrier3A_31)
    %lt3A_32 = arith.constant 10 : i32
    %lt3A_33 = arith.cmpi slt, %arg1, %lt3A_32 : i32
    %convert_element_type3A_34 = arith.extui %lt3A_33 : i1 to i32
    %cond3A_35 = arith.constant 0 : i32
    %cond3A_36 = arith.cmpi ne, %convert_element_type3A_34, %cond3A_35 : i32
    scf.if %cond3A_36 {
      %mul3A_37 = arith.constant 1000 : i32
      %mul3A_38 = arith.muli %arg1, %mul3A_37 : i32
      %mul3A_39 = arith.constant 1000 : i32
      %mul3A_40 = arith.muli %arg1, %mul3A_39 : i32
      "tpu.region"() ({
        %run_scoped3A_41 = tpu.sem_alloc : memref<!tpu.dma_semaphore, #tpu.memory_space<semaphore_mem>>
        %dma_start3A_42 = arith.constant 0 : i32
        %dma_start3A_43 = arith.constant 0 : i32
        %dma_start3A_44 = tpu.memref_slice %arg5[%arg0, %dma_start3A_42, %dma_start3A_43] : memref<2x10000x128xf32, #tpu.memory_space<hbm>> -> memref<1x10000x128xf32, #tpu.memory_space<hbm>>
        %dma_start3A_45 = tpu.memref_squeeze %dma_start3A_44 : memref<1x10000x128xf32, #tpu.memory_space<hbm>> -> memref<10000x128xf32, #tpu.memory_space<hbm>>
        %dma_start3A_46 = arith.constant 0 : i32
        %dma_start3A_47 = tpu.memref_slice %dma_start3A_45[%mul3A_40, %dma_start3A_46] : memref<10000x128xf32, #tpu.memory_space<hbm>> -> memref<1000x128xf32, #tpu.memory_space<hbm>>
        %dma_start3A_48 = arith.constant 0 : i32
        %dma_start3A_49 = tpu.memref_slice %arg14[%mul3A_38, %dma_start3A_48] : memref<10000x128xf32, #tpu.memory_space<vmem_shared>> -> memref<1000x128xf32, #tpu.memory_space<vmem_shared>>
        tpu.enqueue_dma source(%dma_start3A_49 : memref<1000x128xf32, #tpu.memory_space<vmem_shared>>) target(%dma_start3A_47 : memref<1000x128xf32, #tpu.memory_space<hbm>>) target_semaphore(%run_scoped3A_41 : memref<!tpu.dma_semaphore, #tpu.memory_space<semaphore_mem>>)
        %dma_wait3A_50 = arith.constant 0 : i32
        %dma_wait3A_51 = arith.constant 0 : i32
        %dma_wait3A_52 = tpu.memref_slice %arg5[%arg0, %dma_wait3A_50, %dma_wait3A_51] : memref<2x10000x128xf32, #tpu.memory_space<hbm>> -> memref<1x10000x128xf32, #tpu.memory_space<hbm>>
        %dma_wait3A_53 = tpu.memref_squeeze %dma_wait3A_52 : memref<1x10000x128xf32, #tpu.memory_space<hbm>> -> memref<10000x128xf32, #tpu.memory_space<hbm>>
        %dma_wait3A_54 = arith.constant 0 : i32
        %dma_wait3A_55 = tpu.memref_slice %dma_wait3A_53[%mul3A_40, %dma_wait3A_54] : memref<10000x128xf32, #tpu.memory_space<hbm>> -> memref<1000x128xf32, #tpu.memory_space<hbm>>
        %dma_wait3A_56 = arith.constant 0 : i32
        %dma_wait3A_57 = tpu.memref_slice %arg14[%mul3A_38, %dma_wait3A_56] : memref<10000x128xf32, #tpu.memory_space<vmem_shared>> -> memref<1000x128xf32, #tpu.memory_space<vmem_shared>>
        tpu.wait_dma2 semaphore(%run_scoped3A_41 : memref<!tpu.dma_semaphore, #tpu.memory_space<semaphore_mem>>) src(%dma_wait3A_57 : memref<1000x128xf32, #tpu.memory_space<vmem_shared>>) dst(%dma_wait3A_55 : memref<1000x128xf32, #tpu.memory_space<hbm>>)
        tpu.yield
      }) : () -> ()
    } else {
    }
    return
  }
}

module attributes {stable_mosaic.version = 14 : i64} {
  func.func @body(%arg0: i32, %arg1: memref<1000x128xf32, #tpu.memory_space<vmem>>, %arg2: memref<128x128xf32, #tpu.memory_space<vmem>>, %arg3: memref<1x128xf32, #tpu.memory_space<vmem>>, %arg4: memref<1000x128xf32, #tpu.memory_space<vmem>>) attributes {dimension_semantics = [#tpu.dimension_semantics<arbitrary>], iteration_bounds = array<i64: 10>, scalar_prefetch = 0 : i64, scratch_operands = 0 : i64, tpu.core_type = #tpu.core_type<tc>, window_params = [{transform_indices = @transform_0, window_bounds = array<i64: 1000, 128>}, {pipeline_mode = #tpu.pipeline_mode<synchronous>, transform_indices = @transform_1, window_bounds = array<i64: 128, 128>}, {pipeline_mode = #tpu.pipeline_mode<synchronous>, transform_indices = @transform_2, window_bounds = array<i64: 1, 128>}, {transform_indices = @transform_3, window_bounds = array<i64: 1000, 128>}]} {
    %get3A = arith.constant 0 : index
    %get3A_0 = arith.constant 0 : index
    %get3A_1 = vector.load %arg1[%get3A, %get3A_0] : memref<1000x128xf32, #tpu.memory_space<vmem>>, vector<1000x128xf32>
    %get3A_2 = arith.constant 0 : index
    %get3A_3 = arith.constant 0 : index
    %get3A_4 = vector.load %arg2[%get3A_2, %get3A_3] : memref<128x128xf32, #tpu.memory_space<vmem>>, vector<128x128xf32>
    %dot_general3A = arith.constant dense<0.000000e+00> : vector<1000x128xf32>
    %dot_general3A_5 = tpu.matmul %get3A_1, %get3A_4, %dot_general3A {dimension_numbers = #tpu.dot_dimension_numbers<[1], [0], [0], [1], [0, 0, 1, 1], [], []>, transpose_lhs_hint = false} : vector<1000x128xf32>, vector<128x128xf32>, vector<1000x128xf32> -> vector<1000x128xf32>
    %get3A_6 = arith.constant 0 : index
    %get3A_7 = arith.constant 0 : index
    %get3A_8 = vector.load %arg3[%get3A_6, %get3A_7] : memref<1x128xf32, #tpu.memory_space<vmem>>, vector<1x128xf32>
    %add3A = vector.broadcast %get3A_8 : vector<1x128xf32> to vector<1000x128xf32>
    %add3A_9 = arith.addf %dot_general3A_5, %add3A : vector<1000x128xf32>
    %swap3A = arith.constant 0 : index
    %swap3A_10 = arith.constant 0 : index
    %swap3A_11 = vector.load %arg4[%swap3A, %swap3A_10] : memref<1000x128xf32, #tpu.memory_space<vmem>>, vector<1000x128xf32>
    tpu.vector_store %arg4[%swap3A, %swap3A_10], %add3A_9 {strides = array<i32>} : memref<1000x128xf32, #tpu.memory_space<vmem>>, vector<1000x128xf32>,
    return
  }
  func.func @transform_0(%arg0: i32) -> (i32, i32) {
    %c0_i32 = arith.constant 0 : i32
    %c0_i32_0 = arith.constant 0 : i32
    return %arg0, %c0_i32 : i32, i32
  }
  func.func @transform_1(%arg0: i32) -> (i32, i32) {
    %c0_i32 = arith.constant 0 : i32
    %c0_i32_0 = arith.constant 0 : i32
    %c0_i32_1 = arith.constant 0 : i32
    return %c0_i32, %c0_i32_0 : i32, i32
  }
  func.func @transform_2(%arg0: i32) -> (i32, i32) {
    %c0_i32 = arith.constant 0 : i32
    %c0_i32_0 = arith.constant 0 : i32
    %c0_i32_1 = arith.constant 0 : i32
    return %c0_i32, %c0_i32_0 : i32, i32
  }
  func.func @transform_3(%arg0: i32) -> (i32, i32) {
    %c0_i32 = arith.constant 0 : i32
    %c0_i32_0 = arith.constant 0 : i32
    return %arg0, %c0_i32 : i32, i32
  }
}

module attributes {stable_mosaic.version = 14 : i64} {
  func.func @body(%arg0: i32, %arg1: memref<2x1000x128xf32, #tpu.memory_space<vmem>>, %arg2: memref<2x1000x1xf32, #tpu.memory_space<vmem>>, %arg3: memref<1000x128xf32, #tpu.memory_space<vmem>>, %arg4: memref<128x128xf32, #tpu.memory_space<vmem>>, %arg5: memref<1000x128xf32, #tpu.memory_space<vmem>>) attributes {dimension_semantics = [#tpu.dimension_semantics<arbitrary>], iteration_bounds = array<i64: 10>, scalar_prefetch = 0 : i64, scratch_operands = 0 : i64, tpu.core_type = #tpu.core_type<tc>, window_params = [{transform_indices = @transform_0, window_bounds = array<i64: 2, 1000, 128>}, {transform_indices = @transform_1, window_bounds = array<i64: 2, 1000, 1>}, {transform_indices = @transform_2, window_bounds = array<i64: 1000, 128>}, {pipeline_mode = #tpu.pipeline_mode<synchronous>, transform_indices = @transform_3, window_bounds = array<i64: 128, 128>}, {transform_indices = @transform_4, window_bounds = array<i64: 1000, 128>}]} {
    %get3A = arith.constant 0 : index
    %get3A_0 = arith.constant 0 : index
    %get3A_1 = arith.constant 0 : index
    %get3A_2 = vector.load %arg2[%get3A, %get3A_0, %get3A_1] : memref<2x1000x1xf32, #tpu.memory_space<vmem>>, vector<2x1000x1xf32>
    %slice3A = vector.extract_strided_slice %get3A_2 {offsets = [0, 0, 0], sizes = [1, 1000, 1], strides = [1, 1, 1]} : vector<2x1000x1xf32> to vector<1x1000x1xf32>
    %squeeze3A = vector.shape_cast %slice3A : vector<1x1000x1xf32> to vector<1000x1xf32>
    %slice3A_3 = vector.extract_strided_slice %get3A_2 {offsets = [1, 0, 0], sizes = [1, 1000, 1], strides = [1, 1, 1]} : vector<2x1000x1xf32> to vector<1x1000x1xf32>
    %squeeze3A_4 = vector.shape_cast %slice3A_3 : vector<1x1000x1xf32> to vector<1000x1xf32>
    %add3A = arith.addf %squeeze3A, %squeeze3A_4 : vector<1000x1xf32>
    %max3A = arith.constant 1.000000e+00 : f32
    %max3A_5 = vector.broadcast %max3A : f32 to vector<1000x1xf32>
    %max3A_6 = arith.maximumf %add3A, %max3A_5 : vector<1000x1xf32>
    %div3A = arith.constant 1.000000e+00 : f32
    %div3A_7 = vector.broadcast %div3A : f32 to vector<1000x1xf32>
    %div3A_8 = arith.divf %div3A_7, %max3A_6 : vector<1000x1xf32>
    %get3A_9 = arith.constant 0 : index
    %get3A_10 = arith.constant 0 : index
    %get3A_11 = arith.constant 0 : index
    %get3A_12 = vector.load %arg1[%get3A_9, %get3A_10, %get3A_11] : memref<2x1000x128xf32, #tpu.memory_space<vmem>>, vector<2x1000x128xf32>
    %slice3A_13 = vector.extract_strided_slice %get3A_12 {offsets = [0, 0, 0], sizes = [1, 1000, 128], strides = [1, 1, 1]} : vector<2x1000x128xf32> to vector<1x1000x128xf32>
    %squeeze3A_14 = vector.shape_cast %slice3A_13 : vector<1x1000x128xf32> to vector<1000x128xf32>
    %slice3A_15 = vector.extract_strided_slice %get3A_12 {offsets = [1, 0, 0], sizes = [1, 1000, 128], strides = [1, 1, 1]} : vector<2x1000x128xf32> to vector<1x1000x128xf32>
    %squeeze3A_16 = vector.shape_cast %slice3A_15 : vector<1x1000x128xf32> to vector<1000x128xf32>
    %add3A_17 = arith.addf %squeeze3A_14, %squeeze3A_16 : vector<1000x128xf32>
    %mul3A = vector.broadcast %div3A_8 : vector<1000x1xf32> to vector<1000x128xf32>
    %mul3A_18 = arith.mulf %add3A_17, %mul3A : vector<1000x128xf32>
    %get3A_19 = arith.constant 0 : index
    %get3A_20 = arith.constant 0 : index
    %get3A_21 = vector.load %arg4[%get3A_19, %get3A_20] : memref<128x128xf32, #tpu.memory_space<vmem>>, vector<128x128xf32>
    %dot_general3A = arith.constant dense<0.000000e+00> : vector<1000x128xf32>
    %dot_general3A_22 = tpu.matmul %mul3A_18, %get3A_21, %dot_general3A {dimension_numbers = #tpu.dot_dimension_numbers<[1], [0], [0], [1], [0, 0, 1, 1], [], []>, transpose_lhs_hint = false} : vector<1000x128xf32>, vector<128x128xf32>, vector<1000x128xf32> -> vector<1000x128xf32>
    %get3A_23 = arith.constant 0 : index
    %get3A_24 = arith.constant 0 : index
    %get3A_25 = vector.load %arg3[%get3A_23, %get3A_24] : memref<1000x128xf32, #tpu.memory_space<vmem>>, vector<1000x128xf32>
    %add3A_26 = arith.addf %dot_general3A_22, %get3A_25 : vector<1000x128xf32>
    %max3A_27 = arith.constant 0.000000e+00 : f32
    %max3A_28 = vector.broadcast %max3A_27 : f32 to vector<1000x128xf32>
    %max3A_29 = arith.maximumf %add3A_26, %max3A_28 : vector<1000x128xf32>
    %swap3A = arith.constant 0 : index
    %swap3A_30 = arith.constant 0 : index
    %swap3A_31 = vector.load %arg5[%swap3A, %swap3A_30] : memref<1000x128xf32, #tpu.memory_space<vmem>>, vector<1000x128xf32>
    tpu.vector_store %arg5[%swap3A, %swap3A_30], %max3A_29 {strides = array<i32>} : memref<1000x128xf32, #tpu.memory_space<vmem>>, vector<1000x128xf32>,
    return
  }
  func.func @transform_0(%arg0: i32) -> (i32, i32, i32) {
    %c0_i32 = arith.constant 0 : i32
    %c0_i32_0 = arith.constant 0 : i32
    %c0_i32_1 = arith.constant 0 : i32
    return %c0_i32, %arg0, %c0_i32_0 : i32, i32, i32
  }
  func.func @transform_1(%arg0: i32) -> (i32, i32, i32) {
    %c0_i32 = arith.constant 0 : i32
    %c0_i32_0 = arith.constant 0 : i32
    %c0_i32_1 = arith.constant 0 : i32
    return %c0_i32, %arg0, %c0_i32_0 : i32, i32, i32
  }
  func.func @transform_2(%arg0: i32) -> (i32, i32) {
    %c0_i32 = arith.constant 0 : i32
    %c0_i32_0 = arith.constant 0 : i32
    return %arg0, %c0_i32 : i32, i32
  }
  func.func @transform_3(%arg0: i32) -> (i32, i32) {
    %c0_i32 = arith.constant 0 : i32
    %c0_i32_0 = arith.constant 0 : i32
    %c0_i32_1 = arith.constant 0 : i32
    return %c0_i32, %c0_i32_0 : i32, i32
  }
  func.func @transform_4(%arg0: i32) -> (i32, i32) {
    %c0_i32 = arith.constant 0 : i32
    %c0_i32_0 = arith.constant 0 : i32
    return %arg0, %c0_i32 : i32, i32
  }
}

module attributes {stable_mosaic.version = 14 : i64} {
  func.func @body(%arg0: i32, %arg1: memref<2x1000x128xf32, #tpu.memory_space<vmem>>, %arg2: memref<2x1000x1xf32, #tpu.memory_space<vmem>>, %arg3: memref<1000x128xf32, #tpu.memory_space<vmem>>, %arg4: memref<128x128xf32, #tpu.memory_space<vmem>>, %arg5: memref<1000x128xf32, #tpu.memory_space<vmem>>) attributes {dimension_semantics = [#tpu.dimension_semantics<arbitrary>], iteration_bounds = array<i64: 10>, scalar_prefetch = 0 : i64, scratch_operands = 0 : i64, tpu.core_type = #tpu.core_type<tc>, window_params = [{transform_indices = @transform_0, window_bounds = array<i64: 2, 1000, 128>}, {transform_indices = @transform_1, window_bounds = array<i64: 2, 1000, 1>}, {transform_indices = @transform_2, window_bounds = array<i64: 1000, 128>}, {pipeline_mode = #tpu.pipeline_mode<synchronous>, transform_indices = @transform_3, window_bounds = array<i64: 128, 128>}, {transform_indices = @transform_4, window_bounds = array<i64: 1000, 128>}]} {
    %get3A = arith.constant 0 : index
    %get3A_0 = arith.constant 0 : index
    %get3A_1 = arith.constant 0 : index
    %get3A_2 = vector.load %arg2[%get3A, %get3A_0, %get3A_1] : memref<2x1000x1xf32, #tpu.memory_space<vmem>>, vector<2x1000x1xf32>
    %slice3A = vector.extract_strided_slice %get3A_2 {offsets = [0, 0, 0], sizes = [1, 1000, 1], strides = [1, 1, 1]} : vector<2x1000x1xf32> to vector<1x1000x1xf32>
    %squeeze3A = vector.shape_cast %slice3A : vector<1x1000x1xf32> to vector<1000x1xf32>
    %slice3A_3 = vector.extract_strided_slice %get3A_2 {offsets = [1, 0, 0], sizes = [1, 1000, 1], strides = [1, 1, 1]} : vector<2x1000x1xf32> to vector<1x1000x1xf32>
    %squeeze3A_4 = vector.shape_cast %slice3A_3 : vector<1x1000x1xf32> to vector<1000x1xf32>
    %add3A = arith.addf %squeeze3A, %squeeze3A_4 : vector<1000x1xf32>
    %max3A = arith.constant 1.000000e+00 : f32
    %max3A_5 = vector.broadcast %max3A : f32 to vector<1000x1xf32>
    %max3A_6 = arith.maximumf %add3A, %max3A_5 : vector<1000x1xf32>
    %div3A = arith.constant 1.000000e+00 : f32
    %div3A_7 = vector.broadcast %div3A : f32 to vector<1000x1xf32>
    %div3A_8 = arith.divf %div3A_7, %max3A_6 : vector<1000x1xf32>
    %get3A_9 = arith.constant 0 : index
    %get3A_10 = arith.constant 0 : index
    %get3A_11 = arith.constant 0 : index
    %get3A_12 = vector.load %arg1[%get3A_9, %get3A_10, %get3A_11] : memref<2x1000x128xf32, #tpu.memory_space<vmem>>, vector<2x1000x128xf32>
    %slice3A_13 = vector.extract_strided_slice %get3A_12 {offsets = [0, 0, 0], sizes = [1, 1000, 128], strides = [1, 1, 1]} : vector<2x1000x128xf32> to vector<1x1000x128xf32>
    %squeeze3A_14 = vector.shape_cast %slice3A_13 : vector<1x1000x128xf32> to vector<1000x128xf32>
    %slice3A_15 = vector.extract_strided_slice %get3A_12 {offsets = [1, 0, 0], sizes = [1, 1000, 128], strides = [1, 1, 1]} : vector<2x1000x128xf32> to vector<1x1000x128xf32>
    %squeeze3A_16 = vector.shape_cast %slice3A_15 : vector<1x1000x128xf32> to vector<1000x128xf32>
    %add3A_17 = arith.addf %squeeze3A_14, %squeeze3A_16 : vector<1000x128xf32>
    %mul3A = vector.broadcast %div3A_8 : vector<1000x1xf32> to vector<1000x128xf32>
    %mul3A_18 = arith.mulf %add3A_17, %mul3A : vector<1000x128xf32>
    %get3A_19 = arith.constant 0 : index
    %get3A_20 = arith.constant 0 : index
    %get3A_21 = vector.load %arg4[%get3A_19, %get3A_20] : memref<128x128xf32, #tpu.memory_space<vmem>>, vector<128x128xf32>
    %dot_general3A = arith.constant dense<0.000000e+00> : vector<1000x128xf32>
    %dot_general3A_22 = tpu.matmul %mul3A_18, %get3A_21, %dot_general3A {dimension_numbers = #tpu.dot_dimension_numbers<[1], [0], [0], [1], [0, 0, 1, 1], [], []>, transpose_lhs_hint = false} : vector<1000x128xf32>, vector<128x128xf32>, vector<1000x128xf32> -> vector<1000x128xf32>
    %get3A_23 = arith.constant 0 : index
    %get3A_24 = arith.constant 0 : index
    %get3A_25 = vector.load %arg3[%get3A_23, %get3A_24] : memref<1000x128xf32, #tpu.memory_space<vmem>>, vector<1000x128xf32>
    %add3A_26 = arith.addf %dot_general3A_22, %get3A_25 : vector<1000x128xf32>
    %mul3A_27 = arith.mulf %add3A_26, %add3A_26 : vector<1000x128xf32>
    %reduce_sum3A = arith.constant dense<0.000000e+00> : vector<1000xf32>
    %reduce_sum3A_28 = vector.multi_reduction <add>, %mul3A_27, %reduce_sum3A [1] : vector<1000x128xf32> to vector<1000xf32>
    %broadcast_in_dim3A = vector.shape_cast %reduce_sum3A_28 : vector<1000xf32> to vector<1000x1xf32>
    %sqrt3A = math.sqrt %broadcast_in_dim3A : vector<1000x1xf32>
    %max3A_29 = arith.constant 9.99999996E-13 : f32
    %max3A_30 = vector.broadcast %max3A_29 : f32 to vector<1000x1xf32>
    %max3A_31 = arith.maximumf %sqrt3A, %max3A_30 : vector<1000x1xf32>
    %div3A_32 = vector.broadcast %max3A_31 : vector<1000x1xf32> to vector<1000x128xf32>
    %div3A_33 = arith.divf %add3A_26, %div3A_32 : vector<1000x128xf32>
    %swap3A = arith.constant 0 : index
    %swap3A_34 = arith.constant 0 : index
    %swap3A_35 = vector.load %arg5[%swap3A, %swap3A_34] : memref<1000x128xf32, #tpu.memory_space<vmem>>, vector<1000x128xf32>
    tpu.vector_store %arg5[%swap3A, %swap3A_34], %div3A_33 {strides = array<i32>} : memref<1000x128xf32, #tpu.memory_space<vmem>>, vector<1000x128xf32>,
    return
  }
  func.func @transform_0(%arg0: i32) -> (i32, i32, i32) {
    %c0_i32 = arith.constant 0 : i32
    %c0_i32_0 = arith.constant 0 : i32
    %c0_i32_1 = arith.constant 0 : i32
    return %c0_i32, %arg0, %c0_i32_0 : i32, i32, i32
  }
  func.func @transform_1(%arg0: i32) -> (i32, i32, i32) {
    %c0_i32 = arith.constant 0 : i32
    %c0_i32_0 = arith.constant 0 : i32
    %c0_i32_1 = arith.constant 0 : i32
    return %c0_i32, %arg0, %c0_i32_0 : i32, i32, i32
  }
  func.func @transform_2(%arg0: i32) -> (i32, i32) {
    %c0_i32 = arith.constant 0 : i32
    %c0_i32_0 = arith.constant 0 : i32
    return %arg0, %c0_i32 : i32, i32
  }
  func.func @transform_3(%arg0: i32) -> (i32, i32) {
    %c0_i32 = arith.constant 0 : i32
    %c0_i32_0 = arith.constant 0 : i32
    %c0_i32_1 = arith.constant 0 : i32
    return %c0_i32, %c0_i32_0 : i32, i32
  }
  func.func @transform_4(%arg0: i32) -> (i32, i32) {
    %c0_i32 = arith.constant 0 : i32
    %c0_i32_0 = arith.constant 0 : i32
    return %arg0, %c0_i32 : i32, i32
  }
}

</mosaic_0001>

<sc_bundles>
// kernel: kernel.12.cloned.1.call-start
scs
__scs_entry_jumppad:
0x0: {  	(pc) =	sbr.rel $0x88, $3  }
0x1: {  	(tag) =	ssettag $0x0;
	lr =	simm.s32 $0x1  }
0x2: {  	[smem:$0x3F97] =	sst lr;
	_ =	strace $0xD0000000  }
0x3: {  	_ = 	snop  }
0x4: {  	_ = 	snop  }
0x5: {  	_ = 	snop  }
0x6: {  	_ = 	snop  }
0x7: {  	_ = 	snop  }
__scs_overlays_trampoline_lowered:
0x8: {  	[smem:$0x3FA6] =	sst s0  }
0x9: {  	[smem:$0x3FA7] =	sst s1  }
0xa: {  	[smem:$0x3FA8] =	sst s2  }
0xb: {  	[smem:$0x3FA9] =	sst s3  }
0xc: {  	[smem:$0x3FAA] =	sst s4  }
0xd: {  	[smem:$0x3FAB] =	sst s5  }
0xe: {  	[smem:$0x3FAC] =	sst s6  }
0xf: {  	[smem:$0x3FAD] =	sst s7  }
0x10: {  	[smem:$0x3FAE] =	sst s8  }
0x11: {  	[smem:$0x3FAF] =	sst s9;
	s0 =	simm.s32 @!p0 $0x0  }
0x12: {  	s1 =	sld [smem:$0x3F95];
	s0 =	simm.s32 @p0 $0x1  }
0x13: {  	[smem:$0x3FB0] =	sst s0;
	s0 =	simm.s32 @!p1 $0x0  }
0x14: {  	s2 =	sld [smem:$0x3F94];
	s0 =	simm.s32 @p1 $0x1  }
0x15: {  	[smem:$0x3FB1] =	sst s0;
	s0 =	simm.s32 @!p2 $0x0  }
0x16: {  	s3 =	sld [smem:$0x3FDB];
	s0 =	simm.s32 @p2 $0x1  }
0x17: {  	s4 =	simm.s32 $0x1BF5;
	[smem:$0x3FB3] =	sst s0  }
0x18: {  	s0 =	sld [smem:$0x3F96];
	_ =	swait.ge [sflag:s4], $0x0  }
0x19: {  	s7 =	sld [smem:$0x3F97]  }
0x1a: {  	s8 =	sadd.s32 $0xFFFFE003, lr  }
0x1b: {  	s9 =	sadd.s32 $0xFFFFFEF7, lr;
	s5 =	simm.s32 $0xFFFFFFFF;
	p2 =	slt.u32 s8, $0xFFFFF086  }
0x1c: {  	p1 =	slt.u32 s9, $0xF7A;
	s5 =	simm.s32 @!p2 $0x0  }
0x1d: {  	s5 =	simm.s32 @p1 $0x1;
	p0 =	seq.s32 s7, s2  }
0x1e: {  	s7 =	smul.u32 @!p0 $0xF7A, s2;
	p2 =	seq.s32 @!p0 s5, $0x0  }
0x1f: {  	s9 =	smul.u32 $0xF7A, s1;
	s8 =	simm.s32 @!p0 $0x1BF5;
	p2 =	por !p2, p0  }
0x20: {  	[sflag:s8] =	ssyncset.s32 @!p0 $0xFFFFF086;
	s6 =	sadd.s32 @!p0 s3, s7;
	s7 =	simm.s32 @!p0 $0x108  }
0x21: {  	s3 =	sadd.s32 s3, s9;
	s6 =	sadd.s32 @!p0 $0x88, s6;
	s7 =	simm.s32 @p2 $0x1082  }
0x22: {  	[simem:s7], [sflag:s8] =	dma.local @!p0 [hbm:s6], $0xF7A  }
0x23: {  	s9 =	sor.u32 $0xD0000000, s2;
	s6 =	simm.s32 $0x108;
	_ =	swait.ge @!p0 [sflag:s8], $0x0  }
0x24: {  	s3 =	sadd.s32 $0x88, s3;
	s6 =	simm.s32 @!p1 $0x1082;
	[sflag:s4] =	ssyncset.s32 $0xFFFFF086  }
0x25: {  	[simem:s6], [sflag:s4] =	dma.local [hbm:s3], $0xF7A  }
0x26: {  	[smem:$0x3F97] =	sst s1;
	(tag) =	ssettag s2;
	_ =	strace s9  }
0x27: {  	s1 =	sld [smem:$0x3FA7]  }
0x28: {  	s2 =	sld [smem:$0x3FA8]  }
0x29: {  	s4 =	sld [smem:$0x3FAA]  }
0x2a: {  	p0 =	seq.s32 s5, $0x0;
	s5 =	sld [smem:$0x3FAB]  }
0x2b: {  	s6 =	sld [smem:$0x3FAC]  }
0x2c: {  	s7 =	sld [smem:$0x3FAD]  }
0x2d: {  	s3 =	simm.s32 $0x108;
	s8 =	sld [smem:$0x3FAE]  }
0x2e: {  	s3 =	simm.s32 @!p0 $0x1082;
	s9 =	sld [smem:$0x3FAF]  }
0x2f: {  	lr =	sadd.s32 s0, s3;
	s0 =	sld [smem:$0x3FA6]  }
0x30: {  	s3 =	sld [smem:$0x3FA9]  }
0x31: {  	[smem:$0x3FB2] =	sst s10  }
0x32: {  	s10 =	sld [smem:$0x3FB0];
	_ =	sdelay $0x3  }
0x33: {  	p0 =	seq.s32 s10, $0x1;
	s10 =	sld [smem:$0x3FB2];
	_ =	sdelay $0x3  }
0x34: {  	[smem:$0x3FB2] =	sst s10  }
0x35: {  	s10 =	sld [smem:$0x3FB1];
	_ =	sdelay $0x3  }
0x36: {  	p1 =	seq.s32 s10, $0x1;
	s10 =	sld [smem:$0x3FB2];
	_ =	sdelay $0x3  }
0x37: {  	[smem:$0x3FB2] =	sst s10  }
0x38: {  	s10 =	sld [smem:$0x3FB3]  }
0x39: {  	_ = 	snop;
	(pc) =	sbr.ind lr, $3  }
0x3a: {  	_ = 	snop  }
0x3b: {  	_ = 	snop  }
0x3c: {  	p2 =	seq.s32 s10, $0x1;
	s10 =	sld [smem:$0x3FB2]  }
0x3d: {  	_ =	shalt  }
0x3e: {  	_ =	shalt  }
0x3f: {  	_ =	shalt  }
0x40: {  	_ =	shalt  }
0x41: {  	_ =	shalt  }
0x42: {  	_ =	shalt  }
0x43: {  	_ =	shalt  }
0x44: {  	_ =	shalt  }
0x45: {  	_ =	shalt  }
0x46: {  	_ =	shalt  }
0x47: {  	_ =	shalt  }
0x48: {  	_ =	shalt  }
0x49: {  	_ =	shalt  }
0x4a: {  	_ =	shalt  }
0x4b: {  	_ =	shalt  }
0x4c: {  	_ =	shalt  }
0x4d: {  	_ =	shalt  }
0x4e: {  	_ =	shalt  }
0x4f: {  	_ =	shalt  }
0x50: {  	_ =	shalt  }
0x51: {  	_ =	shalt  }
0x52: {  	_ =	shalt  }
0x53: {  	_ =	shalt  }
0x54: {  	_ =	shalt  }
0x55: {  	_ =	shalt  }
0x56: {  	_ =	shalt  }
0x57: {  	_ =	shalt  }
0x58: {  	_ =	shalt  }
0x59: {  	_ =	shalt  }
0x5a: {  	_ =	shalt  }
0x5b: {  	_ =	shalt  }
0x5c: {  	_ =	shalt  }
0x5d: {  	_ =	shalt  }
0x5e: {  	_ =	shalt  }
0x5f: {  	_ =	shalt  }
0x60: {  	_ =	shalt  }
0x61: {  	_ =	shalt  }
0x62: {  	_ =	shalt  }
0x63: {  	_ =	shalt  }
0x64: {  	_ =	shalt  }
0x65: {  	_ =	shalt  }
0x66: {  	_ =	shalt  }
0x67: {  	_ =	shalt  }
0x68: {  	_ =	shalt  }
0x69: {  	_ =	shalt  }
0x6a: {  	_ =	shalt  }
0x6b: {  	_ =	shalt  }
0x6c: {  	_ =	shalt  }
0x6d: {  	_ =	shalt  }
0x6e: {  	_ =	shalt  }
0x6f: {  	_ =	shalt  }
0x70: {  	_ =	shalt  }
0x71: {  	_ =	shalt  }
0x72: {  	_ =	shalt  }
0x73: {  	_ =	shalt  }
0x74: {  	_ =	shalt  }
0x75: {  	_ =	shalt  }
0x76: {  	_ =	shalt  }
0x77: {  	_ =	shalt  }
0x78: {  	_ =	shalt  }
0x79: {  	_ =	shalt  }
0x7a: {  	_ =	shalt  }
0x7b: {  	_ =	shalt  }
0x7c: {  	_ =	shalt  }
0x7d: {  	_ =	shalt  }
0x7e: {  	_ =	shalt  }
0x7f: {  	_ =	shalt  }
0x80: {  	_ =	shalt  }
0x81: {  	_ =	shalt  }
0x82: {  	_ =	shalt  }
0x83: {  	_ =	shalt  }
0x84: {  	_ =	shalt  }
0x85: {  	_ =	shalt  }
0x86: {  	_ =	shalt  }
0x87: {  	_ =	shalt  }
.Lfunc_end0:
.L_simem_size_0:
called_computation.1_lowered:
.L_overlay_start_0:
0x88: {  	s2 =	sld [smem:$0x3FD9]  }
0x89: {  	s3 =	sld [smem:$0x3FFE];
	_ =	sdelay $0x1  }
0x8a: {  	s1 =	srdreg.scid  }
0x8b: {  	s0 =	sand.u32 $0x1, s1  }
0x8c: {  	s17 =	sshll.u32 s0, $0xA;
	s2 =	sadd.s32 s3, s2  }
0x8d: {  	s2 =	sadd.s32 s2, s17  }
0x8e: {  	[smem:$0x3FBE] =	sst s2  }
0x8f: {  	_ = 	snop  }
0x90: {  	s2 =	sld [smem:$0x3FD0];
	(tm) =	ssettm $0x1  }
0x91: {  	s18 =	sld [smem:$0x3FFB];
	_ =	sdelay $0x3  }
0x92: {  	_ =	strace s18  }
0x93: {  	s3 =	sld [smem:$0x3FFC];
	_ =	sdelay $0x3  }
0x94: {  	_ =	strace s3  }
0x95: {  	s3 =	sld [smem:$0x3FFD];
	_ =	sdelay $0x3  }
0x96: {  	_ =	strace s3  }
0x97: {  	_ =	strace $0x8FFFFFFF  }
0x98: {  	s19 =	sld [smem:$0x3FDB];
	_ =	sdelay $0x1  }
0x99: {  	s4 =	simm.s32 $_scs_section_size  }
0x9a: {  	s5 =	simm.s32 $_size__tile_overlayer_lowered;
	s6 =	simm.s32 $_tile_overlayer_lowered  }
0x9b: {  	s22 =	simm.s32 $0x1BFF;
	s21 =	sshll.u32 s6, $0x1;
	s3 =	sadd.s32 s4, s19  }
0x9c: {  	s7 =	simm.s32 $0x0;
	s20 =	sshll.u32 s5, $0x1;
	s5 =	sadd.s32 s21, s3  }
0x9d: {  	[timem:s7], [sflag:s22] =	dma.local [hbm:s5], s20  }
0x9e: {  	_ =	swait.ge [sflag:s22], s20  }
0x9f: {  	s4 =	ssub.s32 $0x0, s20;
	[sflag:s22] =	ssyncset.done $0x0  }
0xa0: {  	[sflag:s22] =	ssyncadd.s32 s4;
	_ =	sdelay $0x1  }
0xa1: {  	s23 =	simm.s32 $0x1B8B  }
0xa2: {  	_ =	swait.ge [sflag:s23], $0x1  }
0xa3: {  	[sflag:s23] =	ssyncset.done $0x0  }
0xa4: {  	s25 =	simm.s32 $0x1B8E;
	s24 =	sld [smem:$0x3FFE];
	[sflag:s23] =	ssyncadd.s32 $0xFFFFFFFF  }
0xa5: {  	s26 =	simm.s32 $execute0_lowered;
	[smem:$0x3FD2] =	sst s25  }
0xa6: {  	s5 =	sshll.u32 s26, $0x1;
	_ =	strace $0x80000049;
	[dreg:$0x1] =	wrdreg $0xFFFFFFFF  }
0xa7: {  	s28 =	simm.s32 $_size_execute0_lowered;
	s3 =	sadd.s32 s3, s5;
	[dreg:$0x0] =	wrdreg $0x0  }
0xa8: {  	s5 =	sshll.u32 s28, $0x1;
	[dreg:$0x2] =	wrdreg s3  }
0xa9: {  	[dreg:$0x3] =	wrdreg s5  }
0xaa: {  	[dreg:$0x4] =	wrdreg $0xC0  }
0xab: {  	_ =	task [dreg:s7], $0x5FFFF  }
0xac: {  	[dreg:$0x1] =	wrdreg $0xFFFFFFFF  }
0xad: {  	[dreg:$0x0] =	wrdreg $0x60  }
0xae: {  	[dreg:$0x2] =	wrdreg s2  }
0xaf: {  	[dreg:$0x3] =	wrdreg s24  }
0xb0: {  	[dreg:$0x4] =	wrdreg $0x97800  }
0xb1: {  	[dreg:$0x5] =	wrdreg $0x9  }
0xb2: {  	_ =	task.clear_ibuf [dreg:s7], $0x6FFFF;
	_ =	strace $0x90000049  }
0xb3: {  	s29 =	simm.s32 $0x9;
	_ =	strace $0x8000004B  }
0xb4: {  	_ =	swait.ge [sflag:s29], $0x1  }
0xb5: {  	[sflag:s29] =	ssyncadd.s32 $0xFFFFFFFF  }
0xb6: {  	_ =	strace $0x9000004B  }
0xb7: {  	_ =	sfence  }
0xb8: {  	s30 =	sld [smem:$0x0];
	_ =	sdelay $0x2  }
0xb9: {  	s31 =	sshll.u32 s1, $0xD;
	s1 =	sshrl.u32 s1, $0x2  }
0xba: {  	s3 =	sand.u32 $0x4000, s31;
	s1 =	sadd.s32 s1, s30  }
0xbb: {  	s0 =	sor.u32 s3, s0;
	s1 =	sshll.u32 s1, $0x11  }
0xbc: {  	s0 =	sor.u32 s1, s0  }
0xbd: {  	s0 =	sadd.s32 $0x8F2B, s0  }
0xbe: {  	[sflag:s0] =	ssyncadd.remote.s32 $0x1  }
0xbf: {  	_ =	sfence.sel $0xFFFF  }
0xc0: {  	[dreg:$0x0] =	wrdreg $0xFFFFFFFF;
	(pc) =	sbr.abs _section_cstart, $3  }
0xc1: {  	[dreg:$0x1] =	wrdreg $0xFFFFFFFF  }
0xc2: {  	_ =	task.clear_ibuf [dreg:s7], $0x2FFFF;
	_ =	strace $0x9FFFFFFF  }
0xc3: {  	(tm) =	ssettm $0x7FFFFFFF  }
tec
execute0_lowered:
.L_overlay_start_1:
0x0: {  	(tag) =	ssettag $0x1  }
0x1: {  	s0 =	srdreg.scid  }
0x2: {  	s10 =	stileid.u32;
	s0 =	sand.u32 $0x1, s0  }
0x3: {  	s7 =	smul.u32 $0x7D000, s10;
	s2 =	sshll.u32 s0, $0x4  }
0x4: {  	s1 =	rddreg [dreg:$0x0];
	s8 =	smul.u32 $0x27100, s0;
	s2 =	sor.u32 s10, s2  }
0x5: {  	s5 =	rddreg [dreg:$0x1];
	s6 =	smul.u32 $0x4E2, s2  }
0x6: {  	s3 =	rddreg [dreg:$0x2];
	s2 =	smul.u32 $0xA00, s2  }
0x7: {  	s4 =	simm.s32 $0x0;
	s7 =	sshrl.u32 s7, $0x2;
	s8 =	sadd.s32 s8, s5  }
0x8: {  	s6 =	sadd.s32 s6, s5;
	s2 =	sadd.s32 s2, s5;
	s5 =	sadd.s32 s7, s3  }
0x9: {  	[smem:$0x7FF] =	sst s4;
	s7 =	sadd.s32 $0xC80, s5  }
0xa: {  	_ =	strace $0x8000004A;
	s22 =	sadd.s32 $0x1900, s5;
	[dreg:$0x4] =	wrdreg s7  }
0xb: {  	s23 =	sadd.s32 $0x2580, s5;
	[dreg:$0x5] =	wrdreg s22  }
0xc: {  	s24 =	sadd.s32 $0x3200, s5;
	[dreg:$0x6] =	wrdreg s23  }
0xd: {  	s0 =	ssub.s32 $0x2, s0;
	s25 =	sadd.s32 $0x3E80, s5;
	[dreg:$0x7] =	wrdreg s24  }
0xe: {  	s9 =	sshrl.u32 s0, $0x1;
	s26 =	sadd.s32 $0x4B00, s5;
	[dreg:$0x8] =	wrdreg s25  }
0xf: {  	s0 =	ssub.s32 s0, s9;
	s9 =	sadd.s32 $0x5780, s5;
	[dreg:$0x9] =	wrdreg s26  }
0x10: {  	s11 =	sadd.s32 $0x6400, s5;
	[dreg:$0xa] =	wrdreg s9  }
0x11: {  	s12 =	sadd.s32 $0x7080, s5;
	[dreg:$0xb] =	wrdreg s11  }
0x12: {  	s13 =	sadd.s32 $0x7D00, s5;
	[dreg:$0xc] =	wrdreg s12  }
0x13: {  	s14 =	sadd.s32 $0x8980, s5;
	[dreg:$0xd] =	wrdreg s13  }
0x14: {  	s15 =	sadd.s32 $0x9600, s5;
	[dreg:$0xe] =	wrdreg s14  }
0x15: {  	s16 =	sadd.s32 $0xA280, s5;
	[dreg:$0xf] =	wrdreg s15  }
0x16: {  	s17 =	sadd.s32 $0xAF00, s5;
	[dreg:$0x10] =	wrdreg s16  }
0x17: {  	s18 =	sadd.s32 $0xBB80, s5;
	[dreg:$0x11] =	wrdreg s17  }
0x18: {  	s19 =	sadd.s32 $0xC800, s5;
	[dreg:$0x12] =	wrdreg s18  }
0x19: {  	s20 =	sadd.s32 $0xD480, s5;
	[dreg:$0x13] =	wrdreg s19  }
0x1a: {  	s21 =	sadd.s32 $0xE100, s5;
	[dreg:$0x14] =	wrdreg s20  }
0x1b: {  	[dreg:$0x15] =	wrdreg s21;
	s23 =	sadd.s32 $0xED80, s5  }
0x1c: {  	s26 =	sadd.s32 $0xFA00, s5;
	[dreg:$0x16] =	wrdreg s23  }
0x1d: {  	s24 =	sadd.s32 $0xC000, s2;
	s2 =	sadd.s32 $0x10680, s5;
	[dreg:$0x17] =	wrdreg s26  }
0x1e: {  	p0 =	sgt.u32 s10, $0x9;
	s9 =	sadd.s32 $0x12C00, s5;
	[dreg:$0x18] =	wrdreg s2  }
0x1f: {  	s7 =	smul.u32 $0x3E80, s10;
	s10 =	sadd.s32 $0x13880, s5;
	[dreg:$0x1b] =	wrdreg s9  }
0x20: {  	s11 =	sadd.s32 $0x14500, s5;
	[dreg:$0x1c] =	wrdreg s10  }
0x21: {  	s12 =	sadd.s32 $0x15180, s5;
	[dreg:$0x1d] =	wrdreg s11  }
0x22: {  	s13 =	sadd.s32 $0x15E00, s5;
	[dreg:$0x1e] =	wrdreg s12  }
0x23: {  	s28 =	simm.s32 $0x8780;
	s14 =	sadd.s32 $0x16A80, s5;
	[dreg:$0x1f] =	wrdreg s13  }
0x24: {  	s29 =	simm.s32 $0x2;
	s15 =	sadd.s32 $0x17700, s5;
	[smem:$0x7F4] =	sst s14  }
0x25: {  	s30 =	simm.s32 $0x3;
	s16 =	sadd.s32 $0x18380, s5;
	[smem:$0x7F5] =	sst s15  }
0x26: {  	s31 =	simm.s32 $0x50;
	s17 =	sadd.s32 $0x19000, s5;
	[smem:$0x7F6] =	sst s16  }
0x27: {  	s8 =	sadd.s32 $0x20000, s8;
	s18 =	sadd.s32 $0x19C80, s5;
	[smem:$0x7F7] =	sst s17  }
0x28: {  	s6 =	sadd.s32 $0x2200, s6;
	s19 =	sadd.s32 $0x1A900, s5;
	[smem:$0x7F8] =	sst s18  }
0x29: {  	s25 =	smax.u32 s0, $0x1;
	s20 =	sadd.s32 $0x1B580, s5;
	[smem:$0x7F9] =	sst s19  }
0x2a: {  	s21 =	sadd.s32 $0x1C200, s5;
	s0 =	simm.s32 $0x0;
	[smem:$0x7FA] =	sst s20  }
0x2b: {  	[smem:$0x7FB] =	sst s21;
	s23 =	sadd.s32 $0x1CE80, s5;
	s26 =	sadd.s32 $0x1DB00, s5  }
0x2c: {  	s2 =	simm.s32 $0x3780;
	s9 =	simm.s32 $0x4;
	[smem:$0x7FC] =	sst s23  }
0x2d: {  	s22 =	sadd.s32 @!p0 s7, s8;
	s7 =	sadd.s32 $0x11300, s5;
	[smem:$0x7FD] =	sst s26  }
0x2e: {  	s8 =	sadd.s32 $0x11F80, s5;
	s26 =	sadd.s32 $0x1E780, s5;
	[dreg:$0x19] =	wrdreg s7  }
0x2f: {  	v0 =	vimm.f32 $0.0e+00;
	[dreg:$0x1a] =	wrdreg s8;
	s7 =	simm.s32 $0x5F80;
	s8 =	simm.s32 $0x1  }
.LBB2_1:
0x30: {  	[tilespmem:s4], [sflag:$0x3] =	stream.linear.gather [hbm4b:s6+s4], $0x2710, $0x38;
	[tilespmem:$0x1D000] =	vst v63  }
0x31: {  	s10 =	simm.s32 $0x0;
	s11 =	simm.s32 $0x200  }
.LBB2_2:
0x32: {  	p1 =	sne.s32 s11, $0x3000;
	[tilespmem:s10+$0x87F0] =	vst v0  }
0x33: {  	[tilespmem:s10+$0x8780] =	vst v0  }
0x34: {  	[tilespmem:s10+$0x8790] =	vst v0  }
.Ltmp0:
0x35: {  	[tilespmem:s10+$0x87A0] =	vst v0;
	(pc) =	sbr.rel @p1 .LBB2_2-.Ltmp0, $4  }
0x36: {  	[tilespmem:s10+$0x87B0] =	vst v0  }
0x37: {  	[tilespmem:s10+$0x87C0] =	vst v0  }
0x38: {  	[tilespmem:s10+$0x87D0] =	vst v0  }
0x39: {  	[tilespmem:s10+$0x87E0] =	vst v0;
	s10 =	sshra.s32 s11, $0x2;
	s11 =	sadd.s32 $0x200, s11  }
0x3a: {  	[tilespmem:s10+$0x87F0] =	vst v0  }
0x3b: {  	[tilespmem:s10+$0x8780] =	vst v0  }
0x3c: {  	[tilespmem:s10+$0x8790] =	vst v0  }
.Ltmp1:
0x3d: {  	[tilespmem:s10+$0x87A0] =	vst v0;
	(pc) =	sbr.rel @p0 .LBB2_5-.Ltmp1, $4  }
0x3e: {  	[tilespmem:s10+$0x87B0] =	vst v0  }
0x3f: {  	[tilespmem:s10+$0x87C0] =	vst v0  }
0x40: {  	[tilespmem:s10+$0x87D0] =	vst v0  }
0x41: {  	[tilespmem:s10+$0x87E0] =	vst v0  }
0x42: {  	[spmem:s5] =	stream.linear.scatter [tilespmem:s28], [sflag:$0x2], $0xC80, $0x38;
	[tilespmem:$0x1D000] =	vst v63  }
0x43: {  	s10 =	rddreg [dreg:$0x4]  }
0x44: {  	s23 =	rddreg [dreg:$0x5]  }
0x45: {  	[spmem:s10] =	stream.linear.scatter [tilespmem:s28], [sflag:$0x2], $0xC80, $0x38;
	[tilespmem:$0x1D000] =	vst v63  }
0x46: {  	s11 =	rddreg [dreg:$0x6]  }
0x47: {  	[spmem:s23] =	stream.linear.scatter [tilespmem:s28], [sflag:$0x2], $0xC80, $0x38;
	[tilespmem:$0x1D000] =	vst v63  }
0x48: {  	s12 =	rddreg [dreg:$0x7]  }
0x49: {  	[spmem:s11] =	stream.linear.scatter [tilespmem:s28], [sflag:$0x2], $0xC80, $0x38;
	[tilespmem:$0x1D000] =	vst v63  }
0x4a: {  	s13 =	rddreg [dreg:$0x8]  }
0x4b: {  	[spmem:s12] =	stream.linear.scatter [tilespmem:s28], [sflag:$0x2], $0xC80, $0x38;
	[tilespmem:$0x1D000] =	vst v63  }
0x4c: {  	s14 =	rddreg [dreg:$0x9]  }
0x4d: {  	[spmem:s13] =	stream.linear.scatter [tilespmem:s28], [sflag:$0x2], $0xC80, $0x38;
	[tilespmem:$0x1D000] =	vst v63  }
0x4e: {  	s15 =	rddreg [dreg:$0xa]  }
0x4f: {  	[spmem:s14] =	stream.linear.scatter [tilespmem:s28], [sflag:$0x2], $0xC80, $0x38;
	[tilespmem:$0x1D000] =	vst v63  }
0x50: {  	s16 =	rddreg [dreg:$0xb]  }
0x51: {  	[spmem:s15] =	stream.linear.scatter [tilespmem:s28], [sflag:$0x2], $0xC80, $0x38;
	[tilespmem:$0x1D000] =	vst v63  }
0x52: {  	s17 =	rddreg [dreg:$0xc]  }
0x53: {  	[spmem:s16] =	stream.linear.scatter [tilespmem:s28], [sflag:$0x2], $0xC80, $0x38;
	[tilespmem:$0x1D000] =	vst v63  }
0x54: {  	s18 =	rddreg [dreg:$0xd]  }
0x55: {  	[spmem:s17] =	stream.linear.scatter [tilespmem:s28], [sflag:$0x2], $0xC80, $0x38;
	[tilespmem:$0x1D000] =	vst v63  }
0x56: {  	s19 =	rddreg [dreg:$0xe]  }
0x57: {  	[spmem:s18] =	stream.linear.scatter [tilespmem:s28], [sflag:$0x2], $0xC80, $0x38;
	[tilespmem:$0x1D000] =	vst v63  }
0x58: {  	s20 =	rddreg [dreg:$0xf]  }
0x59: {  	[spmem:s19] =	stream.linear.scatter [tilespmem:s28], [sflag:$0x2], $0xC80, $0x38;
	[tilespmem:$0x1D000] =	vst v63  }
0x5a: {  	s21 =	rddreg [dreg:$0x10]  }
0x5b: {  	[spmem:s20] =	stream.linear.scatter [tilespmem:s28], [sflag:$0x2], $0xC80, $0x38;
	[tilespmem:$0x1D000] =	vst v63  }
0x5c: {  	s23 =	rddreg [dreg:$0x11]  }
0x5d: {  	[spmem:s21] =	stream.linear.scatter [tilespmem:s28], [sflag:$0x2], $0xC80, $0x38;
	[tilespmem:$0x1D000] =	vst v63  }
0x5e: {  	s11 =	rddreg [dreg:$0x12]  }
0x5f: {  	[spmem:s23] =	stream.linear.scatter [tilespmem:s28], [sflag:$0x2], $0xC80, $0x38;
	[tilespmem:$0x1D000] =	vst v63  }
0x60: {  	s12 =	rddreg [dreg:$0x13]  }
0x61: {  	[spmem:s11] =	stream.linear.scatter [tilespmem:s28], [sflag:$0x2], $0xC80, $0x38;
	[tilespmem:$0x1D000] =	vst v63  }
0x62: {  	s13 =	rddreg [dreg:$0x14]  }
0x63: {  	[spmem:s12] =	stream.linear.scatter [tilespmem:s28], [sflag:$0x2], $0xC80, $0x38;
	[tilespmem:$0x1D000] =	vst v63  }
0x64: {  	s14 =	rddreg [dreg:$0x15]  }
0x65: {  	[spmem:s13] =	stream.linear.scatter [tilespmem:s28], [sflag:$0x2], $0xC80, $0x38;
	[tilespmem:$0x1D000] =	vst v63  }
0x66: {  	s15 =	rddreg [dreg:$0x16]  }
0x67: {  	[spmem:s14] =	stream.linear.scatter [tilespmem:s28], [sflag:$0x2], $0xC80, $0x38;
	[tilespmem:$0x1D000] =	vst v63  }
0x68: {  	s16 =	rddreg [dreg:$0x17]  }
0x69: {  	[spmem:s15] =	stream.linear.scatter [tilespmem:s28], [sflag:$0x2], $0xC80, $0x38;
	[tilespmem:$0x1D000] =	vst v63  }
0x6a: {  	s17 =	rddreg [dreg:$0x18]  }
0x6b: {  	[spmem:s16] =	stream.linear.scatter [tilespmem:s28], [sflag:$0x2], $0xC80, $0x38;
	[tilespmem:$0x1D000] =	vst v63  }
0x6c: {  	s18 =	rddreg [dreg:$0x19]  }
0x6d: {  	[spmem:s17] =	stream.linear.scatter [tilespmem:s28], [sflag:$0x2], $0xC80, $0x38;
	[tilespmem:$0x1D000] =	vst v63  }
0x6e: {  	s19 =	rddreg [dreg:$0x1a]  }
0x6f: {  	[spmem:s18] =	stream.linear.scatter [tilespmem:s28], [sflag:$0x2], $0xC80, $0x38;
	[tilespmem:$0x1D000] =	vst v63  }
0x70: {  	s20 =	rddreg [dreg:$0x1b]  }
0x71: {  	[spmem:s19] =	stream.linear.scatter [tilespmem:s28], [sflag:$0x2], $0xC80, $0x38;
	[tilespmem:$0x1D000] =	vst v63  }
0x72: {  	s21 =	rddreg [dreg:$0x1c]  }
0x73: {  	[spmem:s20] =	stream.linear.scatter [tilespmem:s28], [sflag:$0x2], $0xC80, $0x38;
	[tilespmem:$0x1D000] =	vst v63  }
0x74: {  	s23 =	rddreg [dreg:$0x1d]  }
0x75: {  	[spmem:s21] =	stream.linear.scatter [tilespmem:s28], [sflag:$0x2], $0xC80, $0x38;
	[tilespmem:$0x1D000] =	vst v63  }
0x76: {  	s11 =	rddreg [dreg:$0x1e]  }
0x77: {  	[spmem:s23] =	stream.linear.scatter [tilespmem:s28], [sflag:$0x2], $0xC80, $0x38;
	[tilespmem:$0x1D000] =	vst v63  }
0x78: {  	s12 =	rddreg [dreg:$0x1f]  }
0x79: {  	[spmem:s11] =	stream.linear.scatter [tilespmem:s28], [sflag:$0x2], $0xC80, $0x38;
	[tilespmem:$0x1D000] =	vst v63  }
0x7a: {  	s13 =	sld [smem:$0x7F4]  }
0x7b: {  	[spmem:s12] =	stream.linear.scatter [tilespmem:s28], [sflag:$0x2], $0xC80, $0x38;
	[tilespmem:$0x1D000] =	vst v63  }
0x7c: {  	s14 =	sld [smem:$0x7F5]  }
0x7d: {  	[spmem:s13] =	stream.linear.scatter [tilespmem:s28], [sflag:$0x2], $0xC80, $0x38;
	[tilespmem:$0x1D000] =	vst v63  }
0x7e: {  	s15 =	sld [smem:$0x7F6]  }
0x7f: {  	[spmem:s14] =	stream.linear.scatter [tilespmem:s28], [sflag:$0x2], $0xC80, $0x38;
	[tilespmem:$0x1D000] =	vst v63  }
0x80: {  	s16 =	sld [smem:$0x7F7]  }
0x81: {  	[spmem:s15] =	stream.linear.scatter [tilespmem:s28], [sflag:$0x2], $0xC80, $0x38;
	[tilespmem:$0x1D000] =	vst v63  }
0x82: {  	s17 =	sld [smem:$0x7F8]  }
0x83: {  	[spmem:s16] =	stream.linear.scatter [tilespmem:s28], [sflag:$0x2], $0xC80, $0x38;
	[tilespmem:$0x1D000] =	vst v63  }
0x84: {  	s18 =	sld [smem:$0x7F9]  }
0x85: {  	[spmem:s17] =	stream.linear.scatter [tilespmem:s28], [sflag:$0x2], $0xC80, $0x38;
	[tilespmem:$0x1D000] =	vst v63  }
0x86: {  	s19 =	sld [smem:$0x7FA]  }
0x87: {  	[spmem:s18] =	stream.linear.scatter [tilespmem:s28], [sflag:$0x2], $0xC80, $0x38;
	[tilespmem:$0x1D000] =	vst v63  }
0x88: {  	s20 =	sld [smem:$0x7FB]  }
0x89: {  	[spmem:s19] =	stream.linear.scatter [tilespmem:s28], [sflag:$0x2], $0xC80, $0x38;
	[tilespmem:$0x1D000] =	vst v63  }
0x8a: {  	s21 =	sld [smem:$0x7FC]  }
0x8b: {  	[spmem:s20] =	stream.linear.scatter [tilespmem:s28], [sflag:$0x2], $0xC80, $0x38;
	[tilespmem:$0x1D000] =	vst v63  }
0x8c: {  	s23 =	sld [smem:$0x7FD]  }
0x8d: {  	[spmem:s21] =	stream.linear.scatter [tilespmem:s28], [sflag:$0x2], $0xC80, $0x38;
	[tilespmem:$0x1D000] =	vst v63  }
0x8e: {  	_ = 	snop  }
0x8f: {  	[spmem:s23] =	stream.linear.scatter [tilespmem:s28], [sflag:$0x2], $0xC80, $0x38;
	[tilespmem:$0x1D000] =	vst v63  }
0x90: {  	_ = 	snop  }
0x91: {  	[spmem:s26] =	stream.linear.scatter [tilespmem:s28], [sflag:$0x2], $0xC80, $0x38;
	[tilespmem:$0x1D000] =	vst v63  }
0x92: {  	_ =	swait.ge [sflag:s29], $0xC80  }
0x93: {  	[sflag:s29] =	ssyncset.done $0x0  }
0x94: {  	[sflag:s29] =	ssyncadd.s32 $0xFFFFF380  }
0x95: {  	_ =	swait.ge [sflag:s29], $0xC80  }
0x96: {  	[sflag:s29] =	ssyncset.done $0x0  }
0x97: {  	[sflag:s29] =	ssyncadd.s32 $0xFFFFF380  }
0x98: {  	_ =	swait.ge [sflag:s29], $0xC80  }
0x99: {  	[sflag:s29] =	ssyncset.done $0x0  }
0x9a: {  	[sflag:s29] =	ssyncadd.s32 $0xFFFFF380  }
0x9b: {  	_ =	swait.ge [sflag:s29], $0xC80  }
0x9c: {  	[sflag:s29] =	ssyncset.done $0x0  }
0x9d: {  	[sflag:s29] =	ssyncadd.s32 $0xFFFFF380  }
0x9e: {  	_ =	swait.ge [sflag:s29], $0xC80  }
0x9f: {  	[sflag:s29] =	ssyncset.done $0x0  }
0xa0: {  	[sflag:s29] =	ssyncadd.s32 $0xFFFFF380  }
0xa1: {  	_ =	swait.ge [sflag:s29], $0xC80  }
0xa2: {  	[sflag:s29] =	ssyncset.done $0x0  }
0xa3: {  	[sflag:s29] =	ssyncadd.s32 $0xFFFFF380  }
0xa4: {  	_ =	swait.ge [sflag:s29], $0xC80  }
0xa5: {  	[sflag:s29] =	ssyncset.done $0x0  }
0xa6: {  	[sflag:s29] =	ssyncadd.s32 $0xFFFFF380  }
0xa7: {  	_ =	swait.ge [sflag:s29], $0xC80  }
0xa8: {  	[sflag:s29] =	ssyncset.done $0x0  }
0xa9: {  	[sflag:s29] =	ssyncadd.s32 $0xFFFFF380  }
0xaa: {  	_ =	swait.ge [sflag:s29], $0xC80  }
0xab: {  	[sflag:s29] =	ssyncset.done $0x0  }
0xac: {  	[sflag:s29] =	ssyncadd.s32 $0xFFFFF380  }
0xad: {  	_ =	swait.ge [sflag:s29], $0xC80  }
0xae: {  	[sflag:s29] =	ssyncset.done $0x0  }
0xaf: {  	[sflag:s29] =	ssyncadd.s32 $0xFFFFF380  }
0xb0: {  	_ =	swait.ge [sflag:s29], $0xC80  }
0xb1: {  	[sflag:s29] =	ssyncset.done $0x0  }
0xb2: {  	[sflag:s29] =	ssyncadd.s32 $0xFFFFF380  }
0xb3: {  	_ =	swait.ge [sflag:s29], $0xC80  }
0xb4: {  	[sflag:s29] =	ssyncset.done $0x0  }
0xb5: {  	[sflag:s29] =	ssyncadd.s32 $0xFFFFF380  }
0xb6: {  	_ =	swait.ge [sflag:s29], $0xC80  }
0xb7: {  	[sflag:s29] =	ssyncset.done $0x0  }
0xb8: {  	[sflag:s29] =	ssyncadd.s32 $0xFFFFF380  }
0xb9: {  	_ =	swait.ge [sflag:s29], $0xC80  }
0xba: {  	[sflag:s29] =	ssyncset.done $0x0  }
0xbb: {  	[sflag:s29] =	ssyncadd.s32 $0xFFFFF380  }
0xbc: {  	_ =	swait.ge [sflag:s29], $0xC80  }
0xbd: {  	[sflag:s29] =	ssyncset.done $0x0  }
0xbe: {  	[sflag:s29] =	ssyncadd.s32 $0xFFFFF380  }
0xbf: {  	_ =	swait.ge [sflag:s29], $0xC80  }
0xc0: {  	[sflag:s29] =	ssyncset.done $0x0  }
0xc1: {  	[sflag:s29] =	ssyncadd.s32 $0xFFFFF380  }
0xc2: {  	_ =	swait.ge [sflag:s29], $0xC80  }
0xc3: {  	[sflag:s29] =	ssyncset.done $0x0  }
0xc4: {  	[sflag:s29] =	ssyncadd.s32 $0xFFFFF380  }
0xc5: {  	_ =	swait.ge [sflag:s29], $0xC80  }
0xc6: {  	[sflag:s29] =	ssyncset.done $0x0  }
0xc7: {  	[sflag:s29] =	ssyncadd.s32 $0xFFFFF380  }
0xc8: {  	_ =	swait.ge [sflag:s29], $0xC80  }
0xc9: {  	[sflag:s29] =	ssyncset.done $0x0  }
0xca: {  	[sflag:s29] =	ssyncadd.s32 $0xFFFFF380  }
0xcb: {  	_ =	swait.ge [sflag:s29], $0xC80  }
0xcc: {  	[sflag:s29] =	ssyncset.done $0x0  }
0xcd: {  	[sflag:s29] =	ssyncadd.s32 $0xFFFFF380  }
0xce: {  	_ =	swait.ge [sflag:s29], $0xC80  }
0xcf: {  	[sflag:s29] =	ssyncset.done $0x0  }
0xd0: {  	[sflag:s29] =	ssyncadd.s32 $0xFFFFF380  }
0xd1: {  	_ =	swait.ge [sflag:s29], $0xC80  }
0xd2: {  	[sflag:s29] =	ssyncset.done $0x0  }
0xd3: {  	[sflag:s29] =	ssyncadd.s32 $0xFFFFF380  }
0xd4: {  	_ =	swait.ge [sflag:s29], $0xC80  }
0xd5: {  	[sflag:s29] =	ssyncset.done $0x0  }
0xd6: {  	[sflag:s29] =	ssyncadd.s32 $0xFFFFF380  }
0xd7: {  	_ =	swait.ge [sflag:s29], $0xC80  }
0xd8: {  	[sflag:s29] =	ssyncset.done $0x0  }
0xd9: {  	[sflag:s29] =	ssyncadd.s32 $0xFFFFF380  }
0xda: {  	_ =	swait.ge [sflag:s29], $0xC80  }
0xdb: {  	[sflag:s29] =	ssyncset.done $0x0  }
0xdc: {  	[sflag:s29] =	ssyncadd.s32 $0xFFFFF380  }
0xdd: {  	_ =	swait.ge [sflag:s29], $0xC80  }
0xde: {  	[sflag:s29] =	ssyncset.done $0x0  }
0xdf: {  	[sflag:s29] =	ssyncadd.s32 $0xFFFFF380  }
0xe0: {  	_ =	swait.ge [sflag:s29], $0xC80  }
0xe1: {  	[sflag:s29] =	ssyncset.done $0x0  }
0xe2: {  	[sflag:s29] =	ssyncadd.s32 $0xFFFFF380  }
0xe3: {  	_ =	swait.ge [sflag:s29], $0xC80  }
0xe4: {  	[sflag:s29] =	ssyncset.done $0x0  }
0xe5: {  	[sflag:s29] =	ssyncadd.s32 $0xFFFFF380  }
0xe6: {  	_ =	swait.ge [sflag:s29], $0xC80  }
0xe7: {  	[sflag:s29] =	ssyncset.done $0x0  }
0xe8: {  	[sflag:s29] =	ssyncadd.s32 $0xFFFFF380  }
0xe9: {  	_ =	swait.ge [sflag:s29], $0xC80  }
0xea: {  	[sflag:s29] =	ssyncset.done $0x0  }
0xeb: {  	[sflag:s29] =	ssyncadd.s32 $0xFFFFF380  }
0xec: {  	_ =	swait.ge [sflag:s29], $0xC80  }
0xed: {  	[sflag:s29] =	ssyncset.done $0x0  }
0xee: {  	[sflag:s29] =	ssyncadd.s32 $0xFFFFF380  }
0xef: {  	_ =	swait.ge [sflag:s29], $0xC80  }
0xf0: {  	[sflag:s29] =	ssyncset.done $0x0  }
0xf1: {  	[sflag:s29] =	ssyncadd.s32 $0xFFFFF380  }
0xf2: {  	_ =	swait.ge [sflag:s29], $0xC80  }
0xf3: {  	[sflag:s29] =	ssyncset.done $0x0  }
0xf4: {  	[sflag:s29] =	ssyncadd.s32 $0xFFFFF380  }
0xf5: {  	_ =	swait.ge [sflag:s29], $0xC80  }
0xf6: {  	[sflag:s29] =	ssyncset.done $0x0  }
0xf7: {  	[sflag:s29] =	ssyncadd.s32 $0xFFFFF380  }
0xf8: {  	_ =	swait.ge [sflag:s29], $0xC80  }
0xf9: {  	[sflag:s29] =	ssyncset.done $0x0  }
0xfa: {  	[sflag:s29] =	ssyncadd.s32 $0xFFFFF380  }
0xfb: {  	_ =	swait.ge [sflag:s29], $0xC80  }
0xfc: {  	[sflag:s29] =	ssyncset.done $0x0  }
0xfd: {  	[sflag:s29] =	ssyncadd.s32 $0xFFFFF380  }
0xfe: {  	_ =	swait.ge [sflag:s29], $0xC80  }
0xff: {  	[sflag:s29] =	ssyncset.done $0x0  }
0x100: {  	[sflag:s29] =	ssyncadd.s32 $0xFFFFF380  }
0x101: {  	_ =	swait.ge [sflag:s29], $0xC80  }
0x102: {  	[sflag:s29] =	ssyncset.done $0x0  }
0x103: {  	[sflag:s29] =	ssyncadd.s32 $0xFFFFF380  }
0x104: {  	_ =	swait.ge [sflag:s29], $0xC80  }
0x105: {  	[sflag:s29] =	ssyncset.done $0x0  }
0x106: {  	[sflag:s29] =	ssyncadd.s32 $0xFFFFF380  }
0x107: {  	_ =	swait.ge [sflag:s29], $0xC80  }
0x108: {  	[sflag:s29] =	ssyncset.done $0x0  }
0x109: {  	[sflag:s29] =	ssyncadd.s32 $0xFFFFF380  }
.LBB2_5:
0x10a: {  	s10 =	simm.s32 $0x1  }
0x10b: {  	s10 =	smul.u32 $0x29, s10;
	_ =	sdelay $0x1  }
0x10c: {  	s11 =	sadd.s32 $0xFFFFFFD7, s10  }
0x10d: {  	_ =	swait.ge [sflag:s30], $0x2710;
	s11 =	sshrl.u32 s11, $0xA  }
0x10e: {  	[sflag:s30] =	ssyncset.done $0x0;
	s11 =	sand.u32 $0x3F, s11  }
0x10f: {  	[sflag:s30] =	ssyncadd.s32 $0xFFFFD8F0;
	s11 =	smul.u32 $0x19, s11  }
0x110: {  	[tilespmem:s2], [sflag:$0x1] =	stream.indirect.gather [hbm4b:s1+s31], $0x80, s4, s31, $0xb8;
	[tilespmem:$0x1D000] =	vst v63  }
0x111: {  	s13 =	simm.s32 $0x0;
	s10 =	sshrl.u32 s10, $0xA;
	s11 =	ssub.s32 $0x0, s11  }
0x112: {  	s14 =	simm.s32 $0xA0;
	s10 =	sand.u32 $0x3F, s10;
	s11 =	sand.u32 $0xFF, s11  }
0x113: {  	s15 =	simm.s32 $0x3;
	s12 =	smul.u32 $0x19, s10;
	p2 =	sne.s32 s11, $0x0  }
0x114: {  	s16 =	simm.s32 $0x50;
	[bflag:$0x0] =	sbarrier.arrive $0xFFFF;
	s13 =	smul.u32 @!p2 $0x29, s13  }
0x115: {  	[tilespmem:s7], [sflag:$0x2] =	stream.indirect.gather [hbm4b:s1+s31], $0x80, s16, s31, $0xb8;
	[tilespmem:$0x1D000] =	vst v63  }
0x116: {  	s23 =	smul.u32 $0x29, s15;
	s12 =	ssub.s32 $0x1, s12;
	s13 =	sshrl.u32 @!p2 s13, $0x1  }
0x117: {  	s12 =	sand.u32 $0xFF, s12;
	s17 =	simm.s32 @!p2 $0x4;
	s13 =	sand.u32 @!p2 $0x7E00, s13  }
0x118: {  	s16 =	simm.s32 @!p2 $0x0;
	s18 =	simm.s32 @!p2 $0x2780;
	s13 =	sadd.s32 @!p2 s13, s24  }
0x119: {  	[tilespmem:s18], [sflag:$0x4] =	stream.linear.gather @!p2 [hbm4b:s13+s16], $0xC80, $0x38;
	[tilespmem:$0x1D000] =	vst v63  }
0x11a: {  	p1 =	sne.s32 s12, $0x0;
	s12 =	sshll.u32 s12, $0x7;
	_ =	swait.ge @!p2 [sflag:s17], $0xC80  }
0x11b: {  	s21 =	sshll.u32 s11, $0x7;
	s10 =	sshll.u32 @!p1 s10, $0x9;
	[sflag:s17] =	ssyncset.done @!p2 $0x0  }
0x11c: {  	p1 =	por p1, p1;
	s11 =	simm.s32 $0x140;
	[sflag:s17] =	ssyncadd.s32 @!p2 $0xFFFFF380  }
0x11d: {  	s19 =	simm.s32 @!p1 $0x0;
	s20 =	simm.s32 @!p1 $0x2780;
	_ =	swait.ge [sflag:s8], $0x2800  }
0x11e: {  	s18 =	sadd.s32 @!p1 s10, s24;
	s13 =	simm.s32 $0x5;
	[sflag:s8] =	ssyncset.done $0x0  }
0x11f: {  	s16 =	sadd.s32 $0x2780, s21;
	s21 =	sadd.s32 $0xFFFFFFD7, s23;
	[sflag:s8] =	ssyncadd.s32 $0xFFFFD800  }
0x120: {  	[spmem:s3] =	stream.indirect.scatter.add.f32 [tilespmem:s2], [sflag:$0x4], $0x80, s16, s31, $0xb8;
	[tilespmem:$0x1D000] =	vst v63  }
0x121: {  	s10 =	sshrl.u32 s23, $0xA;
	s23 =	sshrl.u32 s21, $0xA;
	_ =	swait.ge [sflag:s9], $0x2800  }
0x122: {  	s15 =	sand.u32 $0x3F, s10;
	s10 =	simm.s32 $0x2;
	[sflag:s9] =	ssyncset.done $0x0  }
0x123: {  	s21 =	smul.u32 $0x19, s15;
	s16 =	sand.u32 $0x3F, s23;
	[sflag:s9] =	ssyncadd.s32 $0xFFFFD800  }
0x124: {  	[tilespmem:s2], [sflag:$0x1] =	stream.indirect.gather [hbm4b:s1+s31], $0x80, s14, s31, $0xb8;
	[tilespmem:$0x1D000] =	vst v63  }
0x125: {  	s17 =	simm.s32 @!p1 $0x4;
	s23 =	ssub.s32 $0x3, s21;
	s16 =	smul.u32 $0x19, s16  }
0x126: {  	[tilespmem:s20], [sflag:$0x4] =	stream.linear.gather @!p1 [hbm4b:s18+s19], $0xC80, $0x38;
	[tilespmem:$0x1D000] =	vst v63  }
0x127: {  	s14 =	ssub.s32 $0x2, s16;
	s16 =	sand.u32 $0xFF, s23;
	_ =	swait.ge @!p1 [sflag:s17], $0xC80  }
0x128: {  	s14 =	sand.u32 $0xFF, s14;
	p4 =	sne.s32 s16, $0x0;
	[sflag:s17] =	ssyncset.done @!p1 $0x0  }
0x129: {  	p2 =	sne.s32 s14, $0x0;
	s14 =	sshll.u32 s14, $0x7;
	[sflag:s17] =	ssyncadd.s32 @!p1 $0xFFFFF380  }
.LBB2_6:
0x12a: {  	s15 =	sshll.u32 @!p4 s15, $0x9;
	s19 =	sshll.u32 s16, $0x7;
	_ =	swait.ge [sflag:s29], $0x2800  }
0x12b: {  	s16 =	smov.u32 s13;
	s18 =	smov.u32 s11;
	p1 =	por p4, p4  }
0x12c: {  	s17 =	sadd.s32 @!p1 s15, s24;
	[sflag:s29] =	ssyncset.done $0x0;
	s15 =	sadd.s32 $0x2780, s12  }
0x12d: {  	s13 =	sadd.s32 $0x2, s13;
	s12 =	smov.u32 s19;
	[sflag:s29] =	ssyncadd.s32 $0xFFFFD800  }
0x12e: {  	[spmem:s3] =	stream.indirect.scatter.add.f32 [tilespmem:s7], [sflag:$0x4], $0x80, s15, s31, $0xb8;
	[tilespmem:$0x1D000] =	vst v63  }
0x12f: {  	s10 =	smul.u32 @!p2 $0x29, s10;
	p3 =	sne.s32 s13, $0x7D;
	_ =	swait.ge [sflag:s9], $0x2800  }
0x130: {  	[sflag:s9] =	ssyncset.done $0x0  }
0x131: {  	s10 =	sshrl.u32 @!p2 s10, $0x1;
	[sflag:s9] =	ssyncadd.s32 $0xFFFFD800  }
0x132: {  	s19 =	simm.s32 @!p2 $0x4;
	s15 =	sadd.s32 $0xFFFFFFB0, s11;
	s10 =	sand.u32 @!p2 $0x7E00, s10  }
0x133: {  	[tilespmem:s7], [sflag:$0x2] =	stream.indirect.gather [hbm4b:s1+s31], $0x80, s15, s31, $0xb8;
	[tilespmem:$0x1D000] =	vst v63  }
0x134: {  	s20 =	simm.s32 @!p2 $0x2780;
	s10 =	sadd.s32 @!p2 s10, s24;
	s15 =	simm.s32 @!p2 $0x0  }
0x135: {  	[tilespmem:s20], [sflag:$0x4] =	stream.linear.gather @!p2 [hbm4b:s10+s15], $0xC80, $0x38;
	[tilespmem:$0x1D000] =	vst v63  }
0x136: {  	_ =	swait.ge @!p2 [sflag:s19], $0xC80  }
0x137: {  	[sflag:s19] =	ssyncset.done @!p2 $0x0  }
0x138: {  	[sflag:s19] =	ssyncadd.s32 @!p2 $0xFFFFF380  }
0x139: {  	s11 =	sadd.s32 $0xA0, s11;
	s19 =	simm.s32 @!p1 $0x4;
	_ =	swait.ge [sflag:s8], $0x2800  }
0x13a: {  	s21 =	simm.s32 @!p1 $0x2780;
	s20 =	simm.s32 @!p1 $0x0;
	[sflag:s8] =	ssyncset.done $0x0  }
0x13b: {  	s14 =	sadd.s32 $0x2780, s14;
	s10 =	smul.u32 $0x29, s16;
	[sflag:s8] =	ssyncadd.s32 $0xFFFFD800  }
0x13c: {  	[spmem:s3] =	stream.indirect.scatter.add.f32 [tilespmem:s2], [sflag:$0x4], $0x80, s14, s31, $0xb8;
	[tilespmem:$0x1D000] =	vst v63  }
0x13d: {  	s14 =	sadd.s32 $0xFFFFFFD7, s10;
	s10 =	sshrl.u32 s10, $0xA  }
0x13e: {  	_ =	swait.ge [sflag:s9], $0x2800;
	s14 =	sshrl.u32 s14, $0xA;
	s15 =	sand.u32 $0x3F, s10  }
0x13f: {  	[sflag:s9] =	ssyncset.done $0x0;
	s14 =	sand.u32 $0x3F, s14;
	s23 =	smul.u32 $0x19, s15  }
0x140: {  	[sflag:s9] =	ssyncadd.s32 $0xFFFFD800;
	s14 =	smul.u32 $0x19, s14  }
0x141: {  	[tilespmem:s2], [sflag:$0x1] =	stream.indirect.gather [hbm4b:s1+s31], $0x80, s18, s31, $0xb8;
	[tilespmem:$0x1D000] =	vst v63  }
.Ltmp2:
0x142: {  	s10 =	sadd.s32 $0xFFFFFFFF, s16;
	s16 =	ssub.s32 s16, s23;
	(pc) =	sbr.rel @p3 .LBB2_6-.Ltmp2, $4  }
0x143: {  	[tilespmem:s21], [sflag:$0x4] =	stream.linear.gather @!p1 [hbm4b:s17+s20], $0xC80, $0x38;
	[tilespmem:$0x1D000] =	vst v63  }
0x144: {  	s14 =	ssub.s32 s10, s14;
	s16 =	sand.u32 $0xFF, s16;
	_ =	swait.ge @!p1 [sflag:s19], $0xC80  }
0x145: {  	s14 =	sand.u32 $0xFF, s14;
	p4 =	sne.s32 s16, $0x0;
	[sflag:s19] =	ssyncset.done @!p1 $0x0  }
0x146: {  	p2 =	sne.s32 s14, $0x0;
	s14 =	sshll.u32 s14, $0x7;
	[sflag:s19] =	ssyncadd.s32 @!p1 $0xFFFFF380  }
0x147: {  	_ =	swait.ge [sflag:s29], $0x2800  }
0x148: {  	[sflag:s29] =	ssyncset.done $0x0  }
0x149: {  	s12 =	sadd.s32 $0x2780, s12;
	s10 =	smul.u32 @!p2 $0x29, s10;
	[sflag:s29] =	ssyncadd.s32 $0xFFFFD800  }
0x14a: {  	[spmem:s3] =	stream.indirect.scatter.add.f32 [tilespmem:s7], [sflag:$0x4], $0x80, s12, s31, $0xb8;
	[tilespmem:$0x1D000] =	vst v63  }
0x14b: {  	_ =	swait.ge [sflag:s9], $0x2800  }
0x14c: {  	s19 =	sadd.s32 $0xFFFFFFB0, s11;
	s10 =	sshrl.u32 @!p2 s10, $0x1;
	[sflag:s9] =	ssyncset.done $0x0  }
0x14d: {  	s13 =	simm.s32 @!p2 $0x4;
	s10 =	sand.u32 @!p2 $0x7E00, s10;
	[sflag:s9] =	ssyncadd.s32 $0xFFFFD800  }
0x14e: {  	[tilespmem:s7], [sflag:$0x2] =	stream.indirect.gather [hbm4b:s1+s31], $0x80, s19, s31, $0xb8;
	[tilespmem:$0x1D000] =	vst v63  }
0x14f: {  	s17 =	simm.s32 @!p2 $0x2780;
	s12 =	simm.s32 @!p2 $0x0;
	s10 =	sadd.s32 @!p2 s10, s24  }
0x150: {  	[tilespmem:s17], [sflag:$0x4] =	stream.linear.gather @!p2 [hbm4b:s10+s12], $0xC80, $0x38;
	[tilespmem:$0x1D000] =	vst v63  }
0x151: {  	_ =	swait.ge @!p2 [sflag:s13], $0xC80  }
0x152: {  	[sflag:s13] =	ssyncset.done @!p2 $0x0  }
0x153: {  	[sflag:s13] =	ssyncadd.s32 @!p2 $0xFFFFF380  }
0x154: {  	_ =	swait.ge [sflag:s8], $0x2800  }
0x155: {  	[sflag:s8] =	ssyncset.done $0x0  }
0x156: {  	s20 =	sadd.s32 $0x2780, s14;
	[sflag:s8] =	ssyncadd.s32 $0xFFFFD800  }
0x157: {  	[spmem:s3] =	stream.indirect.scatter.add.f32 [tilespmem:s2], [sflag:$0x4], $0x80, s20, s31, $0xb8;
	[tilespmem:$0x1D000] =	vst v63  }
0x158: {  	_ =	swait.ge [sflag:s9], $0x2800  }
0x159: {  	p1 =	por p4, p4;
	[sflag:s9] =	ssyncset.done $0x0  }
0x15a: {  	s10 =	sshll.u32 @!p4 s15, $0x9;
	s12 =	simm.s32 @!p1 $0x0;
	[sflag:s9] =	ssyncadd.s32 $0xFFFFD800  }
0x15b: {  	[tilespmem:s2], [sflag:$0x1] =	stream.indirect.gather [hbm4b:s1+s31], $0x80, s11, s31, $0xb8;
	[tilespmem:$0x1D000] =	vst v63  }
0x15c: {  	s10 =	sadd.s32 @!p1 s10, s24;
	s13 =	simm.s32 @!p1 $0x2780;
	s11 =	simm.s32 @!p1 $0x4  }
0x15d: {  	[tilespmem:s13], [sflag:$0x4] =	stream.linear.gather @!p1 [hbm4b:s10+s12], $0xC80, $0x38;
	[tilespmem:$0x1D000] =	vst v63  }
0x15e: {  	_ =	swait.ge @!p1 [sflag:s11], $0xC80  }
0x15f: {  	[sflag:s11] =	ssyncset.done @!p1 $0x0  }
0x160: {  	[sflag:s11] =	ssyncadd.s32 @!p1 $0xFFFFF380  }
0x161: {  	_ =	swait.ge [sflag:s29], $0x2800  }
0x162: {  	s21 =	sshll.u32 s16, $0x7;
	[sflag:s29] =	ssyncset.done $0x0  }
0x163: {  	s10 =	sadd.s32 $0x2780, s21;
	[sflag:s29] =	ssyncadd.s32 $0xFFFFD800  }
0x164: {  	[spmem:s3] =	stream.indirect.scatter.add.f32 [tilespmem:s7], [sflag:$0x4], $0x80, s10, s31, $0xb8;
	[tilespmem:$0x1D000] =	vst v63  }
0x165: {  	_ =	swait.ge [sflag:s9], $0x2800  }
0x166: {  	[sflag:s9] =	ssyncset.done $0x0  }
0x167: {  	[sflag:s9] =	ssyncadd.s32 $0xFFFFD800  }
0x168: {  	_ =	swait.ge [sflag:s8], $0x2800  }
0x169: {  	[sflag:s8] =	ssyncset.done $0x0  }
0x16a: {  	s23 =	simm.s32 $0x3380;
	[sflag:s8] =	ssyncadd.s32 $0xFFFFD800  }
0x16b: {  	[spmem:s3] =	stream.indirect.scatter.add.f32 [tilespmem:s2], [sflag:$0x4], $0x80, s23, s31, $0xb8;
	[tilespmem:$0x1D000] =	vst v63  }
0x16c: {  	_ =	swait.ge [sflag:s9], $0x2800  }
0x16d: {  	s0 =	sadd.s32 $0x1, s0;
	s10 =	stileid.u32;
	[sflag:s9] =	ssyncset.done $0x0  }
0x16e: {  	s11 =	sshrl.u32 @!p0 s5, $0x3;
	s10 =	sshll.u32 @!p0 s10, $0x6;
	[sflag:s9] =	ssyncadd.s32 $0xFFFFD800  }
0x16f: {  	p1 =	sne.s32 s0, s25;
	s10 =	sor.u32 @!p0 $0x1C04, s10;
	[bflag:$0x0] =	sbarrier.arrive $0xFFFF  }
0x170: {  	[hbm:s22], [sflag:s10] =	dma.local @!p0 [spmem:s11], $0x3E80  }
.Ltmp3:
0x171: {  	_ = 	snop;
	(pc) =	sbr.rel @p1 .LBB2_1-.Ltmp3, $4  }
0x172: {  	s10 =	simm.s32 @!p0 $0x4  }
0x173: {  	_ =	swait.ge @!p0 [sflag:s10], $0x3E80  }
0x174: {  	[sflag:s10] =	ssyncset.done @!p0 $0x0  }
0x175: {  	[sflag:s10] =	ssyncadd.s32 @!p0 $0xFFFFC180  }
0x176: {  	_ =	sfence.sel $0x180000  }
0x177: {  	[bflag:$0x0] =	sbarrier.arrive $0xFFFF  }
0x178: {  	_ =	strace $0x9000004A  }
0x179: {  	s0 =	stileid.u32;
	[bflag:$0x2] =	sbarrier.arrive $0xFFFF  }
0x17a: {  	p0 =	sne.s32 s0, $0x0;
	s0 =	rddreg [dreg:$0x3]  }
0x17b: {  	s0 =	sadd.s32 @!p0 $0x100000, s0  }
0x17c: {  	[sflag:s0] =	ssyncadd.tile.s32 @!p0 $0x1;
	_ =	shalt  }
.Lfunc_end2:
_tile_overlayer_lowered:
.L_overlay_start_2:
0x17d: {  	(tag) =	ssettag $0x2  }
0x17e: {  	s0 =	rddreg [dreg:$0x0];
	s2 =	stileid.u32  }
0x17f: {  	s1 =	rddreg [dreg:$0x1];
	p0 =	sne.s32 s2, $0x0  }
0x180: {  	s3 =	rddreg [dreg:$0x2];
	[bflag:$0x3] =	sbarrier.arrive $0xFFFF;
	s2 =	simm.s32 @!p0 $0x1C04  }
0x181: {  	[timem:s3], [sflag:s2] =	dma.local @!p0 [hbm:s0], s1  }
0x182: {  	s0 =	simm.s32 @!p0 $0x4  }
0x183: {  	_ =	swait.ge @!p0 [sflag:s0], s1  }
0x184: {  	s1 =	ssub.s32 @!p0 $0x0, s1;
	[sflag:s0] =	ssyncset.done @!p0 $0x0  }
0x185: {  	[sflag:s0] =	ssyncadd.s32 @!p0 s1  }
0x186: {  	[bflag:$0x3] =	sbarrier.arrive $0xFFFF  }
0x187: {  	_ =	shalt  }

// kernel: kernel.9.cloned.1.call-start
scs
__scs_entry_jumppad:
0x0: {  	(pc) =	sbr.rel $0x88, $3  }
0x1: {  	(tag) =	ssettag $0x0;
	lr =	simm.s32 $0x1  }
0x2: {  	[smem:$0x3F97] =	sst lr;
	_ =	strace $0xD0000000  }
0x3: {  	_ = 	snop  }
0x4: {  	_ = 	snop  }
0x5: {  	_ = 	snop  }
0x6: {  	_ = 	snop  }
0x7: {  	_ = 	snop  }
__scs_overlays_trampoline_lowered:
0x8: {  	[smem:$0x3FA6] =	sst s0  }
0x9: {  	[smem:$0x3FA7] =	sst s1  }
0xa: {  	[smem:$0x3FA8] =	sst s2  }
0xb: {  	[smem:$0x3FA9] =	sst s3  }
0xc: {  	[smem:$0x3FAA] =	sst s4  }
0xd: {  	[smem:$0x3FAB] =	sst s5  }
0xe: {  	[smem:$0x3FAC] =	sst s6  }
0xf: {  	[smem:$0x3FAD] =	sst s7  }
0x10: {  	[smem:$0x3FAE] =	sst s8  }
0x11: {  	[smem:$0x3FAF] =	sst s9;
	s0 =	simm.s32 @!p0 $0x0  }
0x12: {  	s1 =	sld [smem:$0x3F95];
	s0 =	simm.s32 @p0 $0x1  }
0x13: {  	[smem:$0x3FB0] =	sst s0;
	s0 =	simm.s32 @!p1 $0x0  }
0x14: {  	s2 =	sld [smem:$0x3F94];
	s0 =	simm.s32 @p1 $0x1  }
0x15: {  	[smem:$0x3FB1] =	sst s0;
	s0 =	simm.s32 @!p2 $0x0  }
0x16: {  	s3 =	sld [smem:$0x3FDB];
	s0 =	simm.s32 @p2 $0x1  }
0x17: {  	s4 =	simm.s32 $0x1BF5;
	[smem:$0x3FB3] =	sst s0  }
0x18: {  	s0 =	sld [smem:$0x3F96];
	_ =	swait.ge [sflag:s4], $0x0  }
0x19: {  	s7 =	sld [smem:$0x3F97]  }
0x1a: {  	s8 =	sadd.s32 $0xFFFFE003, lr  }
0x1b: {  	s9 =	sadd.s32 $0xFFFFFEF7, lr;
	s5 =	simm.s32 $0xFFFFFFFF;
	p2 =	slt.u32 s8, $0xFFFFF086  }
0x1c: {  	p1 =	slt.u32 s9, $0xF7A;
	s5 =	simm.s32 @!p2 $0x0  }
0x1d: {  	s5 =	simm.s32 @p1 $0x1;
	p0 =	seq.s32 s7, s2  }
0x1e: {  	s7 =	smul.u32 @!p0 $0xF7A, s2;
	p2 =	seq.s32 @!p0 s5, $0x0  }
0x1f: {  	s9 =	smul.u32 $0xF7A, s1;
	s8 =	simm.s32 @!p0 $0x1BF5;
	p2 =	por !p2, p0  }
0x20: {  	[sflag:s8] =	ssyncset.s32 @!p0 $0xFFFFF086;
	s6 =	sadd.s32 @!p0 s3, s7;
	s7 =	simm.s32 @!p0 $0x108  }
0x21: {  	s3 =	sadd.s32 s3, s9;
	s6 =	sadd.s32 @!p0 $0x88, s6;
	s7 =	simm.s32 @p2 $0x1082  }
0x22: {  	[simem:s7], [sflag:s8] =	dma.local @!p0 [hbm:s6], $0xF7A  }
0x23: {  	s9 =	sor.u32 $0xD0000000, s2;
	s6 =	simm.s32 $0x108;
	_ =	swait.ge @!p0 [sflag:s8], $0x0  }
0x24: {  	s3 =	sadd.s32 $0x88, s3;
	s6 =	simm.s32 @!p1 $0x1082;
	[sflag:s4] =	ssyncset.s32 $0xFFFFF086  }
0x25: {  	[simem:s6], [sflag:s4] =	dma.local [hbm:s3], $0xF7A  }
0x26: {  	[smem:$0x3F97] =	sst s1;
	(tag) =	ssettag s2;
	_ =	strace s9  }
0x27: {  	s1 =	sld [smem:$0x3FA7]  }
0x28: {  	s2 =	sld [smem:$0x3FA8]  }
0x29: {  	s4 =	sld [smem:$0x3FAA]  }
0x2a: {  	p0 =	seq.s32 s5, $0x0;
	s5 =	sld [smem:$0x3FAB]  }
0x2b: {  	s6 =	sld [smem:$0x3FAC]  }
0x2c: {  	s7 =	sld [smem:$0x3FAD]  }
0x2d: {  	s3 =	simm.s32 $0x108;
	s8 =	sld [smem:$0x3FAE]  }
0x2e: {  	s3 =	simm.s32 @!p0 $0x1082;
	s9 =	sld [smem:$0x3FAF]  }
0x2f: {  	lr =	sadd.s32 s0, s3;
	s0 =	sld [smem:$0x3FA6]  }
0x30: {  	s3 =	sld [smem:$0x3FA9]  }
0x31: {  	[smem:$0x3FB2] =	sst s10  }
0x32: {  	s10 =	sld [smem:$0x3FB0];
	_ =	sdelay $0x3  }
0x33: {  	p0 =	seq.s32 s10, $0x1;
	s10 =	sld [smem:$0x3FB2];
	_ =	sdelay $0x3  }
0x34: {  	[smem:$0x3FB2] =	sst s10  }
0x35: {  	s10 =	sld [smem:$0x3FB1];
	_ =	sdelay $0x3  }
0x36: {  	p1 =	seq.s32 s10, $0x1;
	s10 =	sld [smem:$0x3FB2];
	_ =	sdelay $0x3  }
0x37: {  	[smem:$0x3FB2] =	sst s10  }
0x38: {  	s10 =	sld [smem:$0x3FB3]  }
0x39: {  	_ = 	snop;
	(pc) =	sbr.ind lr, $3  }
0x3a: {  	_ = 	snop  }
0x3b: {  	_ = 	snop  }
0x3c: {  	p2 =	seq.s32 s10, $0x1;
	s10 =	sld [smem:$0x3FB2]  }
0x3d: {  	_ =	shalt  }
0x3e: {  	_ =	shalt  }
0x3f: {  	_ =	shalt  }
0x40: {  	_ =	shalt  }
0x41: {  	_ =	shalt  }
0x42: {  	_ =	shalt  }
0x43: {  	_ =	shalt  }
0x44: {  	_ =	shalt  }
0x45: {  	_ =	shalt  }
0x46: {  	_ =	shalt  }
0x47: {  	_ =	shalt  }
0x48: {  	_ =	shalt  }
0x49: {  	_ =	shalt  }
0x4a: {  	_ =	shalt  }
0x4b: {  	_ =	shalt  }
0x4c: {  	_ =	shalt  }
0x4d: {  	_ =	shalt  }
0x4e: {  	_ =	shalt  }
0x4f: {  	_ =	shalt  }
0x50: {  	_ =	shalt  }
0x51: {  	_ =	shalt  }
0x52: {  	_ =	shalt  }
0x53: {  	_ =	shalt  }
0x54: {  	_ =	shalt  }
0x55: {  	_ =	shalt  }
0x56: {  	_ =	shalt  }
0x57: {  	_ =	shalt  }
0x58: {  	_ =	shalt  }
0x59: {  	_ =	shalt  }
0x5a: {  	_ =	shalt  }
0x5b: {  	_ =	shalt  }
0x5c: {  	_ =	shalt  }
0x5d: {  	_ =	shalt  }
0x5e: {  	_ =	shalt  }
0x5f: {  	_ =	shalt  }
0x60: {  	_ =	shalt  }
0x61: {  	_ =	shalt  }
0x62: {  	_ =	shalt  }
0x63: {  	_ =	shalt  }
0x64: {  	_ =	shalt  }
0x65: {  	_ =	shalt  }
0x66: {  	_ =	shalt  }
0x67: {  	_ =	shalt  }
0x68: {  	_ =	shalt  }
0x69: {  	_ =	shalt  }
0x6a: {  	_ =	shalt  }
0x6b: {  	_ =	shalt  }
0x6c: {  	_ =	shalt  }
0x6d: {  	_ =	shalt  }
0x6e: {  	_ =	shalt  }
0x6f: {  	_ =	shalt  }
0x70: {  	_ =	shalt  }
0x71: {  	_ =	shalt  }
0x72: {  	_ =	shalt  }
0x73: {  	_ =	shalt  }
0x74: {  	_ =	shalt  }
0x75: {  	_ =	shalt  }
0x76: {  	_ =	shalt  }
0x77: {  	_ =	shalt  }
0x78: {  	_ =	shalt  }
0x79: {  	_ =	shalt  }
0x7a: {  	_ =	shalt  }
0x7b: {  	_ =	shalt  }
0x7c: {  	_ =	shalt  }
0x7d: {  	_ =	shalt  }
0x7e: {  	_ =	shalt  }
0x7f: {  	_ =	shalt  }
0x80: {  	_ =	shalt  }
0x81: {  	_ =	shalt  }
0x82: {  	_ =	shalt  }
0x83: {  	_ =	shalt  }
0x84: {  	_ =	shalt  }
0x85: {  	_ =	shalt  }
0x86: {  	_ =	shalt  }
0x87: {  	_ =	shalt  }
.Lfunc_end0:
.L_simem_size_0:
called_computation_lowered:
.L_overlay_start_0:
0x88: {  	s2 =	sld [smem:$0x3FD9]  }
0x89: {  	s3 =	sld [smem:$0x3FFE];
	_ =	sdelay $0x1  }
0x8a: {  	s1 =	srdreg.scid  }
0x8b: {  	s0 =	sand.u32 $0x1, s1  }
0x8c: {  	s17 =	sshll.u32 s0, $0xA;
	s2 =	sadd.s32 s3, s2  }
0x8d: {  	s2 =	sadd.s32 s2, s17  }
0x8e: {  	[smem:$0x3FBE] =	sst s2  }
0x8f: {  	_ = 	snop  }
0x90: {  	s2 =	sld [smem:$0x3FD0];
	(tm) =	ssettm $0x1  }
0x91: {  	s18 =	sld [smem:$0x3FFB];
	_ =	sdelay $0x3  }
0x92: {  	_ =	strace s18  }
0x93: {  	s3 =	sld [smem:$0x3FFC];
	_ =	sdelay $0x3  }
0x94: {  	_ =	strace s3  }
0x95: {  	s3 =	sld [smem:$0x3FFD];
	_ =	sdelay $0x3  }
0x96: {  	_ =	strace s3  }
0x97: {  	_ =	strace $0x8FFFFFFF  }
0x98: {  	s19 =	sld [smem:$0x3FDB];
	_ =	sdelay $0x1  }
0x99: {  	s4 =	simm.s32 $_scs_section_size  }
0x9a: {  	s5 =	simm.s32 $_size__tile_overlayer_lowered;
	s6 =	simm.s32 $_tile_overlayer_lowered  }
0x9b: {  	s22 =	simm.s32 $0x1BFF;
	s21 =	sshll.u32 s6, $0x1;
	s3 =	sadd.s32 s4, s19  }
0x9c: {  	s7 =	simm.s32 $0x0;
	s20 =	sshll.u32 s5, $0x1;
	s5 =	sadd.s32 s21, s3  }
0x9d: {  	[timem:s7], [sflag:s22] =	dma.local [hbm:s5], s20  }
0x9e: {  	_ =	swait.ge [sflag:s22], s20  }
0x9f: {  	s4 =	ssub.s32 $0x0, s20;
	[sflag:s22] =	ssyncset.done $0x0  }
0xa0: {  	[sflag:s22] =	ssyncadd.s32 s4;
	_ =	sdelay $0x1  }
0xa1: {  	s23 =	simm.s32 $0x1B8B  }
0xa2: {  	_ =	swait.ge [sflag:s23], $0x1  }
0xa3: {  	[sflag:s23] =	ssyncset.done $0x0  }
0xa4: {  	s25 =	simm.s32 $0x1B8E;
	s24 =	sld [smem:$0x3FFE];
	[sflag:s23] =	ssyncadd.s32 $0xFFFFFFFF  }
0xa5: {  	s26 =	simm.s32 $execute0_lowered;
	[smem:$0x3FD2] =	sst s25  }
0xa6: {  	s5 =	sshll.u32 s26, $0x1;
	_ =	strace $0x80000046;
	[dreg:$0x1] =	wrdreg $0xFFFFFFFF  }
0xa7: {  	s28 =	simm.s32 $_size_execute0_lowered;
	s3 =	sadd.s32 s3, s5;
	[dreg:$0x0] =	wrdreg $0x0  }
0xa8: {  	s5 =	sshll.u32 s28, $0x1;
	[dreg:$0x2] =	wrdreg s3  }
0xa9: {  	[dreg:$0x3] =	wrdreg s5  }
0xaa: {  	[dreg:$0x4] =	wrdreg $0xC0  }
0xab: {  	_ =	task [dreg:s7], $0x5FFFF  }
0xac: {  	[dreg:$0x1] =	wrdreg $0xFFFFFFFF  }
0xad: {  	[dreg:$0x0] =	wrdreg $0x60  }
0xae: {  	[dreg:$0x2] =	wrdreg s2  }
0xaf: {  	[dreg:$0x3] =	wrdreg s24  }
0xb0: {  	[dreg:$0x4] =	wrdreg $0x97800  }
0xb1: {  	[dreg:$0x5] =	wrdreg $0x1F8800  }
0xb2: {  	[dreg:$0x6] =	wrdreg $0x9  }
0xb3: {  	_ =	task.clear_ibuf [dreg:s7], $0x7FFFF;
	_ =	strace $0x90000046  }
0xb4: {  	s29 =	simm.s32 $0x9;
	_ =	strace $0x80000048  }
0xb5: {  	_ =	swait.ge [sflag:s29], $0x1  }
0xb6: {  	[sflag:s29] =	ssyncadd.s32 $0xFFFFFFFF  }
0xb7: {  	_ =	strace $0x90000048  }
0xb8: {  	_ =	sfence  }
0xb9: {  	s30 =	sld [smem:$0x0];
	_ =	sdelay $0x2  }
0xba: {  	s31 =	sshll.u32 s1, $0xD;
	s1 =	sshrl.u32 s1, $0x2  }
0xbb: {  	s3 =	sand.u32 $0x4000, s31;
	s1 =	sadd.s32 s1, s30  }
0xbc: {  	s0 =	sor.u32 s3, s0;
	s1 =	sshll.u32 s1, $0x11  }
0xbd: {  	s0 =	sor.u32 s1, s0  }
0xbe: {  	s0 =	sadd.s32 $0x8F2B, s0  }
0xbf: {  	[sflag:s0] =	ssyncadd.remote.s32 $0x1  }
0xc0: {  	_ =	sfence.sel $0xFFFF  }
0xc1: {  	[dreg:$0x0] =	wrdreg $0xFFFFFFFF;
	(pc) =	sbr.abs _section_cstart, $3  }
0xc2: {  	[dreg:$0x1] =	wrdreg $0xFFFFFFFF  }
0xc3: {  	_ =	task.clear_ibuf [dreg:s7], $0x2FFFF;
	_ =	strace $0x9FFFFFFF  }
0xc4: {  	(tm) =	ssettm $0x7FFFFFFF  }
0xc5: {  	_ =	shalt  }
tec
execute0_lowered:
.L_overlay_start_1:
0x0: {  	(tag) =	ssettag $0x1  }
0x1: {  	s0 =	srdreg.scid  }
0x2: {  	s2 =	sand.u32 $0x1, s0  }
0x3: {  	s23 =	stileid.u32;
	s5 =	sshll.u32 s2, $0x4  }
0x4: {  	s1 =	rddreg [dreg:$0x0];
	s9 =	smul.u32 $0x7D000, s23;
	s6 =	sor.u32 s23, s5  }
0x5: {  	s4 =	rddreg [dreg:$0x1];
	s7 =	smul.u32 $0x4E2, s6  }
0x6: {  	s3 =	rddreg [dreg:$0x2];
	s6 =	smul.u32 $0xA00, s6  }
0x7: {  	s12 =	rddreg [dreg:$0x3];
	s9 =	sshrl.u32 s9, $0x2  }
0x8: {  	s5 =	simm.s32 $0x0;
	s10 =	sadd.s32 s6, s4;
	s6 =	sadd.s32 s9, s3  }
0x9: {  	[smem:$0x7FF] =	sst s5;
	s9 =	sadd.s32 $0xC80, s6  }
0xa: {  	_ =	strace $0x80000047;
	s25 =	sadd.s32 $0x1900, s6;
	[dreg:$0x5] =	wrdreg s9  }
0xb: {  	s8 =	smul.u32 $0x27100, s2;
	s26 =	sadd.s32 $0x2580, s6;
	[dreg:$0x6] =	wrdreg s25  }
0xc: {  	s24 =	smul.u32 $0x500, s2;
	s28 =	sadd.s32 $0x3200, s6;
	[dreg:$0x7] =	wrdreg s26  }
0xd: {  	s2 =	ssub.s32 $0x2, s2;
	s29 =	sadd.s32 $0x3E80, s6;
	[dreg:$0x8] =	wrdreg s28  }
0xe: {  	s11 =	sshrl.u32 s2, $0x1;
	s30 =	sadd.s32 $0x4B00, s6;
	[dreg:$0x9] =	wrdreg s29  }
0xf: {  	s2 =	ssub.s32 s2, s11;
	s11 =	sadd.s32 $0x5780, s6;
	[dreg:$0xa] =	wrdreg s30  }
0x10: {  	s13 =	sadd.s32 $0x6400, s6;
	[dreg:$0xb] =	wrdreg s11  }
0x11: {  	s14 =	sadd.s32 $0x7080, s6;
	[dreg:$0xc] =	wrdreg s13  }
0x12: {  	s15 =	sadd.s32 $0x7D00, s6;
	[dreg:$0xd] =	wrdreg s14  }
0x13: {  	s16 =	sadd.s32 $0x8980, s6;
	[dreg:$0xe] =	wrdreg s15  }
0x14: {  	s8 =	sadd.s32 s8, s4;
	s17 =	sadd.s32 $0x9600, s6;
	[dreg:$0xf] =	wrdreg s16  }
0x15: {  	s7 =	sadd.s32 s7, s4;
	s19 =	sadd.s32 $0xA280, s6;
	[dreg:$0x10] =	wrdreg s17  }
0x16: {  	s4 =	sadd.s32 s24, s4;
	s22 =	sadd.s32 $0xAF00, s6;
	[dreg:$0x11] =	wrdreg s19  }
0x17: {  	s24 =	sadd.s32 $0xC000, s10;
	s10 =	sadd.s32 $0x11F80, s6;
	[dreg:$0x12] =	wrdreg s22  }
0x18: {  	p0 =	sgt.u32 s23, $0x9;
	s26 =	sadd.s32 $0xBB80, s6;
	[dreg:$0x1b] =	wrdreg s10  }
0x19: {  	s18 =	sshll.u32 s23, $0xA;
	s28 =	sadd.s32 $0xC800, s6;
	[dreg:$0x13] =	wrdreg s26  }
0x1a: {  	s9 =	smul.u32 $0x3E80, s23;
	s29 =	sadd.s32 $0xD480, s6;
	[dreg:$0x14] =	wrdreg s28  }
0x1b: {  	s11 =	sshll.u32 s23, $0x7;
	s30 =	sadd.s32 $0xE100, s6;
	[dreg:$0x15] =	wrdreg s29  }
0x1c: {  	s25 =	smax.u32 s2, $0x1;
	s2 =	sadd.s32 $0xED80, s6;
	[dreg:$0x16] =	wrdreg s30  }
0x1d: {  	s23 =	sadd.s32 s18, s12;
	s12 =	sadd.s32 $0x13880, s6;
	[dreg:$0x17] =	wrdreg s2  }
0x1e: {  	s13 =	sadd.s32 $0x14500, s6;
	[dreg:$0x1d] =	wrdreg s12  }
0x1f: {  	s14 =	sadd.s32 $0x15180, s6;
	[dreg:$0x1e] =	wrdreg s13  }
0x20: {  	s8 =	sadd.s32 $0x20A00, s8;
	s15 =	sadd.s32 $0x15E00, s6;
	[dreg:$0x1f] =	wrdreg s14  }
0x21: {  	s7 =	sadd.s32 $0x2200, s7;
	s16 =	sadd.s32 $0x16A80, s6;
	[smem:$0x7F4] =	sst s15  }
0x22: {  	s4 =	sadd.s32 $0x20000, s4;
	s17 =	sadd.s32 $0x17700, s6;
	[smem:$0x7F5] =	sst s16  }
0x23: {  	s31 =	sadd.s32 $0x1DB00, s6;
	s18 =	sadd.s32 $0x18380, s6;
	[smem:$0x7F6] =	sst s17  }
0x24: {  	s19 =	sadd.s32 $0x19000, s6;
	s22 =	sadd.s32 $0x19C80, s6;
	[smem:$0x7F7] =	sst s18  }
0x25: {  	s10 =	simm.s32 $0x50;
	s21 =	sadd.s32 @!p0 s11, s4;
	[smem:$0x7F8] =	sst s19  }
0x26: {  	s4 =	sadd.s32 $0xFA00, s6;
	s11 =	sadd.s32 $0x12C00, s6;
	[smem:$0x7F9] =	sst s22  }
0x27: {  	s26 =	sadd.s32 $0x1A900, s6;
	s28 =	sadd.s32 $0x1B580, s6;
	s29 =	sadd.s32 $0x1C200, s6  }
0x28: {  	s30 =	sadd.s32 $0x1CE80, s6;
	s2 =	sadd.s32 $0x1E780, s6;
	[dreg:$0x18] =	wrdreg s4  }
0x29: {  	s12 =	simm.s32 $0x5F80;
	s13 =	simm.s32 $0x1;
	[dreg:$0x1c] =	wrdreg s11  }
0x2a: {  	s14 =	simm.s32 $0x1D000;
	s15 =	simm.s32 $0x4;
	[smem:$0x7FA] =	sst s26  }
0x2b: {  	s16 =	simm.s32 $0x3380;
	s17 =	simm.s32 $0x1F800;
	[smem:$0x7FB] =	sst s28  }
0x2c: {  	s18 =	simm.s32 $0x0;
	s20 =	sadd.s32 @!p0 s9, s8;
	[smem:$0x7FC] =	sst s29  }
0x2d: {  	v0 =	vlaneseq.u32;
	s8 =	sadd.s32 $0x10680, s6;
	s9 =	sadd.s32 $0x11300, s6;
	[smem:$0x7FD] =	sst s30  }
0x2e: {  	v1 =	vimm.f32 $0.0e+00;
	v6 =	vimm.f32 $1.000000000e+00;
	v2 =	vor.u32 $0x10, v0;
	s4 =	simm.s32 $0x8780;
	s11 =	simm.s32 $0x3780;
	[dreg:$0x19] =	wrdreg s8  }
0x2f: {  	v3 =	vor.u32 $0x20, v0;
	v4 =	vor.u32 $0x30, v0;
	v5 =	vor.u32 $0x40, v0;
	[dreg:$0x1a] =	wrdreg s9;
	s8 =	simm.s32 $0x2;
	s9 =	simm.s32 $0x3  }
.LBB2_1:
0x30: {  	[tilespmem:s5], [sflag:$0x3] =	stream.linear.gather [hbm4b:s7+s5], $0x2710, $0x38;
	[tilespmem:$0x1FB00] =	vst v63  }
0x31: {  	s19 =	simm.s32 $0x0;
	s22 =	simm.s32 $0x200  }
.LBB2_2:
0x32: {  	p1 =	sne.s32 s22, $0x3000;
	[tilespmem:s19+$0x87F0] =	vst v1  }
0x33: {  	[tilespmem:s19+$0x8780] =	vst v1  }
0x34: {  	[tilespmem:s19+$0x8790] =	vst v1  }
.Ltmp0:
0x35: {  	[tilespmem:s19+$0x87A0] =	vst v1;
	(pc) =	sbr.rel @p1 .LBB2_2-.Ltmp0, $4  }
0x36: {  	[tilespmem:s19+$0x87B0] =	vst v1  }
0x37: {  	[tilespmem:s19+$0x87C0] =	vst v1  }
0x38: {  	[tilespmem:s19+$0x87D0] =	vst v1  }
0x39: {  	[tilespmem:s19+$0x87E0] =	vst v1;
	s19 =	sshra.s32 s22, $0x2;
	s22 =	sadd.s32 $0x200, s22  }
0x3a: {  	[tilespmem:s19+$0x87F0] =	vst v1  }
0x3b: {  	[tilespmem:s19+$0x8780] =	vst v1  }
0x3c: {  	[tilespmem:s19+$0x8790] =	vst v1  }
0x3d: {  	[tilespmem:s19+$0x87A0] =	vst v1  }
0x3e: {  	[tilespmem:s19+$0x87B0] =	vst v1  }
0x3f: {  	[tilespmem:s19+$0x87C0] =	vst v1  }
0x40: {  	[tilespmem:s19+$0x87D0] =	vst v1  }
0x41: {  	[tilespmem:s19+$0x87E0] =	vst v1;
	s19 =	simm.s32 $0x0;
	s22 =	simm.s32 $0x200  }
.LBB2_4:
0x42: {  	p1 =	sne.s32 s22, $0x9E00;
	[tilespmem:s19+$0x1D070] =	vst v1  }
0x43: {  	[tilespmem:s19+$0x1D000] =	vst v1  }
0x44: {  	[tilespmem:s19+$0x1D010] =	vst v1  }
.Ltmp1:
0x45: {  	[tilespmem:s19+$0x1D020] =	vst v1;
	(pc) =	sbr.rel @p1 .LBB2_4-.Ltmp1, $4  }
0x46: {  	[tilespmem:s19+$0x1D030] =	vst v1  }
0x47: {  	[tilespmem:s19+$0x1D040] =	vst v1  }
0x48: {  	[tilespmem:s19+$0x1D050] =	vst v1  }
0x49: {  	[tilespmem:s19+$0x1D060] =	vst v1;
	s19 =	sshra.s32 s22, $0x2;
	s22 =	sadd.s32 $0x200, s22  }
0x4a: {  	[tilespmem:s19+$0x1D070] =	vst v1  }
0x4b: {  	[tilespmem:s19+$0x1D000] =	vst v1  }
0x4c: {  	[tilespmem:s19+$0x1D010] =	vst v1  }
0x4d: {  	[tilespmem:s19+$0x1D020] =	vst v1  }
0x4e: {  	[tilespmem:s19+$0x1D030] =	vst v1  }
0x4f: {  	[tilespmem:s19+$0x1D040] =	vst v1  }
0x50: {  	[tilespmem:s19+$0x1D050] =	vst v1  }
0x51: {  	[tilespmem:s19+$0x1D060] =	vst v1  }
.Ltmp2:
0x52: {  	[tilespmem:$0x1F800] =	vst v0;
	(pc) =	sbr.rel @p0 .LBB2_7-.Ltmp2, $4  }
0x53: {  	[tilespmem:$0x1F810] =	vst v2  }
0x54: {  	[tilespmem:$0x1F820] =	vst v3  }
0x55: {  	[tilespmem:$0x1F830] =	vst v4  }
0x56: {  	[tilespmem:$0x1F840] =	vst v5  }
0x57: {  	[spmem:s6] =	stream.linear.scatter [tilespmem:s4], [sflag:$0x2], $0xC80, $0x38;
	[tilespmem:$0x1FB00] =	vst v63  }
0x58: {  	s0 =	rddreg [dreg:$0x5]  }
0x59: {  	s19 =	rddreg [dreg:$0x6]  }
0x5a: {  	[spmem:s0] =	stream.linear.scatter [tilespmem:s4], [sflag:$0x2], $0xC80, $0x38;
	[tilespmem:$0x1FB00] =	vst v63  }
0x5b: {  	s22 =	rddreg [dreg:$0x7]  }
0x5c: {  	[spmem:s19] =	stream.linear.scatter [tilespmem:s4], [sflag:$0x2], $0xC80, $0x38;
	[tilespmem:$0x1FB00] =	vst v63  }
0x5d: {  	s26 =	rddreg [dreg:$0x8]  }
0x5e: {  	[spmem:s22] =	stream.linear.scatter [tilespmem:s4], [sflag:$0x2], $0xC80, $0x38;
	[tilespmem:$0x1FB00] =	vst v63  }
0x5f: {  	s28 =	rddreg [dreg:$0x9]  }
0x60: {  	[spmem:s26] =	stream.linear.scatter [tilespmem:s4], [sflag:$0x2], $0xC80, $0x38;
	[tilespmem:$0x1FB00] =	vst v63  }
0x61: {  	s29 =	rddreg [dreg:$0xa]  }
0x62: {  	[spmem:s28] =	stream.linear.scatter [tilespmem:s4], [sflag:$0x2], $0xC80, $0x38;
	[tilespmem:$0x1FB00] =	vst v63  }
0x63: {  	s30 =	rddreg [dreg:$0xb]  }
0x64: {  	[spmem:s29] =	stream.linear.scatter [tilespmem:s4], [sflag:$0x2], $0xC80, $0x38;
	[tilespmem:$0x1FB00] =	vst v63  }
0x65: {  	s19 =	rddreg [dreg:$0xc]  }
0x66: {  	[spmem:s30] =	stream.linear.scatter [tilespmem:s4], [sflag:$0x2], $0xC80, $0x38;
	[tilespmem:$0x1FB00] =	vst v63  }
0x67: {  	s22 =	rddreg [dreg:$0xd]  }
0x68: {  	[spmem:s19] =	stream.linear.scatter [tilespmem:s4], [sflag:$0x2], $0xC80, $0x38;
	[tilespmem:$0x1FB00] =	vst v63  }
0x69: {  	s26 =	rddreg [dreg:$0xe]  }
0x6a: {  	[spmem:s22] =	stream.linear.scatter [tilespmem:s4], [sflag:$0x2], $0xC80, $0x38;
	[tilespmem:$0x1FB00] =	vst v63  }
0x6b: {  	s28 =	rddreg [dreg:$0xf]  }
0x6c: {  	[spmem:s26] =	stream.linear.scatter [tilespmem:s4], [sflag:$0x2], $0xC80, $0x38;
	[tilespmem:$0x1FB00] =	vst v63  }
0x6d: {  	s29 =	rddreg [dreg:$0x10]  }
0x6e: {  	[spmem:s28] =	stream.linear.scatter [tilespmem:s4], [sflag:$0x2], $0xC80, $0x38;
	[tilespmem:$0x1FB00] =	vst v63  }
0x6f: {  	s30 =	rddreg [dreg:$0x11]  }
0x70: {  	[spmem:s29] =	stream.linear.scatter [tilespmem:s4], [sflag:$0x2], $0xC80, $0x38;
	[tilespmem:$0x1FB00] =	vst v63  }
0x71: {  	s19 =	rddreg [dreg:$0x12]  }
0x72: {  	[spmem:s30] =	stream.linear.scatter [tilespmem:s4], [sflag:$0x2], $0xC80, $0x38;
	[tilespmem:$0x1FB00] =	vst v63  }
0x73: {  	s22 =	rddreg [dreg:$0x13]  }
0x74: {  	[spmem:s19] =	stream.linear.scatter [tilespmem:s4], [sflag:$0x2], $0xC80, $0x38;
	[tilespmem:$0x1FB00] =	vst v63  }
0x75: {  	s26 =	rddreg [dreg:$0x14]  }
0x76: {  	[spmem:s22] =	stream.linear.scatter [tilespmem:s4], [sflag:$0x2], $0xC80, $0x38;
	[tilespmem:$0x1FB00] =	vst v63  }
0x77: {  	s28 =	rddreg [dreg:$0x15]  }
0x78: {  	[spmem:s26] =	stream.linear.scatter [tilespmem:s4], [sflag:$0x2], $0xC80, $0x38;
	[tilespmem:$0x1FB00] =	vst v63  }
0x79: {  	s29 =	rddreg [dreg:$0x16]  }
0x7a: {  	[spmem:s28] =	stream.linear.scatter [tilespmem:s4], [sflag:$0x2], $0xC80, $0x38;
	[tilespmem:$0x1FB00] =	vst v63  }
0x7b: {  	s30 =	rddreg [dreg:$0x17]  }
0x7c: {  	[spmem:s29] =	stream.linear.scatter [tilespmem:s4], [sflag:$0x2], $0xC80, $0x38;
	[tilespmem:$0x1FB00] =	vst v63  }
0x7d: {  	s19 =	rddreg [dreg:$0x18]  }
0x7e: {  	[spmem:s30] =	stream.linear.scatter [tilespmem:s4], [sflag:$0x2], $0xC80, $0x38;
	[tilespmem:$0x1FB00] =	vst v63  }
0x7f: {  	s22 =	rddreg [dreg:$0x19]  }
0x80: {  	[spmem:s19] =	stream.linear.scatter [tilespmem:s4], [sflag:$0x2], $0xC80, $0x38;
	[tilespmem:$0x1FB00] =	vst v63  }
0x81: {  	s26 =	rddreg [dreg:$0x1a]  }
0x82: {  	[spmem:s22] =	stream.linear.scatter [tilespmem:s4], [sflag:$0x2], $0xC80, $0x38;
	[tilespmem:$0x1FB00] =	vst v63  }
0x83: {  	s28 =	rddreg [dreg:$0x1b]  }
0x84: {  	[spmem:s26] =	stream.linear.scatter [tilespmem:s4], [sflag:$0x2], $0xC80, $0x38;
	[tilespmem:$0x1FB00] =	vst v63  }
0x85: {  	s29 =	rddreg [dreg:$0x1c]  }
0x86: {  	[spmem:s28] =	stream.linear.scatter [tilespmem:s4], [sflag:$0x2], $0xC80, $0x38;
	[tilespmem:$0x1FB00] =	vst v63  }
0x87: {  	s30 =	rddreg [dreg:$0x1d]  }
0x88: {  	[spmem:s29] =	stream.linear.scatter [tilespmem:s4], [sflag:$0x2], $0xC80, $0x38;
	[tilespmem:$0x1FB00] =	vst v63  }
0x89: {  	s19 =	rddreg [dreg:$0x1e]  }
0x8a: {  	[spmem:s30] =	stream.linear.scatter [tilespmem:s4], [sflag:$0x2], $0xC80, $0x38;
	[tilespmem:$0x1FB00] =	vst v63  }
0x8b: {  	s22 =	rddreg [dreg:$0x1f]  }
0x8c: {  	[spmem:s19] =	stream.linear.scatter [tilespmem:s4], [sflag:$0x2], $0xC80, $0x38;
	[tilespmem:$0x1FB00] =	vst v63  }
0x8d: {  	s26 =	sld [smem:$0x7F4]  }
0x8e: {  	[spmem:s22] =	stream.linear.scatter [tilespmem:s4], [sflag:$0x2], $0xC80, $0x38;
	[tilespmem:$0x1FB00] =	vst v63  }
0x8f: {  	s28 =	sld [smem:$0x7F5]  }
0x90: {  	[spmem:s26] =	stream.linear.scatter [tilespmem:s4], [sflag:$0x2], $0xC80, $0x38;
	[tilespmem:$0x1FB00] =	vst v63  }
0x91: {  	s29 =	sld [smem:$0x7F6]  }
0x92: {  	[spmem:s28] =	stream.linear.scatter [tilespmem:s4], [sflag:$0x2], $0xC80, $0x38;
	[tilespmem:$0x1FB00] =	vst v63  }
0x93: {  	s30 =	sld [smem:$0x7F7]  }
0x94: {  	[spmem:s29] =	stream.linear.scatter [tilespmem:s4], [sflag:$0x2], $0xC80, $0x38;
	[tilespmem:$0x1FB00] =	vst v63  }
0x95: {  	s19 =	sld [smem:$0x7F8]  }
0x96: {  	[spmem:s30] =	stream.linear.scatter [tilespmem:s4], [sflag:$0x2], $0xC80, $0x38;
	[tilespmem:$0x1FB00] =	vst v63  }
0x97: {  	s22 =	sld [smem:$0x7F9]  }
0x98: {  	[spmem:s19] =	stream.linear.scatter [tilespmem:s4], [sflag:$0x2], $0xC80, $0x38;
	[tilespmem:$0x1FB00] =	vst v63  }
0x99: {  	s26 =	sld [smem:$0x7FA]  }
0x9a: {  	[spmem:s22] =	stream.linear.scatter [tilespmem:s4], [sflag:$0x2], $0xC80, $0x38;
	[tilespmem:$0x1FB00] =	vst v63  }
0x9b: {  	s28 =	sld [smem:$0x7FB]  }
0x9c: {  	[spmem:s26] =	stream.linear.scatter [tilespmem:s4], [sflag:$0x2], $0xC80, $0x38;
	[tilespmem:$0x1FB00] =	vst v63  }
0x9d: {  	s29 =	sld [smem:$0x7FC]  }
0x9e: {  	[spmem:s28] =	stream.linear.scatter [tilespmem:s4], [sflag:$0x2], $0xC80, $0x38;
	[tilespmem:$0x1FB00] =	vst v63  }
0x9f: {  	s30 =	sld [smem:$0x7FD]  }
0xa0: {  	[spmem:s29] =	stream.linear.scatter [tilespmem:s4], [sflag:$0x2], $0xC80, $0x38;
	[tilespmem:$0x1FB00] =	vst v63  }
0xa1: {  	_ = 	snop  }
0xa2: {  	[spmem:s30] =	stream.linear.scatter [tilespmem:s4], [sflag:$0x2], $0xC80, $0x38;
	[tilespmem:$0x1FB00] =	vst v63  }
0xa3: {  	_ = 	snop  }
0xa4: {  	[spmem:s31] =	stream.linear.scatter [tilespmem:s4], [sflag:$0x2], $0xC80, $0x38;
	[tilespmem:$0x1FB00] =	vst v63  }
0xa5: {  	_ = 	snop  }
0xa6: {  	[spmem:s2] =	stream.linear.scatter [tilespmem:s4], [sflag:$0x2], $0xC80, $0x38;
	[tilespmem:$0x1FB00] =	vst v63  }
0xa7: {  	_ = 	snop  }
0xa8: {  	[spmem:s23] =	stream.linear.scatter [tilespmem:s4], [sflag:$0x2], $0x400, $0x38;
	[tilespmem:$0x1FB00] =	vst v63  }
0xa9: {  	_ =	swait.ge [sflag:s8], $0xC80  }
0xaa: {  	[sflag:s8] =	ssyncset.done $0x0  }
0xab: {  	[sflag:s8] =	ssyncadd.s32 $0xFFFFF380  }
0xac: {  	_ =	swait.ge [sflag:s8], $0xC80  }
0xad: {  	[sflag:s8] =	ssyncset.done $0x0  }
0xae: {  	[sflag:s8] =	ssyncadd.s32 $0xFFFFF380  }
0xaf: {  	_ =	swait.ge [sflag:s8], $0xC80  }
0xb0: {  	[sflag:s8] =	ssyncset.done $0x0  }
0xb1: {  	[sflag:s8] =	ssyncadd.s32 $0xFFFFF380  }
0xb2: {  	_ =	swait.ge [sflag:s8], $0xC80  }
0xb3: {  	[sflag:s8] =	ssyncset.done $0x0  }
0xb4: {  	[sflag:s8] =	ssyncadd.s32 $0xFFFFF380  }
0xb5: {  	_ =	swait.ge [sflag:s8], $0xC80  }
0xb6: {  	[sflag:s8] =	ssyncset.done $0x0  }
0xb7: {  	[sflag:s8] =	ssyncadd.s32 $0xFFFFF380  }
0xb8: {  	_ =	swait.ge [sflag:s8], $0xC80  }
0xb9: {  	[sflag:s8] =	ssyncset.done $0x0  }
0xba: {  	[sflag:s8] =	ssyncadd.s32 $0xFFFFF380  }
0xbb: {  	_ =	swait.ge [sflag:s8], $0xC80  }
0xbc: {  	[sflag:s8] =	ssyncset.done $0x0  }
0xbd: {  	[sflag:s8] =	ssyncadd.s32 $0xFFFFF380  }
0xbe: {  	_ =	swait.ge [sflag:s8], $0xC80  }
0xbf: {  	[sflag:s8] =	ssyncset.done $0x0  }
0xc0: {  	[sflag:s8] =	ssyncadd.s32 $0xFFFFF380  }
0xc1: {  	_ =	swait.ge [sflag:s8], $0xC80  }
0xc2: {  	[sflag:s8] =	ssyncset.done $0x0  }
0xc3: {  	[sflag:s8] =	ssyncadd.s32 $0xFFFFF380  }
0xc4: {  	_ =	swait.ge [sflag:s8], $0xC80  }
0xc5: {  	[sflag:s8] =	ssyncset.done $0x0  }
0xc6: {  	[sflag:s8] =	ssyncadd.s32 $0xFFFFF380  }
0xc7: {  	_ =	swait.ge [sflag:s8], $0xC80  }
0xc8: {  	[sflag:s8] =	ssyncset.done $0x0  }
0xc9: {  	[sflag:s8] =	ssyncadd.s32 $0xFFFFF380  }
0xca: {  	_ =	swait.ge [sflag:s8], $0xC80  }
0xcb: {  	[sflag:s8] =	ssyncset.done $0x0  }
0xcc: {  	[sflag:s8] =	ssyncadd.s32 $0xFFFFF380  }
0xcd: {  	_ =	swait.ge [sflag:s8], $0xC80  }
0xce: {  	[sflag:s8] =	ssyncset.done $0x0  }
0xcf: {  	[sflag:s8] =	ssyncadd.s32 $0xFFFFF380  }
0xd0: {  	_ =	swait.ge [sflag:s8], $0xC80  }
0xd1: {  	[sflag:s8] =	ssyncset.done $0x0  }
0xd2: {  	[sflag:s8] =	ssyncadd.s32 $0xFFFFF380  }
0xd3: {  	_ =	swait.ge [sflag:s8], $0xC80  }
0xd4: {  	[sflag:s8] =	ssyncset.done $0x0  }
0xd5: {  	[sflag:s8] =	ssyncadd.s32 $0xFFFFF380  }
0xd6: {  	_ =	swait.ge [sflag:s8], $0xC80  }
0xd7: {  	[sflag:s8] =	ssyncset.done $0x0  }
0xd8: {  	[sflag:s8] =	ssyncadd.s32 $0xFFFFF380  }
0xd9: {  	_ =	swait.ge [sflag:s8], $0xC80  }
0xda: {  	[sflag:s8] =	ssyncset.done $0x0  }
0xdb: {  	[sflag:s8] =	ssyncadd.s32 $0xFFFFF380  }
0xdc: {  	_ =	swait.ge [sflag:s8], $0xC80  }
0xdd: {  	[sflag:s8] =	ssyncset.done $0x0  }
0xde: {  	[sflag:s8] =	ssyncadd.s32 $0xFFFFF380  }
0xdf: {  	_ =	swait.ge [sflag:s8], $0xC80  }
0xe0: {  	[sflag:s8] =	ssyncset.done $0x0  }
0xe1: {  	[sflag:s8] =	ssyncadd.s32 $0xFFFFF380  }
0xe2: {  	_ =	swait.ge [sflag:s8], $0xC80  }
0xe3: {  	[sflag:s8] =	ssyncset.done $0x0  }
0xe4: {  	[sflag:s8] =	ssyncadd.s32 $0xFFFFF380  }
0xe5: {  	_ =	swait.ge [sflag:s8], $0xC80  }
0xe6: {  	[sflag:s8] =	ssyncset.done $0x0  }
0xe7: {  	[sflag:s8] =	ssyncadd.s32 $0xFFFFF380  }
0xe8: {  	_ =	swait.ge [sflag:s8], $0xC80  }
0xe9: {  	[sflag:s8] =	ssyncset.done $0x0  }
0xea: {  	[sflag:s8] =	ssyncadd.s32 $0xFFFFF380  }
0xeb: {  	_ =	swait.ge [sflag:s8], $0xC80  }
0xec: {  	[sflag:s8] =	ssyncset.done $0x0  }
0xed: {  	[sflag:s8] =	ssyncadd.s32 $0xFFFFF380  }
0xee: {  	_ =	swait.ge [sflag:s8], $0xC80  }
0xef: {  	[sflag:s8] =	ssyncset.done $0x0  }
0xf0: {  	[sflag:s8] =	ssyncadd.s32 $0xFFFFF380  }
0xf1: {  	_ =	swait.ge [sflag:s8], $0xC80  }
0xf2: {  	[sflag:s8] =	ssyncset.done $0x0  }
0xf3: {  	[sflag:s8] =	ssyncadd.s32 $0xFFFFF380  }
0xf4: {  	_ =	swait.ge [sflag:s8], $0xC80  }
0xf5: {  	[sflag:s8] =	ssyncset.done $0x0  }
0xf6: {  	[sflag:s8] =	ssyncadd.s32 $0xFFFFF380  }
0xf7: {  	_ =	swait.ge [sflag:s8], $0xC80  }
0xf8: {  	[sflag:s8] =	ssyncset.done $0x0  }
0xf9: {  	[sflag:s8] =	ssyncadd.s32 $0xFFFFF380  }
0xfa: {  	_ =	swait.ge [sflag:s8], $0xC80  }
0xfb: {  	[sflag:s8] =	ssyncset.done $0x0  }
0xfc: {  	[sflag:s8] =	ssyncadd.s32 $0xFFFFF380  }
0xfd: {  	_ =	swait.ge [sflag:s8], $0xC80  }
0xfe: {  	[sflag:s8] =	ssyncset.done $0x0  }
0xff: {  	[sflag:s8] =	ssyncadd.s32 $0xFFFFF380  }
0x100: {  	_ =	swait.ge [sflag:s8], $0xC80  }
0x101: {  	[sflag:s8] =	ssyncset.done $0x0  }
0x102: {  	[sflag:s8] =	ssyncadd.s32 $0xFFFFF380  }
0x103: {  	_ =	swait.ge [sflag:s8], $0xC80  }
0x104: {  	[sflag:s8] =	ssyncset.done $0x0  }
0x105: {  	[sflag:s8] =	ssyncadd.s32 $0xFFFFF380  }
0x106: {  	_ =	swait.ge [sflag:s8], $0xC80  }
0x107: {  	[sflag:s8] =	ssyncset.done $0x0  }
0x108: {  	[sflag:s8] =	ssyncadd.s32 $0xFFFFF380  }
0x109: {  	_ =	swait.ge [sflag:s8], $0xC80  }
0x10a: {  	[sflag:s8] =	ssyncset.done $0x0  }
0x10b: {  	[sflag:s8] =	ssyncadd.s32 $0xFFFFF380  }
0x10c: {  	_ =	swait.ge [sflag:s8], $0xC80  }
0x10d: {  	[sflag:s8] =	ssyncset.done $0x0  }
0x10e: {  	[sflag:s8] =	ssyncadd.s32 $0xFFFFF380  }
0x10f: {  	_ =	swait.ge [sflag:s8], $0xC80  }
0x110: {  	[sflag:s8] =	ssyncset.done $0x0  }
0x111: {  	[sflag:s8] =	ssyncadd.s32 $0xFFFFF380  }
0x112: {  	_ =	swait.ge [sflag:s8], $0xC80  }
0x113: {  	[sflag:s8] =	ssyncset.done $0x0  }
0x114: {  	[sflag:s8] =	ssyncadd.s32 $0xFFFFF380  }
0x115: {  	_ =	swait.ge [sflag:s8], $0xC80  }
0x116: {  	[sflag:s8] =	ssyncset.done $0x0  }
0x117: {  	[sflag:s8] =	ssyncadd.s32 $0xFFFFF380  }
0x118: {  	_ =	swait.ge [sflag:s8], $0xC80  }
0x119: {  	[sflag:s8] =	ssyncset.done $0x0  }
0x11a: {  	[sflag:s8] =	ssyncadd.s32 $0xFFFFF380  }
0x11b: {  	_ =	swait.ge [sflag:s8], $0xC80  }
0x11c: {  	[sflag:s8] =	ssyncset.done $0x0  }
0x11d: {  	[sflag:s8] =	ssyncadd.s32 $0xFFFFF380  }
0x11e: {  	_ =	swait.ge [sflag:s8], $0xC80  }
0x11f: {  	[sflag:s8] =	ssyncset.done $0x0  }
0x120: {  	[sflag:s8] =	ssyncadd.s32 $0xFFFFF380  }
0x121: {  	_ =	swait.ge [sflag:s8], $0x400  }
0x122: {  	[sflag:s8] =	ssyncset.done $0x0  }
0x123: {  	[sflag:s8] =	ssyncadd.s32 $0xFFFFFC00  }
.LBB2_7:
0x124: {  	_ =	swait.ge [sflag:s9], $0x2710  }
0x125: {  	[sflag:s9] =	ssyncset.done $0x0  }
0x126: {  	[sflag:s9] =	ssyncadd.s32 $0xFFFFD8F0  }
0x127: {  	[tilespmem:s11], [sflag:$0x1] =	stream.indirect.gather [hbm4b:s1+s10], $0x80, s5, s10, $0xb8;
	[tilespmem:$0x1FB00] =	vst v63  }
0x128: {  	s19 =	simm.s32 $0x1;
	s22 =	simm.s32 $0xA0;
	[bflag:$0x0] =	sbarrier.arrive $0xFFFF  }
.LBB2_8:
0x129: {  	s26 =	smul.u32 $0x29, s19;
	_ =	sdelay $0x1  }
0x12a: {  	s28 =	sadd.s32 $0xFFFFFFD7, s26  }
0x12b: {  	s28 =	sshrl.u32 s28, $0xA  }
0x12c: {  	s28 =	sand.u32 $0x3F, s28  }
0x12d: {  	s28 =	smul.u32 $0x19, s28  }
0x12e: {  	s0 =	sadd.s32 $0xFFFFFFFF, s19  }
0x12f: {  	s28 =	ssub.s32 s0, s28  }
0x130: {  	s28 =	sand.u32 $0xFF, s28  }
0x131: {  	p1 =	sne.s32 s28, $0x0  }
0x132: {  	s29 =	sadd.s32 $0xFFFFFFB0, s22;
	s0 =	smul.u32 @!p1 $0x29, s0  }
0x133: {  	[tilespmem:s12], [sflag:$0x2] =	stream.indirect.gather [hbm4b:s1+s10], $0x80, s29, s10, $0xb8;
	[tilespmem:$0x1FB00] =	vst v63  }
0x134: {  	s0 =	sshrl.u32 @!p1 s0, $0x1  }
0x135: {  	s0 =	sand.u32 @!p1 $0x7E00, s0  }
0x136: {  	s29 =	simm.s32 @!p1 $0x0;
	s30 =	simm.s32 @!p1 $0x2780;
	s0 =	sadd.s32 @!p1 s0, s24  }
0x137: {  	[tilespmem:s30], [sflag:$0x4] =	stream.linear.gather @!p1 [hbm4b:s0+s29], $0xC80, $0x38;
	[tilespmem:$0x1FB00] =	vst v63  }
0x138: {  	s0 =	simm.s32 @!p1 $0x4  }
0x139: {  	_ =	swait.ge @!p1 [sflag:s0], $0xC80  }
0x13a: {  	[sflag:s0] =	ssyncset.done @!p1 $0x0  }
0x13b: {  	[sflag:s0] =	ssyncadd.s32 @!p1 $0xFFFFF380  }
0x13c: {  	_ =	swait.ge [sflag:s13], $0x2800  }
0x13d: {  	[sflag:s13] =	ssyncset.done $0x0  }
0x13e: {  	s30 =	sshll.u32 s28, $0x7;
	[sflag:s13] =	ssyncadd.s32 $0xFFFFD800  }
0x13f: {  	v7 =	vld [tilespmem:s30+$0x2780];
	_ =	sdelay $0x7  }
0x140: {  	[tilespmem:v7+s14+$0x0] =	vst.idx.add.f32.msk $0xffff, v6  }
0x141: {  	v7 =	vld [tilespmem:s30+$0x2790];
	_ =	sdelay $0x7  }
0x142: {  	[tilespmem:v7+s14+$0x0] =	vst.idx.add.f32.msk $0xffff, v6  }
0x143: {  	v7 =	vld [tilespmem:s30+$0x27A0];
	_ =	sdelay $0x7  }
0x144: {  	[tilespmem:v7+s14+$0x0] =	vst.idx.add.f32.msk $0xffff, v6  }
0x145: {  	v7 =	vld [tilespmem:s30+$0x27B0];
	_ =	sdelay $0x7  }
0x146: {  	[tilespmem:v7+s14+$0x0] =	vst.idx.add.f32.msk $0xffff, v6  }
0x147: {  	v7 =	vld [tilespmem:s30+$0x27C0];
	_ =	sdelay $0x3  }
0x148: {  	s26 =	sshrl.u32 s26, $0xA  }
0x149: {  	s26 =	sand.u32 $0x3F, s26  }
0x14a: {  	s29 =	smul.u32 $0x19, s26;
	_ =	sdelay $0x1  }
0x14b: {  	s0 =	sadd.s32 $0x2780, s30;
	s30 =	ssub.s32 s19, s29;
	[tilespmem:v7+s14+$0x0] =	vst.idx.add.f32.msk $0xffff, v6  }
0x14c: {  	[spmem:s3] =	stream.indirect.scatter.add.f32 [tilespmem:s11], [sflag:$0x4], $0x80, s0, s10, $0xb8;
	[tilespmem:$0x1FB00] =	vst v63  }
0x14d: {  	s0 =	sand.u32 $0xFF, s30;
	_ =	swait.ge [sflag:s15], $0x2800  }
0x14e: {  	p1 =	sne.s32 s0, $0x0;
	[sflag:s15] =	ssyncset.done $0x0  }
0x14f: {  	s26 =	sshll.u32 @!p1 s26, $0x9;
	[sflag:s15] =	ssyncadd.s32 $0xFFFFD800  }
0x150: {  	[tilespmem:s11], [sflag:$0x1] =	stream.indirect.gather [hbm4b:s1+s10], $0x80, s22, s10, $0xb8;
	[tilespmem:$0x1FB00] =	vst v63  }
0x151: {  	s28 =	simm.s32 @!p1 $0x0;
	s29 =	simm.s32 @!p1 $0x2780;
	s26 =	sadd.s32 @!p1 s26, s24  }
0x152: {  	[tilespmem:s29], [sflag:$0x4] =	stream.linear.gather @!p1 [hbm4b:s26+s28], $0xC80, $0x38;
	[tilespmem:$0x1FB00] =	vst v63  }
0x153: {  	s26 =	simm.s32 @!p1 $0x4  }
0x154: {  	_ =	swait.ge @!p1 [sflag:s26], $0xC80  }
0x155: {  	[sflag:s26] =	ssyncset.done @!p1 $0x0  }
0x156: {  	[sflag:s26] =	ssyncadd.s32 @!p1 $0xFFFFF380  }
0x157: {  	_ =	swait.ge [sflag:s8], $0x2800  }
0x158: {  	[sflag:s8] =	ssyncset.done $0x0  }
0x159: {  	s0 =	sshll.u32 s0, $0x7;
	[sflag:s8] =	ssyncadd.s32 $0xFFFFD800  }
0x15a: {  	v7 =	vld [tilespmem:s0+$0x2780];
	_ =	sdelay $0x7  }
0x15b: {  	[tilespmem:v7+s14+$0x0] =	vst.idx.add.f32.msk $0xffff, v6  }
0x15c: {  	v7 =	vld [tilespmem:s0+$0x2790];
	_ =	sdelay $0x7  }
0x15d: {  	[tilespmem:v7+s14+$0x0] =	vst.idx.add.f32.msk $0xffff, v6  }
0x15e: {  	v7 =	vld [tilespmem:s0+$0x27A0];
	_ =	sdelay $0x7  }
0x15f: {  	[tilespmem:v7+s14+$0x0] =	vst.idx.add.f32.msk $0xffff, v6  }
0x160: {  	v7 =	vld [tilespmem:s0+$0x27B0];
	_ =	sdelay $0x7  }
0x161: {  	[tilespmem:v7+s14+$0x0] =	vst.idx.add.f32.msk $0xffff, v6  }
0x162: {  	v7 =	vld [tilespmem:s0+$0x27C0];
	_ =	sdelay $0x5  }
0x163: {  	s19 =	sadd.s32 $0x2, s19  }
0x164: {  	p1 =	sne.s32 s19, $0x7D  }
.Ltmp3:
0x165: {  	s0 =	sadd.s32 $0x2780, s0;
	[tilespmem:v7+s14+$0x0] =	vst.idx.add.f32.msk $0xffff, v6;
	(pc) =	sbr.rel @p1 .LBB2_8-.Ltmp3, $4  }
0x166: {  	[spmem:s3] =	stream.indirect.scatter.add.f32 [tilespmem:s12], [sflag:$0x4], $0x80, s0, s10, $0xb8;
	[tilespmem:$0x1FB00] =	vst v63  }
0x167: {  	_ =	swait.ge [sflag:s15], $0x2800  }
0x168: {  	[sflag:s15] =	ssyncset.done $0x0  }
0x169: {  	s22 =	sadd.s32 $0xA0, s22;
	[sflag:s15] =	ssyncadd.s32 $0xFFFFD800  }
0x16a: {  	_ =	swait.ge [sflag:s13], $0x2800  }
0x16b: {  	[sflag:s13] =	ssyncset.done $0x0  }
0x16c: {  	[sflag:s13] =	ssyncadd.s32 $0xFFFFD800  }
0x16d: {  	v7 =	vld [tilespmem:$0x3380];
	_ =	sdelay $0x7  }
0x16e: {  	[tilespmem:v7+s14+$0x0] =	vst.idx.add.f32.msk $0xffff, v6  }
0x16f: {  	v7 =	vld [tilespmem:$0x3390];
	_ =	sdelay $0x7  }
0x170: {  	[tilespmem:v7+s14+$0x0] =	vst.idx.add.f32.msk $0xffff, v6  }
0x171: {  	v7 =	vld [tilespmem:$0x33A0];
	_ =	sdelay $0x7  }
0x172: {  	[tilespmem:v7+s14+$0x0] =	vst.idx.add.f32.msk $0xffff, v6  }
0x173: {  	v7 =	vld [tilespmem:$0x33B0];
	_ =	sdelay $0x7  }
0x174: {  	[tilespmem:v7+s14+$0x0] =	vst.idx.add.f32.msk $0xffff, v6  }
0x175: {  	v7 =	vld [tilespmem:$0x33C0];
	_ =	sdelay $0x7  }
0x176: {  	[tilespmem:v7+s14+$0x0] =	vst.idx.add.f32.msk $0xffff, v6  }
0x177: {  	[spmem:s3] =	stream.indirect.scatter.add.f32 [tilespmem:s11], [sflag:$0x4], $0x80, s16, s10, $0xb8;
	[tilespmem:$0x1FB00] =	vst v63  }
0x178: {  	_ =	swait.ge [sflag:s15], $0x2800  }
0x179: {  	[sflag:s15] =	ssyncset.done $0x0  }
0x17a: {  	[sflag:s15] =	ssyncadd.s32 $0xFFFFD800  }
0x17b: {  	s0 =	rddreg [dreg:$0x3]  }
0x17c: {  	[spmem:s0] =	stream.indirect.scatter.add.f32 [tilespmem:s14], [sflag:$0x4], $0x80, s17, s10, $0xb8;
	[tilespmem:$0x1FB00] =	vst v63  }
0x17d: {  	_ =	swait.ge [sflag:s15], $0x2800  }
0x17e: {  	s0 =	stileid.u32;
	[sflag:s15] =	ssyncset.done $0x0  }
0x17f: {  	s0 =	sshll.u32 @!p0 s0, $0x6;
	[sflag:s15] =	ssyncadd.s32 $0xFFFFD800  }
0x180: {  	s19 =	sshrl.u32 @!p0 s6, $0x3;
	s0 =	sor.u32 @!p0 $0x1C04, s0;
	[bflag:$0x0] =	sbarrier.arrive $0xFFFF  }
0x181: {  	[hbm:s20], [sflag:s0] =	dma.local @!p0 [spmem:s19], $0x3E80  }
0x182: {  	s19 =	simm.s32 @!p0 $0x4  }
0x183: {  	s18 =	sadd.s32 $0x1, s18;
	_ =	swait.ge @!p0 [sflag:s19], $0x3E80  }
0x184: {  	p1 =	sne.s32 s18, s25;
	[sflag:s19] =	ssyncset.done @!p0 $0x0  }
.Ltmp4:
0x185: {  	s22 =	sshrl.u32 @!p0 s23, $0x3;
	[sflag:s19] =	ssyncadd.s32 @!p0 $0xFFFFC180;
	(pc) =	sbr.rel @p1 .LBB2_1-.Ltmp4, $4  }
0x186: {  	[hbm:s21], [sflag:s0] =	dma.local @!p0 [spmem:s22], $0x80  }
0x187: {  	_ =	swait.ge @!p0 [sflag:s19], $0x80  }
0x188: {  	[sflag:s19] =	ssyncset.done @!p0 $0x0  }
0x189: {  	[sflag:s19] =	ssyncadd.s32 @!p0 $0xFFFFFF80  }
0x18a: {  	_ =	sfence.sel $0x180000  }
0x18b: {  	[bflag:$0x0] =	sbarrier.arrive $0xFFFF  }
0x18c: {  	_ =	strace $0x90000047  }
0x18d: {  	s0 =	stileid.u32;
	[bflag:$0x2] =	sbarrier.arrive $0xFFFF  }
0x18e: {  	p0 =	sne.s32 s0, $0x0;
	s0 =	rddreg [dreg:$0x4]  }
0x18f: {  	s0 =	sadd.s32 @!p0 $0x100000, s0  }
0x190: {  	[sflag:s0] =	ssyncadd.tile.s32 @!p0 $0x1;
	_ =	shalt  }
.Lfunc_end2:
_tile_overlayer_lowered:
.L_overlay_start_2:
0x191: {  	(tag) =	ssettag $0x2  }
0x192: {  	s0 =	rddreg [dreg:$0x0];
	s2 =	stileid.u32  }
0x193: {  	s1 =	rddreg [dreg:$0x1];
	p0 =	sne.s32 s2, $0x0  }
0x194: {  	s3 =	rddreg [dreg:$0x2];
	[bflag:$0x3] =	sbarrier.arrive $0xFFFF;
	s2 =	simm.s32 @!p0 $0x1C04  }
0x195: {  	[timem:s3], [sflag:s2] =	dma.local @!p0 [hbm:s0], s1  }
0x196: {  	s0 =	simm.s32 @!p0 $0x4  }
0x197: {  	_ =	swait.ge @!p0 [sflag:s0], s1  }
0x198: {  	s1 =	ssub.s32 @!p0 $0x0, s1;
	[sflag:s0] =	ssyncset.done @!p0 $0x0  }
0x199: {  	[sflag:s0] =	ssyncadd.s32 @!p0 s1  }
0x19a: {  	[bflag:$0x3] =	sbarrier.arrive $0xFFFF  }
0x19b: {  	_ =	shalt  }

</sc_bundles>
